<compile_context>
chip_gen: v7x
topology: tpu7x:2x2x1
jax: 0.10.2.dev20260603
libtpu: 0.0.44.dev20260713+nightly
codegen_flags: <defaults>
</compile_context>

<pallas_src>
import functools

import jax
import jax.numpy as jnp
from jax import lax
from jax.experimental import pallas as pl
from jax.experimental.pallas import tpu as pltpu
from jax.experimental.pallas import tpu_sc as plsc

NUM_USERS = 100000
NUM_ITEMS = 100000
EMBED_DIM = 64
BATCH = 4096

_INFO = plsc.get_sparse_core_info()
_NC, _NS, _L = _INFO.num_cores, _INFO.num_subcores, _INFO.num_lanes
_NW = _NC * _NS
_BPW = BATCH // _NW
_GROUPS = _BPW // _L


def _sc_kernel(user_hbm, item_hbm, uid_hbm, iid_hbm, out_hbm,
               uid_v, iid_v, gb_v, gc_v,
               cu1_v, cu2_v, ci1_v, ci2_v,
               rows_ua, rows_ub, rows_ia, rows_ib, out_v, sem):
    wid = lax.axis_index("s") * _NC + lax.axis_index("c")
    base = wid * _BPW

    pltpu.sync_copy(uid_hbm.at[pl.ds(base, _BPW)], uid_v.at[pl.ds(0, _BPW)])
    pltpu.sync_copy(iid_hbm.at[pl.ds(base, _BPW)], iid_v.at[pl.ds(0, _BPW)])

    for g in range(_GROUPS):
        sl = pl.ds(g * _L, _L)
        u = uid_v[sl]
        su = jnp.logical_and(jnp.equal(jnp.remainder(u, 1500), 0),
                             u <= 94500)
        gb_v[sl] = jnp.where(su, u + 3, u)
        half = jnp.full((_L,), 0.5, jnp.float32)
        quarter = jnp.full((_L,), 0.25, jnp.float32)
        zero = jnp.zeros((_L,), jnp.float32)
        cu1_v[sl] = jnp.where(su, half, quarter)
        cu2_v[sl] = jnp.where(su, half, zero)

        i = iid_v[sl]
        si = jnp.logical_and(
            jnp.logical_and(jnp.equal(jnp.remainder(i - 3, 1500), 0), i >= 3),
            i <= 94503)
        gc_v[sl] = jnp.where(si, i - 3, i)
        ci1_v[sl] = jnp.where(si, half, zero)
        ci2_v[sl] = jnp.where(si, half, quarter)

    def fire(b, _):
        ga = uid_v[pl.ds(b, _L)][0]
        gb = gb_v[pl.ds(b, _L)][0]
        gc = gc_v[pl.ds(b, _L)][0]
        gd = iid_v[pl.ds(b, _L)][0]
        pltpu.async_copy(user_hbm.at[pl.ds(ga, 1)],
                         rows_ua.at[pl.ds(b, 1)], sem)
        pltpu.async_copy(item_hbm.at[pl.ds(gb, 1)],
                         rows_ub.at[pl.ds(b, 1)], sem)
        pltpu.async_copy(user_hbm.at[pl.ds(gc, 1)],
                         rows_ia.at[pl.ds(b, 1)], sem)
        pltpu.async_copy(item_hbm.at[pl.ds(gd, 1)],
                         rows_ib.at[pl.ds(b, 1)], sem)
        return ()

    lax.fori_loop(0, _BPW, fire, ())
    for buf in (rows_ua, rows_ub, rows_ia, rows_ib):
        pltpu.make_async_copy(user_hbm.at[pl.ds(0, _BPW)], buf, sem).wait()

    lane = lax.iota(jnp.int32, _L)
    for g in range(_GROUPS):
        sl = pl.ds(g * _L, _L)
        lrow = lane + g * _L
        cu1 = cu1_v[sl]
        cu2 = cu2_v[sl]
        ci1 = ci1_v[sl]
        ci2 = ci2_v[sl]

        def body(d, acc):
            col = jnp.bitwise_and(lane + d, EMBED_DIM - 1)
            ua = plsc.load_gather(rows_ua, [lrow, col])
            ub = plsc.load_gather(rows_ub, [lrow, col])
            ia = plsc.load_gather(rows_ia, [lrow, col])
            ib = plsc.load_gather(rows_ib, [lrow, col])
            ue = cu1 * ua + cu2 * ub
            ie = ci1 * ia + ci2 * ib
            return acc + ue * ie

        out_v[sl] = lax.fori_loop(0, EMBED_DIM, body,
                                  jnp.zeros((_L,), jnp.float32))

    pltpu.sync_copy(out_v, out_hbm.at[pl.ds(base, _BPW)])


@jax.jit
def _run(user_emb, item_emb, user_ids, item_ids):
    mesh = plsc.VectorSubcoreMesh(core_axis_name="c", subcore_axis_name="s")
    kern = functools.partial(
        pl.kernel,
        mesh=mesh,
        compiler_params=pltpu.CompilerParams(
            needs_layout_passes=False, use_tc_tiling_on_sc=True),
        out_type=jax.ShapeDtypeStruct((BATCH,), jnp.float32),
        scratch_types=[
            pltpu.VMEM((_BPW + _L,), jnp.int32),
            pltpu.VMEM((_BPW + _L,), jnp.int32),
            pltpu.VMEM((_BPW + _L,), jnp.int32),
            pltpu.VMEM((_BPW + _L,), jnp.int32),
            pltpu.VMEM((_BPW,), jnp.float32),
            pltpu.VMEM((_BPW,), jnp.float32),
            pltpu.VMEM((_BPW,), jnp.float32),
            pltpu.VMEM((_BPW,), jnp.float32),
            pltpu.VMEM((_BPW, EMBED_DIM), jnp.float32),
            pltpu.VMEM((_BPW, EMBED_DIM), jnp.float32),
            pltpu.VMEM((_BPW, EMBED_DIM), jnp.float32),
            pltpu.VMEM((_BPW, EMBED_DIM), jnp.float32),
            pltpu.VMEM((_BPW,), jnp.float32),
            pltpu.SemaphoreType.DMA,
        ],
    )(_sc_kernel)
    return kern(user_emb, item_emb, user_ids, item_ids)


def kernel(user_emb, item_emb, user_ids, item_ids):
    return _run(user_emb, item_emb,
                user_ids.astype(jnp.int32), item_ids.astype(jnp.int32))

# --- scband reference (transcript-rebuilt; emitter-appended) ---
"""Pipeline reference for scband-light-gcn-14731737825935 (READ-ONLY COPY).

The authoritative reference and input builder live on the scoring server;
editing this copy changes nothing except your own understanding.
"""

import jax, jax.numpy as jnp
import numpy as np

NUM_USERS = 100000
NUM_ITEMS = 100000
EMBED_DIM = 64
NUM_LAYERS = 3
BATCH = 4096

def _build_graph():
    # Same deterministic edge list as the torch init_kwargs: [[1500*i, 1500*i+3] for i in range(64)]
    i = np.arange(64)
    u = 1500 * i
    v = 1500 * i + 3
    # LightGCN doubles edges: (u, v+num_users) and (v+num_users, u)
    rows = np.concatenate([u, v + NUM_USERS])
    cols = np.concatenate([v + NUM_USERS, u])
    M = NUM_USERS + NUM_ITEMS
    deg = np.zeros(M, dtype=np.float64)
    np.add.at(deg, rows, 1.0)
    sq = np.sqrt(deg)
    vals = (1.0 / (sq[rows] * sq[cols])).astype(np.float32)
    return rows.astype(np.int32), cols.astype(np.int32), vals, M

def setup_inputs(seed: int = 0):
    key = jax.random.key(seed)
    k1, k2, k3, k4 = jax.random.split(key, 4)
    user_emb = jax.random.normal(k1, (NUM_USERS, EMBED_DIM), dtype=jnp.float32) * 0.01
    item_emb = jax.random.normal(k2, (NUM_ITEMS, EMBED_DIM), dtype=jnp.float32) * 0.01
    user_ids = jax.random.randint(k3, (BATCH,), 0, NUM_USERS)
    item_ids = jax.random.randint(k4, (BATCH,), 0, NUM_ITEMS)
    return {"user_emb": user_emb, "item_emb": item_emb, "user_ids": user_ids, "item_ids": item_ids}

def reference(user_emb, item_emb, user_ids, item_ids):
    rows_np, cols_np, vals_np, M = _build_graph()
    rows = jnp.asarray(rows_np)
    cols = jnp.asarray(cols_np)
    vals = jnp.asarray(vals_np)
    # _embed(): propagate mean of layer-wise embeddings through normalized adjacency
    all_emb = jnp.concatenate([user_emb, item_emb], axis=0)
    embs = [all_emb]
    for _ in range(NUM_LAYERS):
        msg = vals[:, None] * jnp.take(all_emb, cols, axis=0)   # gather
        all_emb = jax.ops.segment_sum(msg, rows, num_segments=M)  # scatter-add == sparse mm
        embs.append(all_emb)
    final = jnp.stack(embs, axis=1).mean(axis=1)
    # forward(): gather user/item rows, elementwise dot
    ue = jnp.take(final, user_ids, axis=0)
    ie = jnp.take(final, item_ids + NUM_USERS, axis=0)
    return (ue * ie).sum(axis=-1)

if __name__ == "__main__":
    import jax
    _d = setup_inputs()
    print(jax.jit(kernel)(*tuple(_d.values())))

</pallas_src>

<mosaic_0001>
#map = affine_map<(d0, d1) -> (0, 0)>
#map1 = affine_map<(d0, d1) -> (0)>
module attributes {stable_mosaic.version = 14 : i64} {
  func.func @_sc_kernel(%arg0: i32, %arg1: i32, %arg2: memref<100000x64xf32, #tpu.memory_space<hbm>>, %arg3: memref<100000x64xf32, #tpu.memory_space<hbm>>, %arg4: memref<4096xi32, #tpu.memory_space<hbm>>, %arg5: memref<4096xi32, #tpu.memory_space<hbm>>, %arg6: memref<4096xf32, #tpu.memory_space<hbm>>, %arg7: memref<144xi32, #tpu.memory_space<vmem>>, %arg8: memref<144xi32, #tpu.memory_space<vmem>>, %arg9: memref<144xi32, #tpu.memory_space<vmem>>, %arg10: memref<144xi32, #tpu.memory_space<vmem>>, %arg11: memref<128xf32, #tpu.memory_space<vmem>>, %arg12: memref<128xf32, #tpu.memory_space<vmem>>, %arg13: memref<128xf32, #tpu.memory_space<vmem>>, %arg14: memref<128xf32, #tpu.memory_space<vmem>>, %arg15: memref<128x64xf32, #tpu.memory_space<vmem>>, %arg16: memref<128x64xf32, #tpu.memory_space<vmem>>, %arg17: memref<128x64xf32, #tpu.memory_space<vmem>>, %arg18: memref<128x64xf32, #tpu.memory_space<vmem>>, %arg19: memref<128xf32, #tpu.memory_space<vmem>>, %arg20: memref<!tpu.dma_semaphore, #tpu.memory_space<semaphore_mem>>) attributes {dimension_semantics = [#tpu.dimension_semantics<core_parallel>, #tpu.dimension_semantics<subcore_parallel>], iteration_bounds = array<i64: 2, 16>, scalar_prefetch = 0 : i64, scratch_operands = 14 : i64, tpu.core_type = #tpu.core_type<sc_vector_subcore>, window_params = [{transform_indices = #map}, {transform_indices = #map}, {transform_indices = #map1}, {transform_indices = #map1}, {transform_indices = #map1}]} {
    %mul3A = arith.constant 2 : i32
    %mul3A_0 = arith.muli %arg1, %mul3A : i32
    %add3A = arith.addi %mul3A_0, %arg0 : i32
    %mul3A_1 = arith.constant 128 : i32
    %mul3A_2 = arith.muli %add3A, %mul3A_1 : i32
    "tpu.region"() ({
      %run_scoped3A = tpu.sem_alloc : memref<!tpu.dma_semaphore, #tpu.memory_space<semaphore_mem>>
      %dma_start3A = arith.constant 0 : i32
      %dma_start3A_977 = tpu.memref_slice %arg7[%dma_start3A] : memref<144xi32, #tpu.memory_space<vmem>> -> memref<128xi32, #tpu.memory_space<vmem>>
      %dma_start3A_978 = tpu.memref_slice %arg4[%mul3A_2] : memref<4096xi32, #tpu.memory_space<hbm>> -> memref<128xi32, #tpu.memory_space<hbm>>
      %dma_start3A_979 = arith.constant 0 : i32
      %dma_start3A_980 = tpu.memref_slice %arg7[%dma_start3A_979] : memref<144xi32, #tpu.memory_space<vmem>> -> memref<128xi32, #tpu.memory_space<vmem>>
      %dma_start3A_981 = tpu.memref_slice %arg4[%mul3A_2] : memref<4096xi32, #tpu.memory_space<hbm>> -> memref<128xi32, #tpu.memory_space<hbm>>
      tpu.enqueue_dma source(%dma_start3A_981 : memref<128xi32, #tpu.memory_space<hbm>>) target(%dma_start3A_980 : memref<128xi32, #tpu.memory_space<vmem>>) target_semaphore(%run_scoped3A : memref<!tpu.dma_semaphore, #tpu.memory_space<semaphore_mem>>)
      %dma_wait3A_982 = arith.constant 0 : i32
      %dma_wait3A_983 = tpu.memref_slice %arg7[%dma_wait3A_982] : memref<144xi32, #tpu.memory_space<vmem>> -> memref<128xi32, #tpu.memory_space<vmem>>
      %dma_wait3A_984 = tpu.memref_slice %arg4[%mul3A_2] : memref<4096xi32, #tpu.memory_space<hbm>> -> memref<128xi32, #tpu.memory_space<hbm>>
      %dma_wait3A_985 = arith.constant 0 : i32
      %dma_wait3A_986 = tpu.memref_slice %arg7[%dma_wait3A_985] : memref<144xi32, #tpu.memory_space<vmem>> -> memref<128xi32, #tpu.memory_space<vmem>>
      %dma_wait3A_987 = tpu.memref_slice %arg4[%mul3A_2] : memref<4096xi32, #tpu.memory_space<hbm>> -> memref<128xi32, #tpu.memory_space<hbm>>
      tpu.wait_dma2 semaphore(%run_scoped3A : memref<!tpu.dma_semaphore, #tpu.memory_space<semaphore_mem>>) src(%dma_wait3A_987 : memref<128xi32, #tpu.memory_space<hbm>>) dst(%dma_wait3A_986 : memref<128xi32, #tpu.memory_space<vmem>>)
      tpu.yield
    }) : () -> ()
    "tpu.region"() ({
      %run_scoped3A = tpu.sem_alloc : memref<!tpu.dma_semaphore, #tpu.memory_space<semaphore_mem>>
      %dma_start3A = arith.constant 0 : i32
      %dma_start3A_977 = tpu.memref_slice %arg8[%dma_start3A] : memref<144xi32, #tpu.memory_space<vmem>> -> memref<128xi32, #tpu.memory_space<vmem>>
      %dma_start3A_978 = tpu.memref_slice %arg5[%mul3A_2] : memref<4096xi32, #tpu.memory_space<hbm>> -> memref<128xi32, #tpu.memory_space<hbm>>
      %dma_start3A_979 = arith.constant 0 : i32
      %dma_start3A_980 = tpu.memref_slice %arg8[%dma_start3A_979] : memref<144xi32, #tpu.memory_space<vmem>> -> memref<128xi32, #tpu.memory_space<vmem>>
      %dma_start3A_981 = tpu.memref_slice %arg5[%mul3A_2] : memref<4096xi32, #tpu.memory_space<hbm>> -> memref<128xi32, #tpu.memory_space<hbm>>
      tpu.enqueue_dma source(%dma_start3A_981 : memref<128xi32, #tpu.memory_space<hbm>>) target(%dma_start3A_980 : memref<128xi32, #tpu.memory_space<vmem>>) target_semaphore(%run_scoped3A : memref<!tpu.dma_semaphore, #tpu.memory_space<semaphore_mem>>)
      %dma_wait3A_982 = arith.constant 0 : i32
      %dma_wait3A_983 = tpu.memref_slice %arg8[%dma_wait3A_982] : memref<144xi32, #tpu.memory_space<vmem>> -> memref<128xi32, #tpu.memory_space<vmem>>
      %dma_wait3A_984 = tpu.memref_slice %arg5[%mul3A_2] : memref<4096xi32, #tpu.memory_space<hbm>> -> memref<128xi32, #tpu.memory_space<hbm>>
      %dma_wait3A_985 = arith.constant 0 : i32
      %dma_wait3A_986 = tpu.memref_slice %arg8[%dma_wait3A_985] : memref<144xi32, #tpu.memory_space<vmem>> -> memref<128xi32, #tpu.memory_space<vmem>>
      %dma_wait3A_987 = tpu.memref_slice %arg5[%mul3A_2] : memref<4096xi32, #tpu.memory_space<hbm>> -> memref<128xi32, #tpu.memory_space<hbm>>
      tpu.wait_dma2 semaphore(%run_scoped3A : memref<!tpu.dma_semaphore, #tpu.memory_space<semaphore_mem>>) src(%dma_wait3A_987 : memref<128xi32, #tpu.memory_space<hbm>>) dst(%dma_wait3A_986 : memref<128xi32, #tpu.memory_space<vmem>>)
      tpu.yield
    }) : () -> ()
    %get3A = arith.constant 0 : index
    %get3A_3 = tpu.vector_load %arg7[%get3A] {strides = array<i32>} : memref<144xi32, #tpu.memory_space<vmem>>, vector<16xi32>,
    %jit3A = arith.constant 1500 : i32
    %eq3A = arith.constant 0 : i32
    %eq3A_4 = arith.cmpi eq, %jit3A, %eq3A : i32
    %jit3A_5 = arith.constant 1 : i32
    %select_n3A = arith.select %eq3A_4, %jit3A_5, %jit3A : i32
    %rem3A = vector.broadcast %select_n3A : i32 to vector<16xi32>
    %rem3A_6 = arith.remsi %get3A_3, %rem3A : vector<16xi32>
    %ne3A = arith.constant 0 : i32
    %ne3A_7 = vector.broadcast %ne3A : i32 to vector<16xi32>
    %ne3A_8 = arith.cmpi ne, %rem3A_6, %ne3A_7 : vector<16xi32>
    %lt3A = arith.constant 0 : i32
    %lt3A_9 = vector.broadcast %lt3A : i32 to vector<16xi32>
    %lt3A_10 = arith.cmpi slt, %rem3A_6, %lt3A_9 : vector<16xi32>
    %lt3A_11 = arith.constant 0 : i32
    %lt3A_12 = arith.cmpi slt, %select_n3A, %lt3A_11 : i32
    %ne3A_13 = vector.broadcast %lt3A_12 : i1 to vector<16xi1>
    %ne3A_14 = vector.broadcast %ne3A_13 : vector<16xi1> to vector<16xi1>
    %ne3A_15 = arith.xori %lt3A_10, %ne3A_14 : vector<16xi1>
    %and3A = arith.andi %ne3A_15, %ne3A_8 : vector<16xi1>
    %add3A_16 = vector.broadcast %select_n3A : i32 to vector<16xi32>
    %add3A_17 = arith.addi %rem3A_6, %add3A_16 : vector<16xi32>
    %select_n3A_18 = arith.select %and3A, %add3A_17, %rem3A_6 : vector<16xi1>, vector<16xi32>
    %eq3A_19 = arith.constant 0 : i32
    %eq3A_20 = vector.broadcast %eq3A_19 : i32 to vector<16xi32>
    %eq3A_21 = arith.cmpi eq, %select_n3A_18, %eq3A_20 : vector<16xi32>
    %le3A = arith.constant 94500 : i32
    %le3A_22 = vector.broadcast %le3A : i32 to vector<16xi32>
    %le3A_23 = arith.cmpi sle, %get3A_3, %le3A_22 : vector<16xi32>
    %and3A_24 = arith.andi %eq3A_21, %le3A_23 : vector<16xi1>
    %add3A_25 = arith.constant 3 : i32
    %add3A_26 = vector.broadcast %add3A_25 : i32 to vector<16xi32>
    %add3A_27 = arith.addi %get3A_3, %add3A_26 : vector<16xi32>
    %select_n3A_28 = arith.select %and3A_24, %add3A_27, %get3A_3 : vector<16xi1>, vector<16xi32>
    %swap3A = arith.constant 0 : index
    %swap3A_29 = tpu.vector_load %arg9[%swap3A] {strides = array<i32>} : memref<144xi32, #tpu.memory_space<vmem>>, vector<16xi32>,
    tpu.vector_store %arg9[%swap3A], %select_n3A_28 {strides = array<i32>} : memref<144xi32, #tpu.memory_space<vmem>>, vector<16xi32>,
    %broadcast_in_dim3A = arith.constant 5.000000e-01 : f32
    %broadcast_in_dim3A_30 = vector.broadcast %broadcast_in_dim3A : f32 to vector<16xf32>
    %broadcast_in_dim3A_31 = arith.constant 2.500000e-01 : f32
    %broadcast_in_dim3A_32 = vector.broadcast %broadcast_in_dim3A_31 : f32 to vector<16xf32>
    %broadcast_in_dim3A_33 = arith.constant 0.000000e+00 : f32
    %broadcast_in_dim3A_34 = vector.broadcast %broadcast_in_dim3A_33 : f32 to vector<16xf32>
    %select_n3A_35 = arith.select %and3A_24, %broadcast_in_dim3A_30, %broadcast_in_dim3A_32 : vector<16xi1>, vector<16xf32>
    %swap3A_36 = arith.constant 0 : index
    %swap3A_37 = tpu.vector_load %arg11[%swap3A_36] {strides = array<i32>} : memref<128xf32, #tpu.memory_space<vmem>>, vector<16xf32>,
    tpu.vector_store %arg11[%swap3A_36], %select_n3A_35 {strides = array<i32>} : memref<128xf32, #tpu.memory_space<vmem>>, vector<16xf32>,
    %select_n3A_38 = arith.select %and3A_24, %broadcast_in_dim3A_30, %broadcast_in_dim3A_34 : vector<16xi1>, vector<16xf32>
    %swap3A_39 = arith.constant 0 : index
    %swap3A_40 = tpu.vector_load %arg12[%swap3A_39] {strides = array<i32>} : memref<128xf32, #tpu.memory_space<vmem>>, vector<16xf32>,
    tpu.vector_store %arg12[%swap3A_39], %select_n3A_38 {strides = array<i32>} : memref<128xf32, #tpu.memory_space<vmem>>, vector<16xf32>,
    %get3A_41 = arith.constant 0 : index
    %get3A_42 = tpu.vector_load %arg8[%get3A_41] {strides = array<i32>} : memref<144xi32, #tpu.memory_space<vmem>>, vector<16xi32>,
    %sub3A = arith.constant 3 : i32
    %sub3A_43 = vector.broadcast %sub3A : i32 to vector<16xi32>
    %sub3A_44 = arith.subi %get3A_42, %sub3A_43 : vector<16xi32>
    %jit3A_45 = arith.constant 1500 : i32
    %eq3A_46 = arith.constant 0 : i32
    %eq3A_47 = arith.cmpi eq, %jit3A_45, %eq3A_46 : i32
    %jit3A_48 = arith.constant 1 : i32
    %select_n3A_49 = arith.select %eq3A_47, %jit3A_48, %jit3A_45 : i32
    %rem3A_50 = vector.broadcast %select_n3A_49 : i32 to vector<16xi32>
    %rem3A_51 = arith.remsi %sub3A_44, %rem3A_50 : vector<16xi32>
    %ne3A_52 = arith.constant 0 : i32
    %ne3A_53 = vector.broadcast %ne3A_52 : i32 to vector<16xi32>
    %ne3A_54 = arith.cmpi ne, %rem3A_51, %ne3A_53 : vector<16xi32>
    %lt3A_55 = arith.constant 0 : i32
    %lt3A_56 = vector.broadcast %lt3A_55 : i32 to vector<16xi32>
    %lt3A_57 = arith.cmpi slt, %rem3A_51, %lt3A_56 : vector<16xi32>
    %lt3A_58 = arith.constant 0 : i32
    %lt3A_59 = arith.cmpi slt, %select_n3A_49, %lt3A_58 : i32
    %ne3A_60 = vector.broadcast %lt3A_59 : i1 to vector<16xi1>
    %ne3A_61 = vector.broadcast %ne3A_60 : vector<16xi1> to vector<16xi1>
    %ne3A_62 = arith.xori %lt3A_57, %ne3A_61 : vector<16xi1>
    %and3A_63 = arith.andi %ne3A_62, %ne3A_54 : vector<16xi1>
    %add3A_64 = vector.broadcast %select_n3A_49 : i32 to vector<16xi32>
    %add3A_65 = arith.addi %rem3A_51, %add3A_64 : vector<16xi32>
    %select_n3A_66 = arith.select %and3A_63, %add3A_65, %rem3A_51 : vector<16xi1>, vector<16xi32>
    %eq3A_67 = arith.constant 0 : i32
    %eq3A_68 = vector.broadcast %eq3A_67 : i32 to vector<16xi32>
    %eq3A_69 = arith.cmpi eq, %select_n3A_66, %eq3A_68 : vector<16xi32>
    %ge3A = arith.constant 3 : i32
    %ge3A_70 = vector.broadcast %ge3A : i32 to vector<16xi32>
    %ge3A_71 = arith.cmpi sge, %get3A_42, %ge3A_70 : vector<16xi32>
    %and3A_72 = arith.andi %eq3A_69, %ge3A_71 : vector<16xi1>
    %le3A_73 = arith.constant 94503 : i32
    %le3A_74 = vector.broadcast %le3A_73 : i32 to vector<16xi32>
    %le3A_75 = arith.cmpi sle, %get3A_42, %le3A_74 : vector<16xi32>
    %and3A_76 = arith.andi %and3A_72, %le3A_75 : vector<16xi1>
    %sub3A_77 = arith.constant 3 : i32
    %sub3A_78 = vector.broadcast %sub3A_77 : i32 to vector<16xi32>
    %sub3A_79 = arith.subi %get3A_42, %sub3A_78 : vector<16xi32>
    %select_n3A_80 = arith.select %and3A_76, %sub3A_79, %get3A_42 : vector<16xi1>, vector<16xi32>
    %swap3A_81 = arith.constant 0 : index
    %swap3A_82 = tpu.vector_load %arg10[%swap3A_81] {strides = array<i32>} : memref<144xi32, #tpu.memory_space<vmem>>, vector<16xi32>,
    tpu.vector_store %arg10[%swap3A_81], %select_n3A_80 {strides = array<i32>} : memref<144xi32, #tpu.memory_space<vmem>>, vector<16xi32>,
    %select_n3A_83 = arith.select %and3A_76, %broadcast_in_dim3A_30, %broadcast_in_dim3A_34 : vector<16xi1>, vector<16xf32>
    %swap3A_84 = arith.constant 0 : index
    %swap3A_85 = tpu.vector_load %arg13[%swap3A_84] {strides = array<i32>} : memref<128xf32, #tpu.memory_space<vmem>>, vector<16xf32>,
    tpu.vector_store %arg13[%swap3A_84], %select_n3A_83 {strides = array<i32>} : memref<128xf32, #tpu.memory_space<vmem>>, vector<16xf32>,
    %select_n3A_86 = arith.select %and3A_76, %broadcast_in_dim3A_30, %broadcast_in_dim3A_32 : vector<16xi1>, vector<16xf32>
    %swap3A_87 = arith.constant 0 : index
    %swap3A_88 = tpu.vector_load %arg14[%swap3A_87] {strides = array<i32>} : memref<128xf32, #tpu.memory_space<vmem>>, vector<16xf32>,
    tpu.vector_store %arg14[%swap3A_87], %select_n3A_86 {strides = array<i32>} : memref<128xf32, #tpu.memory_space<vmem>>, vector<16xf32>,
    %get3A_89 = arith.constant 16 : index
    %get3A_90 = tpu.vector_load %arg7[%get3A_89] {strides = array<i32>} : memref<144xi32, #tpu.memory_space<vmem>>, vector<16xi32>,
    %jit3A_91 = arith.constant 1500 : i32
    %eq3A_92 = arith.constant 0 : i32
    %eq3A_93 = arith.cmpi eq, %jit3A_91, %eq3A_92 : i32
    %jit3A_94 = arith.constant 1 : i32
    %select_n3A_95 = arith.select %eq3A_93, %jit3A_94, %jit3A_91 : i32
    %rem3A_96 = vector.broadcast %select_n3A_95 : i32 to vector<16xi32>
    %rem3A_97 = arith.remsi %get3A_90, %rem3A_96 : vector<16xi32>
    %ne3A_98 = arith.constant 0 : i32
    %ne3A_99 = vector.broadcast %ne3A_98 : i32 to vector<16xi32>
    %ne3A_100 = arith.cmpi ne, %rem3A_97, %ne3A_99 : vector<16xi32>
    %lt3A_101 = arith.constant 0 : i32
    %lt3A_102 = vector.broadcast %lt3A_101 : i32 to vector<16xi32>
    %lt3A_103 = arith.cmpi slt, %rem3A_97, %lt3A_102 : vector<16xi32>
    %lt3A_104 = arith.constant 0 : i32
    %lt3A_105 = arith.cmpi slt, %select_n3A_95, %lt3A_104 : i32
    %ne3A_106 = vector.broadcast %lt3A_105 : i1 to vector<16xi1>
    %ne3A_107 = vector.broadcast %ne3A_106 : vector<16xi1> to vector<16xi1>
    %ne3A_108 = arith.xori %lt3A_103, %ne3A_107 : vector<16xi1>
    %and3A_109 = arith.andi %ne3A_108, %ne3A_100 : vector<16xi1>
    %add3A_110 = vector.broadcast %select_n3A_95 : i32 to vector<16xi32>
    %add3A_111 = arith.addi %rem3A_97, %add3A_110 : vector<16xi32>
    %select_n3A_112 = arith.select %and3A_109, %add3A_111, %rem3A_97 : vector<16xi1>, vector<16xi32>
    %eq3A_113 = arith.constant 0 : i32
    %eq3A_114 = vector.broadcast %eq3A_113 : i32 to vector<16xi32>
    %eq3A_115 = arith.cmpi eq, %select_n3A_112, %eq3A_114 : vector<16xi32>
    %le3A_116 = arith.constant 94500 : i32
    %le3A_117 = vector.broadcast %le3A_116 : i32 to vector<16xi32>
    %le3A_118 = arith.cmpi sle, %get3A_90, %le3A_117 : vector<16xi32>
    %and3A_119 = arith.andi %eq3A_115, %le3A_118 : vector<16xi1>
    %add3A_120 = arith.constant 3 : i32
    %add3A_121 = vector.broadcast %add3A_120 : i32 to vector<16xi32>
    %add3A_122 = arith.addi %get3A_90, %add3A_121 : vector<16xi32>
    %select_n3A_123 = arith.select %and3A_119, %add3A_122, %get3A_90 : vector<16xi1>, vector<16xi32>
    %swap3A_124 = arith.constant 16 : index
    %swap3A_125 = tpu.vector_load %arg9[%swap3A_124] {strides = array<i32>} : memref<144xi32, #tpu.memory_space<vmem>>, vector<16xi32>,
    tpu.vector_store %arg9[%swap3A_124], %select_n3A_123 {strides = array<i32>} : memref<144xi32, #tpu.memory_space<vmem>>, vector<16xi32>,
    %broadcast_in_dim3A_126 = arith.constant 5.000000e-01 : f32
    %broadcast_in_dim3A_127 = vector.broadcast %broadcast_in_dim3A_126 : f32 to vector<16xf32>
    %broadcast_in_dim3A_128 = arith.constant 2.500000e-01 : f32
    %broadcast_in_dim3A_129 = vector.broadcast %broadcast_in_dim3A_128 : f32 to vector<16xf32>
    %broadcast_in_dim3A_130 = arith.constant 0.000000e+00 : f32
    %broadcast_in_dim3A_131 = vector.broadcast %broadcast_in_dim3A_130 : f32 to vector<16xf32>
    %select_n3A_132 = arith.select %and3A_119, %broadcast_in_dim3A_127, %broadcast_in_dim3A_129 : vector<16xi1>, vector<16xf32>
    %swap3A_133 = arith.constant 16 : index
    %swap3A_134 = tpu.vector_load %arg11[%swap3A_133] {strides = array<i32>} : memref<128xf32, #tpu.memory_space<vmem>>, vector<16xf32>,
    tpu.vector_store %arg11[%swap3A_133], %select_n3A_132 {strides = array<i32>} : memref<128xf32, #tpu.memory_space<vmem>>, vector<16xf32>,
    %select_n3A_135 = arith.select %and3A_119, %broadcast_in_dim3A_127, %broadcast_in_dim3A_131 : vector<16xi1>, vector<16xf32>
    %swap3A_136 = arith.constant 16 : index
    %swap3A_137 = tpu.vector_load %arg12[%swap3A_136] {strides = array<i32>} : memref<128xf32, #tpu.memory_space<vmem>>, vector<16xf32>,
    tpu.vector_store %arg12[%swap3A_136], %select_n3A_135 {strides = array<i32>} : memref<128xf32, #tpu.memory_space<vmem>>, vector<16xf32>,
    %get3A_138 = arith.constant 16 : index
    %get3A_139 = tpu.vector_load %arg8[%get3A_138] {strides = array<i32>} : memref<144xi32, #tpu.memory_space<vmem>>, vector<16xi32>,
    %sub3A_140 = arith.constant 3 : i32
    %sub3A_141 = vector.broadcast %sub3A_140 : i32 to vector<16xi32>
    %sub3A_142 = arith.subi %get3A_139, %sub3A_141 : vector<16xi32>
    %jit3A_143 = arith.constant 1500 : i32
    %eq3A_144 = arith.constant 0 : i32
    %eq3A_145 = arith.cmpi eq, %jit3A_143, %eq3A_144 : i32
    %jit3A_146 = arith.constant 1 : i32
    %select_n3A_147 = arith.select %eq3A_145, %jit3A_146, %jit3A_143 : i32
    %rem3A_148 = vector.broadcast %select_n3A_147 : i32 to vector<16xi32>
    %rem3A_149 = arith.remsi %sub3A_142, %rem3A_148 : vector<16xi32>
    %ne3A_150 = arith.constant 0 : i32
    %ne3A_151 = vector.broadcast %ne3A_150 : i32 to vector<16xi32>
    %ne3A_152 = arith.cmpi ne, %rem3A_149, %ne3A_151 : vector<16xi32>
    %lt3A_153 = arith.constant 0 : i32
    %lt3A_154 = vector.broadcast %lt3A_153 : i32 to vector<16xi32>
    %lt3A_155 = arith.cmpi slt, %rem3A_149, %lt3A_154 : vector<16xi32>
    %lt3A_156 = arith.constant 0 : i32
    %lt3A_157 = arith.cmpi slt, %select_n3A_147, %lt3A_156 : i32
    %ne3A_158 = vector.broadcast %lt3A_157 : i1 to vector<16xi1>
    %ne3A_159 = vector.broadcast %ne3A_158 : vector<16xi1> to vector<16xi1>
    %ne3A_160 = arith.xori %lt3A_155, %ne3A_159 : vector<16xi1>
    %and3A_161 = arith.andi %ne3A_160, %ne3A_152 : vector<16xi1>
    %add3A_162 = vector.broadcast %select_n3A_147 : i32 to vector<16xi32>
    %add3A_163 = arith.addi %rem3A_149, %add3A_162 : vector<16xi32>
    %select_n3A_164 = arith.select %and3A_161, %add3A_163, %rem3A_149 : vector<16xi1>, vector<16xi32>
    %eq3A_165 = arith.constant 0 : i32
    %eq3A_166 = vector.broadcast %eq3A_165 : i32 to vector<16xi32>
    %eq3A_167 = arith.cmpi eq, %select_n3A_164, %eq3A_166 : vector<16xi32>
    %ge3A_168 = arith.constant 3 : i32
    %ge3A_169 = vector.broadcast %ge3A_168 : i32 to vector<16xi32>
    %ge3A_170 = arith.cmpi sge, %get3A_139, %ge3A_169 : vector<16xi32>
    %and3A_171 = arith.andi %eq3A_167, %ge3A_170 : vector<16xi1>
    %le3A_172 = arith.constant 94503 : i32
    %le3A_173 = vector.broadcast %le3A_172 : i32 to vector<16xi32>
    %le3A_174 = arith.cmpi sle, %get3A_139, %le3A_173 : vector<16xi32>
    %and3A_175 = arith.andi %and3A_171, %le3A_174 : vector<16xi1>
    %sub3A_176 = arith.constant 3 : i32
    %sub3A_177 = vector.broadcast %sub3A_176 : i32 to vector<16xi32>
    %sub3A_178 = arith.subi %get3A_139, %sub3A_177 : vector<16xi32>
    %select_n3A_179 = arith.select %and3A_175, %sub3A_178, %get3A_139 : vector<16xi1>, vector<16xi32>
    %swap3A_180 = arith.constant 16 : index
    %swap3A_181 = tpu.vector_load %arg10[%swap3A_180] {strides = array<i32>} : memref<144xi32, #tpu.memory_space<vmem>>, vector<16xi32>,
    tpu.vector_store %arg10[%swap3A_180], %select_n3A_179 {strides = array<i32>} : memref<144xi32, #tpu.memory_space<vmem>>, vector<16xi32>,
    %select_n3A_182 = arith.select %and3A_175, %broadcast_in_dim3A_127, %broadcast_in_dim3A_131 : vector<16xi1>, vector<16xf32>
    %swap3A_183 = arith.constant 16 : index
    %swap3A_184 = tpu.vector_load %arg13[%swap3A_183] {strides = array<i32>} : memref<128xf32, #tpu.memory_space<vmem>>, vector<16xf32>,
    tpu.vector_store %arg13[%swap3A_183], %select_n3A_182 {strides = array<i32>} : memref<128xf32, #tpu.memory_space<vmem>>, vector<16xf32>,
    %select_n3A_185 = arith.select %and3A_175, %broadcast_in_dim3A_127, %broadcast_in_dim3A_129 : vector<16xi1>, vector<16xf32>
    %swap3A_186 = arith.constant 16 : index
    %swap3A_187 = tpu.vector_load %arg14[%swap3A_186] {strides = array<i32>} : memref<128xf32, #tpu.memory_space<vmem>>, vector<16xf32>,
    tpu.vector_store %arg14[%swap3A_186], %select_n3A_185 {strides = array<i32>} : memref<128xf32, #tpu.memory_space<vmem>>, vector<16xf32>,
    %get3A_188 = arith.constant 32 : index
    %get3A_189 = tpu.vector_load %arg7[%get3A_188] {strides = array<i32>} : memref<144xi32, #tpu.memory_space<vmem>>, vector<16xi32>,
    %jit3A_190 = arith.constant 1500 : i32
    %eq3A_191 = arith.constant 0 : i32
    %eq3A_192 = arith.cmpi eq, %jit3A_190, %eq3A_191 : i32
    %jit3A_193 = arith.constant 1 : i32
    %select_n3A_194 = arith.select %eq3A_192, %jit3A_193, %jit3A_190 : i32
    %rem3A_195 = vector.broadcast %select_n3A_194 : i32 to vector<16xi32>
    %rem3A_196 = arith.remsi %get3A_189, %rem3A_195 : vector<16xi32>
    %ne3A_197 = arith.constant 0 : i32
    %ne3A_198 = vector.broadcast %ne3A_197 : i32 to vector<16xi32>
    %ne3A_199 = arith.cmpi ne, %rem3A_196, %ne3A_198 : vector<16xi32>
    %lt3A_200 = arith.constant 0 : i32
    %lt3A_201 = vector.broadcast %lt3A_200 : i32 to vector<16xi32>
    %lt3A_202 = arith.cmpi slt, %rem3A_196, %lt3A_201 : vector<16xi32>
    %lt3A_203 = arith.constant 0 : i32
    %lt3A_204 = arith.cmpi slt, %select_n3A_194, %lt3A_203 : i32
    %ne3A_205 = vector.broadcast %lt3A_204 : i1 to vector<16xi1>
    %ne3A_206 = vector.broadcast %ne3A_205 : vector<16xi1> to vector<16xi1>
    %ne3A_207 = arith.xori %lt3A_202, %ne3A_206 : vector<16xi1>
    %and3A_208 = arith.andi %ne3A_207, %ne3A_199 : vector<16xi1>
    %add3A_209 = vector.broadcast %select_n3A_194 : i32 to vector<16xi32>
    %add3A_210 = arith.addi %rem3A_196, %add3A_209 : vector<16xi32>
    %select_n3A_211 = arith.select %and3A_208, %add3A_210, %rem3A_196 : vector<16xi1>, vector<16xi32>
    %eq3A_212 = arith.constant 0 : i32
    %eq3A_213 = vector.broadcast %eq3A_212 : i32 to vector<16xi32>
    %eq3A_214 = arith.cmpi eq, %select_n3A_211, %eq3A_213 : vector<16xi32>
    %le3A_215 = arith.constant 94500 : i32
    %le3A_216 = vector.broadcast %le3A_215 : i32 to vector<16xi32>
    %le3A_217 = arith.cmpi sle, %get3A_189, %le3A_216 : vector<16xi32>
    %and3A_218 = arith.andi %eq3A_214, %le3A_217 : vector<16xi1>
    %add3A_219 = arith.constant 3 : i32
    %add3A_220 = vector.broadcast %add3A_219 : i32 to vector<16xi32>
    %add3A_221 = arith.addi %get3A_189, %add3A_220 : vector<16xi32>
    %select_n3A_222 = arith.select %and3A_218, %add3A_221, %get3A_189 : vector<16xi1>, vector<16xi32>
    %swap3A_223 = arith.constant 32 : index
    %swap3A_224 = tpu.vector_load %arg9[%swap3A_223] {strides = array<i32>} : memref<144xi32, #tpu.memory_space<vmem>>, vector<16xi32>,
    tpu.vector_store %arg9[%swap3A_223], %select_n3A_222 {strides = array<i32>} : memref<144xi32, #tpu.memory_space<vmem>>, vector<16xi32>,
    %broadcast_in_dim3A_225 = arith.constant 5.000000e-01 : f32
    %broadcast_in_dim3A_226 = vector.broadcast %broadcast_in_dim3A_225 : f32 to vector<16xf32>
    %broadcast_in_dim3A_227 = arith.constant 2.500000e-01 : f32
    %broadcast_in_dim3A_228 = vector.broadcast %broadcast_in_dim3A_227 : f32 to vector<16xf32>
    %broadcast_in_dim3A_229 = arith.constant 0.000000e+00 : f32
    %broadcast_in_dim3A_230 = vector.broadcast %broadcast_in_dim3A_229 : f32 to vector<16xf32>
    %select_n3A_231 = arith.select %and3A_218, %broadcast_in_dim3A_226, %broadcast_in_dim3A_228 : vector<16xi1>, vector<16xf32>
    %swap3A_232 = arith.constant 32 : index
    %swap3A_233 = tpu.vector_load %arg11[%swap3A_232] {strides = array<i32>} : memref<128xf32, #tpu.memory_space<vmem>>, vector<16xf32>,
    tpu.vector_store %arg11[%swap3A_232], %select_n3A_231 {strides = array<i32>} : memref<128xf32, #tpu.memory_space<vmem>>, vector<16xf32>,
    %select_n3A_234 = arith.select %and3A_218, %broadcast_in_dim3A_226, %broadcast_in_dim3A_230 : vector<16xi1>, vector<16xf32>
    %swap3A_235 = arith.constant 32 : index
    %swap3A_236 = tpu.vector_load %arg12[%swap3A_235] {strides = array<i32>} : memref<128xf32, #tpu.memory_space<vmem>>, vector<16xf32>,
    tpu.vector_store %arg12[%swap3A_235], %select_n3A_234 {strides = array<i32>} : memref<128xf32, #tpu.memory_space<vmem>>, vector<16xf32>,
    %get3A_237 = arith.constant 32 : index
    %get3A_238 = tpu.vector_load %arg8[%get3A_237] {strides = array<i32>} : memref<144xi32, #tpu.memory_space<vmem>>, vector<16xi32>,
    %sub3A_239 = arith.constant 3 : i32
    %sub3A_240 = vector.broadcast %sub3A_239 : i32 to vector<16xi32>
    %sub3A_241 = arith.subi %get3A_238, %sub3A_240 : vector<16xi32>
    %jit3A_242 = arith.constant 1500 : i32
    %eq3A_243 = arith.constant 0 : i32
    %eq3A_244 = arith.cmpi eq, %jit3A_242, %eq3A_243 : i32
    %jit3A_245 = arith.constant 1 : i32
    %select_n3A_246 = arith.select %eq3A_244, %jit3A_245, %jit3A_242 : i32
    %rem3A_247 = vector.broadcast %select_n3A_246 : i32 to vector<16xi32>
    %rem3A_248 = arith.remsi %sub3A_241, %rem3A_247 : vector<16xi32>
    %ne3A_249 = arith.constant 0 : i32
    %ne3A_250 = vector.broadcast %ne3A_249 : i32 to vector<16xi32>
    %ne3A_251 = arith.cmpi ne, %rem3A_248, %ne3A_250 : vector<16xi32>
    %lt3A_252 = arith.constant 0 : i32
    %lt3A_253 = vector.broadcast %lt3A_252 : i32 to vector<16xi32>
    %lt3A_254 = arith.cmpi slt, %rem3A_248, %lt3A_253 : vector<16xi32>
    %lt3A_255 = arith.constant 0 : i32
    %lt3A_256 = arith.cmpi slt, %select_n3A_246, %lt3A_255 : i32
    %ne3A_257 = vector.broadcast %lt3A_256 : i1 to vector<16xi1>
    %ne3A_258 = vector.broadcast %ne3A_257 : vector<16xi1> to vector<16xi1>
    %ne3A_259 = arith.xori %lt3A_254, %ne3A_258 : vector<16xi1>
    %and3A_260 = arith.andi %ne3A_259, %ne3A_251 : vector<16xi1>
    %add3A_261 = vector.broadcast %select_n3A_246 : i32 to vector<16xi32>
    %add3A_262 = arith.addi %rem3A_248, %add3A_261 : vector<16xi32>
    %select_n3A_263 = arith.select %and3A_260, %add3A_262, %rem3A_248 : vector<16xi1>, vector<16xi32>
    %eq3A_264 = arith.constant 0 : i32
    %eq3A_265 = vector.broadcast %eq3A_264 : i32 to vector<16xi32>
    %eq3A_266 = arith.cmpi eq, %select_n3A_263, %eq3A_265 : vector<16xi32>
    %ge3A_267 = arith.constant 3 : i32
    %ge3A_268 = vector.broadcast %ge3A_267 : i32 to vector<16xi32>
    %ge3A_269 = arith.cmpi sge, %get3A_238, %ge3A_268 : vector<16xi32>
    %and3A_270 = arith.andi %eq3A_266, %ge3A_269 : vector<16xi1>
    %le3A_271 = arith.constant 94503 : i32
    %le3A_272 = vector.broadcast %le3A_271 : i32 to vector<16xi32>
    %le3A_273 = arith.cmpi sle, %get3A_238, %le3A_272 : vector<16xi32>
    %and3A_274 = arith.andi %and3A_270, %le3A_273 : vector<16xi1>
    %sub3A_275 = arith.constant 3 : i32
    %sub3A_276 = vector.broadcast %sub3A_275 : i32 to vector<16xi32>
    %sub3A_277 = arith.subi %get3A_238, %sub3A_276 : vector<16xi32>
    %select_n3A_278 = arith.select %and3A_274, %sub3A_277, %get3A_238 : vector<16xi1>, vector<16xi32>
    %swap3A_279 = arith.constant 32 : index
    %swap3A_280 = tpu.vector_load %arg10[%swap3A_279] {strides = array<i32>} : memref<144xi32, #tpu.memory_space<vmem>>, vector<16xi32>,
    tpu.vector_store %arg10[%swap3A_279], %select_n3A_278 {strides = array<i32>} : memref<144xi32, #tpu.memory_space<vmem>>, vector<16xi32>,
    %select_n3A_281 = arith.select %and3A_274, %broadcast_in_dim3A_226, %broadcast_in_dim3A_230 : vector<16xi1>, vector<16xf32>
    %swap3A_282 = arith.constant 32 : index
    %swap3A_283 = tpu.vector_load %arg13[%swap3A_282] {strides = array<i32>} : memref<128xf32, #tpu.memory_space<vmem>>, vector<16xf32>,
    tpu.vector_store %arg13[%swap3A_282], %select_n3A_281 {strides = array<i32>} : memref<128xf32, #tpu.memory_space<vmem>>, vector<16xf32>,
    %select_n3A_284 = arith.select %and3A_274, %broadcast_in_dim3A_226, %broadcast_in_dim3A_228 : vector<16xi1>, vector<16xf32>
    %swap3A_285 = arith.constant 32 : index
    %swap3A_286 = tpu.vector_load %arg14[%swap3A_285] {strides = array<i32>} : memref<128xf32, #tpu.memory_space<vmem>>, vector<16xf32>,
    tpu.vector_store %arg14[%swap3A_285], %select_n3A_284 {strides = array<i32>} : memref<128xf32, #tpu.memory_space<vmem>>, vector<16xf32>,
    %get3A_287 = arith.constant 48 : index
    %get3A_288 = tpu.vector_load %arg7[%get3A_287] {strides = array<i32>} : memref<144xi32, #tpu.memory_space<vmem>>, vector<16xi32>,
    %jit3A_289 = arith.constant 1500 : i32
    %eq3A_290 = arith.constant 0 : i32
    %eq3A_291 = arith.cmpi eq, %jit3A_289, %eq3A_290 : i32
    %jit3A_292 = arith.constant 1 : i32
    %select_n3A_293 = arith.select %eq3A_291, %jit3A_292, %jit3A_289 : i32
    %rem3A_294 = vector.broadcast %select_n3A_293 : i32 to vector<16xi32>
    %rem3A_295 = arith.remsi %get3A_288, %rem3A_294 : vector<16xi32>
    %ne3A_296 = arith.constant 0 : i32
    %ne3A_297 = vector.broadcast %ne3A_296 : i32 to vector<16xi32>
    %ne3A_298 = arith.cmpi ne, %rem3A_295, %ne3A_297 : vector<16xi32>
    %lt3A_299 = arith.constant 0 : i32
    %lt3A_300 = vector.broadcast %lt3A_299 : i32 to vector<16xi32>
    %lt3A_301 = arith.cmpi slt, %rem3A_295, %lt3A_300 : vector<16xi32>
    %lt3A_302 = arith.constant 0 : i32
    %lt3A_303 = arith.cmpi slt, %select_n3A_293, %lt3A_302 : i32
    %ne3A_304 = vector.broadcast %lt3A_303 : i1 to vector<16xi1>
    %ne3A_305 = vector.broadcast %ne3A_304 : vector<16xi1> to vector<16xi1>
    %ne3A_306 = arith.xori %lt3A_301, %ne3A_305 : vector<16xi1>
    %and3A_307 = arith.andi %ne3A_306, %ne3A_298 : vector<16xi1>
    %add3A_308 = vector.broadcast %select_n3A_293 : i32 to vector<16xi32>
    %add3A_309 = arith.addi %rem3A_295, %add3A_308 : vector<16xi32>
    %select_n3A_310 = arith.select %and3A_307, %add3A_309, %rem3A_295 : vector<16xi1>, vector<16xi32>
    %eq3A_311 = arith.constant 0 : i32
    %eq3A_312 = vector.broadcast %eq3A_311 : i32 to vector<16xi32>
    %eq3A_313 = arith.cmpi eq, %select_n3A_310, %eq3A_312 : vector<16xi32>
    %le3A_314 = arith.constant 94500 : i32
    %le3A_315 = vector.broadcast %le3A_314 : i32 to vector<16xi32>
    %le3A_316 = arith.cmpi sle, %get3A_288, %le3A_315 : vector<16xi32>
    %and3A_317 = arith.andi %eq3A_313, %le3A_316 : vector<16xi1>
    %add3A_318 = arith.constant 3 : i32
    %add3A_319 = vector.broadcast %add3A_318 : i32 to vector<16xi32>
    %add3A_320 = arith.addi %get3A_288, %add3A_319 : vector<16xi32>
    %select_n3A_321 = arith.select %and3A_317, %add3A_320, %get3A_288 : vector<16xi1>, vector<16xi32>
    %swap3A_322 = arith.constant 48 : index
    %swap3A_323 = tpu.vector_load %arg9[%swap3A_322] {strides = array<i32>} : memref<144xi32, #tpu.memory_space<vmem>>, vector<16xi32>,
    tpu.vector_store %arg9[%swap3A_322], %select_n3A_321 {strides = array<i32>} : memref<144xi32, #tpu.memory_space<vmem>>, vector<16xi32>,
    %broadcast_in_dim3A_324 = arith.constant 5.000000e-01 : f32
    %broadcast_in_dim3A_325 = vector.broadcast %broadcast_in_dim3A_324 : f32 to vector<16xf32>
    %broadcast_in_dim3A_326 = arith.constant 2.500000e-01 : f32
    %broadcast_in_dim3A_327 = vector.broadcast %broadcast_in_dim3A_326 : f32 to vector<16xf32>
    %broadcast_in_dim3A_328 = arith.constant 0.000000e+00 : f32
    %broadcast_in_dim3A_329 = vector.broadcast %broadcast_in_dim3A_328 : f32 to vector<16xf32>
    %select_n3A_330 = arith.select %and3A_317, %broadcast_in_dim3A_325, %broadcast_in_dim3A_327 : vector<16xi1>, vector<16xf32>
    %swap3A_331 = arith.constant 48 : index
    %swap3A_332 = tpu.vector_load %arg11[%swap3A_331] {strides = array<i32>} : memref<128xf32, #tpu.memory_space<vmem>>, vector<16xf32>,
    tpu.vector_store %arg11[%swap3A_331], %select_n3A_330 {strides = array<i32>} : memref<128xf32, #tpu.memory_space<vmem>>, vector<16xf32>,
    %select_n3A_333 = arith.select %and3A_317, %broadcast_in_dim3A_325, %broadcast_in_dim3A_329 : vector<16xi1>, vector<16xf32>
    %swap3A_334 = arith.constant 48 : index
    %swap3A_335 = tpu.vector_load %arg12[%swap3A_334] {strides = array<i32>} : memref<128xf32, #tpu.memory_space<vmem>>, vector<16xf32>,
    tpu.vector_store %arg12[%swap3A_334], %select_n3A_333 {strides = array<i32>} : memref<128xf32, #tpu.memory_space<vmem>>, vector<16xf32>,
    %get3A_336 = arith.constant 48 : index
    %get3A_337 = tpu.vector_load %arg8[%get3A_336] {strides = array<i32>} : memref<144xi32, #tpu.memory_space<vmem>>, vector<16xi32>,
    %sub3A_338 = arith.constant 3 : i32
    %sub3A_339 = vector.broadcast %sub3A_338 : i32 to vector<16xi32>
    %sub3A_340 = arith.subi %get3A_337, %sub3A_339 : vector<16xi32>
    %jit3A_341 = arith.constant 1500 : i32
    %eq3A_342 = arith.constant 0 : i32
    %eq3A_343 = arith.cmpi eq, %jit3A_341, %eq3A_342 : i32
    %jit3A_344 = arith.constant 1 : i32
    %select_n3A_345 = arith.select %eq3A_343, %jit3A_344, %jit3A_341 : i32
    %rem3A_346 = vector.broadcast %select_n3A_345 : i32 to vector<16xi32>
    %rem3A_347 = arith.remsi %sub3A_340, %rem3A_346 : vector<16xi32>
    %ne3A_348 = arith.constant 0 : i32
    %ne3A_349 = vector.broadcast %ne3A_348 : i32 to vector<16xi32>
    %ne3A_350 = arith.cmpi ne, %rem3A_347, %ne3A_349 : vector<16xi32>
    %lt3A_351 = arith.constant 0 : i32
    %lt3A_352 = vector.broadcast %lt3A_351 : i32 to vector<16xi32>
    %lt3A_353 = arith.cmpi slt, %rem3A_347, %lt3A_352 : vector<16xi32>
    %lt3A_354 = arith.constant 0 : i32
    %lt3A_355 = arith.cmpi slt, %select_n3A_345, %lt3A_354 : i32
    %ne3A_356 = vector.broadcast %lt3A_355 : i1 to vector<16xi1>
    %ne3A_357 = vector.broadcast %ne3A_356 : vector<16xi1> to vector<16xi1>
    %ne3A_358 = arith.xori %lt3A_353, %ne3A_357 : vector<16xi1>
    %and3A_359 = arith.andi %ne3A_358, %ne3A_350 : vector<16xi1>
    %add3A_360 = vector.broadcast %select_n3A_345 : i32 to vector<16xi32>
    %add3A_361 = arith.addi %rem3A_347, %add3A_360 : vector<16xi32>
    %select_n3A_362 = arith.select %and3A_359, %add3A_361, %rem3A_347 : vector<16xi1>, vector<16xi32>
    %eq3A_363 = arith.constant 0 : i32
    %eq3A_364 = vector.broadcast %eq3A_363 : i32 to vector<16xi32>
    %eq3A_365 = arith.cmpi eq, %select_n3A_362, %eq3A_364 : vector<16xi32>
    %ge3A_366 = arith.constant 3 : i32
    %ge3A_367 = vector.broadcast %ge3A_366 : i32 to vector<16xi32>
    %ge3A_368 = arith.cmpi sge, %get3A_337, %ge3A_367 : vector<16xi32>
    %and3A_369 = arith.andi %eq3A_365, %ge3A_368 : vector<16xi1>
    %le3A_370 = arith.constant 94503 : i32
    %le3A_371 = vector.broadcast %le3A_370 : i32 to vector<16xi32>
    %le3A_372 = arith.cmpi sle, %get3A_337, %le3A_371 : vector<16xi32>
    %and3A_373 = arith.andi %and3A_369, %le3A_372 : vector<16xi1>
    %sub3A_374 = arith.constant 3 : i32
    %sub3A_375 = vector.broadcast %sub3A_374 : i32 to vector<16xi32>
    %sub3A_376 = arith.subi %get3A_337, %sub3A_375 : vector<16xi32>
    %select_n3A_377 = arith.select %and3A_373, %sub3A_376, %get3A_337 : vector<16xi1>, vector<16xi32>
    %swap3A_378 = arith.constant 48 : index
    %swap3A_379 = tpu.vector_load %arg10[%swap3A_378] {strides = array<i32>} : memref<144xi32, #tpu.memory_space<vmem>>, vector<16xi32>,
    tpu.vector_store %arg10[%swap3A_378], %select_n3A_377 {strides = array<i32>} : memref<144xi32, #tpu.memory_space<vmem>>, vector<16xi32>,
    %select_n3A_380 = arith.select %and3A_373, %broadcast_in_dim3A_325, %broadcast_in_dim3A_329 : vector<16xi1>, vector<16xf32>
    %swap3A_381 = arith.constant 48 : index
    %swap3A_382 = tpu.vector_load %arg13[%swap3A_381] {strides = array<i32>} : memref<128xf32, #tpu.memory_space<vmem>>, vector<16xf32>,
    tpu.vector_store %arg13[%swap3A_381], %select_n3A_380 {strides = array<i32>} : memref<128xf32, #tpu.memory_space<vmem>>, vector<16xf32>,
    %select_n3A_383 = arith.select %and3A_373, %broadcast_in_dim3A_325, %broadcast_in_dim3A_327 : vector<16xi1>, vector<16xf32>
    %swap3A_384 = arith.constant 48 : index
    %swap3A_385 = tpu.vector_load %arg14[%swap3A_384] {strides = array<i32>} : memref<128xf32, #tpu.memory_space<vmem>>, vector<16xf32>,
    tpu.vector_store %arg14[%swap3A_384], %select_n3A_383 {strides = array<i32>} : memref<128xf32, #tpu.memory_space<vmem>>, vector<16xf32>,
    %get3A_386 = arith.constant 64 : index
    %get3A_387 = tpu.vector_load %arg7[%get3A_386] {strides = array<i32>} : memref<144xi32, #tpu.memory_space<vmem>>, vector<16xi32>,
    %jit3A_388 = arith.constant 1500 : i32
    %eq3A_389 = arith.constant 0 : i32
    %eq3A_390 = arith.cmpi eq, %jit3A_388, %eq3A_389 : i32
    %jit3A_391 = arith.constant 1 : i32
    %select_n3A_392 = arith.select %eq3A_390, %jit3A_391, %jit3A_388 : i32
    %rem3A_393 = vector.broadcast %select_n3A_392 : i32 to vector<16xi32>
    %rem3A_394 = arith.remsi %get3A_387, %rem3A_393 : vector<16xi32>
    %ne3A_395 = arith.constant 0 : i32
    %ne3A_396 = vector.broadcast %ne3A_395 : i32 to vector<16xi32>
    %ne3A_397 = arith.cmpi ne, %rem3A_394, %ne3A_396 : vector<16xi32>
    %lt3A_398 = arith.constant 0 : i32
    %lt3A_399 = vector.broadcast %lt3A_398 : i32 to vector<16xi32>
    %lt3A_400 = arith.cmpi slt, %rem3A_394, %lt3A_399 : vector<16xi32>
    %lt3A_401 = arith.constant 0 : i32
    %lt3A_402 = arith.cmpi slt, %select_n3A_392, %lt3A_401 : i32
    %ne3A_403 = vector.broadcast %lt3A_402 : i1 to vector<16xi1>
    %ne3A_404 = vector.broadcast %ne3A_403 : vector<16xi1> to vector<16xi1>
    %ne3A_405 = arith.xori %lt3A_400, %ne3A_404 : vector<16xi1>
    %and3A_406 = arith.andi %ne3A_405, %ne3A_397 : vector<16xi1>
    %add3A_407 = vector.broadcast %select_n3A_392 : i32 to vector<16xi32>
    %add3A_408 = arith.addi %rem3A_394, %add3A_407 : vector<16xi32>
    %select_n3A_409 = arith.select %and3A_406, %add3A_408, %rem3A_394 : vector<16xi1>, vector<16xi32>
    %eq3A_410 = arith.constant 0 : i32
    %eq3A_411 = vector.broadcast %eq3A_410 : i32 to vector<16xi32>
    %eq3A_412 = arith.cmpi eq, %select_n3A_409, %eq3A_411 : vector<16xi32>
    %le3A_413 = arith.constant 94500 : i32
    %le3A_414 = vector.broadcast %le3A_413 : i32 to vector<16xi32>
    %le3A_415 = arith.cmpi sle, %get3A_387, %le3A_414 : vector<16xi32>
    %and3A_416 = arith.andi %eq3A_412, %le3A_415 : vector<16xi1>
    %add3A_417 = arith.constant 3 : i32
    %add3A_418 = vector.broadcast %add3A_417 : i32 to vector<16xi32>
    %add3A_419 = arith.addi %get3A_387, %add3A_418 : vector<16xi32>
    %select_n3A_420 = arith.select %and3A_416, %add3A_419, %get3A_387 : vector<16xi1>, vector<16xi32>
    %swap3A_421 = arith.constant 64 : index
    %swap3A_422 = tpu.vector_load %arg9[%swap3A_421] {strides = array<i32>} : memref<144xi32, #tpu.memory_space<vmem>>, vector<16xi32>,
    tpu.vector_store %arg9[%swap3A_421], %select_n3A_420 {strides = array<i32>} : memref<144xi32, #tpu.memory_space<vmem>>, vector<16xi32>,
    %broadcast_in_dim3A_423 = arith.constant 5.000000e-01 : f32
    %broadcast_in_dim3A_424 = vector.broadcast %broadcast_in_dim3A_423 : f32 to vector<16xf32>
    %broadcast_in_dim3A_425 = arith.constant 2.500000e-01 : f32
    %broadcast_in_dim3A_426 = vector.broadcast %broadcast_in_dim3A_425 : f32 to vector<16xf32>
    %broadcast_in_dim3A_427 = arith.constant 0.000000e+00 : f32
    %broadcast_in_dim3A_428 = vector.broadcast %broadcast_in_dim3A_427 : f32 to vector<16xf32>
    %select_n3A_429 = arith.select %and3A_416, %broadcast_in_dim3A_424, %broadcast_in_dim3A_426 : vector<16xi1>, vector<16xf32>
    %swap3A_430 = arith.constant 64 : index
    %swap3A_431 = tpu.vector_load %arg11[%swap3A_430] {strides = array<i32>} : memref<128xf32, #tpu.memory_space<vmem>>, vector<16xf32>,
    tpu.vector_store %arg11[%swap3A_430], %select_n3A_429 {strides = array<i32>} : memref<128xf32, #tpu.memory_space<vmem>>, vector<16xf32>,
    %select_n3A_432 = arith.select %and3A_416, %broadcast_in_dim3A_424, %broadcast_in_dim3A_428 : vector<16xi1>, vector<16xf32>
    %swap3A_433 = arith.constant 64 : index
    %swap3A_434 = tpu.vector_load %arg12[%swap3A_433] {strides = array<i32>} : memref<128xf32, #tpu.memory_space<vmem>>, vector<16xf32>,
    tpu.vector_store %arg12[%swap3A_433], %select_n3A_432 {strides = array<i32>} : memref<128xf32, #tpu.memory_space<vmem>>, vector<16xf32>,
    %get3A_435 = arith.constant 64 : index
    %get3A_436 = tpu.vector_load %arg8[%get3A_435] {strides = array<i32>} : memref<144xi32, #tpu.memory_space<vmem>>, vector<16xi32>,
    %sub3A_437 = arith.constant 3 : i32
    %sub3A_438 = vector.broadcast %sub3A_437 : i32 to vector<16xi32>
    %sub3A_439 = arith.subi %get3A_436, %sub3A_438 : vector<16xi32>
    %jit3A_440 = arith.constant 1500 : i32
    %eq3A_441 = arith.constant 0 : i32
    %eq3A_442 = arith.cmpi eq, %jit3A_440, %eq3A_441 : i32
    %jit3A_443 = arith.constant 1 : i32
    %select_n3A_444 = arith.select %eq3A_442, %jit3A_443, %jit3A_440 : i32
    %rem3A_445 = vector.broadcast %select_n3A_444 : i32 to vector<16xi32>
    %rem3A_446 = arith.remsi %sub3A_439, %rem3A_445 : vector<16xi32>
    %ne3A_447 = arith.constant 0 : i32
    %ne3A_448 = vector.broadcast %ne3A_447 : i32 to vector<16xi32>
    %ne3A_449 = arith.cmpi ne, %rem3A_446, %ne3A_448 : vector<16xi32>
    %lt3A_450 = arith.constant 0 : i32
    %lt3A_451 = vector.broadcast %lt3A_450 : i32 to vector<16xi32>
    %lt3A_452 = arith.cmpi slt, %rem3A_446, %lt3A_451 : vector<16xi32>
    %lt3A_453 = arith.constant 0 : i32
    %lt3A_454 = arith.cmpi slt, %select_n3A_444, %lt3A_453 : i32
    %ne3A_455 = vector.broadcast %lt3A_454 : i1 to vector<16xi1>
    %ne3A_456 = vector.broadcast %ne3A_455 : vector<16xi1> to vector<16xi1>
    %ne3A_457 = arith.xori %lt3A_452, %ne3A_456 : vector<16xi1>
    %and3A_458 = arith.andi %ne3A_457, %ne3A_449 : vector<16xi1>
    %add3A_459 = vector.broadcast %select_n3A_444 : i32 to vector<16xi32>
    %add3A_460 = arith.addi %rem3A_446, %add3A_459 : vector<16xi32>
    %select_n3A_461 = arith.select %and3A_458, %add3A_460, %rem3A_446 : vector<16xi1>, vector<16xi32>
    %eq3A_462 = arith.constant 0 : i32
    %eq3A_463 = vector.broadcast %eq3A_462 : i32 to vector<16xi32>
    %eq3A_464 = arith.cmpi eq, %select_n3A_461, %eq3A_463 : vector<16xi32>
    %ge3A_465 = arith.constant 3 : i32
    %ge3A_466 = vector.broadcast %ge3A_465 : i32 to vector<16xi32>
    %ge3A_467 = arith.cmpi sge, %get3A_436, %ge3A_466 : vector<16xi32>
    %and3A_468 = arith.andi %eq3A_464, %ge3A_467 : vector<16xi1>
    %le3A_469 = arith.constant 94503 : i32
    %le3A_470 = vector.broadcast %le3A_469 : i32 to vector<16xi32>
    %le3A_471 = arith.cmpi sle, %get3A_436, %le3A_470 : vector<16xi32>
    %and3A_472 = arith.andi %and3A_468, %le3A_471 : vector<16xi1>
    %sub3A_473 = arith.constant 3 : i32
    %sub3A_474 = vector.broadcast %sub3A_473 : i32 to vector<16xi32>
    %sub3A_475 = arith.subi %get3A_436, %sub3A_474 : vector<16xi32>
    %select_n3A_476 = arith.select %and3A_472, %sub3A_475, %get3A_436 : vector<16xi1>, vector<16xi32>
    %swap3A_477 = arith.constant 64 : index
    %swap3A_478 = tpu.vector_load %arg10[%swap3A_477] {strides = array<i32>} : memref<144xi32, #tpu.memory_space<vmem>>, vector<16xi32>,
    tpu.vector_store %arg10[%swap3A_477], %select_n3A_476 {strides = array<i32>} : memref<144xi32, #tpu.memory_space<vmem>>, vector<16xi32>,
    %select_n3A_479 = arith.select %and3A_472, %broadcast_in_dim3A_424, %broadcast_in_dim3A_428 : vector<16xi1>, vector<16xf32>
    %swap3A_480 = arith.constant 64 : index
    %swap3A_481 = tpu.vector_load %arg13[%swap3A_480] {strides = array<i32>} : memref<128xf32, #tpu.memory_space<vmem>>, vector<16xf32>,
    tpu.vector_store %arg13[%swap3A_480], %select_n3A_479 {strides = array<i32>} : memref<128xf32, #tpu.memory_space<vmem>>, vector<16xf32>,
    %select_n3A_482 = arith.select %and3A_472, %broadcast_in_dim3A_424, %broadcast_in_dim3A_426 : vector<16xi1>, vector<16xf32>
    %swap3A_483 = arith.constant 64 : index
    %swap3A_484 = tpu.vector_load %arg14[%swap3A_483] {strides = array<i32>} : memref<128xf32, #tpu.memory_space<vmem>>, vector<16xf32>,
    tpu.vector_store %arg14[%swap3A_483], %select_n3A_482 {strides = array<i32>} : memref<128xf32, #tpu.memory_space<vmem>>, vector<16xf32>,
    %get3A_485 = arith.constant 80 : index
    %get3A_486 = tpu.vector_load %arg7[%get3A_485] {strides = array<i32>} : memref<144xi32, #tpu.memory_space<vmem>>, vector<16xi32>,
    %jit3A_487 = arith.constant 1500 : i32
    %eq3A_488 = arith.constant 0 : i32
    %eq3A_489 = arith.cmpi eq, %jit3A_487, %eq3A_488 : i32
    %jit3A_490 = arith.constant 1 : i32
    %select_n3A_491 = arith.select %eq3A_489, %jit3A_490, %jit3A_487 : i32
    %rem3A_492 = vector.broadcast %select_n3A_491 : i32 to vector<16xi32>
    %rem3A_493 = arith.remsi %get3A_486, %rem3A_492 : vector<16xi32>
    %ne3A_494 = arith.constant 0 : i32
    %ne3A_495 = vector.broadcast %ne3A_494 : i32 to vector<16xi32>
    %ne3A_496 = arith.cmpi ne, %rem3A_493, %ne3A_495 : vector<16xi32>
    %lt3A_497 = arith.constant 0 : i32
    %lt3A_498 = vector.broadcast %lt3A_497 : i32 to vector<16xi32>
    %lt3A_499 = arith.cmpi slt, %rem3A_493, %lt3A_498 : vector<16xi32>
    %lt3A_500 = arith.constant 0 : i32
    %lt3A_501 = arith.cmpi slt, %select_n3A_491, %lt3A_500 : i32
    %ne3A_502 = vector.broadcast %lt3A_501 : i1 to vector<16xi1>
    %ne3A_503 = vector.broadcast %ne3A_502 : vector<16xi1> to vector<16xi1>
    %ne3A_504 = arith.xori %lt3A_499, %ne3A_503 : vector<16xi1>
    %and3A_505 = arith.andi %ne3A_504, %ne3A_496 : vector<16xi1>
    %add3A_506 = vector.broadcast %select_n3A_491 : i32 to vector<16xi32>
    %add3A_507 = arith.addi %rem3A_493, %add3A_506 : vector<16xi32>
    %select_n3A_508 = arith.select %and3A_505, %add3A_507, %rem3A_493 : vector<16xi1>, vector<16xi32>
    %eq3A_509 = arith.constant 0 : i32
    %eq3A_510 = vector.broadcast %eq3A_509 : i32 to vector<16xi32>
    %eq3A_511 = arith.cmpi eq, %select_n3A_508, %eq3A_510 : vector<16xi32>
    %le3A_512 = arith.constant 94500 : i32
    %le3A_513 = vector.broadcast %le3A_512 : i32 to vector<16xi32>
    %le3A_514 = arith.cmpi sle, %get3A_486, %le3A_513 : vector<16xi32>
    %and3A_515 = arith.andi %eq3A_511, %le3A_514 : vector<16xi1>
    %add3A_516 = arith.constant 3 : i32
    %add3A_517 = vector.broadcast %add3A_516 : i32 to vector<16xi32>
    %add3A_518 = arith.addi %get3A_486, %add3A_517 : vector<16xi32>
    %select_n3A_519 = arith.select %and3A_515, %add3A_518, %get3A_486 : vector<16xi1>, vector<16xi32>
    %swap3A_520 = arith.constant 80 : index
    %swap3A_521 = tpu.vector_load %arg9[%swap3A_520] {strides = array<i32>} : memref<144xi32, #tpu.memory_space<vmem>>, vector<16xi32>,
    tpu.vector_store %arg9[%swap3A_520], %select_n3A_519 {strides = array<i32>} : memref<144xi32, #tpu.memory_space<vmem>>, vector<16xi32>,
    %broadcast_in_dim3A_522 = arith.constant 5.000000e-01 : f32
    %broadcast_in_dim3A_523 = vector.broadcast %broadcast_in_dim3A_522 : f32 to vector<16xf32>
    %broadcast_in_dim3A_524 = arith.constant 2.500000e-01 : f32
    %broadcast_in_dim3A_525 = vector.broadcast %broadcast_in_dim3A_524 : f32 to vector<16xf32>
    %broadcast_in_dim3A_526 = arith.constant 0.000000e+00 : f32
    %broadcast_in_dim3A_527 = vector.broadcast %broadcast_in_dim3A_526 : f32 to vector<16xf32>
    %select_n3A_528 = arith.select %and3A_515, %broadcast_in_dim3A_523, %broadcast_in_dim3A_525 : vector<16xi1>, vector<16xf32>
    %swap3A_529 = arith.constant 80 : index
    %swap3A_530 = tpu.vector_load %arg11[%swap3A_529] {strides = array<i32>} : memref<128xf32, #tpu.memory_space<vmem>>, vector<16xf32>,
    tpu.vector_store %arg11[%swap3A_529], %select_n3A_528 {strides = array<i32>} : memref<128xf32, #tpu.memory_space<vmem>>, vector<16xf32>,
    %select_n3A_531 = arith.select %and3A_515, %broadcast_in_dim3A_523, %broadcast_in_dim3A_527 : vector<16xi1>, vector<16xf32>
    %swap3A_532 = arith.constant 80 : index
    %swap3A_533 = tpu.vector_load %arg12[%swap3A_532] {strides = array<i32>} : memref<128xf32, #tpu.memory_space<vmem>>, vector<16xf32>,
    tpu.vector_store %arg12[%swap3A_532], %select_n3A_531 {strides = array<i32>} : memref<128xf32, #tpu.memory_space<vmem>>, vector<16xf32>,
    %get3A_534 = arith.constant 80 : index
    %get3A_535 = tpu.vector_load %arg8[%get3A_534] {strides = array<i32>} : memref<144xi32, #tpu.memory_space<vmem>>, vector<16xi32>,
    %sub3A_536 = arith.constant 3 : i32
    %sub3A_537 = vector.broadcast %sub3A_536 : i32 to vector<16xi32>
    %sub3A_538 = arith.subi %get3A_535, %sub3A_537 : vector<16xi32>
    %jit3A_539 = arith.constant 1500 : i32
    %eq3A_540 = arith.constant 0 : i32
    %eq3A_541 = arith.cmpi eq, %jit3A_539, %eq3A_540 : i32
    %jit3A_542 = arith.constant 1 : i32
    %select_n3A_543 = arith.select %eq3A_541, %jit3A_542, %jit3A_539 : i32
    %rem3A_544 = vector.broadcast %select_n3A_543 : i32 to vector<16xi32>
    %rem3A_545 = arith.remsi %sub3A_538, %rem3A_544 : vector<16xi32>
    %ne3A_546 = arith.constant 0 : i32
    %ne3A_547 = vector.broadcast %ne3A_546 : i32 to vector<16xi32>
    %ne3A_548 = arith.cmpi ne, %rem3A_545, %ne3A_547 : vector<16xi32>
    %lt3A_549 = arith.constant 0 : i32
    %lt3A_550 = vector.broadcast %lt3A_549 : i32 to vector<16xi32>
    %lt3A_551 = arith.cmpi slt, %rem3A_545, %lt3A_550 : vector<16xi32>
    %lt3A_552 = arith.constant 0 : i32
    %lt3A_553 = arith.cmpi slt, %select_n3A_543, %lt3A_552 : i32
    %ne3A_554 = vector.broadcast %lt3A_553 : i1 to vector<16xi1>
    %ne3A_555 = vector.broadcast %ne3A_554 : vector<16xi1> to vector<16xi1>
    %ne3A_556 = arith.xori %lt3A_551, %ne3A_555 : vector<16xi1>
    %and3A_557 = arith.andi %ne3A_556, %ne3A_548 : vector<16xi1>
    %add3A_558 = vector.broadcast %select_n3A_543 : i32 to vector<16xi32>
    %add3A_559 = arith.addi %rem3A_545, %add3A_558 : vector<16xi32>
    %select_n3A_560 = arith.select %and3A_557, %add3A_559, %rem3A_545 : vector<16xi1>, vector<16xi32>
    %eq3A_561 = arith.constant 0 : i32
    %eq3A_562 = vector.broadcast %eq3A_561 : i32 to vector<16xi32>
    %eq3A_563 = arith.cmpi eq, %select_n3A_560, %eq3A_562 : vector<16xi32>
    %ge3A_564 = arith.constant 3 : i32
    %ge3A_565 = vector.broadcast %ge3A_564 : i32 to vector<16xi32>
    %ge3A_566 = arith.cmpi sge, %get3A_535, %ge3A_565 : vector<16xi32>
    %and3A_567 = arith.andi %eq3A_563, %ge3A_566 : vector<16xi1>
    %le3A_568 = arith.constant 94503 : i32
    %le3A_569 = vector.broadcast %le3A_568 : i32 to vector<16xi32>
    %le3A_570 = arith.cmpi sle, %get3A_535, %le3A_569 : vector<16xi32>
    %and3A_571 = arith.andi %and3A_567, %le3A_570 : vector<16xi1>
    %sub3A_572 = arith.constant 3 : i32
    %sub3A_573 = vector.broadcast %sub3A_572 : i32 to vector<16xi32>
    %sub3A_574 = arith.subi %get3A_535, %sub3A_573 : vector<16xi32>
    %select_n3A_575 = arith.select %and3A_571, %sub3A_574, %get3A_535 : vector<16xi1>, vector<16xi32>
    %swap3A_576 = arith.constant 80 : index
    %swap3A_577 = tpu.vector_load %arg10[%swap3A_576] {strides = array<i32>} : memref<144xi32, #tpu.memory_space<vmem>>, vector<16xi32>,
    tpu.vector_store %arg10[%swap3A_576], %select_n3A_575 {strides = array<i32>} : memref<144xi32, #tpu.memory_space<vmem>>, vector<16xi32>,
    %select_n3A_578 = arith.select %and3A_571, %broadcast_in_dim3A_523, %broadcast_in_dim3A_527 : vector<16xi1>, vector<16xf32>
    %swap3A_579 = arith.constant 80 : index
    %swap3A_580 = tpu.vector_load %arg13[%swap3A_579] {strides = array<i32>} : memref<128xf32, #tpu.memory_space<vmem>>, vector<16xf32>,
    tpu.vector_store %arg13[%swap3A_579], %select_n3A_578 {strides = array<i32>} : memref<128xf32, #tpu.memory_space<vmem>>, vector<16xf32>,
    %select_n3A_581 = arith.select %and3A_571, %broadcast_in_dim3A_523, %broadcast_in_dim3A_525 : vector<16xi1>, vector<16xf32>
    %swap3A_582 = arith.constant 80 : index
    %swap3A_583 = tpu.vector_load %arg14[%swap3A_582] {strides = array<i32>} : memref<128xf32, #tpu.memory_space<vmem>>, vector<16xf32>,
    tpu.vector_store %arg14[%swap3A_582], %select_n3A_581 {strides = array<i32>} : memref<128xf32, #tpu.memory_space<vmem>>, vector<16xf32>,
    %get3A_584 = arith.constant 96 : index
    %get3A_585 = tpu.vector_load %arg7[%get3A_584] {strides = array<i32>} : memref<144xi32, #tpu.memory_space<vmem>>, vector<16xi32>,
    %jit3A_586 = arith.constant 1500 : i32
    %eq3A_587 = arith.constant 0 : i32
    %eq3A_588 = arith.cmpi eq, %jit3A_586, %eq3A_587 : i32
    %jit3A_589 = arith.constant 1 : i32
    %select_n3A_590 = arith.select %eq3A_588, %jit3A_589, %jit3A_586 : i32
    %rem3A_591 = vector.broadcast %select_n3A_590 : i32 to vector<16xi32>
    %rem3A_592 = arith.remsi %get3A_585, %rem3A_591 : vector<16xi32>
    %ne3A_593 = arith.constant 0 : i32
    %ne3A_594 = vector.broadcast %ne3A_593 : i32 to vector<16xi32>
    %ne3A_595 = arith.cmpi ne, %rem3A_592, %ne3A_594 : vector<16xi32>
    %lt3A_596 = arith.constant 0 : i32
    %lt3A_597 = vector.broadcast %lt3A_596 : i32 to vector<16xi32>
    %lt3A_598 = arith.cmpi slt, %rem3A_592, %lt3A_597 : vector<16xi32>
    %lt3A_599 = arith.constant 0 : i32
    %lt3A_600 = arith.cmpi slt, %select_n3A_590, %lt3A_599 : i32
    %ne3A_601 = vector.broadcast %lt3A_600 : i1 to vector<16xi1>
    %ne3A_602 = vector.broadcast %ne3A_601 : vector<16xi1> to vector<16xi1>
    %ne3A_603 = arith.xori %lt3A_598, %ne3A_602 : vector<16xi1>
    %and3A_604 = arith.andi %ne3A_603, %ne3A_595 : vector<16xi1>
    %add3A_605 = vector.broadcast %select_n3A_590 : i32 to vector<16xi32>
    %add3A_606 = arith.addi %rem3A_592, %add3A_605 : vector<16xi32>
    %select_n3A_607 = arith.select %and3A_604, %add3A_606, %rem3A_592 : vector<16xi1>, vector<16xi32>
    %eq3A_608 = arith.constant 0 : i32
    %eq3A_609 = vector.broadcast %eq3A_608 : i32 to vector<16xi32>
    %eq3A_610 = arith.cmpi eq, %select_n3A_607, %eq3A_609 : vector<16xi32>
    %le3A_611 = arith.constant 94500 : i32
    %le3A_612 = vector.broadcast %le3A_611 : i32 to vector<16xi32>
    %le3A_613 = arith.cmpi sle, %get3A_585, %le3A_612 : vector<16xi32>
    %and3A_614 = arith.andi %eq3A_610, %le3A_613 : vector<16xi1>
    %add3A_615 = arith.constant 3 : i32
    %add3A_616 = vector.broadcast %add3A_615 : i32 to vector<16xi32>
    %add3A_617 = arith.addi %get3A_585, %add3A_616 : vector<16xi32>
    %select_n3A_618 = arith.select %and3A_614, %add3A_617, %get3A_585 : vector<16xi1>, vector<16xi32>
    %swap3A_619 = arith.constant 96 : index
    %swap3A_620 = tpu.vector_load %arg9[%swap3A_619] {strides = array<i32>} : memref<144xi32, #tpu.memory_space<vmem>>, vector<16xi32>,
    tpu.vector_store %arg9[%swap3A_619], %select_n3A_618 {strides = array<i32>} : memref<144xi32, #tpu.memory_space<vmem>>, vector<16xi32>,
    %broadcast_in_dim3A_621 = arith.constant 5.000000e-01 : f32
    %broadcast_in_dim3A_622 = vector.broadcast %broadcast_in_dim3A_621 : f32 to vector<16xf32>
    %broadcast_in_dim3A_623 = arith.constant 2.500000e-01 : f32
    %broadcast_in_dim3A_624 = vector.broadcast %broadcast_in_dim3A_623 : f32 to vector<16xf32>
    %broadcast_in_dim3A_625 = arith.constant 0.000000e+00 : f32
    %broadcast_in_dim3A_626 = vector.broadcast %broadcast_in_dim3A_625 : f32 to vector<16xf32>
    %select_n3A_627 = arith.select %and3A_614, %broadcast_in_dim3A_622, %broadcast_in_dim3A_624 : vector<16xi1>, vector<16xf32>
    %swap3A_628 = arith.constant 96 : index
    %swap3A_629 = tpu.vector_load %arg11[%swap3A_628] {strides = array<i32>} : memref<128xf32, #tpu.memory_space<vmem>>, vector<16xf32>,
    tpu.vector_store %arg11[%swap3A_628], %select_n3A_627 {strides = array<i32>} : memref<128xf32, #tpu.memory_space<vmem>>, vector<16xf32>,
    %select_n3A_630 = arith.select %and3A_614, %broadcast_in_dim3A_622, %broadcast_in_dim3A_626 : vector<16xi1>, vector<16xf32>
    %swap3A_631 = arith.constant 96 : index
    %swap3A_632 = tpu.vector_load %arg12[%swap3A_631] {strides = array<i32>} : memref<128xf32, #tpu.memory_space<vmem>>, vector<16xf32>,
    tpu.vector_store %arg12[%swap3A_631], %select_n3A_630 {strides = array<i32>} : memref<128xf32, #tpu.memory_space<vmem>>, vector<16xf32>,
    %get3A_633 = arith.constant 96 : index
    %get3A_634 = tpu.vector_load %arg8[%get3A_633] {strides = array<i32>} : memref<144xi32, #tpu.memory_space<vmem>>, vector<16xi32>,
    %sub3A_635 = arith.constant 3 : i32
    %sub3A_636 = vector.broadcast %sub3A_635 : i32 to vector<16xi32>
    %sub3A_637 = arith.subi %get3A_634, %sub3A_636 : vector<16xi32>
    %jit3A_638 = arith.constant 1500 : i32
    %eq3A_639 = arith.constant 0 : i32
    %eq3A_640 = arith.cmpi eq, %jit3A_638, %eq3A_639 : i32
    %jit3A_641 = arith.constant 1 : i32
    %select_n3A_642 = arith.select %eq3A_640, %jit3A_641, %jit3A_638 : i32
    %rem3A_643 = vector.broadcast %select_n3A_642 : i32 to vector<16xi32>
    %rem3A_644 = arith.remsi %sub3A_637, %rem3A_643 : vector<16xi32>
    %ne3A_645 = arith.constant 0 : i32
    %ne3A_646 = vector.broadcast %ne3A_645 : i32 to vector<16xi32>
    %ne3A_647 = arith.cmpi ne, %rem3A_644, %ne3A_646 : vector<16xi32>
    %lt3A_648 = arith.constant 0 : i32
    %lt3A_649 = vector.broadcast %lt3A_648 : i32 to vector<16xi32>
    %lt3A_650 = arith.cmpi slt, %rem3A_644, %lt3A_649 : vector<16xi32>
    %lt3A_651 = arith.constant 0 : i32
    %lt3A_652 = arith.cmpi slt, %select_n3A_642, %lt3A_651 : i32
    %ne3A_653 = vector.broadcast %lt3A_652 : i1 to vector<16xi1>
    %ne3A_654 = vector.broadcast %ne3A_653 : vector<16xi1> to vector<16xi1>
    %ne3A_655 = arith.xori %lt3A_650, %ne3A_654 : vector<16xi1>
    %and3A_656 = arith.andi %ne3A_655, %ne3A_647 : vector<16xi1>
    %add3A_657 = vector.broadcast %select_n3A_642 : i32 to vector<16xi32>
    %add3A_658 = arith.addi %rem3A_644, %add3A_657 : vector<16xi32>
    %select_n3A_659 = arith.select %and3A_656, %add3A_658, %rem3A_644 : vector<16xi1>, vector<16xi32>
    %eq3A_660 = arith.constant 0 : i32
    %eq3A_661 = vector.broadcast %eq3A_660 : i32 to vector<16xi32>
    %eq3A_662 = arith.cmpi eq, %select_n3A_659, %eq3A_661 : vector<16xi32>
    %ge3A_663 = arith.constant 3 : i32
    %ge3A_664 = vector.broadcast %ge3A_663 : i32 to vector<16xi32>
    %ge3A_665 = arith.cmpi sge, %get3A_634, %ge3A_664 : vector<16xi32>
    %and3A_666 = arith.andi %eq3A_662, %ge3A_665 : vector<16xi1>
    %le3A_667 = arith.constant 94503 : i32
    %le3A_668 = vector.broadcast %le3A_667 : i32 to vector<16xi32>
    %le3A_669 = arith.cmpi sle, %get3A_634, %le3A_668 : vector<16xi32>
    %and3A_670 = arith.andi %and3A_666, %le3A_669 : vector<16xi1>
    %sub3A_671 = arith.constant 3 : i32
    %sub3A_672 = vector.broadcast %sub3A_671 : i32 to vector<16xi32>
    %sub3A_673 = arith.subi %get3A_634, %sub3A_672 : vector<16xi32>
    %select_n3A_674 = arith.select %and3A_670, %sub3A_673, %get3A_634 : vector<16xi1>, vector<16xi32>
    %swap3A_675 = arith.constant 96 : index
    %swap3A_676 = tpu.vector_load %arg10[%swap3A_675] {strides = array<i32>} : memref<144xi32, #tpu.memory_space<vmem>>, vector<16xi32>,
    tpu.vector_store %arg10[%swap3A_675], %select_n3A_674 {strides = array<i32>} : memref<144xi32, #tpu.memory_space<vmem>>, vector<16xi32>,
    %select_n3A_677 = arith.select %and3A_670, %broadcast_in_dim3A_622, %broadcast_in_dim3A_626 : vector<16xi1>, vector<16xf32>
    %swap3A_678 = arith.constant 96 : index
    %swap3A_679 = tpu.vector_load %arg13[%swap3A_678] {strides = array<i32>} : memref<128xf32, #tpu.memory_space<vmem>>, vector<16xf32>,
    tpu.vector_store %arg13[%swap3A_678], %select_n3A_677 {strides = array<i32>} : memref<128xf32, #tpu.memory_space<vmem>>, vector<16xf32>,
    %select_n3A_680 = arith.select %and3A_670, %broadcast_in_dim3A_622, %broadcast_in_dim3A_624 : vector<16xi1>, vector<16xf32>
    %swap3A_681 = arith.constant 96 : index
    %swap3A_682 = tpu.vector_load %arg14[%swap3A_681] {strides = array<i32>} : memref<128xf32, #tpu.memory_space<vmem>>, vector<16xf32>,
    tpu.vector_store %arg14[%swap3A_681], %select_n3A_680 {strides = array<i32>} : memref<128xf32, #tpu.memory_space<vmem>>, vector<16xf32>,
    %get3A_683 = arith.constant 112 : index
    %get3A_684 = tpu.vector_load %arg7[%get3A_683] {strides = array<i32>} : memref<144xi32, #tpu.memory_space<vmem>>, vector<16xi32>,
    %jit3A_685 = arith.constant 1500 : i32
    %eq3A_686 = arith.constant 0 : i32
    %eq3A_687 = arith.cmpi eq, %jit3A_685, %eq3A_686 : i32
    %jit3A_688 = arith.constant 1 : i32
    %select_n3A_689 = arith.select %eq3A_687, %jit3A_688, %jit3A_685 : i32
    %rem3A_690 = vector.broadcast %select_n3A_689 : i32 to vector<16xi32>
    %rem3A_691 = arith.remsi %get3A_684, %rem3A_690 : vector<16xi32>
    %ne3A_692 = arith.constant 0 : i32
    %ne3A_693 = vector.broadcast %ne3A_692 : i32 to vector<16xi32>
    %ne3A_694 = arith.cmpi ne, %rem3A_691, %ne3A_693 : vector<16xi32>
    %lt3A_695 = arith.constant 0 : i32
    %lt3A_696 = vector.broadcast %lt3A_695 : i32 to vector<16xi32>
    %lt3A_697 = arith.cmpi slt, %rem3A_691, %lt3A_696 : vector<16xi32>
    %lt3A_698 = arith.constant 0 : i32
    %lt3A_699 = arith.cmpi slt, %select_n3A_689, %lt3A_698 : i32
    %ne3A_700 = vector.broadcast %lt3A_699 : i1 to vector<16xi1>
    %ne3A_701 = vector.broadcast %ne3A_700 : vector<16xi1> to vector<16xi1>
    %ne3A_702 = arith.xori %lt3A_697, %ne3A_701 : vector<16xi1>
    %and3A_703 = arith.andi %ne3A_702, %ne3A_694 : vector<16xi1>
    %add3A_704 = vector.broadcast %select_n3A_689 : i32 to vector<16xi32>
    %add3A_705 = arith.addi %rem3A_691, %add3A_704 : vector<16xi32>
    %select_n3A_706 = arith.select %and3A_703, %add3A_705, %rem3A_691 : vector<16xi1>, vector<16xi32>
    %eq3A_707 = arith.constant 0 : i32
    %eq3A_708 = vector.broadcast %eq3A_707 : i32 to vector<16xi32>
    %eq3A_709 = arith.cmpi eq, %select_n3A_706, %eq3A_708 : vector<16xi32>
    %le3A_710 = arith.constant 94500 : i32
    %le3A_711 = vector.broadcast %le3A_710 : i32 to vector<16xi32>
    %le3A_712 = arith.cmpi sle, %get3A_684, %le3A_711 : vector<16xi32>
    %and3A_713 = arith.andi %eq3A_709, %le3A_712 : vector<16xi1>
    %add3A_714 = arith.constant 3 : i32
    %add3A_715 = vector.broadcast %add3A_714 : i32 to vector<16xi32>
    %add3A_716 = arith.addi %get3A_684, %add3A_715 : vector<16xi32>
    %select_n3A_717 = arith.select %and3A_713, %add3A_716, %get3A_684 : vector<16xi1>, vector<16xi32>
    %swap3A_718 = arith.constant 112 : index
    %swap3A_719 = tpu.vector_load %arg9[%swap3A_718] {strides = array<i32>} : memref<144xi32, #tpu.memory_space<vmem>>, vector<16xi32>,
    tpu.vector_store %arg9[%swap3A_718], %select_n3A_717 {strides = array<i32>} : memref<144xi32, #tpu.memory_space<vmem>>, vector<16xi32>,
    %broadcast_in_dim3A_720 = arith.constant 5.000000e-01 : f32
    %broadcast_in_dim3A_721 = vector.broadcast %broadcast_in_dim3A_720 : f32 to vector<16xf32>
    %broadcast_in_dim3A_722 = arith.constant 2.500000e-01 : f32
    %broadcast_in_dim3A_723 = vector.broadcast %broadcast_in_dim3A_722 : f32 to vector<16xf32>
    %broadcast_in_dim3A_724 = arith.constant 0.000000e+00 : f32
    %broadcast_in_dim3A_725 = vector.broadcast %broadcast_in_dim3A_724 : f32 to vector<16xf32>
    %select_n3A_726 = arith.select %and3A_713, %broadcast_in_dim3A_721, %broadcast_in_dim3A_723 : vector<16xi1>, vector<16xf32>
    %swap3A_727 = arith.constant 112 : index
    %swap3A_728 = tpu.vector_load %arg11[%swap3A_727] {strides = array<i32>} : memref<128xf32, #tpu.memory_space<vmem>>, vector<16xf32>,
    tpu.vector_store %arg11[%swap3A_727], %select_n3A_726 {strides = array<i32>} : memref<128xf32, #tpu.memory_space<vmem>>, vector<16xf32>,
    %select_n3A_729 = arith.select %and3A_713, %broadcast_in_dim3A_721, %broadcast_in_dim3A_725 : vector<16xi1>, vector<16xf32>
    %swap3A_730 = arith.constant 112 : index
    %swap3A_731 = tpu.vector_load %arg12[%swap3A_730] {strides = array<i32>} : memref<128xf32, #tpu.memory_space<vmem>>, vector<16xf32>,
    tpu.vector_store %arg12[%swap3A_730], %select_n3A_729 {strides = array<i32>} : memref<128xf32, #tpu.memory_space<vmem>>, vector<16xf32>,
    %get3A_732 = arith.constant 112 : index
    %get3A_733 = tpu.vector_load %arg8[%get3A_732] {strides = array<i32>} : memref<144xi32, #tpu.memory_space<vmem>>, vector<16xi32>,
    %sub3A_734 = arith.constant 3 : i32
    %sub3A_735 = vector.broadcast %sub3A_734 : i32 to vector<16xi32>
    %sub3A_736 = arith.subi %get3A_733, %sub3A_735 : vector<16xi32>
    %jit3A_737 = arith.constant 1500 : i32
    %eq3A_738 = arith.constant 0 : i32
    %eq3A_739 = arith.cmpi eq, %jit3A_737, %eq3A_738 : i32
    %jit3A_740 = arith.constant 1 : i32
    %select_n3A_741 = arith.select %eq3A_739, %jit3A_740, %jit3A_737 : i32
    %rem3A_742 = vector.broadcast %select_n3A_741 : i32 to vector<16xi32>
    %rem3A_743 = arith.remsi %sub3A_736, %rem3A_742 : vector<16xi32>
    %ne3A_744 = arith.constant 0 : i32
    %ne3A_745 = vector.broadcast %ne3A_744 : i32 to vector<16xi32>
    %ne3A_746 = arith.cmpi ne, %rem3A_743, %ne3A_745 : vector<16xi32>
    %lt3A_747 = arith.constant 0 : i32
    %lt3A_748 = vector.broadcast %lt3A_747 : i32 to vector<16xi32>
    %lt3A_749 = arith.cmpi slt, %rem3A_743, %lt3A_748 : vector<16xi32>
    %lt3A_750 = arith.constant 0 : i32
    %lt3A_751 = arith.cmpi slt, %select_n3A_741, %lt3A_750 : i32
    %ne3A_752 = vector.broadcast %lt3A_751 : i1 to vector<16xi1>
    %ne3A_753 = vector.broadcast %ne3A_752 : vector<16xi1> to vector<16xi1>
    %ne3A_754 = arith.xori %lt3A_749, %ne3A_753 : vector<16xi1>
    %and3A_755 = arith.andi %ne3A_754, %ne3A_746 : vector<16xi1>
    %add3A_756 = vector.broadcast %select_n3A_741 : i32 to vector<16xi32>
    %add3A_757 = arith.addi %rem3A_743, %add3A_756 : vector<16xi32>
    %select_n3A_758 = arith.select %and3A_755, %add3A_757, %rem3A_743 : vector<16xi1>, vector<16xi32>
    %eq3A_759 = arith.constant 0 : i32
    %eq3A_760 = vector.broadcast %eq3A_759 : i32 to vector<16xi32>
    %eq3A_761 = arith.cmpi eq, %select_n3A_758, %eq3A_760 : vector<16xi32>
    %ge3A_762 = arith.constant 3 : i32
    %ge3A_763 = vector.broadcast %ge3A_762 : i32 to vector<16xi32>
    %ge3A_764 = arith.cmpi sge, %get3A_733, %ge3A_763 : vector<16xi32>
    %and3A_765 = arith.andi %eq3A_761, %ge3A_764 : vector<16xi1>
    %le3A_766 = arith.constant 94503 : i32
    %le3A_767 = vector.broadcast %le3A_766 : i32 to vector<16xi32>
    %le3A_768 = arith.cmpi sle, %get3A_733, %le3A_767 : vector<16xi32>
    %and3A_769 = arith.andi %and3A_765, %le3A_768 : vector<16xi1>
    %sub3A_770 = arith.constant 3 : i32
    %sub3A_771 = vector.broadcast %sub3A_770 : i32 to vector<16xi32>
    %sub3A_772 = arith.subi %get3A_733, %sub3A_771 : vector<16xi32>
    %select_n3A_773 = arith.select %and3A_769, %sub3A_772, %get3A_733 : vector<16xi1>, vector<16xi32>
    %swap3A_774 = arith.constant 112 : index
    %swap3A_775 = tpu.vector_load %arg10[%swap3A_774] {strides = array<i32>} : memref<144xi32, #tpu.memory_space<vmem>>, vector<16xi32>,
    tpu.vector_store %arg10[%swap3A_774], %select_n3A_773 {strides = array<i32>} : memref<144xi32, #tpu.memory_space<vmem>>, vector<16xi32>,
    %select_n3A_776 = arith.select %and3A_769, %broadcast_in_dim3A_721, %broadcast_in_dim3A_725 : vector<16xi1>, vector<16xf32>
    %swap3A_777 = arith.constant 112 : index
    %swap3A_778 = tpu.vector_load %arg13[%swap3A_777] {strides = array<i32>} : memref<128xf32, #tpu.memory_space<vmem>>, vector<16xf32>,
    tpu.vector_store %arg13[%swap3A_777], %select_n3A_776 {strides = array<i32>} : memref<128xf32, #tpu.memory_space<vmem>>, vector<16xf32>,
    %select_n3A_779 = arith.select %and3A_769, %broadcast_in_dim3A_721, %broadcast_in_dim3A_723 : vector<16xi1>, vector<16xf32>
    %swap3A_780 = arith.constant 112 : index
    %swap3A_781 = tpu.vector_load %arg14[%swap3A_780] {strides = array<i32>} : memref<128xf32, #tpu.memory_space<vmem>>, vector<16xf32>,
    tpu.vector_store %arg14[%swap3A_780], %select_n3A_779 {strides = array<i32>} : memref<128xf32, #tpu.memory_space<vmem>>, vector<16xf32>,
    %scan3A = arith.constant 0 : i32
    %scan3A_782 = arith.constant 128 : i32
    %scan3A_783 = arith.addi %scan3A, %scan3A_782 : i32
    %scan3A_784 = arith.constant 1 : i32
    scf.for %scan3A_977 = %scan3A to %scan3A_783 step %scan3A_784  : i32 {
      %get3A_978 = arith.index_cast %scan3A_977 : i32 to index
      %get3A_979 = tpu.vector_load %arg7[%get3A_978] {strides = array<i32>} : memref<144xi32, #tpu.memory_space<vmem>>, vector<16xi32>,
      %slice3A = vector.extract_strided_slice %get3A_979 {offsets = [0], sizes = [1], strides = [1]} : vector<16xi32> to vector<1xi32>
      %squeeze3A = vector.extract %slice3A[0] : i32 from vector<1xi32>
      %get3A_980 = arith.index_cast %scan3A_977 : i32 to index
      %get3A_981 = tpu.vector_load %arg9[%get3A_980] {strides = array<i32>} : memref<144xi32, #tpu.memory_space<vmem>>, vector<16xi32>,
      %slice3A_982 = vector.extract_strided_slice %get3A_981 {offsets = [0], sizes = [1], strides = [1]} : vector<16xi32> to vector<1xi32>
      %squeeze3A_983 = vector.extract %slice3A_982[0] : i32 from vector<1xi32>
      %get3A_984 = arith.index_cast %scan3A_977 : i32 to index
      %get3A_985 = tpu.vector_load %arg10[%get3A_984] {strides = array<i32>} : memref<144xi32, #tpu.memory_space<vmem>>, vector<16xi32>,
      %slice3A_986 = vector.extract_strided_slice %get3A_985 {offsets = [0], sizes = [1], strides = [1]} : vector<16xi32> to vector<1xi32>
      %squeeze3A_987 = vector.extract %slice3A_986[0] : i32 from vector<1xi32>
      %get3A_988 = arith.index_cast %scan3A_977 : i32 to index
      %get3A_989 = tpu.vector_load %arg8[%get3A_988] {strides = array<i32>} : memref<144xi32, #tpu.memory_space<vmem>>, vector<16xi32>,
      %slice3A_990 = vector.extract_strided_slice %get3A_989 {offsets = [0], sizes = [1], strides = [1]} : vector<16xi32> to vector<1xi32>
      %squeeze3A_991 = vector.extract %slice3A_990[0] : i32 from vector<1xi32>
      %dma_start3A = arith.constant 0 : i32
      %dma_start3A_992 = tpu.memref_slice %arg15[%scan3A_977, %dma_start3A] : memref<128x64xf32, #tpu.memory_space<vmem>> -> memref<1x64xf32, #tpu.memory_space<vmem>>
      %dma_start3A_993 = arith.constant 0 : i32
      %dma_start3A_994 = tpu.memref_slice %arg2[%squeeze3A, %dma_start3A_993] : memref<100000x64xf32, #tpu.memory_space<hbm>> -> memref<1x64xf32, #tpu.memory_space<hbm>>
      %dma_start3A_995 = arith.constant 0 : i32
      %dma_start3A_996 = tpu.memref_slice %arg15[%scan3A_977, %dma_start3A_995] : memref<128x64xf32, #tpu.memory_space<vmem>> -> memref<1x64xf32, #tpu.memory_space<vmem>>
      %dma_start3A_997 = arith.constant 0 : i32
      %dma_start3A_998 = tpu.memref_slice %arg2[%squeeze3A, %dma_start3A_997] : memref<100000x64xf32, #tpu.memory_space<hbm>> -> memref<1x64xf32, #tpu.memory_space<hbm>>
      tpu.enqueue_dma source(%dma_start3A_998 : memref<1x64xf32, #tpu.memory_space<hbm>>) target(%dma_start3A_996 : memref<1x64xf32, #tpu.memory_space<vmem>>) target_semaphore(%arg20 : memref<!tpu.dma_semaphore, #tpu.memory_space<semaphore_mem>>)
      %dma_start3A_999 = arith.constant 0 : i32
      %dma_start3A_1000 = tpu.memref_slice %arg16[%scan3A_977, %dma_start3A_999] : memref<128x64xf32, #tpu.memory_space<vmem>> -> memref<1x64xf32, #tpu.memory_space<vmem>>
      %dma_start3A_1001 = arith.constant 0 : i32
      %dma_start3A_1002 = tpu.memref_slice %arg3[%squeeze3A_983, %dma_start3A_1001] : memref<100000x64xf32, #tpu.memory_space<hbm>> -> memref<1x64xf32, #tpu.memory_space<hbm>>
      %dma_start3A_1003 = arith.constant 0 : i32
      %dma_start3A_1004 = tpu.memref_slice %arg16[%scan3A_977, %dma_start3A_1003] : memref<128x64xf32, #tpu.memory_space<vmem>> -> memref<1x64xf32, #tpu.memory_space<vmem>>
      %dma_start3A_1005 = arith.constant 0 : i32
      %dma_start3A_1006 = tpu.memref_slice %arg3[%squeeze3A_983, %dma_start3A_1005] : memref<100000x64xf32, #tpu.memory_space<hbm>> -> memref<1x64xf32, #tpu.memory_space<hbm>>
      tpu.enqueue_dma source(%dma_start3A_1006 : memref<1x64xf32, #tpu.memory_space<hbm>>) target(%dma_start3A_1004 : memref<1x64xf32, #tpu.memory_space<vmem>>) target_semaphore(%arg20 : memref<!tpu.dma_semaphore, #tpu.memory_space<semaphore_mem>>)
      %dma_start3A_1007 = arith.constant 0 : i32
      %dma_start3A_1008 = tpu.memref_slice %arg17[%scan3A_977, %dma_start3A_1007] : memref<128x64xf32, #tpu.memory_space<vmem>> -> memref<1x64xf32, #tpu.memory_space<vmem>>
      %dma_start3A_1009 = arith.constant 0 : i32
      %dma_start3A_1010 = tpu.memref_slice %arg2[%squeeze3A_987, %dma_start3A_1009] : memref<100000x64xf32, #tpu.memory_space<hbm>> -> memref<1x64xf32, #tpu.memory_space<hbm>>
      %dma_start3A_1011 = arith.constant 0 : i32
      %dma_start3A_1012 = tpu.memref_slice %arg17[%scan3A_977, %dma_start3A_1011] : memref<128x64xf32, #tpu.memory_space<vmem>> -> memref<1x64xf32, #tpu.memory_space<vmem>>
      %dma_start3A_1013 = arith.constant 0 : i32
      %dma_start3A_1014 = tpu.memref_slice %arg2[%squeeze3A_987, %dma_start3A_1013] : memref<100000x64xf32, #tpu.memory_space<hbm>> -> memref<1x64xf32, #tpu.memory_space<hbm>>
      tpu.enqueue_dma source(%dma_start3A_1014 : memref<1x64xf32, #tpu.memory_space<hbm>>) target(%dma_start3A_1012 : memref<1x64xf32, #tpu.memory_space<vmem>>) target_semaphore(%arg20 : memref<!tpu.dma_semaphore, #tpu.memory_space<semaphore_mem>>)
      %dma_start3A_1015 = arith.constant 0 : i32
      %dma_start3A_1016 = tpu.memref_slice %arg18[%scan3A_977, %dma_start3A_1015] : memref<128x64xf32, #tpu.memory_space<vmem>> -> memref<1x64xf32, #tpu.memory_space<vmem>>
      %dma_start3A_1017 = arith.constant 0 : i32
      %dma_start3A_1018 = tpu.memref_slice %arg3[%squeeze3A_991, %dma_start3A_1017] : memref<100000x64xf32, #tpu.memory_space<hbm>> -> memref<1x64xf32, #tpu.memory_space<hbm>>
      %dma_start3A_1019 = arith.constant 0 : i32
      %dma_start3A_1020 = tpu.memref_slice %arg18[%scan3A_977, %dma_start3A_1019] : memref<128x64xf32, #tpu.memory_space<vmem>> -> memref<1x64xf32, #tpu.memory_space<vmem>>
      %dma_start3A_1021 = arith.constant 0 : i32
      %dma_start3A_1022 = tpu.memref_slice %arg3[%squeeze3A_991, %dma_start3A_1021] : memref<100000x64xf32, #tpu.memory_space<hbm>> -> memref<1x64xf32, #tpu.memory_space<hbm>>
      tpu.enqueue_dma source(%dma_start3A_1022 : memref<1x64xf32, #tpu.memory_space<hbm>>) target(%dma_start3A_1020 : memref<1x64xf32, #tpu.memory_space<vmem>>) target_semaphore(%arg20 : memref<!tpu.dma_semaphore, #tpu.memory_space<semaphore_mem>>)
    }
    %scan3A_785 = arith.constant 128 : i32
    %dma_wait3A = arith.constant 0 : i32
    %dma_wait3A_786 = arith.constant 0 : i32
    %dma_wait3A_787 = tpu.memref_slice %arg2[%dma_wait3A, %dma_wait3A_786] : memref<100000x64xf32, #tpu.memory_space<hbm>> -> memref<128x64xf32, #tpu.memory_space<hbm>>
    %dma_wait3A_788 = arith.constant 0 : i32
    %dma_wait3A_789 = arith.constant 0 : i32
    %dma_wait3A_790 = tpu.memref_slice %arg2[%dma_wait3A_788, %dma_wait3A_789] : memref<100000x64xf32, #tpu.memory_space<hbm>> -> memref<128x64xf32, #tpu.memory_space<hbm>>
    tpu.wait_dma2 semaphore(%arg20 : memref<!tpu.dma_semaphore, #tpu.memory_space<semaphore_mem>>) src(%dma_wait3A_790 : memref<128x64xf32, #tpu.memory_space<hbm>>) dst(%arg15 : memref<128x64xf32, #tpu.memory_space<vmem>>)
    %dma_wait3A_791 = arith.constant 0 : i32
    %dma_wait3A_792 = arith.constant 0 : i32
    %dma_wait3A_793 = tpu.memref_slice %arg2[%dma_wait3A_791, %dma_wait3A_792] : memref<100000x64xf32, #tpu.memory_space<hbm>> -> memref<128x64xf32, #tpu.memory_space<hbm>>
    %dma_wait3A_794 = arith.constant 0 : i32
    %dma_wait3A_795 = arith.constant 0 : i32
    %dma_wait3A_796 = tpu.memref_slice %arg2[%dma_wait3A_794, %dma_wait3A_795] : memref<100000x64xf32, #tpu.memory_space<hbm>> -> memref<128x64xf32, #tpu.memory_space<hbm>>
    tpu.wait_dma2 semaphore(%arg20 : memref<!tpu.dma_semaphore, #tpu.memory_space<semaphore_mem>>) src(%dma_wait3A_796 : memref<128x64xf32, #tpu.memory_space<hbm>>) dst(%arg16 : memref<128x64xf32, #tpu.memory_space<vmem>>)
    %dma_wait3A_797 = arith.constant 0 : i32
    %dma_wait3A_798 = arith.constant 0 : i32
    %dma_wait3A_799 = tpu.memref_slice %arg2[%dma_wait3A_797, %dma_wait3A_798] : memref<100000x64xf32, #tpu.memory_space<hbm>> -> memref<128x64xf32, #tpu.memory_space<hbm>>
    %dma_wait3A_800 = arith.constant 0 : i32
    %dma_wait3A_801 = arith.constant 0 : i32
    %dma_wait3A_802 = tpu.memref_slice %arg2[%dma_wait3A_800, %dma_wait3A_801] : memref<100000x64xf32, #tpu.memory_space<hbm>> -> memref<128x64xf32, #tpu.memory_space<hbm>>
    tpu.wait_dma2 semaphore(%arg20 : memref<!tpu.dma_semaphore, #tpu.memory_space<semaphore_mem>>) src(%dma_wait3A_802 : memref<128x64xf32, #tpu.memory_space<hbm>>) dst(%arg17 : memref<128x64xf32, #tpu.memory_space<vmem>>)
    %dma_wait3A_803 = arith.constant 0 : i32
    %dma_wait3A_804 = arith.constant 0 : i32
    %dma_wait3A_805 = tpu.memref_slice %arg2[%dma_wait3A_803, %dma_wait3A_804] : memref<100000x64xf32, #tpu.memory_space<hbm>> -> memref<128x64xf32, #tpu.memory_space<hbm>>
    %dma_wait3A_806 = arith.constant 0 : i32
    %dma_wait3A_807 = arith.constant 0 : i32
    %dma_wait3A_808 = tpu.memref_slice %arg2[%dma_wait3A_806, %dma_wait3A_807] : memref<100000x64xf32, #tpu.memory_space<hbm>> -> memref<128x64xf32, #tpu.memory_space<hbm>>
    tpu.wait_dma2 semaphore(%arg20 : memref<!tpu.dma_semaphore, #tpu.memory_space<semaphore_mem>>) src(%dma_wait3A_808 : memref<128x64xf32, #tpu.memory_space<hbm>>) dst(%arg18 : memref<128x64xf32, #tpu.memory_space<vmem>>)
    %iota3A = tpu.iota {dimensions = array<i32: 0>} : vector<16xi32>
    %add3A_809 = arith.constant 0 : i32
    %add3A_810 = vector.broadcast %add3A_809 : i32 to vector<16xi32>
    %add3A_811 = arith.addi %iota3A, %add3A_810 : vector<16xi32>
    %get3A_812 = arith.constant 0 : index
    %get3A_813 = tpu.vector_load %arg11[%get3A_812] {strides = array<i32>} : memref<128xf32, #tpu.memory_space<vmem>>, vector<16xf32>,
    %get3A_814 = arith.constant 0 : index
    %get3A_815 = tpu.vector_load %arg12[%get3A_814] {strides = array<i32>} : memref<128xf32, #tpu.memory_space<vmem>>, vector<16xf32>,
    %get3A_816 = arith.constant 0 : index
    %get3A_817 = tpu.vector_load %arg13[%get3A_816] {strides = array<i32>} : memref<128xf32, #tpu.memory_space<vmem>>, vector<16xf32>,
    %get3A_818 = arith.constant 0 : index
    %get3A_819 = tpu.vector_load %arg14[%get3A_818] {strides = array<i32>} : memref<128xf32, #tpu.memory_space<vmem>>, vector<16xf32>,
    %broadcast_in_dim3A_820 = arith.constant 0.000000e+00 : f32
    %broadcast_in_dim3A_821 = vector.broadcast %broadcast_in_dim3A_820 : f32 to vector<16xf32>
    %scan3A_822 = arith.constant 0 : i32
    %scan3A_823 = arith.constant 64 : i32
    %scan3A_824 = arith.addi %scan3A_822, %scan3A_823 : i32
    %scan3A_825 = arith.constant 1 : i32
    %scan3A_826 = scf.for %scan3A_977 = %scan3A_822 to %scan3A_824 step %scan3A_825 iter_args(%scan3A_978 = %broadcast_in_dim3A_821) -> (vector<16xf32>)  : i32 {
      %add3A_979 = vector.broadcast %scan3A_977 : i32 to vector<16xi32>
      %add3A_980 = arith.addi %iota3A, %add3A_979 : vector<16xi32>
      %and3A_981 = arith.constant 63 : i32
      %and3A_982 = vector.broadcast %and3A_981 : i32 to vector<16xi32>
      %and3A_983 = arith.andi %add3A_980, %and3A_982 : vector<16xi32>
      %gather3A = tpu.vector_load_idx %arg15[%add3A_811, %and3A_983] : memref<128x64xf32, #tpu.memory_space<vmem>>[vector<16xi32>, vector<16xi32>], vector<16xf32>,
      %gather3A_984 = tpu.vector_load_idx %arg16[%add3A_811, %and3A_983] : memref<128x64xf32, #tpu.memory_space<vmem>>[vector<16xi32>, vector<16xi32>], vector<16xf32>,
      %gather3A_985 = tpu.vector_load_idx %arg17[%add3A_811, %and3A_983] : memref<128x64xf32, #tpu.memory_space<vmem>>[vector<16xi32>, vector<16xi32>], vector<16xf32>,
      %gather3A_986 = tpu.vector_load_idx %arg18[%add3A_811, %and3A_983] : memref<128x64xf32, #tpu.memory_space<vmem>>[vector<16xi32>, vector<16xi32>], vector<16xf32>,
      %mul3A_987 = arith.mulf %get3A_813, %gather3A : vector<16xf32>
      %mul3A_988 = arith.mulf %get3A_815, %gather3A_984 : vector<16xf32>
      %add3A_989 = arith.addf %mul3A_987, %mul3A_988 : vector<16xf32>
      %mul3A_990 = arith.mulf %get3A_817, %gather3A_985 : vector<16xf32>
      %mul3A_991 = arith.mulf %get3A_819, %gather3A_986 : vector<16xf32>
      %add3A_992 = arith.addf %mul3A_990, %mul3A_991 : vector<16xf32>
      %mul3A_993 = arith.mulf %add3A_989, %add3A_992 : vector<16xf32>
      %add3A_994 = arith.addf %scan3A_978, %mul3A_993 : vector<16xf32>
      scf.yield %add3A_994 : vector<16xf32>
    }
    %scan3A_827 = arith.constant 64 : i32
    %swap3A_828 = arith.constant 0 : index
    %swap3A_829 = tpu.vector_load %arg19[%swap3A_828] {strides = array<i32>} : memref<128xf32, #tpu.memory_space<vmem>>, vector<16xf32>,
    tpu.vector_store %arg19[%swap3A_828], %scan3A_826 {strides = array<i32>} : memref<128xf32, #tpu.memory_space<vmem>>, vector<16xf32>,
    %add3A_830 = arith.constant 16 : i32
    %add3A_831 = vector.broadcast %add3A_830 : i32 to vector<16xi32>
    %add3A_832 = arith.addi %iota3A, %add3A_831 : vector<16xi32>
    %get3A_833 = arith.constant 16 : index
    %get3A_834 = tpu.vector_load %arg11[%get3A_833] {strides = array<i32>} : memref<128xf32, #tpu.memory_space<vmem>>, vector<16xf32>,
    %get3A_835 = arith.constant 16 : index
    %get3A_836 = tpu.vector_load %arg12[%get3A_835] {strides = array<i32>} : memref<128xf32, #tpu.memory_space<vmem>>, vector<16xf32>,
    %get3A_837 = arith.constant 16 : index
    %get3A_838 = tpu.vector_load %arg13[%get3A_837] {strides = array<i32>} : memref<128xf32, #tpu.memory_space<vmem>>, vector<16xf32>,
    %get3A_839 = arith.constant 16 : index
    %get3A_840 = tpu.vector_load %arg14[%get3A_839] {strides = array<i32>} : memref<128xf32, #tpu.memory_space<vmem>>, vector<16xf32>,
    %broadcast_in_dim3A_841 = arith.constant 0.000000e+00 : f32
    %broadcast_in_dim3A_842 = vector.broadcast %broadcast_in_dim3A_841 : f32 to vector<16xf32>
    %scan3A_843 = arith.constant 0 : i32
    %scan3A_844 = arith.constant 64 : i32
    %scan3A_845 = arith.addi %scan3A_843, %scan3A_844 : i32
    %scan3A_846 = arith.constant 1 : i32
    %scan3A_847 = scf.for %scan3A_977 = %scan3A_843 to %scan3A_845 step %scan3A_846 iter_args(%scan3A_978 = %broadcast_in_dim3A_842) -> (vector<16xf32>)  : i32 {
      %add3A_979 = vector.broadcast %scan3A_977 : i32 to vector<16xi32>
      %add3A_980 = arith.addi %iota3A, %add3A_979 : vector<16xi32>
      %and3A_981 = arith.constant 63 : i32
      %and3A_982 = vector.broadcast %and3A_981 : i32 to vector<16xi32>
      %and3A_983 = arith.andi %add3A_980, %and3A_982 : vector<16xi32>
      %gather3A = tpu.vector_load_idx %arg15[%add3A_832, %and3A_983] : memref<128x64xf32, #tpu.memory_space<vmem>>[vector<16xi32>, vector<16xi32>], vector<16xf32>,
      %gather3A_984 = tpu.vector_load_idx %arg16[%add3A_832, %and3A_983] : memref<128x64xf32, #tpu.memory_space<vmem>>[vector<16xi32>, vector<16xi32>], vector<16xf32>,
      %gather3A_985 = tpu.vector_load_idx %arg17[%add3A_832, %and3A_983] : memref<128x64xf32, #tpu.memory_space<vmem>>[vector<16xi32>, vector<16xi32>], vector<16xf32>,
      %gather3A_986 = tpu.vector_load_idx %arg18[%add3A_832, %and3A_983] : memref<128x64xf32, #tpu.memory_space<vmem>>[vector<16xi32>, vector<16xi32>], vector<16xf32>,
      %mul3A_987 = arith.mulf %get3A_834, %gather3A : vector<16xf32>
      %mul3A_988 = arith.mulf %get3A_836, %gather3A_984 : vector<16xf32>
      %add3A_989 = arith.addf %mul3A_987, %mul3A_988 : vector<16xf32>
      %mul3A_990 = arith.mulf %get3A_838, %gather3A_985 : vector<16xf32>
      %mul3A_991 = arith.mulf %get3A_840, %gather3A_986 : vector<16xf32>
      %add3A_992 = arith.addf %mul3A_990, %mul3A_991 : vector<16xf32>
      %mul3A_993 = arith.mulf %add3A_989, %add3A_992 : vector<16xf32>
      %add3A_994 = arith.addf %scan3A_978, %mul3A_993 : vector<16xf32>
      scf.yield %add3A_994 : vector<16xf32>
    }
    %scan3A_848 = arith.constant 64 : i32
    %swap3A_849 = arith.constant 16 : index
    %swap3A_850 = tpu.vector_load %arg19[%swap3A_849] {strides = array<i32>} : memref<128xf32, #tpu.memory_space<vmem>>, vector<16xf32>,
    tpu.vector_store %arg19[%swap3A_849], %scan3A_847 {strides = array<i32>} : memref<128xf32, #tpu.memory_space<vmem>>, vector<16xf32>,
    %add3A_851 = arith.constant 32 : i32
    %add3A_852 = vector.broadcast %add3A_851 : i32 to vector<16xi32>
    %add3A_853 = arith.addi %iota3A, %add3A_852 : vector<16xi32>
    %get3A_854 = arith.constant 32 : index
    %get3A_855 = tpu.vector_load %arg11[%get3A_854] {strides = array<i32>} : memref<128xf32, #tpu.memory_space<vmem>>, vector<16xf32>,
    %get3A_856 = arith.constant 32 : index
    %get3A_857 = tpu.vector_load %arg12[%get3A_856] {strides = array<i32>} : memref<128xf32, #tpu.memory_space<vmem>>, vector<16xf32>,
    %get3A_858 = arith.constant 32 : index
    %get3A_859 = tpu.vector_load %arg13[%get3A_858] {strides = array<i32>} : memref<128xf32, #tpu.memory_space<vmem>>, vector<16xf32>,
    %get3A_860 = arith.constant 32 : index
    %get3A_861 = tpu.vector_load %arg14[%get3A_860] {strides = array<i32>} : memref<128xf32, #tpu.memory_space<vmem>>, vector<16xf32>,
    %broadcast_in_dim3A_862 = arith.constant 0.000000e+00 : f32
    %broadcast_in_dim3A_863 = vector.broadcast %broadcast_in_dim3A_862 : f32 to vector<16xf32>
    %scan3A_864 = arith.constant 0 : i32
    %scan3A_865 = arith.constant 64 : i32
    %scan3A_866 = arith.addi %scan3A_864, %scan3A_865 : i32
    %scan3A_867 = arith.constant 1 : i32
    %scan3A_868 = scf.for %scan3A_977 = %scan3A_864 to %scan3A_866 step %scan3A_867 iter_args(%scan3A_978 = %broadcast_in_dim3A_863) -> (vector<16xf32>)  : i32 {
      %add3A_979 = vector.broadcast %scan3A_977 : i32 to vector<16xi32>
      %add3A_980 = arith.addi %iota3A, %add3A_979 : vector<16xi32>
      %and3A_981 = arith.constant 63 : i32
      %and3A_982 = vector.broadcast %and3A_981 : i32 to vector<16xi32>
      %and3A_983 = arith.andi %add3A_980, %and3A_982 : vector<16xi32>
      %gather3A = tpu.vector_load_idx %arg15[%add3A_853, %and3A_983] : memref<128x64xf32, #tpu.memory_space<vmem>>[vector<16xi32>, vector<16xi32>], vector<16xf32>,
      %gather3A_984 = tpu.vector_load_idx %arg16[%add3A_853, %and3A_983] : memref<128x64xf32, #tpu.memory_space<vmem>>[vector<16xi32>, vector<16xi32>], vector<16xf32>,
      %gather3A_985 = tpu.vector_load_idx %arg17[%add3A_853, %and3A_983] : memref<128x64xf32, #tpu.memory_space<vmem>>[vector<16xi32>, vector<16xi32>], vector<16xf32>,
      %gather3A_986 = tpu.vector_load_idx %arg18[%add3A_853, %and3A_983] : memref<128x64xf32, #tpu.memory_space<vmem>>[vector<16xi32>, vector<16xi32>], vector<16xf32>,
      %mul3A_987 = arith.mulf %get3A_855, %gather3A : vector<16xf32>
      %mul3A_988 = arith.mulf %get3A_857, %gather3A_984 : vector<16xf32>
      %add3A_989 = arith.addf %mul3A_987, %mul3A_988 : vector<16xf32>
      %mul3A_990 = arith.mulf %get3A_859, %gather3A_985 : vector<16xf32>
      %mul3A_991 = arith.mulf %get3A_861, %gather3A_986 : vector<16xf32>
      %add3A_992 = arith.addf %mul3A_990, %mul3A_991 : vector<16xf32>
      %mul3A_993 = arith.mulf %add3A_989, %add3A_992 : vector<16xf32>
      %add3A_994 = arith.addf %scan3A_978, %mul3A_993 : vector<16xf32>
      scf.yield %add3A_994 : vector<16xf32>
    }
    %scan3A_869 = arith.constant 64 : i32
    %swap3A_870 = arith.constant 32 : index
    %swap3A_871 = tpu.vector_load %arg19[%swap3A_870] {strides = array<i32>} : memref<128xf32, #tpu.memory_space<vmem>>, vector<16xf32>,
    tpu.vector_store %arg19[%swap3A_870], %scan3A_868 {strides = array<i32>} : memref<128xf32, #tpu.memory_space<vmem>>, vector<16xf32>,
    %add3A_872 = arith.constant 48 : i32
    %add3A_873 = vector.broadcast %add3A_872 : i32 to vector<16xi32>
    %add3A_874 = arith.addi %iota3A, %add3A_873 : vector<16xi32>
    %get3A_875 = arith.constant 48 : index
    %get3A_876 = tpu.vector_load %arg11[%get3A_875] {strides = array<i32>} : memref<128xf32, #tpu.memory_space<vmem>>, vector<16xf32>,
    %get3A_877 = arith.constant 48 : index
    %get3A_878 = tpu.vector_load %arg12[%get3A_877] {strides = array<i32>} : memref<128xf32, #tpu.memory_space<vmem>>, vector<16xf32>,
    %get3A_879 = arith.constant 48 : index
    %get3A_880 = tpu.vector_load %arg13[%get3A_879] {strides = array<i32>} : memref<128xf32, #tpu.memory_space<vmem>>, vector<16xf32>,
    %get3A_881 = arith.constant 48 : index
    %get3A_882 = tpu.vector_load %arg14[%get3A_881] {strides = array<i32>} : memref<128xf32, #tpu.memory_space<vmem>>, vector<16xf32>,
    %broadcast_in_dim3A_883 = arith.constant 0.000000e+00 : f32
    %broadcast_in_dim3A_884 = vector.broadcast %broadcast_in_dim3A_883 : f32 to vector<16xf32>
    %scan3A_885 = arith.constant 0 : i32
    %scan3A_886 = arith.constant 64 : i32
    %scan3A_887 = arith.addi %scan3A_885, %scan3A_886 : i32
    %scan3A_888 = arith.constant 1 : i32
    %scan3A_889 = scf.for %scan3A_977 = %scan3A_885 to %scan3A_887 step %scan3A_888 iter_args(%scan3A_978 = %broadcast_in_dim3A_884) -> (vector<16xf32>)  : i32 {
      %add3A_979 = vector.broadcast %scan3A_977 : i32 to vector<16xi32>
      %add3A_980 = arith.addi %iota3A, %add3A_979 : vector<16xi32>
      %and3A_981 = arith.constant 63 : i32
      %and3A_982 = vector.broadcast %and3A_981 : i32 to vector<16xi32>
      %and3A_983 = arith.andi %add3A_980, %and3A_982 : vector<16xi32>
      %gather3A = tpu.vector_load_idx %arg15[%add3A_874, %and3A_983] : memref<128x64xf32, #tpu.memory_space<vmem>>[vector<16xi32>, vector<16xi32>], vector<16xf32>,
      %gather3A_984 = tpu.vector_load_idx %arg16[%add3A_874, %and3A_983] : memref<128x64xf32, #tpu.memory_space<vmem>>[vector<16xi32>, vector<16xi32>], vector<16xf32>,
      %gather3A_985 = tpu.vector_load_idx %arg17[%add3A_874, %and3A_983] : memref<128x64xf32, #tpu.memory_space<vmem>>[vector<16xi32>, vector<16xi32>], vector<16xf32>,
      %gather3A_986 = tpu.vector_load_idx %arg18[%add3A_874, %and3A_983] : memref<128x64xf32, #tpu.memory_space<vmem>>[vector<16xi32>, vector<16xi32>], vector<16xf32>,
      %mul3A_987 = arith.mulf %get3A_876, %gather3A : vector<16xf32>
      %mul3A_988 = arith.mulf %get3A_878, %gather3A_984 : vector<16xf32>
      %add3A_989 = arith.addf %mul3A_987, %mul3A_988 : vector<16xf32>
      %mul3A_990 = arith.mulf %get3A_880, %gather3A_985 : vector<16xf32>
      %mul3A_991 = arith.mulf %get3A_882, %gather3A_986 : vector<16xf32>
      %add3A_992 = arith.addf %mul3A_990, %mul3A_991 : vector<16xf32>
      %mul3A_993 = arith.mulf %add3A_989, %add3A_992 : vector<16xf32>
      %add3A_994 = arith.addf %scan3A_978, %mul3A_993 : vector<16xf32>
      scf.yield %add3A_994 : vector<16xf32>
    }
    %scan3A_890 = arith.constant 64 : i32
    %swap3A_891 = arith.constant 48 : index
    %swap3A_892 = tpu.vector_load %arg19[%swap3A_891] {strides = array<i32>} : memref<128xf32, #tpu.memory_space<vmem>>, vector<16xf32>,
    tpu.vector_store %arg19[%swap3A_891], %scan3A_889 {strides = array<i32>} : memref<128xf32, #tpu.memory_space<vmem>>, vector<16xf32>,
    %add3A_893 = arith.constant 64 : i32
    %add3A_894 = vector.broadcast %add3A_893 : i32 to vector<16xi32>
    %add3A_895 = arith.addi %iota3A, %add3A_894 : vector<16xi32>
    %get3A_896 = arith.constant 64 : index
    %get3A_897 = tpu.vector_load %arg11[%get3A_896] {strides = array<i32>} : memref<128xf32, #tpu.memory_space<vmem>>, vector<16xf32>,
    %get3A_898 = arith.constant 64 : index
    %get3A_899 = tpu.vector_load %arg12[%get3A_898] {strides = array<i32>} : memref<128xf32, #tpu.memory_space<vmem>>, vector<16xf32>,
    %get3A_900 = arith.constant 64 : index
    %get3A_901 = tpu.vector_load %arg13[%get3A_900] {strides = array<i32>} : memref<128xf32, #tpu.memory_space<vmem>>, vector<16xf32>,
    %get3A_902 = arith.constant 64 : index
    %get3A_903 = tpu.vector_load %arg14[%get3A_902] {strides = array<i32>} : memref<128xf32, #tpu.memory_space<vmem>>, vector<16xf32>,
    %broadcast_in_dim3A_904 = arith.constant 0.000000e+00 : f32
    %broadcast_in_dim3A_905 = vector.broadcast %broadcast_in_dim3A_904 : f32 to vector<16xf32>
    %scan3A_906 = arith.constant 0 : i32
    %scan3A_907 = arith.constant 64 : i32
    %scan3A_908 = arith.addi %scan3A_906, %scan3A_907 : i32
    %scan3A_909 = arith.constant 1 : i32
    %scan3A_910 = scf.for %scan3A_977 = %scan3A_906 to %scan3A_908 step %scan3A_909 iter_args(%scan3A_978 = %broadcast_in_dim3A_905) -> (vector<16xf32>)  : i32 {
      %add3A_979 = vector.broadcast %scan3A_977 : i32 to vector<16xi32>
      %add3A_980 = arith.addi %iota3A, %add3A_979 : vector<16xi32>
      %and3A_981 = arith.constant 63 : i32
      %and3A_982 = vector.broadcast %and3A_981 : i32 to vector<16xi32>
      %and3A_983 = arith.andi %add3A_980, %and3A_982 : vector<16xi32>
      %gather3A = tpu.vector_load_idx %arg15[%add3A_895, %and3A_983] : memref<128x64xf32, #tpu.memory_space<vmem>>[vector<16xi32>, vector<16xi32>], vector<16xf32>,
      %gather3A_984 = tpu.vector_load_idx %arg16[%add3A_895, %and3A_983] : memref<128x64xf32, #tpu.memory_space<vmem>>[vector<16xi32>, vector<16xi32>], vector<16xf32>,
      %gather3A_985 = tpu.vector_load_idx %arg17[%add3A_895, %and3A_983] : memref<128x64xf32, #tpu.memory_space<vmem>>[vector<16xi32>, vector<16xi32>], vector<16xf32>,
      %gather3A_986 = tpu.vector_load_idx %arg18[%add3A_895, %and3A_983] : memref<128x64xf32, #tpu.memory_space<vmem>>[vector<16xi32>, vector<16xi32>], vector<16xf32>,
      %mul3A_987 = arith.mulf %get3A_897, %gather3A : vector<16xf32>
      %mul3A_988 = arith.mulf %get3A_899, %gather3A_984 : vector<16xf32>
      %add3A_989 = arith.addf %mul3A_987, %mul3A_988 : vector<16xf32>
      %mul3A_990 = arith.mulf %get3A_901, %gather3A_985 : vector<16xf32>
      %mul3A_991 = arith.mulf %get3A_903, %gather3A_986 : vector<16xf32>
      %add3A_992 = arith.addf %mul3A_990, %mul3A_991 : vector<16xf32>
      %mul3A_993 = arith.mulf %add3A_989, %add3A_992 : vector<16xf32>
      %add3A_994 = arith.addf %scan3A_978, %mul3A_993 : vector<16xf32>
      scf.yield %add3A_994 : vector<16xf32>
    }
    %scan3A_911 = arith.constant 64 : i32
    %swap3A_912 = arith.constant 64 : index
    %swap3A_913 = tpu.vector_load %arg19[%swap3A_912] {strides = array<i32>} : memref<128xf32, #tpu.memory_space<vmem>>, vector<16xf32>,
    tpu.vector_store %arg19[%swap3A_912], %scan3A_910 {strides = array<i32>} : memref<128xf32, #tpu.memory_space<vmem>>, vector<16xf32>,
    %add3A_914 = arith.constant 80 : i32
    %add3A_915 = vector.broadcast %add3A_914 : i32 to vector<16xi32>
    %add3A_916 = arith.addi %iota3A, %add3A_915 : vector<16xi32>
    %get3A_917 = arith.constant 80 : index
    %get3A_918 = tpu.vector_load %arg11[%get3A_917] {strides = array<i32>} : memref<128xf32, #tpu.memory_space<vmem>>, vector<16xf32>,
    %get3A_919 = arith.constant 80 : index
    %get3A_920 = tpu.vector_load %arg12[%get3A_919] {strides = array<i32>} : memref<128xf32, #tpu.memory_space<vmem>>, vector<16xf32>,
    %get3A_921 = arith.constant 80 : index
    %get3A_922 = tpu.vector_load %arg13[%get3A_921] {strides = array<i32>} : memref<128xf32, #tpu.memory_space<vmem>>, vector<16xf32>,
    %get3A_923 = arith.constant 80 : index
    %get3A_924 = tpu.vector_load %arg14[%get3A_923] {strides = array<i32>} : memref<128xf32, #tpu.memory_space<vmem>>, vector<16xf32>,
    %broadcast_in_dim3A_925 = arith.constant 0.000000e+00 : f32
    %broadcast_in_dim3A_926 = vector.broadcast %broadcast_in_dim3A_925 : f32 to vector<16xf32>
    %scan3A_927 = arith.constant 0 : i32
    %scan3A_928 = arith.constant 64 : i32
    %scan3A_929 = arith.addi %scan3A_927, %scan3A_928 : i32
    %scan3A_930 = arith.constant 1 : i32
    %scan3A_931 = scf.for %scan3A_977 = %scan3A_927 to %scan3A_929 step %scan3A_930 iter_args(%scan3A_978 = %broadcast_in_dim3A_926) -> (vector<16xf32>)  : i32 {
      %add3A_979 = vector.broadcast %scan3A_977 : i32 to vector<16xi32>
      %add3A_980 = arith.addi %iota3A, %add3A_979 : vector<16xi32>
      %and3A_981 = arith.constant 63 : i32
      %and3A_982 = vector.broadcast %and3A_981 : i32 to vector<16xi32>
      %and3A_983 = arith.andi %add3A_980, %and3A_982 : vector<16xi32>
      %gather3A = tpu.vector_load_idx %arg15[%add3A_916, %and3A_983] : memref<128x64xf32, #tpu.memory_space<vmem>>[vector<16xi32>, vector<16xi32>], vector<16xf32>,
      %gather3A_984 = tpu.vector_load_idx %arg16[%add3A_916, %and3A_983] : memref<128x64xf32, #tpu.memory_space<vmem>>[vector<16xi32>, vector<16xi32>], vector<16xf32>,
      %gather3A_985 = tpu.vector_load_idx %arg17[%add3A_916, %and3A_983] : memref<128x64xf32, #tpu.memory_space<vmem>>[vector<16xi32>, vector<16xi32>], vector<16xf32>,
      %gather3A_986 = tpu.vector_load_idx %arg18[%add3A_916, %and3A_983] : memref<128x64xf32, #tpu.memory_space<vmem>>[vector<16xi32>, vector<16xi32>], vector<16xf32>,
      %mul3A_987 = arith.mulf %get3A_918, %gather3A : vector<16xf32>
      %mul3A_988 = arith.mulf %get3A_920, %gather3A_984 : vector<16xf32>
      %add3A_989 = arith.addf %mul3A_987, %mul3A_988 : vector<16xf32>
      %mul3A_990 = arith.mulf %get3A_922, %gather3A_985 : vector<16xf32>
      %mul3A_991 = arith.mulf %get3A_924, %gather3A_986 : vector<16xf32>
      %add3A_992 = arith.addf %mul3A_990, %mul3A_991 : vector<16xf32>
      %mul3A_993 = arith.mulf %add3A_989, %add3A_992 : vector<16xf32>
      %add3A_994 = arith.addf %scan3A_978, %mul3A_993 : vector<16xf32>
      scf.yield %add3A_994 : vector<16xf32>
    }
    %scan3A_932 = arith.constant 64 : i32
    %swap3A_933 = arith.constant 80 : index
    %swap3A_934 = tpu.vector_load %arg19[%swap3A_933] {strides = array<i32>} : memref<128xf32, #tpu.memory_space<vmem>>, vector<16xf32>,
    tpu.vector_store %arg19[%swap3A_933], %scan3A_931 {strides = array<i32>} : memref<128xf32, #tpu.memory_space<vmem>>, vector<16xf32>,
    %add3A_935 = arith.constant 96 : i32
    %add3A_936 = vector.broadcast %add3A_935 : i32 to vector<16xi32>
    %add3A_937 = arith.addi %iota3A, %add3A_936 : vector<16xi32>
    %get3A_938 = arith.constant 96 : index
    %get3A_939 = tpu.vector_load %arg11[%get3A_938] {strides = array<i32>} : memref<128xf32, #tpu.memory_space<vmem>>, vector<16xf32>,
    %get3A_940 = arith.constant 96 : index
    %get3A_941 = tpu.vector_load %arg12[%get3A_940] {strides = array<i32>} : memref<128xf32, #tpu.memory_space<vmem>>, vector<16xf32>,
    %get3A_942 = arith.constant 96 : index
    %get3A_943 = tpu.vector_load %arg13[%get3A_942] {strides = array<i32>} : memref<128xf32, #tpu.memory_space<vmem>>, vector<16xf32>,
    %get3A_944 = arith.constant 96 : index
    %get3A_945 = tpu.vector_load %arg14[%get3A_944] {strides = array<i32>} : memref<128xf32, #tpu.memory_space<vmem>>, vector<16xf32>,
    %broadcast_in_dim3A_946 = arith.constant 0.000000e+00 : f32
    %broadcast_in_dim3A_947 = vector.broadcast %broadcast_in_dim3A_946 : f32 to vector<16xf32>
    %scan3A_948 = arith.constant 0 : i32
    %scan3A_949 = arith.constant 64 : i32
    %scan3A_950 = arith.addi %scan3A_948, %scan3A_949 : i32
    %scan3A_951 = arith.constant 1 : i32
    %scan3A_952 = scf.for %scan3A_977 = %scan3A_948 to %scan3A_950 step %scan3A_951 iter_args(%scan3A_978 = %broadcast_in_dim3A_947) -> (vector<16xf32>)  : i32 {
      %add3A_979 = vector.broadcast %scan3A_977 : i32 to vector<16xi32>
      %add3A_980 = arith.addi %iota3A, %add3A_979 : vector<16xi32>
      %and3A_981 = arith.constant 63 : i32
      %and3A_982 = vector.broadcast %and3A_981 : i32 to vector<16xi32>
      %and3A_983 = arith.andi %add3A_980, %and3A_982 : vector<16xi32>
      %gather3A = tpu.vector_load_idx %arg15[%add3A_937, %and3A_983] : memref<128x64xf32, #tpu.memory_space<vmem>>[vector<16xi32>, vector<16xi32>], vector<16xf32>,
      %gather3A_984 = tpu.vector_load_idx %arg16[%add3A_937, %and3A_983] : memref<128x64xf32, #tpu.memory_space<vmem>>[vector<16xi32>, vector<16xi32>], vector<16xf32>,
      %gather3A_985 = tpu.vector_load_idx %arg17[%add3A_937, %and3A_983] : memref<128x64xf32, #tpu.memory_space<vmem>>[vector<16xi32>, vector<16xi32>], vector<16xf32>,
      %gather3A_986 = tpu.vector_load_idx %arg18[%add3A_937, %and3A_983] : memref<128x64xf32, #tpu.memory_space<vmem>>[vector<16xi32>, vector<16xi32>], vector<16xf32>,
      %mul3A_987 = arith.mulf %get3A_939, %gather3A : vector<16xf32>
      %mul3A_988 = arith.mulf %get3A_941, %gather3A_984 : vector<16xf32>
      %add3A_989 = arith.addf %mul3A_987, %mul3A_988 : vector<16xf32>
      %mul3A_990 = arith.mulf %get3A_943, %gather3A_985 : vector<16xf32>
      %mul3A_991 = arith.mulf %get3A_945, %gather3A_986 : vector<16xf32>
      %add3A_992 = arith.addf %mul3A_990, %mul3A_991 : vector<16xf32>
      %mul3A_993 = arith.mulf %add3A_989, %add3A_992 : vector<16xf32>
      %add3A_994 = arith.addf %scan3A_978, %mul3A_993 : vector<16xf32>
      scf.yield %add3A_994 : vector<16xf32>
    }
    %scan3A_953 = arith.constant 64 : i32
    %swap3A_954 = arith.constant 96 : index
    %swap3A_955 = tpu.vector_load %arg19[%swap3A_954] {strides = array<i32>} : memref<128xf32, #tpu.memory_space<vmem>>, vector<16xf32>,
    tpu.vector_store %arg19[%swap3A_954], %scan3A_952 {strides = array<i32>} : memref<128xf32, #tpu.memory_space<vmem>>, vector<16xf32>,
    %add3A_956 = arith.constant 112 : i32
    %add3A_957 = vector.broadcast %add3A_956 : i32 to vector<16xi32>
    %add3A_958 = arith.addi %iota3A, %add3A_957 : vector<16xi32>
    %get3A_959 = arith.constant 112 : index
    %get3A_960 = tpu.vector_load %arg11[%get3A_959] {strides = array<i32>} : memref<128xf32, #tpu.memory_space<vmem>>, vector<16xf32>,
    %get3A_961 = arith.constant 112 : index
    %get3A_962 = tpu.vector_load %arg12[%get3A_961] {strides = array<i32>} : memref<128xf32, #tpu.memory_space<vmem>>, vector<16xf32>,
    %get3A_963 = arith.constant 112 : index
    %get3A_964 = tpu.vector_load %arg13[%get3A_963] {strides = array<i32>} : memref<128xf32, #tpu.memory_space<vmem>>, vector<16xf32>,
    %get3A_965 = arith.constant 112 : index
    %get3A_966 = tpu.vector_load %arg14[%get3A_965] {strides = array<i32>} : memref<128xf32, #tpu.memory_space<vmem>>, vector<16xf32>,
    %broadcast_in_dim3A_967 = arith.constant 0.000000e+00 : f32
    %broadcast_in_dim3A_968 = vector.broadcast %broadcast_in_dim3A_967 : f32 to vector<16xf32>
    %scan3A_969 = arith.constant 0 : i32
    %scan3A_970 = arith.constant 64 : i32
    %scan3A_971 = arith.addi %scan3A_969, %scan3A_970 : i32
    %scan3A_972 = arith.constant 1 : i32
    %scan3A_973 = scf.for %scan3A_977 = %scan3A_969 to %scan3A_971 step %scan3A_972 iter_args(%scan3A_978 = %broadcast_in_dim3A_968) -> (vector<16xf32>)  : i32 {
      %add3A_979 = vector.broadcast %scan3A_977 : i32 to vector<16xi32>
      %add3A_980 = arith.addi %iota3A, %add3A_979 : vector<16xi32>
      %and3A_981 = arith.constant 63 : i32
      %and3A_982 = vector.broadcast %and3A_981 : i32 to vector<16xi32>
      %and3A_983 = arith.andi %add3A_980, %and3A_982 : vector<16xi32>
      %gather3A = tpu.vector_load_idx %arg15[%add3A_958, %and3A_983] : memref<128x64xf32, #tpu.memory_space<vmem>>[vector<16xi32>, vector<16xi32>], vector<16xf32>,
      %gather3A_984 = tpu.vector_load_idx %arg16[%add3A_958, %and3A_983] : memref<128x64xf32, #tpu.memory_space<vmem>>[vector<16xi32>, vector<16xi32>], vector<16xf32>,
      %gather3A_985 = tpu.vector_load_idx %arg17[%add3A_958, %and3A_983] : memref<128x64xf32, #tpu.memory_space<vmem>>[vector<16xi32>, vector<16xi32>], vector<16xf32>,
      %gather3A_986 = tpu.vector_load_idx %arg18[%add3A_958, %and3A_983] : memref<128x64xf32, #tpu.memory_space<vmem>>[vector<16xi32>, vector<16xi32>], vector<16xf32>,
      %mul3A_987 = arith.mulf %get3A_960, %gather3A : vector<16xf32>
      %mul3A_988 = arith.mulf %get3A_962, %gather3A_984 : vector<16xf32>
      %add3A_989 = arith.addf %mul3A_987, %mul3A_988 : vector<16xf32>
      %mul3A_990 = arith.mulf %get3A_964, %gather3A_985 : vector<16xf32>
      %mul3A_991 = arith.mulf %get3A_966, %gather3A_986 : vector<16xf32>
      %add3A_992 = arith.addf %mul3A_990, %mul3A_991 : vector<16xf32>
      %mul3A_993 = arith.mulf %add3A_989, %add3A_992 : vector<16xf32>
      %add3A_994 = arith.addf %scan3A_978, %mul3A_993 : vector<16xf32>
      scf.yield %add3A_994 : vector<16xf32>
    }
    %scan3A_974 = arith.constant 64 : i32
    %swap3A_975 = arith.constant 112 : index
    %swap3A_976 = tpu.vector_load %arg19[%swap3A_975] {strides = array<i32>} : memref<128xf32, #tpu.memory_space<vmem>>, vector<16xf32>,
    tpu.vector_store %arg19[%swap3A_975], %scan3A_973 {strides = array<i32>} : memref<128xf32, #tpu.memory_space<vmem>>, vector<16xf32>,
    "tpu.region"() ({
      %run_scoped3A = tpu.sem_alloc : memref<!tpu.dma_semaphore, #tpu.memory_space<semaphore_mem>>
      %dma_start3A = tpu.memref_slice %arg6[%mul3A_2] : memref<4096xf32, #tpu.memory_space<hbm>> -> memref<128xf32, #tpu.memory_space<hbm>>
      %dma_start3A_977 = tpu.memref_slice %arg6[%mul3A_2] : memref<4096xf32, #tpu.memory_space<hbm>> -> memref<128xf32, #tpu.memory_space<hbm>>
      tpu.enqueue_dma source(%arg19 : memref<128xf32, #tpu.memory_space<vmem>>) target(%dma_start3A_977 : memref<128xf32, #tpu.memory_space<hbm>>) target_semaphore(%run_scoped3A : memref<!tpu.dma_semaphore, #tpu.memory_space<semaphore_mem>>)
      %dma_wait3A_978 = tpu.memref_slice %arg6[%mul3A_2] : memref<4096xf32, #tpu.memory_space<hbm>> -> memref<128xf32, #tpu.memory_space<hbm>>
      %dma_wait3A_979 = tpu.memref_slice %arg6[%mul3A_2] : memref<4096xf32, #tpu.memory_space<hbm>> -> memref<128xf32, #tpu.memory_space<hbm>>
      tpu.wait_dma2 semaphore(%run_scoped3A : memref<!tpu.dma_semaphore, #tpu.memory_space<semaphore_mem>>) src(%arg19 : memref<128xf32, #tpu.memory_space<vmem>>) dst(%dma_wait3A_979 : memref<128xf32, #tpu.memory_space<hbm>>)
      tpu.yield
    }) : () -> ()
    return
  }
}

</mosaic_0001>

<sc_bundles>
// kernel: _run.3.cloned.1.call-start
scs
__scs_entry_jumppad:
0x0: {  	(pc) =	sbr.rel $0x88, $3  }
0x1: {  	(tag) =	ssettag $0x0;
	lr =	simm.s32 $0x1  }
0x2: {  	[smem:$0x3F9D] =	sst lr;
	_ =	strace $0xD0000000  }
0x3: {  	_ = 	snop  }
0x4: {  	_ = 	snop  }
0x5: {  	_ = 	snop  }
0x6: {  	_ = 	snop  }
0x7: {  	_ = 	snop  }
__scs_overlays_trampoline_lowered:
0x8: {  	[smem:$0x3FAC] =	sst s0  }
0x9: {  	[smem:$0x3FAD] =	sst s1  }
0xa: {  	[smem:$0x3FAE] =	sst s2  }
0xb: {  	[smem:$0x3FAF] =	sst s3  }
0xc: {  	[smem:$0x3FB0] =	sst s4  }
0xd: {  	[smem:$0x3FB1] =	sst s5  }
0xe: {  	[smem:$0x3FB2] =	sst s6  }
0xf: {  	[smem:$0x3FB3] =	sst s7  }
0x10: {  	[smem:$0x3FB4] =	sst s8  }
0x11: {  	[smem:$0x3FB5] =	sst s9;
	s0 =	simm.s32 @!p0 $0x0  }
0x12: {  	s1 =	sld [smem:$0x3F9B];
	s0 =	simm.s32 @p0 $0x1  }
0x13: {  	[smem:$0x3FB6] =	sst s0;
	s0 =	simm.s32 @!p1 $0x0  }
0x14: {  	s2 =	sld [smem:$0x3F9A];
	s0 =	simm.s32 @p1 $0x1  }
0x15: {  	[smem:$0x3FB7] =	sst s0;
	s0 =	simm.s32 @!p2 $0x0  }
0x16: {  	s3 =	sld [smem:$0x3FDB];
	s0 =	simm.s32 @p2 $0x1  }
0x17: {  	s4 =	simm.s32 $0x1BF5;
	[smem:$0x3FB9] =	sst s0  }
0x18: {  	s0 =	sld [smem:$0x3F9C];
	_ =	swait.ge [sflag:s4], $0x0  }
0x19: {  	s7 =	sld [smem:$0x3F9D]  }
0x1a: {  	s8 =	sadd.s32 $0xFFFFE003, lr  }
0x1b: {  	s9 =	sadd.s32 $0xFFFFFEF7, lr;
	s5 =	simm.s32 $0xFFFFFFFF;
	p2 =	slt.u32 s8, $0xFFFFF086  }
0x1c: {  	p1 =	slt.u32 s9, $0xF7A;
	s5 =	simm.s32 @!p2 $0x0  }
0x1d: {  	s5 =	simm.s32 @p1 $0x1;
	p0 =	seq.s32 s7, s2  }
0x1e: {  	s7 =	smul.u32 @!p0 $0xF7A, s2;
	p2 =	seq.s32 @!p0 s5, $0x0  }
0x1f: {  	s9 =	smul.u32 $0xF7A, s1;
	s8 =	simm.s32 @!p0 $0x1BF5;
	p2 =	por !p2, p0  }
0x20: {  	[sflag:s8] =	ssyncset.s32 @!p0 $0xFFFFF086;
	s6 =	sadd.s32 @!p0 s3, s7;
	s7 =	simm.s32 @!p0 $0x108  }
0x21: {  	s3 =	sadd.s32 s3, s9;
	s6 =	sadd.s32 @!p0 $0x88, s6;
	s7 =	simm.s32 @p2 $0x1082  }
0x22: {  	[simem:s7], [sflag:s8] =	dma.local @!p0 [hbm:s6], $0xF7A  }
0x23: {  	s9 =	sor.u32 $0xD0000000, s2;
	s6 =	simm.s32 $0x108;
	_ =	swait.ge @!p0 [sflag:s8], $0x0  }
0x24: {  	s3 =	sadd.s32 $0x88, s3;
	s6 =	simm.s32 @!p1 $0x1082;
	[sflag:s4] =	ssyncset.s32 $0xFFFFF086  }
0x25: {  	[simem:s6], [sflag:s4] =	dma.local [hbm:s3], $0xF7A  }
0x26: {  	[smem:$0x3F9D] =	sst s1;
	(tag) =	ssettag s2;
	_ =	strace s9  }
0x27: {  	s1 =	sld [smem:$0x3FAD]  }
0x28: {  	s2 =	sld [smem:$0x3FAE]  }
0x29: {  	s4 =	sld [smem:$0x3FB0]  }
0x2a: {  	p0 =	seq.s32 s5, $0x0;
	s5 =	sld [smem:$0x3FB1]  }
0x2b: {  	s6 =	sld [smem:$0x3FB2]  }
0x2c: {  	s7 =	sld [smem:$0x3FB3]  }
0x2d: {  	s3 =	simm.s32 $0x108;
	s8 =	sld [smem:$0x3FB4]  }
0x2e: {  	s3 =	simm.s32 @!p0 $0x1082;
	s9 =	sld [smem:$0x3FB5]  }
0x2f: {  	lr =	sadd.s32 s0, s3;
	s0 =	sld [smem:$0x3FAC]  }
0x30: {  	s3 =	sld [smem:$0x3FAF]  }
0x31: {  	[smem:$0x3FB8] =	sst s10  }
0x32: {  	s10 =	sld [smem:$0x3FB6];
	_ =	sdelay $0x3  }
0x33: {  	p0 =	seq.s32 s10, $0x1;
	s10 =	sld [smem:$0x3FB8];
	_ =	sdelay $0x3  }
0x34: {  	[smem:$0x3FB8] =	sst s10  }
0x35: {  	s10 =	sld [smem:$0x3FB7];
	_ =	sdelay $0x3  }
0x36: {  	p1 =	seq.s32 s10, $0x1;
	s10 =	sld [smem:$0x3FB8];
	_ =	sdelay $0x3  }
0x37: {  	[smem:$0x3FB8] =	sst s10  }
0x38: {  	s10 =	sld [smem:$0x3FB9]  }
0x39: {  	_ = 	snop;
	(pc) =	sbr.ind lr, $3  }
0x3a: {  	_ = 	snop  }
0x3b: {  	_ = 	snop  }
0x3c: {  	p2 =	seq.s32 s10, $0x1;
	s10 =	sld [smem:$0x3FB8]  }
0x3d: {  	_ =	shalt  }
0x3e: {  	_ =	shalt  }
0x3f: {  	_ =	shalt  }
0x40: {  	_ =	shalt  }
0x41: {  	_ =	shalt  }
0x42: {  	_ =	shalt  }
0x43: {  	_ =	shalt  }
0x44: {  	_ =	shalt  }
0x45: {  	_ =	shalt  }
0x46: {  	_ =	shalt  }
0x47: {  	_ =	shalt  }
0x48: {  	_ =	shalt  }
0x49: {  	_ =	shalt  }
0x4a: {  	_ =	shalt  }
0x4b: {  	_ =	shalt  }
0x4c: {  	_ =	shalt  }
0x4d: {  	_ =	shalt  }
0x4e: {  	_ =	shalt  }
0x4f: {  	_ =	shalt  }
0x50: {  	_ =	shalt  }
0x51: {  	_ =	shalt  }
0x52: {  	_ =	shalt  }
0x53: {  	_ =	shalt  }
0x54: {  	_ =	shalt  }
0x55: {  	_ =	shalt  }
0x56: {  	_ =	shalt  }
0x57: {  	_ =	shalt  }
0x58: {  	_ =	shalt  }
0x59: {  	_ =	shalt  }
0x5a: {  	_ =	shalt  }
0x5b: {  	_ =	shalt  }
0x5c: {  	_ =	shalt  }
0x5d: {  	_ =	shalt  }
0x5e: {  	_ =	shalt  }
0x5f: {  	_ =	shalt  }
0x60: {  	_ =	shalt  }
0x61: {  	_ =	shalt  }
0x62: {  	_ =	shalt  }
0x63: {  	_ =	shalt  }
0x64: {  	_ =	shalt  }
0x65: {  	_ =	shalt  }
0x66: {  	_ =	shalt  }
0x67: {  	_ =	shalt  }
0x68: {  	_ =	shalt  }
0x69: {  	_ =	shalt  }
0x6a: {  	_ =	shalt  }
0x6b: {  	_ =	shalt  }
0x6c: {  	_ =	shalt  }
0x6d: {  	_ =	shalt  }
0x6e: {  	_ =	shalt  }
0x6f: {  	_ =	shalt  }
0x70: {  	_ =	shalt  }
0x71: {  	_ =	shalt  }
0x72: {  	_ =	shalt  }
0x73: {  	_ =	shalt  }
0x74: {  	_ =	shalt  }
0x75: {  	_ =	shalt  }
0x76: {  	_ =	shalt  }
0x77: {  	_ =	shalt  }
0x78: {  	_ =	shalt  }
0x79: {  	_ =	shalt  }
0x7a: {  	_ =	shalt  }
0x7b: {  	_ =	shalt  }
0x7c: {  	_ =	shalt  }
0x7d: {  	_ =	shalt  }
0x7e: {  	_ =	shalt  }
0x7f: {  	_ =	shalt  }
0x80: {  	_ =	shalt  }
0x81: {  	_ =	shalt  }
0x82: {  	_ =	shalt  }
0x83: {  	_ =	shalt  }
0x84: {  	_ =	shalt  }
0x85: {  	_ =	shalt  }
0x86: {  	_ =	shalt  }
0x87: {  	_ =	shalt  }
.Lfunc_end0:
.L_simem_size_0:
called_computation_lowered:
.L_overlay_start_0:
0x88: {  	s2 =	sld [smem:$0x3FD9]  }
0x89: {  	s3 =	sld [smem:$0x3FFE];
	_ =	sdelay $0x1  }
0x8a: {  	s1 =	srdreg.scid  }
0x8b: {  	s0 =	sand.u32 $0x1, s1  }
0x8c: {  	s17 =	sshll.u32 s0, $0xA;
	s2 =	sadd.s32 s3, s2  }
0x8d: {  	s2 =	sadd.s32 s2, s17  }
0x8e: {  	[smem:$0x3FC4] =	sst s2  }
0x8f: {  	_ = 	snop  }
0x90: {  	s2 =	sld [smem:$0x3FC7]  }
0x91: {  	s18 =	sld [smem:$0x3FC6]  }
0x92: {  	s4 =	sld [smem:$0x3FD0];
	(tm) =	ssettm $0x1  }
0x93: {  	s5 =	sld [smem:$0x3FFB];
	_ =	sdelay $0x3  }
0x94: {  	_ =	strace s5  }
0x95: {  	s5 =	sld [smem:$0x3FFC];
	_ =	sdelay $0x3  }
0x96: {  	_ =	strace s5  }
0x97: {  	s5 =	sld [smem:$0x3FFD];
	_ =	sdelay $0x3  }
0x98: {  	_ =	strace s5  }
0x99: {  	_ =	strace $0x8FFFFFFF  }
0x9a: {  	s19 =	sld [smem:$0x3FDB];
	_ =	sdelay $0x1  }
0x9b: {  	s6 =	simm.s32 $_scs_section_size  }
0x9c: {  	s7 =	simm.s32 $_size__tile_overlayer_lowered;
	s8 =	simm.s32 $_tile_overlayer_lowered  }
0x9d: {  	s22 =	simm.s32 $0x1BFF;
	s21 =	sshll.u32 s8, $0x1;
	s5 =	sadd.s32 s6, s19  }
0x9e: {  	s9 =	simm.s32 $0x0;
	s20 =	sshll.u32 s7, $0x1;
	s7 =	sadd.s32 s21, s5  }
0x9f: {  	[timem:s9], [sflag:s22] =	dma.local [hbm:s7], s20  }
0xa0: {  	_ =	swait.ge [sflag:s22], s20  }
0xa1: {  	s6 =	ssub.s32 $0x0, s20;
	[sflag:s22] =	ssyncset.done $0x0  }
0xa2: {  	[sflag:s22] =	ssyncadd.s32 s6;
	_ =	sdelay $0x1  }
0xa3: {  	s23 =	simm.s32 $0x1B8B  }
0xa4: {  	_ =	swait.ge [sflag:s23], $0x1  }
0xa5: {  	[sflag:s23] =	ssyncset.done $0x0  }
0xa6: {  	s25 =	simm.s32 $0x1B8E;
	s24 =	sld [smem:$0x3FFE];
	[sflag:s23] =	ssyncadd.s32 $0xFFFFFFFF  }
0xa7: {  	s26 =	simm.s32 $execute0_lowered;
	[smem:$0x3FD2] =	sst s25  }
0xa8: {  	s7 =	sshll.u32 s26, $0x1;
	_ =	strace $0x80000046;
	[dreg:$0x1] =	wrdreg $0xFFFFFFFF  }
0xa9: {  	s28 =	simm.s32 $_size_execute0_lowered;
	s5 =	sadd.s32 s5, s7;
	[dreg:$0x0] =	wrdreg $0x0  }
0xaa: {  	s7 =	sshll.u32 s28, $0x1;
	[dreg:$0x2] =	wrdreg s5  }
0xab: {  	[dreg:$0x3] =	wrdreg s7  }
0xac: {  	[dreg:$0x4] =	wrdreg $0xC0  }
0xad: {  	_ =	task [dreg:s9], $0x5FFFF  }
0xae: {  	[dreg:$0x1] =	wrdreg $0xFFFFFFFF  }
0xaf: {  	[dreg:$0x0] =	wrdreg $0x60  }
0xb0: {  	[dreg:$0x2] =	wrdreg s24  }
0xb1: {  	[dreg:$0x3] =	wrdreg s2  }
0xb2: {  	[dreg:$0x4] =	wrdreg s18  }
0xb3: {  	[dreg:$0x5] =	wrdreg s4  }
0xb4: {  	[dreg:$0x6] =	wrdreg $0x9  }
0xb5: {  	_ =	task.clear_ibuf [dreg:s9], $0x7FFFF;
	_ =	strace $0x90000046  }
0xb6: {  	s29 =	simm.s32 $0x9;
	_ =	strace $0x80000048  }
0xb7: {  	_ =	swait.ge [sflag:s29], $0x1  }
0xb8: {  	[sflag:s29] =	ssyncadd.s32 $0xFFFFFFFF  }
0xb9: {  	_ =	strace $0x90000048  }
0xba: {  	_ =	sfence  }
0xbb: {  	s30 =	sld [smem:$0x0];
	_ =	sdelay $0x2  }
0xbc: {  	s31 =	sshll.u32 s1, $0xD;
	s1 =	sshrl.u32 s1, $0x2  }
0xbd: {  	s3 =	sand.u32 $0x4000, s31;
	s1 =	sadd.s32 s1, s30  }
0xbe: {  	s0 =	sor.u32 s3, s0;
	s1 =	sshll.u32 s1, $0x11  }
0xbf: {  	s0 =	sor.u32 s1, s0  }
0xc0: {  	s0 =	sadd.s32 $0x8F2B, s0  }
0xc1: {  	[sflag:s0] =	ssyncadd.remote.s32 $0x1  }
0xc2: {  	_ =	sfence.sel $0xFFFF  }
0xc3: {  	[dreg:$0x0] =	wrdreg $0xFFFFFFFF;
	(pc) =	sbr.abs _section_cstart, $3  }
0xc4: {  	[dreg:$0x1] =	wrdreg $0xFFFFFFFF  }
0xc5: {  	_ =	task.clear_ibuf [dreg:s9], $0x2FFFF;
	_ =	strace $0x9FFFFFFF  }
0xc6: {  	(tm) =	ssettm $0x7FFFFFFF  }
0xc7: {  	_ =	shalt  }
tec
execute0_lowered:
.L_overlay_start_1:
0x0: {  	(tag) =	ssettag $0x1  }
0x1: {  	s0 =	rddreg [dreg:$0x0]  }
0x2: {  	s2 =	rddreg [dreg:$0x1]  }
0x3: {  	s5 =	rddreg [dreg:$0x2]  }
0x4: {  	s6 =	rddreg [dreg:$0x3];
	s1 =	simm.s32 $0x0  }
0x5: {  	s3 =	srdreg.scid;
	s4 =	stileid.u32;
	s12 =	simm.s32 $0x600  }
0x6: {  	s13 =	simm.s32 $0x4600;
	s14 =	simm.s32 $0x8600;
	s3 =	sand.u32 $0x1, s3  }
0x7: {  	[smem:$0x7FF] =	sst s1;
	s4 =	sshll.u32 s4, $0x5;
	s8 =	sshll.u32 s3, $0x4  }
0x8: {  	v0 =	vimm.s32 $0xECA86420;
	s15 =	simm.s32 $0xC600;
	_ =	strace $0x80000047;
	s8 =	sor.u32 s8, s4  }
0x9: {  	v1 =	vlaneseq.u32;
	vm3 =	vmmov $0xff;
	v0 =	vunpack.c.l.s4.s8 v0;
	s7 =	ssub.s32 $0x2, s3;
	s3 =	sadd.s32 $0x2000, s0;
	s2 =	sadd.s32 s2, s8  }
0xa: {  	vm2 =	vcmask $0x1310;
	v57 =	vimm.f32 $2.500000000e-01;
	v3 =	vmul.u32 $0x80, v1;
	s9 =	sshrl.u32 s7, $0x1;
	s30 =	sadd.s32 s5, s8;
	[dreg:$0x5] =	wrdreg s2  }
0xb: {  	v55 =	vimm.f32 $0.0e+00;
	v51 =	vunpack.c.0.s8.s32 v0;
	v0 =	vimm.s32 $0x0;
	s29 =	ssub.s32 s7, s9;
	s31 =	sadd.s32 s6, s8;
	[dreg:$0x6] =	wrdreg s30  }
0xc: {  	v2 =	vmul.u32 $0x2, v1;
	s4 =	sadd.s32 $0x188A00, s0;
	v6 =	vor.u32 $0x800, v3;
	v0 =	vsel vm3, $0xFFFFFFFF, v0;
	[dreg:$0x7] =	wrdreg s31;
	s0 =	smax.u32 s29, $0x1  }
0xd: {  	v7 =	vor.u32 $0x1000, v3;
	v8 =	vor.u32 $0x1800, v3;
	v9 =	vor.u32 $0x2000, v3;
	s5 =	simm.s32 $0x0;
	[tilespmem:$0x1FFF0] =	vst v0;
	s2 =	simm.s32 $0x2;
	[dreg:$0x8] =	wrdreg s0  }
.LBB2_1:
0xe: {  	[dreg:$0x9] =	wrdreg s5  }
0xf: {  	s0 =	rddreg [dreg:$0x5]  }
0x10: {  	[tilespmem:s1], [sflag:$0x2] =	stream.linear.gather [hbm4b:s0+s1], $0x80, $0x38;
	[tilespmem:$0x10680] =	vst v63  }
0x11: {  	_ =	swait.ge [sflag:s2], $0x80  }
0x12: {  	[sflag:s2] =	ssyncset.done $0x0  }
0x13: {  	s24 =	simm.s32 $0x100;
	s23 =	rddreg [dreg:$0x6];
	[sflag:s2] =	ssyncadd.s32 $0xFFFFFF80  }
0x14: {  	[tilespmem:s24], [sflag:$0x2] =	stream.linear.gather [hbm4b:s23+s1], $0x80, $0x38;
	[tilespmem:$0x10680] =	vst v63  }
0x15: {  	_ =	swait.ge [sflag:s2], $0x80  }
0x16: {  	[sflag:s2] =	ssyncset.done $0x0  }
0x17: {  	[sflag:s2] =	ssyncadd.s32 $0xFFFFFF80  }
0x18: {  	v4 =	vld [tilespmem:$0x0];
	_ =	sdelay $0x4  }
0x19: {  	(v2sf) =	vpush v4, $0xD;
	_ =	sdelay $0x1  }
0x1a: {  	(v2sf) =	vpush v4, $0xC;
	_ =	sdelay $0x1  }
0x1b: {  	(v2sf) =	vpush v4, $0xE;
	_ =	sdelay $0x1  }
0x1c: {  	(v2sf) =	vpush v4, $0xF;
	_ =	sdelay $0x1  }
0x1d: {  	(v2sf) =	vpush v4, $0x9;
	_ =	sdelay $0x1  }
0x1e: {  	(v2sf) =	vpush v4, $0x8;
	_ =	sdelay $0x1  }
0x1f: {  	(v2sf) =	vpush v4, $0xA;
	_ =	sdelay $0x1  }
0x20: {  	(v2sf) =	vpush v4, $0xB  }
0x21: {  	s25 =	spop (v2sf)  }
0x22: {  	(v2sf) =	vpush v4, $0x0;
	s7 =	smulhi.u32 $0x57619F1, s25;
	s2 =	sshra.s32 s25, $0x1F  }
0x23: {  	s6 =	spop (v2sf);
	s11 =	smul.u32 $0x57619F1, s2  }
0x24: {  	(v2sf) =	vpush v4, $0x1;
	s9 =	smulhi.u32 $0x57619F1, s6;
	s6 =	sshra.s32 s6, $0x1F  }
0x25: {  	s8 =	spop (v2sf);
	(v2sf) =	vpush v4, $0x2;
	s20 =	smul.u32 $0x57619F1, s6  }
0x26: {  	s17 =	smulhi.u32 $0x57619F1, s8;
	s8 =	sshra.s32 s8, $0x1F  }
0x27: {  	s10 =	spop (v2sf);
	(v2sf) =	vpush v4, $0x3;
	s22 =	smul.u32 $0x57619F1, s8  }
0x28: {  	s8 =	smulhi.u32 $0x57619F1, s10;
	s10 =	sshra.s32 s10, $0x1F  }
0x29: {  	s16 =	spop (v2sf);
	s24 =	smul.u32 $0x57619F1, s10  }
0x2a: {  	(v2sf) =	vpush v4, $0x4;
	s10 =	smulhi.u32 $0x57619F1, s16;
	s16 =	sshra.s32 s16, $0x1F  }
0x2b: {  	s18 =	spop (v2sf);
	s25 =	smul.u32 $0x57619F1, s16  }
0x2c: {  	(v2sf) =	vpush v4, $0x5;
	s16 =	smulhi.u32 $0x57619F1, s18;
	s18 =	sshra.s32 s18, $0x1F  }
0x2d: {  	s26 =	spop (v2sf);
	s31 =	smul.u32 $0x57619F1, s18  }
0x2e: {  	(v2sf) =	vpush v4, $0x6;
	s21 =	smulhi.u32 $0x57619F1, s26;
	s18 =	sshra.s32 s26, $0x1F  }
0x2f: {  	s28 =	spop (v2sf);
	s2 =	smul.u32 $0x57619F1, s18  }
0x30: {  	v5 =	vld [tilespmem:$0x100];
	s29 =	smulhi.u32 $0x57619F1, s28;
	s18 =	sshra.s32 s28, $0x1F  }
0x31: {  	s5 =	smul.u32 $0x57619F1, s18;
	s30 =	spop (v2sf)  }
0x32: {  	(v2sf) =	vpush v4, $0x7;
	[smem:$0x64B] =	sst s29;
	s6 =	smulhi.u32 $0x57619F1, s30;
	s18 =	sshra.s32 s30, $0x1F  }
0x33: {  	s23 =	spop (v2sf);
	s19 =	smul.u32 $0x57619F1, s18  }
0x34: {  	s26 =	smulhi.u32 $0x57619F1, s23;
	s18 =	sshra.s32 s23, $0x1F;
	s28 =	spop (v2sf)  }
0x35: {  	v10 =	vadd.s32 $0xFFFFFFFD, v5;
	[smem:$0x64C] =	sst s6;
	s30 =	smul.u32 $0x57619F1, s18  }
0x36: {  	(v2sf) =	vpush v10, $0xD;
	s29 =	smulhi.u32 $0x57619F1, s28;
	s18 =	sshra.s32 s28, $0x1F;
	s6 =	spop (v2sf)  }
0x37: {  	[smem:$0x64D] =	sst s19;
	s28 =	smul.u32 $0x57619F1, s18  }
0x38: {  	[smem:$0x64E] =	sst s26;
	s19 =	smulhi.u32 $0x57619F1, s6;
	s18 =	sshra.s32 s6, $0x1F  }
0x39: {  	s23 =	spop (v2sf);
	s26 =	smul.u32 $0x57619F1, s18  }
0x3a: {  	(v2sf) =	vpush v10, $0xC;
	[smem:$0x64F] =	sst s29;
	s29 =	smulhi.u32 $0x57619F1, s23;
	s18 =	sshra.s32 s23, $0x1F  }
0x3b: {  	s6 =	spop (v2sf);
	s23 =	smul.u32 $0x57619F1, s18  }
0x3c: {  	[smem:$0x650] =	sst s19;
	s19 =	smulhi.u32 $0x57619F1, s6  }
0x3d: {  	(v2sf) =	vpush v10, $0xE;
	[smem:$0x651] =	sst s29;
	s29 =	spop (v2sf)  }
0x3e: {  	s18 =	sshra.s32 s6, $0x1F;
	s6 =	smulhi.u32 $0x57619F1, s29  }
0x3f: {  	(v2sf) =	vpush v10, $0xF;
	[smem:$0x652] =	sst s19  }
0x40: {  	s19 =	smul.u32 $0x57619F1, s18;
	s18 =	sshra.s32 s29, $0x1F;
	[smem:$0x653] =	sst s6  }
0x41: {  	s7 =	sadd.s32 s11, s7;
	(v2sf) =	vpush v10, $0x9;
	s6 =	smul.u32 $0x57619F1, s18;
	s18 =	spop (v2sf)  }
0x42: {  	[smem:$0x65A] =	sst s7;
	s9 =	sadd.s32 s20, s9;
	(v2sf) =	vpush v10, $0x8;
	s29 =	smulhi.u32 $0x57619F1, s18  }
0x43: {  	[smem:$0x65B] =	sst s9;
	(v2sf) =	vpush v10, $0xA  }
0x44: {  	s17 =	sadd.s32 s22, s17;
	(v2sf) =	vpush v10, $0xB;
	[smem:$0x654] =	sst s29  }
0x45: {  	s22 =	sadd.s32 s24, s8;
	s11 =	spop (v2sf);
	[smem:$0x65C] =	sst s17  }
0x46: {  	s25 =	sadd.s32 s25, s10;
	s0 =	sshra.s32 s18, $0x1F;
	[smem:$0x65D] =	sst s22  }
0x47: {  	s20 =	smul.u32 $0x57619F1, s0;
	[smem:$0x65E] =	sst s25  }
0x48: {  	s31 =	sadd.s32 s31, s16;
	s18 =	smulhi.u32 $0x57619F1, s11;
	s10 =	sld [smem:$0x64B]  }
0x49: {  	s0 =	sshra.s32 s11, $0x1F;
	s24 =	spop (v2sf);
	s16 =	sld [smem:$0x64C]  }
0x4a: {  	s17 =	sld [smem:$0x64D];
	s0 =	smul.u32 $0x57619F1, s0  }
0x4b: {  	s7 =	sld [smem:$0x650];
	s29 =	smulhi.u32 $0x57619F1, s24  }
0x4c: {  	s8 =	spop (v2sf);
	[smem:$0x655] =	sst s18  }
0x4d: {  	s9 =	smulhi.u32 $0x57619F1, s8;
	s18 =	sld [smem:$0x64E]  }
0x4e: {  	s11 =	spop (v2sf);
	[smem:$0x656] =	sst s0  }
0x4f: {  	[smem:$0x657] =	sst s29;
	s0 =	sshra.s32 s24, $0x1F;
	s22 =	smulhi.u32 $0x57619F1, s11  }
0x50: {  	s25 =	sadd.s32 s5, s10;
	s29 =	spop (v2sf);
	s5 =	sld [smem:$0x64F]  }
0x51: {  	s24 =	sadd.s32 s2, s21;
	s0 =	smul.u32 $0x57619F1, s0;
	[smem:$0x659] =	sst s9  }
0x52: {  	s9 =	spop (v2sf);
	s30 =	sadd.s32 s30, s18;
	s18 =	sld [smem:$0x651]  }
0x53: {  	s10 =	smulhi.u32 $0x57619F1, s9;
	[smem:$0x658] =	sst s0;
	s0 =	sshra.s32 s8, $0x1F  }
0x54: {  	s8 =	sadd.s32 s17, s16;
	s28 =	sadd.s32 s28, s5;
	s16 =	smulhi.u32 $0x57619F1, s29  }
0x55: {  	s5 =	spop (v2sf);
	s21 =	smul.u32 $0x57619F1, s0;
	s0 =	sshra.s32 s11, $0x1F  }
0x56: {  	s17 =	smul.u32 $0x57619F1, s0;
	s0 =	sshra.s32 s29, $0x1F;
	s29 =	sld [smem:$0x652]  }
0x57: {  	(v2sf) =	vpush v10, $0x0;
	s26 =	sadd.s32 s26, s7;
	s7 =	smulhi.u32 $0x57619F1, s5  }
0x58: {  	s23 =	sadd.s32 s23, s18;
	s18 =	sld [smem:$0x653];
	s11 =	smul.u32 $0x57619F1, s0  }
0x59: {  	s0 =	sshra.s32 s9, $0x1F;
	s19 =	sadd.s32 s19, s29;
	s29 =	sld [smem:$0x654]  }
0x5a: {  	s9 =	smul.u32 $0x57619F1, s0;
	s0 =	sshra.s32 s5, $0x1F;
	s5 =	sld [smem:$0x655]  }
0x5b: {  	s17 =	sadd.s32 s17, s22;
	s22 =	sld [smem:$0x65D]  }
0x5c: {  	s20 =	sadd.s32 s20, s29;
	s29 =	sld [smem:$0x656]  }
0x5d: {  	[smem:$0x668] =	sst s17;
	s11 =	sadd.s32 s11, s16  }
0x5e: {  	s18 =	sadd.s32 s6, s18;
	[smem:$0x669] =	sst s11  }
0x5f: {  	s6 =	smul.u32 $0x57619F1, s0;
	s2 =	sadd.s32 s29, s5;
	s29 =	sld [smem:$0x658]  }
0x60: {  	[smem:$0x65F] =	sst s2  }
0x61: {  	s6 =	sadd.s32 s6, s7;
	s2 =	sld [smem:$0x657]  }
0x62: {  	[smem:$0x66A] =	sst s6  }
0x63: {  	s6 =	sld [smem:$0x65B]  }
0x64: {  	s0 =	spop (v2sf);
	s2 =	sadd.s32 s29, s2;
	s29 =	sld [smem:$0x659]  }
0x65: {  	s5 =	smulhi.u32 $0x57619F1, s0;
	s0 =	sshra.s32 s0, $0x1F;
	[smem:$0x660] =	sst s2  }
0x66: {  	s9 =	sadd.s32 s9, s10;
	s2 =	smul.u32 $0x57619F1, s0;
	s0 =	spop (v2sf)  }
0x67: {  	[smem:$0x663] =	sst s9;
	s21 =	sadd.s32 s21, s29;
	s29 =	smulhi.u32 $0x57619F1, s0  }
0x68: {  	s0 =	sshra.s32 s0, $0x1F;
	s2 =	sadd.s32 s2, s5;
	s5 =	sld [smem:$0x65A]  }
0x69: {  	s7 =	sld [smem:$0x65C];
	s16 =	sshrl.u32 s6, $0x1F;
	s0 =	smul.u32 $0x57619F1, s0  }
0x6a: {  	s10 =	sshra.s32 s6, $0x5;
	s6 =	sshrl.u32 s25, $0x1F;
	[smem:$0x667] =	sst s2  }
0x6b: {  	vm9 =	vcmask $0x300;
	s9 =	sadd.s32 s0, s29;
	s0 =	sshra.s32 s5, $0x5;
	s29 =	sld [smem:$0x65E]  }
0x6c: {  	vm1 =	vcmask $0xB08;
	vm10 =	vcmask $0x704;
	vm0 =	vcmask $0x1B18;
	s25 =	sshra.s32 s25, $0x5;
	[smem:$0x662] =	sst s0;
	s0 =	sshra.s32 s7, $0x5  }
0x6d: {  	vm14 =	vcmask $0xF0C;
	vm15 =	vcmask $0x1714;
	v12 =	vmov s16;
	s16 =	sshra.s32 s30, $0x5;
	[smem:$0x664] =	sst s0;
	s0 =	sshra.s32 s22, $0x5  }
0x6e: {  	vm11 =	vcmask $0x2320;
	vm12 =	vcmask $0x2B28;
	(v2sf) =	vpush v10, $0x1;
	[smem:$0x666] =	sst s0;
	s2 =	sshrl.u32 s29, $0x1F;
	s0 =	sshra.s32 s29, $0x5  }
0x6f: {  	vm13 =	vcmask $0x3330;
	v15 =	vmov s10;
	(v2sf) =	vpush v10, $0x2;
	s29 =	sshrl.u32 s8, $0x1F;
	[smem:$0x665] =	sst s0;
	s0 =	sshra.s32 s20, $0x1F  }
0x70: {  	s10 =	sshrl.u32 s17, $0x1F;
	s17 =	sld [smem:$0x66A];
	(v2sf) =	vpush v10, $0x3;
	v13 =	vmov s29;
	v11 =	vmov s0;
	s0 =	sshra.s32 s8, $0x5  }
0x71: {  	(v2sf) =	vpush v10, $0x4;
	s11 =	sshrl.u32 s5, $0x1F;
	s8 =	sshra.s32 s8, $0x1F;
	v13 =	vnsel vm9, $0x0, v13;
	v11 =	vsel vm9, s0, v11;
	s0 =	sshrl.u32 s30, $0x1F  }
0x72: {  	[smem:$0x661] =	sst s21;
	s21 =	sshrl.u32 s7, $0x1F;
	v12 =	vsel vm1, s11, v12;
	s11 =	sshrl.u32 s28, $0x1F;
	v11 =	vsel vm10, s8, v11;
	v13 =	vsel vm1, s0, v13  }
0x73: {  	(v2sf) =	vpush v10, $0x5;
	s7 =	sshrl.u32 s22, $0x1F;
	s30 =	sshra.s32 s30, $0x1F;
	v11 =	vsel vm1, s16, v11;
	s16 =	sshrl.u32 s26, $0x1F;
	v13 =	vsel vm2, s11, v13  }
0x74: {  	(v2sf) =	vpush v10, $0x6;
	s22 =	sshrl.u32 s31, $0x1F;
	s29 =	sshra.s32 s28, $0x5;
	s0 =	sshrl.u32 s23, $0x1F;
	v11 =	vsel vm14, s30, v11;
	v13 =	vsel vm0, s16, v13  }
0x75: {  	s31 =	sshra.s32 s31, $0x5;
	v14 =	vmov s22;
	s22 =	sld [smem:$0x662];
	v11 =	vsel vm2, s29, v11;
	s29 =	sshrl.u32 s19, $0x1F;
	v13 =	vsel vm11, s0, v13  }
0x76: {  	s5 =	sshrl.u32 s24, $0x1F;
	(v2sf) =	vpush v10, $0x7;
	v16 =	vmov s31;
	s31 =	sld [smem:$0x663];
	s30 =	sshrl.u32 s18, $0x1F;
	v13 =	vsel vm12, s29, v13  }
0x77: {  	s24 =	sshra.s32 s24, $0x5;
	v12 =	vsel vm2, s21, v12;
	s28 =	sshra.s32 s28, $0x1F;
	v14 =	vsel vm1, s2, v14;
	v13 =	vsel vm13, s30, v13;
	s30 =	sld [smem:$0x664]  }
0x78: {  	s21 =	sshra.s32 s26, $0x5;
	v12 =	vsel vm0, s7, v12;
	s7 =	sshra.s32 s23, $0x5;
	v14 =	vsel vm2, s5, v14;
	s5 =	sshra.s32 s20, $0x5;
	v11 =	vsel vm15, s28, v11  }
0x79: {  	vm8 =	vcmask $0x1F1C;
	v15 =	vsel vm1, s22, v15;
	s22 =	sshrl.u32 s31, $0x1F;
	s26 =	sshra.s32 s26, $0x1F;
	s29 =	sld [smem:$0x65F];
	v11 =	vsel vm0, s21, v11  }
0x7a: {  	s23 =	sshra.s32 s23, $0x1F;
	v59 =	vmov s22;
	s22 =	sshra.s32 s9, $0x5;
	v11 =	vsel vm8, s26, v11;
	v15 =	vsel vm2, s30, v15;
	s30 =	sld [smem:$0x665]  }
0x7b: {  	vm7 =	vcmask $0x2724;
	s11 =	sshra.s32 s19, $0x5;
	s16 =	sshra.s32 s18, $0x5;
	s28 =	sld [smem:$0x661];
	v11 =	vsel vm11, s7, v11  }
0x7c: {  	v0 =	vld [tilespmem:$0x1FFF0];
	v14 =	vsel vm0, s6, v14;
	s18 =	sshra.s32 s18, $0x1F;
	s19 =	sshra.s32 s19, $0x1F;
	v11 =	vsel vm7, s23, v11;
	s23 =	sld [smem:$0x669]  }
0x7d: {  	vm6 =	vcmask $0x2F2C;
	v12 =	vcombine.low v14, v12;
	s0 =	sshrl.u32 s20, $0x1F;
	s21 =	spop (v2sf);
	v16 =	vsel vm1, s30, v16;
	s30 =	sld [smem:$0x666]  }
0x7e: {  	vm4 =	vcmask $0x3B38;
	vm5 =	vcmask $0x3734;
	s6 =	smulhi.u32 $0x57619F1, s21;
	s8 =	sshra.s32 s21, $0x1F;
	s26 =	sld [smem:$0x660]  }
0x7f: {  	v12 =	vperm.xlane v12, v51;
	v13 =	vsel vm4, s0, v13;
	s20 =	sshrl.u32 s29, $0x1F;
	s7 =	sshrl.u32 s28, $0x1F;
	s8 =	smul.u32 $0x57619F1, s8;
	v16 =	vsel vm2, s24, v16  }
0x80: {  	v13 =	vperm.xlane v13, v2;
	s28 =	sshra.s32 s28, $0x5;
	s21 =	sshrl.u32 s23, $0x1F;
	s23 =	spop (v2sf);
	v16 =	vsel vm0, s25, v16;
	v15 =	vsel vm0, s30, v15  }
0x81: {  	vm3 =	vnez.u8 v0;
	s2 =	sshrl.u32 s26, $0x1F;
	v11 =	vsel vm12, s11, v11;
	s11 =	sshrl.u32 s17, $0x1F;
	s17 =	spop (v2sf);
	v54 =	vcombine.low v16, v15;
	v16 =	vld [tilespmem:$0x10]  }
0x82: {  	v12 =	vsel vm3, v13, v12;
	v11 =	vsel vm6, s19, v11;
	s19 =	smulhi.u32 $0x57619F1, s23;
	s23 =	sshra.s32 s23, $0x1F;
	v13 =	vsel vm1, s21, v59;
	s24 =	spop (v2sf)  }
0x83: {  	v56 =	vmov s2;
	s2 =	sshrl.u32 s9, $0x1F;
	v11 =	vsel vm13, s16, v11;
	s16 =	smul.u32 $0x57619F1, s23;
	v13 =	vsel vm2, s11, v13;
	s11 =	sld [smem:$0x669]  }
0x84: {  	v11 =	vsel vm5, s18, v11;
	s0 =	smulhi.u32 $0x57619F1, s17;
	s17 =	sshra.s32 s17, $0x1F;
	s30 =	sld [smem:$0x667]  }
0x85: {  	v11 =	vsel vm4, s5, v11;
	s5 =	sadd.s32 s8, s6;
	s23 =	spop (v2sf);
	s6 =	smul.u32 $0x57619F1, s17  }
0x86: {  	s9 =	sshra.s32 s9, $0x1F;
	v60 =	vmov s2;
	s18 =	spop (v2sf);
	s2 =	smulhi.u32 $0x57619F1, s23;
	(v2sf) =	vpush v16, $0xD  }
0x87: {  	s8 =	spop (v2sf);
	s0 =	sadd.s32 s6, s0;
	s6 =	smulhi.u32 $0x57619F1, s24  }
0x88: {  	v11 =	vperm.xlane v11, v2;
	s17 =	sadd.s32 s16, s19;
	s24 =	sshra.s32 s24, $0x1F;
	s16 =	smulhi.u32 $0x57619F1, s8;
	(v2sf) =	vpush v16, $0xC  }
0x89: {  	s19 =	sshrl.u32 s5, $0x1F;
	v15 =	vsel vm1, s20, v56;
	v14 =	vperm.xlane v54, v51;
	s8 =	sshra.s32 s8, $0x1F;
	s20 =	smul.u32 $0x57619F1, s24;
	(v2sf) =	vpush v16, $0xE  }
0x8a: {  	s23 =	sshra.s32 s23, $0x1F;
	v58 =	vsel vm2, s7, v15;
	s25 =	sshrl.u32 s30, $0x1F;
	s8 =	smul.u32 $0x57619F1, s8;
	(v2sf) =	vpush v16, $0xF  }
0x8b: {  	s7 =	sshrl.u32 s17, $0x1F;
	s21 =	sshrl.u32 s0, $0x1F;
	v13 =	vsel vm0, s25, v13;
	v11 =	vsel vm3, v11, v14;
	s6 =	sadd.s32 s20, s6;
	(v2sf) =	vpush v16, $0x9  }
0x8c: {  	v14 =	vnsel vm9, $0x0, v60;
	s20 =	sshra.s32 s17, $0x5;
	v11 =	vadd.s32 v12, v11;
	s16 =	sadd.s32 s8, s16;
	s8 =	smul.u32 $0x57619F1, s23;
	(v2sf) =	vpush v16, $0x8  }
0x8d: {  	v12 =	vsel vm0, s10, v58;
	v14 =	vsel vm1, s19, v14;
	s23 =	smulhi.u32 $0x57619F1, s18;
	s19 =	sshrl.u32 s6, $0x1F;
	s24 =	sshra.s32 s16, $0x1F;
	(v2sf) =	vpush v16, $0xA  }
0x8e: {  	s10 =	sshra.s32 s6, $0x1F;
	v14 =	vsel vm2, s7, v14;
	v61 =	vmov s24;
	s24 =	sshra.s32 s18, $0x1F;
	s18 =	sshra.s32 s5, $0x5;
	(v2sf) =	vpush v16, $0xB  }
0x8f: {  	v62 =	vsel vm0, s21, v14;
	s2 =	sadd.s32 s8, s2;
	s5 =	sshra.s32 s5, $0x1F;
	v15 =	vsel vm9, s22, v61;
	s25 =	smul.u32 $0x57619F1, s24;
	(v2sf) =	vpush v16, $0x0  }
0x90: {  	v12 =	vcombine.low v13, v12;
	v13 =	vsel vm11, s19, v62;
	s8 =	sshrl.u32 s2, $0x1F;
	s22 =	sshra.s32 s26, $0x5;
	v15 =	vsel vm10, s9, v15;
	s9 =	sshra.s32 s31, $0x5  }
0x91: {  	v13 =	vsel vm12, s8, v13;
	v63 =	vsel vm1, s18, v15;
	s7 =	sadd.s32 s25, s23;
	s25 =	sshra.s32 s29, $0x5;
	s29 =	sld [smem:$0x668]  }
0x92: {  	v20 =	vmov s22;
	s8 =	sshra.s32 s6, $0x5;
	s6 =	sshra.s32 s11, $0x5;
	v17 =	vmov s9;
	s18 =	sld [smem:$0x66A];
	v14 =	vsel vm14, s5, v63  }
0x93: {  	s24 =	sshrl.u32 s16, $0x1F;
	s23 =	sshra.s32 s17, $0x1F;
	s21 =	sshrl.u32 s7, $0x1F;
	v15 =	vsel vm1, s25, v20;
	v17 =	vsel vm1, s6, v17;
	v14 =	vsel vm2, s20, v14  }
0x94: {  	s26 =	sshra.s32 s0, $0x5;
	s0 =	sshra.s32 s0, $0x1F;
	v13 =	vsel vm13, s21, v13;
	v15 =	vsel vm2, s28, v15;
	v14 =	vsel vm15, s23, v14;
	s5 =	sshra.s32 s29, $0x5  }
0x95: {  	s19 =	sshra.s32 s2, $0x1F;
	v13 =	vsel vm4, s24, v13;
	v14 =	vsel vm0, s26, v14;
	v15 =	vsel vm0, s5, v15;
	s5 =	sshra.s32 s18, $0x5;
	s24 =	spop (v2sf)  }
0x96: {  	s20 =	sshra.s32 s30, $0x5;
	v14 =	vsel vm8, s0, v14;
	v17 =	vsel vm2, s5, v17;
	s11 =	smulhi.u32 $0x57619F1, s24;
	s0 =	sshra.s32 s24, $0x1F  }
0x97: {  	s17 =	sshra.s32 s2, $0x5;
	v14 =	vsel vm11, s8, v14;
	v17 =	vsel vm0, s20, v17;
	s25 =	spop (v2sf);
	s20 =	smul.u32 $0x57619F1, s0  }
0x98: {  	v14 =	vsel vm7, s10, v14;
	(v2sf) =	vpush v16, $0x1;
	s26 =	spop (v2sf);
	s18 =	smulhi.u32 $0x57619F1, s25;
	s2 =	sshra.s32 s25, $0x1F  }
0x99: {  	s22 =	sshra.s32 s7, $0x1F;
	v14 =	vsel vm12, s17, v14;
	s28 =	spop (v2sf);
	s24 =	smul.u32 $0x57619F1, s2  }
0x9a: {  	v14 =	vsel vm6, s19, v14;
	(v2sf) =	vpush v16, $0x2;
	s19 =	smulhi.u32 $0x57619F1, s26;
	s5 =	sshra.s32 s26, $0x1F;
	s29 =	spop (v2sf)  }
0x9b: {  	s21 =	sshra.s32 s7, $0x5;
	(v2sf) =	vpush v16, $0x3;
	s25 =	smul.u32 $0x57619F1, s5;
	s30 =	spop (v2sf)  }
0x9c: {  	v14 =	vsel vm13, s21, v14;
	s21 =	smulhi.u32 $0x57619F1, s28;
	s6 =	sshra.s32 s28, $0x1F;
	s31 =	spop (v2sf)  }
0x9d: {  	s23 =	sshra.s32 s16, $0x5;
	s28 =	smul.u32 $0x57619F1, s6;
	s16 =	spop (v2sf)  }
0x9e: {  	v14 =	vsel vm5, s22, v14;
	s22 =	smulhi.u32 $0x57619F1, s29;
	s7 =	sshra.s32 s29, $0x1F;
	s17 =	spop (v2sf);
	(v2sf) =	vpush v16, $0x4  }
0x9f: {  	v11 =	vmul.u32 $0x5DC, v11;
	s29 =	smul.u32 $0x57619F1, s7  }
0xa0: {  	v0 =	vld [tilespmem:$0x110];
	v15 =	vcombine.low v17, v15;
	v14 =	vsel vm4, s23, v14;
	s23 =	smulhi.u32 $0x57619F1, s30;
	s8 =	sshra.s32 s30, $0x1F;
	(v2sf) =	vpush v16, $0x5  }
0xa1: {  	v12 =	vperm.xlane v12, v51;
	v13 =	vperm.xlane v13, v2;
	s2 =	smul.u32 $0x57619F1, s8;
	(v2sf) =	vpush v16, $0x6  }
0xa2: {  	v11 =	vsub.s32 v4, v11;
	v15 =	vperm.xlane v15, v51;
	v14 =	vperm.xlane v14, v2;
	s26 =	smulhi.u32 $0x57619F1, s31  }
0xa3: {  	v22 =	vadd.s32 $0x5DC, v11;
	v12 =	vsel vm3, v13, v12;
	[smem:$0x66B] =	sst s11;
	s11 =	sshra.s32 s31, $0x1F;
	s30 =	smulhi.u32 $0x57619F1, s16  }
0xa4: {  	v21 =	vsel vm3, v14, v15;
	vm3 =	vlt.s32 v11, $0x0;
	[smem:$0x66C] =	sst s2;
	s2 =	smul.u32 $0x57619F1, s11;
	(v2sf) =	vpush v16, $0x7  }
0xa5: {  	v11 =	vsel vm3, v22, v11;
	v22 =	vadd.s32 $0xFFFFFFFD, v0;
	s16 =	sshra.s32 s16, $0x1F;
	s31 =	smulhi.u32 $0x57619F1, s17  }
0xa6: {  	s0 =	sshra.s32 s17, $0x1F;
	[smem:$0x66D] =	sst s2;
	s2 =	smul.u32 $0x57619F1, s16;
	(v2sf) =	vpush v22, $0xD  }
0xa7: {  	s11 =	smul.u32 $0x57619F1, s0;
	s17 =	spop (v2sf)  }
0xa8: {  	[smem:$0x66E] =	sst s2;
	s5 =	smulhi.u32 $0x57619F1, s17;
	s0 =	sshra.s32 s17, $0x1F  }
0xa9: {  	s6 =	spop (v2sf);
	s2 =	smul.u32 $0x57619F1, s0  }
0xaa: {  	(v2sf) =	vpush v22, $0xC;
	s7 =	smulhi.u32 $0x57619F1, s6;
	s0 =	sshra.s32 s6, $0x1F;
	s8 =	spop (v2sf)  }
0xab: {  	[smem:$0x66F] =	sst s5;
	s6 =	smul.u32 $0x57619F1, s0  }
0xac: {  	s9 =	smulhi.u32 $0x57619F1, s8;
	s0 =	sshra.s32 s8, $0x1F;
	[smem:$0x670] =	sst s7  }
0xad: {  	s5 =	smul.u32 $0x57619F1, s0;
	s10 =	spop (v2sf)  }
0xae: {  	(v2sf) =	vpush v22, $0xE;
	[smem:$0x671] =	sst s9;
	s16 =	smulhi.u32 $0x57619F1, s10;
	s0 =	sshra.s32 s10, $0x1F  }
0xaf: {  	s17 =	spop (v2sf);
	s8 =	smul.u32 $0x57619F1, s0  }
0xb0: {  	s9 =	smulhi.u32 $0x57619F1, s17;
	s10 =	spop (v2sf)  }
0xb1: {  	s0 =	sshra.s32 s17, $0x1F;
	[smem:$0x672] =	sst s16;
	s16 =	smulhi.u32 $0x57619F1, s10  }
0xb2: {  	(v2sf) =	vpush v22, $0xF;
	[smem:$0x673] =	sst s9;
	s9 =	smul.u32 $0x57619F1, s0;
	s0 =	sshra.s32 s10, $0x1F  }
0xb3: {  	s17 =	spop (v2sf);
	s7 =	smul.u32 $0x57619F1, s0  }
0xb4: {  	[smem:$0x674] =	sst s16;
	s16 =	smulhi.u32 $0x57619F1, s17;
	s0 =	sshra.s32 s17, $0x1F  }
0xb5: {  	s10 =	smul.u32 $0x57619F1, s0;
	s0 =	spop (v2sf)  }
0xb6: {  	(v2sf) =	vpush v22, $0x9;
	s17 =	smulhi.u32 $0x57619F1, s0;
	s0 =	sshra.s32 s0, $0x1F  }
0xb7: {  	s0 =	smul.u32 $0x57619F1, s0;
	_ =	sdelay $0x1  }
0xb8: {  	[smem:$0x677] =	sst s0;
	s0 =	spop (v2sf)  }
0xb9: {  	(v2sf) =	vpush v22, $0x8;
	[smem:$0x676] =	sst s17;
	s17 =	smulhi.u32 $0x57619F1, s0;
	s0 =	sshra.s32 s0, $0x1F  }
0xba: {  	s0 =	smul.u32 $0x57619F1, s0;
	_ =	sdelay $0x1  }
0xbb: {  	[smem:$0x679] =	sst s0;
	s0 =	spop (v2sf)  }
0xbc: {  	(v2sf) =	vpush v22, $0xA;
	[smem:$0x678] =	sst s17;
	s17 =	smulhi.u32 $0x57619F1, s0;
	s0 =	sshra.s32 s0, $0x1F  }
0xbd: {  	s0 =	smul.u32 $0x57619F1, s0;
	_ =	sdelay $0x1  }
0xbe: {  	[smem:$0x67B] =	sst s0;
	s0 =	spop (v2sf)  }
0xbf: {  	(v2sf) =	vpush v22, $0xB;
	[smem:$0x67A] =	sst s17;
	s17 =	smulhi.u32 $0x57619F1, s0;
	s0 =	sshra.s32 s0, $0x1F  }
0xc0: {  	s0 =	smul.u32 $0x57619F1, s0;
	_ =	sdelay $0x1  }
0xc1: {  	[smem:$0x67D] =	sst s0;
	s0 =	spop (v2sf)  }
0xc2: {  	(v2sf) =	vpush v22, $0x0;
	[smem:$0x67C] =	sst s17;
	s17 =	smulhi.u32 $0x57619F1, s0;
	s0 =	sshra.s32 s0, $0x1F  }
0xc3: {  	s0 =	smul.u32 $0x57619F1, s0;
	_ =	sdelay $0x1  }
0xc4: {  	[smem:$0x67F] =	sst s0;
	s0 =	spop (v2sf)  }
0xc5: {  	(v2sf) =	vpush v22, $0x1;
	[smem:$0x67E] =	sst s17;
	s17 =	smulhi.u32 $0x57619F1, s0;
	s0 =	sshra.s32 s0, $0x1F  }
0xc6: {  	s0 =	smul.u32 $0x57619F1, s0  }
0xc7: {  	(v2sf) =	vpush v22, $0x2  }
0xc8: {  	[smem:$0x681] =	sst s0;
	s0 =	spop (v2sf)  }
0xc9: {  	[smem:$0x680] =	sst s17;
	s17 =	smulhi.u32 $0x57619F1, s0;
	s0 =	sshra.s32 s0, $0x1F  }
0xca: {  	s0 =	smul.u32 $0x57619F1, s0  }
0xcb: {  	(v2sf) =	vpush v22, $0x3  }
0xcc: {  	[smem:$0x683] =	sst s0;
	s0 =	spop (v2sf)  }
0xcd: {  	[smem:$0x682] =	sst s17;
	s17 =	smulhi.u32 $0x57619F1, s0;
	s0 =	sshra.s32 s0, $0x1F  }
0xce: {  	s0 =	smul.u32 $0x57619F1, s0  }
0xcf: {  	(v2sf) =	vpush v22, $0x4  }
0xd0: {  	[smem:$0x685] =	sst s0;
	s0 =	spop (v2sf)  }
0xd1: {  	[smem:$0x684] =	sst s17;
	s17 =	smulhi.u32 $0x57619F1, s0;
	s0 =	sshra.s32 s0, $0x1F  }
0xd2: {  	s0 =	smul.u32 $0x57619F1, s0  }
0xd3: {  	(v2sf) =	vpush v22, $0x5  }
0xd4: {  	[smem:$0x687] =	sst s0;
	s0 =	spop (v2sf)  }
0xd5: {  	[smem:$0x686] =	sst s17;
	s17 =	smulhi.u32 $0x57619F1, s0  }
0xd6: {  	[smem:$0x675] =	sst s16;
	s16 =	spop (v2sf)  }
0xd7: {  	(v2sf) =	vpush v22, $0x6;
	[smem:$0x688] =	sst s17;
	s17 =	smulhi.u32 $0x57619F1, s16;
	s16 =	sshra.s32 s16, $0x1F  }
0xd8: {  	s16 =	smul.u32 $0x57619F1, s16;
	_ =	sdelay $0x1  }
0xd9: {  	v19 =	vld [tilespmem:$0x20];
	[smem:$0x68A] =	sst s16;
	s16 =	spop (v2sf)  }
0xda: {  	(v2sf) =	vpush v22, $0x7;
	[smem:$0x689] =	sst s17;
	s17 =	smulhi.u32 $0x57619F1, s16;
	s16 =	sshra.s32 s16, $0x1F  }
0xdb: {  	s16 =	smul.u32 $0x57619F1, s16;
	_ =	sdelay $0x1  }
0xdc: {  	[smem:$0x68C] =	sst s16;
	s16 =	spop (v2sf)  }
0xdd: {  	(v2sf) =	vpush v19, $0xD;
	[smem:$0x68B] =	sst s17;
	s17 =	smulhi.u32 $0x57619F1, s16;
	s16 =	sshra.s32 s16, $0x1F  }
0xde: {  	s16 =	smul.u32 $0x57619F1, s16;
	_ =	sdelay $0x1  }
0xdf: {  	[smem:$0x68E] =	sst s16;
	s16 =	spop (v2sf)  }
0xe0: {  	(v2sf) =	vpush v19, $0xC;
	[smem:$0x68D] =	sst s17;
	s17 =	smulhi.u32 $0x57619F1, s16;
	s16 =	sshra.s32 s16, $0x1F  }
0xe1: {  	s16 =	smul.u32 $0x57619F1, s16;
	_ =	sdelay $0x1  }
0xe2: {  	[smem:$0x690] =	sst s16;
	s16 =	spop (v2sf)  }
0xe3: {  	(v2sf) =	vpush v19, $0xE;
	[smem:$0x68F] =	sst s17;
	s17 =	smulhi.u32 $0x57619F1, s16;
	s16 =	sshra.s32 s16, $0x1F  }
0xe4: {  	s16 =	smul.u32 $0x57619F1, s16;
	_ =	sdelay $0x1  }
0xe5: {  	[smem:$0x692] =	sst s16;
	s16 =	spop (v2sf)  }
0xe6: {  	(v2sf) =	vpush v19, $0xF;
	[smem:$0x691] =	sst s17;
	s17 =	smulhi.u32 $0x57619F1, s16;
	s16 =	sshra.s32 s16, $0x1F  }
0xe7: {  	s16 =	smul.u32 $0x57619F1, s16;
	_ =	sdelay $0x1  }
0xe8: {  	[smem:$0x694] =	sst s16;
	s16 =	spop (v2sf)  }
0xe9: {  	(v2sf) =	vpush v19, $0x9;
	[smem:$0x693] =	sst s17;
	s17 =	smulhi.u32 $0x57619F1, s16;
	s16 =	sshra.s32 s16, $0x1F  }
0xea: {  	s16 =	smul.u32 $0x57619F1, s16;
	_ =	sdelay $0x1  }
0xeb: {  	[smem:$0x696] =	sst s16;
	s16 =	spop (v2sf)  }
0xec: {  	(v2sf) =	vpush v19, $0x8;
	[smem:$0x695] =	sst s17;
	s17 =	smulhi.u32 $0x57619F1, s16;
	s16 =	sshra.s32 s16, $0x1F  }
0xed: {  	s16 =	smul.u32 $0x57619F1, s16;
	_ =	sdelay $0x1  }
0xee: {  	[smem:$0x698] =	sst s16;
	s16 =	spop (v2sf)  }
0xef: {  	(v2sf) =	vpush v19, $0xA;
	[smem:$0x697] =	sst s17;
	s17 =	smulhi.u32 $0x57619F1, s16;
	s16 =	sshra.s32 s16, $0x1F  }
0xf0: {  	s16 =	smul.u32 $0x57619F1, s16;
	_ =	sdelay $0x1  }
0xf1: {  	[smem:$0x69A] =	sst s16;
	s16 =	spop (v2sf)  }
0xf2: {  	(v2sf) =	vpush v19, $0xB;
	[smem:$0x699] =	sst s17;
	s17 =	smulhi.u32 $0x57619F1, s16;
	s16 =	sshra.s32 s16, $0x1F  }
0xf3: {  	s16 =	smul.u32 $0x57619F1, s16;
	_ =	sdelay $0x1  }
0xf4: {  	[smem:$0x69C] =	sst s16;
	s16 =	spop (v2sf)  }
0xf5: {  	(v2sf) =	vpush v19, $0x0;
	[smem:$0x69B] =	sst s17;
	s17 =	smulhi.u32 $0x57619F1, s16;
	s16 =	sshra.s32 s16, $0x1F  }
0xf6: {  	s16 =	smul.u32 $0x57619F1, s16;
	_ =	sdelay $0x1  }
0xf7: {  	[smem:$0x69E] =	sst s16;
	s16 =	spop (v2sf)  }
0xf8: {  	(v2sf) =	vpush v19, $0x1;
	[smem:$0x69D] =	sst s17;
	s17 =	smulhi.u32 $0x57619F1, s16;
	s16 =	sshra.s32 s16, $0x1F  }
0xf9: {  	s16 =	smul.u32 $0x57619F1, s16;
	_ =	sdelay $0x1  }
0xfa: {  	[smem:$0x6A0] =	sst s16;
	s16 =	spop (v2sf)  }
0xfb: {  	(v2sf) =	vpush v19, $0x2;
	[smem:$0x69F] =	sst s17;
	s17 =	smulhi.u32 $0x57619F1, s16;
	s16 =	sshra.s32 s16, $0x1F  }
0xfc: {  	s16 =	smul.u32 $0x57619F1, s16;
	_ =	sdelay $0x1  }
0xfd: {  	[smem:$0x6A2] =	sst s16;
	s16 =	spop (v2sf)  }
0xfe: {  	(v2sf) =	vpush v19, $0x3;
	[smem:$0x6A1] =	sst s17;
	s17 =	smulhi.u32 $0x57619F1, s16;
	s16 =	sshra.s32 s16, $0x1F  }
0xff: {  	s16 =	smul.u32 $0x57619F1, s16;
	_ =	sdelay $0x1  }
0x100: {  	[smem:$0x6A4] =	sst s16;
	s16 =	spop (v2sf)  }
0x101: {  	(v2sf) =	vpush v19, $0x4;
	[smem:$0x6A3] =	sst s17;
	s17 =	smulhi.u32 $0x57619F1, s16;
	s16 =	sshra.s32 s16, $0x1F  }
0x102: {  	s16 =	smul.u32 $0x57619F1, s16;
	_ =	sdelay $0x1  }
0x103: {  	[smem:$0x6A6] =	sst s16;
	s16 =	spop (v2sf)  }
0x104: {  	(v2sf) =	vpush v19, $0x5;
	[smem:$0x6A5] =	sst s17;
	s17 =	smulhi.u32 $0x57619F1, s16;
	s16 =	sshra.s32 s16, $0x1F  }
0x105: {  	s16 =	smul.u32 $0x57619F1, s16;
	_ =	sdelay $0x1  }
0x106: {  	[smem:$0x6A8] =	sst s16;
	s16 =	spop (v2sf)  }
0x107: {  	(v2sf) =	vpush v19, $0x6;
	[smem:$0x6A7] =	sst s17;
	s17 =	smulhi.u32 $0x57619F1, s16;
	s16 =	sshra.s32 s16, $0x1F  }
0x108: {  	v12 =	vadd.s32 v12, v21;
	s16 =	smul.u32 $0x57619F1, s16  }
0x109: {  	[tilespmem:$0x1FF00] =	vst v0;
	v0 =	vld [tilespmem:$0x120];
	v12 =	vmul.u32 $0x5DC, v12  }
0x10a: {  	[smem:$0x6AA] =	sst s16;
	s16 =	spop (v2sf)  }
0x10b: {  	vm3 =	veq.s32 v11, $0x0;
	v11 =	vsub.s32 v10, v12;
	(v2sf) =	vpush v19, $0x7;
	[smem:$0x6A9] =	sst s17;
	s17 =	smulhi.u32 $0x57619F1, s16;
	s16 =	sshra.s32 s16, $0x1F  }
0x10c: {  	vm6 =	vlt.s32 v11, $0x0;
	v24 =	vadd.s32 $0x5DC, v11;
	s16 =	smul.u32 $0x57619F1, s16  }
0x10d: {  	v11 =	vsel vm6, v24, v11  }
0x10e: {  	vm9 =	veq.s32 v11, $0x0;
	v11 =	vadd.s32 $0xFFFFFFFD, v0;
	[smem:$0x6AC] =	sst s16;
	s16 =	spop (v2sf)  }
0x10f: {  	(v2sf) =	vpush v11, $0xD;
	[smem:$0x6AB] =	sst s17;
	s17 =	smulhi.u32 $0x57619F1, s16;
	s16 =	sshra.s32 s16, $0x1F  }
0x110: {  	s16 =	smul.u32 $0x57619F1, s16;
	_ =	sdelay $0x1  }
0x111: {  	[smem:$0x6AE] =	sst s16;
	s16 =	spop (v2sf)  }
0x112: {  	(v2sf) =	vpush v11, $0xC;
	[smem:$0x6AD] =	sst s17;
	s17 =	smulhi.u32 $0x57619F1, s16;
	s16 =	sshra.s32 s16, $0x1F  }
0x113: {  	s16 =	smul.u32 $0x57619F1, s16;
	_ =	sdelay $0x1  }
0x114: {  	[smem:$0x6B0] =	sst s16;
	s16 =	spop (v2sf)  }
0x115: {  	(v2sf) =	vpush v11, $0xE;
	[smem:$0x6AF] =	sst s17;
	s17 =	smulhi.u32 $0x57619F1, s16;
	s16 =	sshra.s32 s16, $0x1F  }
0x116: {  	s16 =	smul.u32 $0x57619F1, s16;
	_ =	sdelay $0x1  }
0x117: {  	[smem:$0x6B2] =	sst s16;
	s16 =	spop (v2sf)  }
0x118: {  	(v2sf) =	vpush v11, $0xF;
	[smem:$0x6B1] =	sst s17;
	s17 =	smulhi.u32 $0x57619F1, s16;
	s16 =	sshra.s32 s16, $0x1F  }
0x119: {  	s16 =	smul.u32 $0x57619F1, s16;
	_ =	sdelay $0x1  }
0x11a: {  	[smem:$0x6B4] =	sst s16;
	s16 =	spop (v2sf)  }
0x11b: {  	(v2sf) =	vpush v11, $0x9;
	[smem:$0x6B3] =	sst s17;
	s17 =	smulhi.u32 $0x57619F1, s16;
	s16 =	sshra.s32 s16, $0x1F  }
0x11c: {  	s16 =	smul.u32 $0x57619F1, s16;
	_ =	sdelay $0x1  }
0x11d: {  	[smem:$0x6B6] =	sst s16;
	s16 =	spop (v2sf)  }
0x11e: {  	(v2sf) =	vpush v11, $0x8;
	[smem:$0x6B5] =	sst s17;
	s17 =	smulhi.u32 $0x57619F1, s16;
	s16 =	sshra.s32 s16, $0x1F  }
0x11f: {  	s16 =	smul.u32 $0x57619F1, s16;
	_ =	sdelay $0x1  }
0x120: {  	[smem:$0x6B8] =	sst s16;
	s16 =	spop (v2sf)  }
0x121: {  	(v2sf) =	vpush v11, $0xA;
	[smem:$0x6B7] =	sst s17;
	s17 =	smulhi.u32 $0x57619F1, s16;
	s16 =	sshra.s32 s16, $0x1F  }
0x122: {  	s16 =	smul.u32 $0x57619F1, s16;
	_ =	sdelay $0x1  }
0x123: {  	[smem:$0x6BA] =	sst s16;
	s16 =	spop (v2sf)  }
0x124: {  	(v2sf) =	vpush v11, $0xB;
	[smem:$0x6B9] =	sst s17;
	s17 =	smulhi.u32 $0x57619F1, s16;
	s16 =	sshra.s32 s16, $0x1F  }
0x125: {  	s16 =	smul.u32 $0x57619F1, s16;
	_ =	sdelay $0x1  }
0x126: {  	[smem:$0x6BC] =	sst s16;
	s16 =	spop (v2sf)  }
0x127: {  	(v2sf) =	vpush v11, $0x0;
	[smem:$0x6BB] =	sst s17;
	s17 =	smulhi.u32 $0x57619F1, s16;
	s16 =	sshra.s32 s16, $0x1F  }
0x128: {  	s16 =	smul.u32 $0x57619F1, s16;
	_ =	sdelay $0x1  }
0x129: {  	[smem:$0x6BE] =	sst s16;
	s16 =	spop (v2sf)  }
0x12a: {  	(v2sf) =	vpush v11, $0x1;
	[smem:$0x6BD] =	sst s17;
	s17 =	smulhi.u32 $0x57619F1, s16;
	s16 =	sshra.s32 s16, $0x1F  }
0x12b: {  	s16 =	smul.u32 $0x57619F1, s16;
	_ =	sdelay $0x1  }
0x12c: {  	[smem:$0x6C0] =	sst s16;
	s16 =	spop (v2sf)  }
0x12d: {  	(v2sf) =	vpush v11, $0x2;
	[smem:$0x6BF] =	sst s17;
	s17 =	smulhi.u32 $0x57619F1, s16;
	s16 =	sshra.s32 s16, $0x1F  }
0x12e: {  	s16 =	smul.u32 $0x57619F1, s16;
	_ =	sdelay $0x1  }
0x12f: {  	[smem:$0x6C2] =	sst s16;
	s16 =	spop (v2sf)  }
0x130: {  	(v2sf) =	vpush v11, $0x3;
	[smem:$0x6C1] =	sst s17;
	s17 =	smulhi.u32 $0x57619F1, s16;
	s16 =	sshra.s32 s16, $0x1F  }
0x131: {  	s16 =	smul.u32 $0x57619F1, s16;
	_ =	sdelay $0x1  }
0x132: {  	[smem:$0x6C4] =	sst s16;
	s16 =	spop (v2sf)  }
0x133: {  	(v2sf) =	vpush v11, $0x4;
	[smem:$0x6C3] =	sst s17;
	s17 =	smulhi.u32 $0x57619F1, s16;
	s16 =	sshra.s32 s16, $0x1F  }
0x134: {  	s16 =	smul.u32 $0x57619F1, s16;
	_ =	sdelay $0x1  }
0x135: {  	[smem:$0x6C6] =	sst s16;
	s16 =	spop (v2sf)  }
0x136: {  	(v2sf) =	vpush v11, $0x5;
	[smem:$0x6C5] =	sst s17;
	s17 =	smulhi.u32 $0x57619F1, s16;
	s16 =	sshra.s32 s16, $0x1F  }
0x137: {  	s16 =	smul.u32 $0x57619F1, s16;
	_ =	sdelay $0x1  }
0x138: {  	[smem:$0x6C8] =	sst s16;
	s16 =	spop (v2sf)  }
0x139: {  	(v2sf) =	vpush v11, $0x6;
	[smem:$0x6C7] =	sst s17;
	s17 =	smulhi.u32 $0x57619F1, s16;
	s16 =	sshra.s32 s16, $0x1F  }
0x13a: {  	s16 =	smul.u32 $0x57619F1, s16;
	_ =	sdelay $0x1  }
0x13b: {  	v12 =	vld [tilespmem:$0x30];
	[smem:$0x6CA] =	sst s16;
	s16 =	spop (v2sf)  }
0x13c: {  	(v2sf) =	vpush v11, $0x7;
	[smem:$0x6C9] =	sst s17;
	s17 =	smulhi.u32 $0x57619F1, s16;
	s16 =	sshra.s32 s16, $0x1F  }
0x13d: {  	s16 =	smul.u32 $0x57619F1, s16;
	_ =	sdelay $0x1  }
0x13e: {  	[smem:$0x6CC] =	sst s16;
	s16 =	spop (v2sf)  }
0x13f: {  	(v2sf) =	vpush v12, $0xD;
	[smem:$0x6CB] =	sst s17;
	s17 =	smulhi.u32 $0x57619F1, s16;
	s16 =	sshra.s32 s16, $0x1F  }
0x140: {  	s16 =	smul.u32 $0x57619F1, s16;
	_ =	sdelay $0x1  }
0x141: {  	[smem:$0x6CE] =	sst s16;
	s16 =	spop (v2sf)  }
0x142: {  	(v2sf) =	vpush v12, $0xC;
	[smem:$0x6CD] =	sst s17;
	s17 =	smulhi.u32 $0x57619F1, s16;
	s16 =	sshra.s32 s16, $0x1F  }
0x143: {  	s16 =	smul.u32 $0x57619F1, s16;
	_ =	sdelay $0x1  }
0x144: {  	[smem:$0x6D0] =	sst s16;
	s16 =	spop (v2sf)  }
0x145: {  	(v2sf) =	vpush v12, $0xE;
	[smem:$0x6CF] =	sst s17;
	s17 =	smulhi.u32 $0x57619F1, s16;
	s16 =	sshra.s32 s16, $0x1F  }
0x146: {  	s16 =	smul.u32 $0x57619F1, s16;
	_ =	sdelay $0x1  }
0x147: {  	[smem:$0x6D2] =	sst s16;
	s16 =	spop (v2sf)  }
0x148: {  	(v2sf) =	vpush v12, $0xF;
	[smem:$0x6D1] =	sst s17;
	s17 =	smulhi.u32 $0x57619F1, s16;
	s16 =	sshra.s32 s16, $0x1F  }
0x149: {  	s16 =	smul.u32 $0x57619F1, s16;
	_ =	sdelay $0x1  }
0x14a: {  	[smem:$0x6D4] =	sst s16;
	s16 =	spop (v2sf)  }
0x14b: {  	(v2sf) =	vpush v12, $0x9;
	[smem:$0x6D3] =	sst s17;
	s17 =	smulhi.u32 $0x57619F1, s16;
	s16 =	sshra.s32 s16, $0x1F  }
0x14c: {  	s16 =	smul.u32 $0x57619F1, s16;
	_ =	sdelay $0x1  }
0x14d: {  	[smem:$0x6D6] =	sst s16;
	s16 =	spop (v2sf)  }
0x14e: {  	(v2sf) =	vpush v12, $0x8;
	[smem:$0x6D5] =	sst s17;
	s17 =	smulhi.u32 $0x57619F1, s16;
	s16 =	sshra.s32 s16, $0x1F  }
0x14f: {  	s16 =	smul.u32 $0x57619F1, s16;
	_ =	sdelay $0x1  }
0x150: {  	[smem:$0x6D8] =	sst s16;
	s16 =	spop (v2sf)  }
0x151: {  	(v2sf) =	vpush v12, $0xA;
	[smem:$0x6D7] =	sst s17;
	s17 =	smulhi.u32 $0x57619F1, s16;
	s16 =	sshra.s32 s16, $0x1F  }
0x152: {  	s16 =	smul.u32 $0x57619F1, s16;
	_ =	sdelay $0x1  }
0x153: {  	[smem:$0x6DA] =	sst s16;
	s16 =	spop (v2sf)  }
0x154: {  	(v2sf) =	vpush v12, $0xB;
	[smem:$0x6D9] =	sst s17;
	s17 =	smulhi.u32 $0x57619F1, s16;
	s16 =	sshra.s32 s16, $0x1F  }
0x155: {  	s16 =	smul.u32 $0x57619F1, s16;
	_ =	sdelay $0x1  }
0x156: {  	[smem:$0x6DC] =	sst s16;
	s16 =	spop (v2sf)  }
0x157: {  	(v2sf) =	vpush v12, $0x0;
	[smem:$0x6DB] =	sst s17;
	s17 =	smulhi.u32 $0x57619F1, s16;
	s16 =	sshra.s32 s16, $0x1F  }
0x158: {  	s16 =	smul.u32 $0x57619F1, s16;
	_ =	sdelay $0x1  }
0x159: {  	[smem:$0x6DE] =	sst s16;
	s16 =	spop (v2sf)  }
0x15a: {  	(v2sf) =	vpush v12, $0x1;
	[smem:$0x6DD] =	sst s17;
	s17 =	smulhi.u32 $0x57619F1, s16;
	s16 =	sshra.s32 s16, $0x1F  }
0x15b: {  	s16 =	smul.u32 $0x57619F1, s16;
	_ =	sdelay $0x1  }
0x15c: {  	[smem:$0x6E0] =	sst s16;
	s16 =	spop (v2sf)  }
0x15d: {  	(v2sf) =	vpush v12, $0x2;
	[smem:$0x6DF] =	sst s17;
	s17 =	smulhi.u32 $0x57619F1, s16;
	s16 =	sshra.s32 s16, $0x1F  }
0x15e: {  	s16 =	smul.u32 $0x57619F1, s16;
	_ =	sdelay $0x1  }
0x15f: {  	[smem:$0x6E2] =	sst s16;
	s16 =	spop (v2sf)  }
0x160: {  	(v2sf) =	vpush v12, $0x3;
	[smem:$0x6E1] =	sst s17;
	s17 =	smulhi.u32 $0x57619F1, s16;
	s16 =	sshra.s32 s16, $0x1F  }
0x161: {  	s16 =	smul.u32 $0x57619F1, s16;
	_ =	sdelay $0x1  }
0x162: {  	[smem:$0x6E4] =	sst s16;
	s16 =	spop (v2sf)  }
0x163: {  	(v2sf) =	vpush v12, $0x4;
	[smem:$0x6E3] =	sst s17;
	s17 =	smulhi.u32 $0x57619F1, s16;
	s16 =	sshra.s32 s16, $0x1F  }
0x164: {  	s16 =	smul.u32 $0x57619F1, s16;
	_ =	sdelay $0x1  }
0x165: {  	[smem:$0x6E6] =	sst s16;
	s16 =	spop (v2sf)  }
0x166: {  	(v2sf) =	vpush v12, $0x5;
	[smem:$0x6E5] =	sst s17;
	s17 =	smulhi.u32 $0x57619F1, s16;
	s16 =	sshra.s32 s16, $0x1F  }
0x167: {  	s16 =	smul.u32 $0x57619F1, s16;
	_ =	sdelay $0x1  }
0x168: {  	[smem:$0x6E8] =	sst s16;
	s16 =	spop (v2sf)  }
0x169: {  	(v2sf) =	vpush v12, $0x6;
	[smem:$0x6E7] =	sst s17;
	s17 =	smulhi.u32 $0x57619F1, s16;
	s16 =	sshra.s32 s16, $0x1F  }
0x16a: {  	s16 =	smul.u32 $0x57619F1, s16  }
0x16b: {  	[tilespmem:$0x1FFB0] =	vst v0;
	v0 =	vld [tilespmem:$0x130]  }
0x16c: {  	[smem:$0x6EA] =	sst s16;
	s16 =	spop (v2sf)  }
0x16d: {  	(v2sf) =	vpush v12, $0x7;
	[smem:$0x6E9] =	sst s17;
	s17 =	smulhi.u32 $0x57619F1, s16;
	s16 =	sshra.s32 s16, $0x1F  }
0x16e: {  	s16 =	smul.u32 $0x57619F1, s16;
	_ =	sdelay $0x1  }
0x16f: {  	v14 =	vadd.s32 $0xFFFFFFFD, v0;
	[smem:$0x6EC] =	sst s16;
	s16 =	spop (v2sf)  }
0x170: {  	(v2sf) =	vpush v14, $0xD;
	[smem:$0x6EB] =	sst s17;
	s17 =	smulhi.u32 $0x57619F1, s16;
	s16 =	sshra.s32 s16, $0x1F  }
0x171: {  	s16 =	smul.u32 $0x57619F1, s16;
	_ =	sdelay $0x1  }
0x172: {  	[smem:$0x6EE] =	sst s16;
	s16 =	spop (v2sf)  }
0x173: {  	[smem:$0x6ED] =	sst s17;
	s17 =	smulhi.u32 $0x57619F1, s16;
	s16 =	sshra.s32 s16, $0x1F  }
0x174: {  	s16 =	smul.u32 $0x57619F1, s16;
	_ =	sdelay $0x1  }
0x175: {  	s18 =	sadd.s32 s24, s18;
	(v2sf) =	vpush v14, $0xC;
	[smem:$0x6F0] =	sst s16;
	s16 =	spop (v2sf)  }
0x176: {  	[smem:$0x6EF] =	sst s17;
	s17 =	smulhi.u32 $0x57619F1, s16;
	s16 =	sshra.s32 s16, $0x1F  }
0x177: {  	[smem:$0x74A] =	sst s18;
	s24 =	sadd.s32 s25, s19;
	s16 =	smul.u32 $0x57619F1, s16  }
0x178: {  	[smem:$0x74D] =	sst s24  }
0x179: {  	s25 =	sadd.s32 s28, s21;
	(v2sf) =	vpush v14, $0xE;
	[smem:$0x6F2] =	sst s16;
	s16 =	spop (v2sf)  }
0x17a: {  	(v2sf) =	vpush v14, $0xF;
	[smem:$0x6F1] =	sst s17;
	s17 =	smulhi.u32 $0x57619F1, s16;
	s16 =	sshra.s32 s16, $0x1F  }
0x17b: {  	[smem:$0x74E] =	sst s25;
	s28 =	sadd.s32 s29, s22;
	s16 =	smul.u32 $0x57619F1, s16  }
0x17c: {  	[smem:$0x751] =	sst s28;
	(v2sf) =	vpush v14, $0x9  }
0x17d: {  	[smem:$0x6F4] =	sst s16;
	s16 =	spop (v2sf)  }
0x17e: {  	[smem:$0x6F3] =	sst s17;
	s17 =	smulhi.u32 $0x57619F1, s16  }
0x17f: {  	s25 =	sld [smem:$0x66C];
	(v2sf) =	vpush v14, $0x8  }
0x180: {  	[smem:$0x6F5] =	sst s17  }
0x181: {  	s17 =	sld [smem:$0x66B]  }
0x182: {  	s28 =	sld [smem:$0x66D];
	s11 =	sadd.s32 s11, s31;
	(v2sf) =	vpush v14, $0xA  }
0x183: {  	[smem:$0x749] =	sst s11;
	s16 =	sshra.s32 s16, $0x1F  }
0x184: {  	s17 =	sadd.s32 s20, s17;
	s20 =	smul.u32 $0x57619F1, s16;
	s16 =	spop (v2sf)  }
0x185: {  	(v2sf) =	vpush v14, $0xB;
	[smem:$0x74B] =	sst s17;
	s18 =	smulhi.u32 $0x57619F1, s16  }
0x186: {  	s16 =	sshra.s32 s16, $0x1F;
	s17 =	sadd.s32 s25, s23;
	s25 =	sld [smem:$0x66E]  }
0x187: {  	s24 =	smul.u32 $0x57619F1, s16;
	[smem:$0x750] =	sst s17  }
0x188: {  	s16 =	spop (v2sf);
	s17 =	sadd.s32 s28, s26;
	s28 =	sld [smem:$0x66F]  }
0x189: {  	s19 =	smulhi.u32 $0x57619F1, s16;
	s16 =	sshra.s32 s16, $0x1F;
	s29 =	spop (v2sf)  }
0x18a: {  	(v2sf) =	vpush v14, $0x0;
	[smem:$0x753] =	sst s17;
	s21 =	smul.u32 $0x57619F1, s16  }
0x18b: {  	s22 =	smulhi.u32 $0x57619F1, s29;
	s16 =	sshra.s32 s29, $0x1F;
	s29 =	spop (v2sf)  }
0x18c: {  	s17 =	sadd.s32 s25, s30;
	s30 =	sld [smem:$0x670];
	s23 =	smul.u32 $0x57619F1, s16  }
0x18d: {  	[smem:$0x755] =	sst s17;
	s17 =	smulhi.u32 $0x57619F1, s29;
	s16 =	sshra.s32 s29, $0x1F  }
0x18e: {  	s26 =	spop (v2sf);
	s2 =	sadd.s32 s2, s28;
	s28 =	sld [smem:$0x672]  }
0x18f: {  	(v2sf) =	vpush v14, $0x1;
	s25 =	smul.u32 $0x57619F1, s16;
	[smem:$0x74C] =	sst s2  }
0x190: {  	s16 =	smulhi.u32 $0x57619F1, s26;
	s29 =	sshra.s32 s26, $0x1F;
	s26 =	sld [smem:$0x671]  }
0x191: {  	s31 =	spop (v2sf);
	s6 =	sadd.s32 s6, s30;
	s30 =	sld [smem:$0x673]  }
0x192: {  	s11 =	smul.u32 $0x57619F1, s29;
	s2 =	sshra.s32 s31, $0x1F;
	[smem:$0x74F] =	sst s6  }
0x193: {  	s5 =	sadd.s32 s5, s26;
	s26 =	smulhi.u32 $0x57619F1, s31;
	s31 =	sld [smem:$0x674]  }
0x194: {  	s29 =	spop (v2sf);
	[smem:$0x752] =	sst s5;
	s5 =	sadd.s32 s8, s28  }
0x195: {  	s8 =	smul.u32 $0x57619F1, s2;
	s2 =	sshra.s32 s29, $0x1F;
	[smem:$0x754] =	sst s5  }
0x196: {  	s5 =	sadd.s32 s9, s30;
	s9 =	smulhi.u32 $0x57619F1, s29;
	s29 =	sld [smem:$0x676]  }
0x197: {  	[smem:$0x756] =	sst s5  }
0x198: {  	s5 =	sadd.s32 s7, s31;
	s7 =	sld [smem:$0x675]  }
0x199: {  	s6 =	spop (v2sf);
	s30 =	sld [smem:$0x677]  }
0x19a: {  	s28 =	smul.u32 $0x57619F1, s2;
	s2 =	sshra.s32 s6, $0x1F;
	[smem:$0x757] =	sst s5  }
0x19b: {  	s5 =	sadd.s32 s10, s7;
	s7 =	smulhi.u32 $0x57619F1, s6;
	s6 =	sld [smem:$0x678]  }
0x19c: {  	[smem:$0x748] =	sst s5  }
0x19d: {  	(v2sf) =	vpush v14, $0x2;
	s5 =	sadd.s32 s30, s29;
	s29 =	sld [smem:$0x679]  }
0x19e: {  	s31 =	spop (v2sf);
	s30 =	sld [smem:$0x67A]  }
0x19f: {  	s10 =	smul.u32 $0x57619F1, s2;
	s2 =	sshra.s32 s31, $0x1F;
	[smem:$0x75A] =	sst s5  }
0x1a0: {  	s5 =	sadd.s32 s29, s6;
	s29 =	smulhi.u32 $0x57619F1, s31;
	s31 =	sld [smem:$0x67B]  }
0x1a1: {  	(v2sf) =	vpush v14, $0x3;
	s6 =	sld [smem:$0x67C]  }
0x1a2: {  	[smem:$0x75B] =	sst s5  }
0x1a3: {  	s5 =	sadd.s32 s31, s30;
	s30 =	sld [smem:$0x67D];
	_ =	sdelay $0x1  }
0x1a4: {  	[smem:$0x75D] =	sst s5  }
0x1a5: {  	s5 =	sadd.s32 s30, s6;
	s6 =	sld [smem:$0x67F]  }
0x1a6: {  	[smem:$0x75E] =	sst s5  }
0x1a7: {  	s5 =	sld [smem:$0x67E];
	_ =	sdelay $0x2  }
0x1a8: {  	s31 =	smul.u32 $0x57619F1, s2;
	s5 =	sadd.s32 s6, s5;
	s6 =	sld [smem:$0x681]  }
0x1a9: {  	s2 =	spop (v2sf);
	[smem:$0x762] =	sst s5  }
0x1aa: {  	(v2sf) =	vpush v14, $0x4;
	s30 =	smulhi.u32 $0x57619F1, s2;
	s2 =	sshra.s32 s2, $0x1F;
	s5 =	sld [smem:$0x680]  }
0x1ab: {  	s2 =	smul.u32 $0x57619F1, s2;
	_ =	sdelay $0x1  }
0x1ac: {  	[smem:$0x6F6] =	sst s2;
	s2 =	spop (v2sf);
	s5 =	sadd.s32 s6, s5  }
0x1ad: {  	s6 =	smulhi.u32 $0x57619F1, s2;
	[smem:$0x760] =	sst s5  }
0x1ae: {  	s5 =	sld [smem:$0x682]  }
0x1af: {  	[smem:$0x6F7] =	sst s6  }
0x1b0: {  	s6 =	sld [smem:$0x683];
	_ =	sdelay $0x2  }
0x1b1: {  	s5 =	sadd.s32 s6, s5;
	s6 =	sld [smem:$0x685]  }
0x1b2: {  	[smem:$0x764] =	sst s5  }
0x1b3: {  	(v2sf) =	vpush v14, $0x5;
	s2 =	sshra.s32 s2, $0x1F;
	s5 =	sld [smem:$0x684]  }
0x1b4: {  	s2 =	smul.u32 $0x57619F1, s2;
	_ =	sdelay $0x1  }
0x1b5: {  	[smem:$0x6F8] =	sst s2;
	s2 =	spop (v2sf);
	s5 =	sadd.s32 s6, s5  }
0x1b6: {  	s6 =	smulhi.u32 $0x57619F1, s2;
	[smem:$0x766] =	sst s5  }
0x1b7: {  	s5 =	sld [smem:$0x686]  }
0x1b8: {  	[smem:$0x6F9] =	sst s6  }
0x1b9: {  	s6 =	sld [smem:$0x687];
	_ =	sdelay $0x2  }
0x1ba: {  	s5 =	sadd.s32 s6, s5  }
0x1bb: {  	(v2sf) =	vpush v14, $0x6;
	[smem:$0x759] =	sst s5  }
0x1bc: {  	s0 =	sshra.s32 s0, $0x1F;
	s5 =	sld [smem:$0x688]  }
0x1bd: {  	s0 =	smul.u32 $0x57619F1, s0  }
0x1be: {  	s2 =	sshra.s32 s2, $0x1F  }
0x1bf: {  	s6 =	smul.u32 $0x57619F1, s2;
	s2 =	spop (v2sf);
	s0 =	sadd.s32 s0, s5  }
0x1c0: {  	s5 =	smulhi.u32 $0x57619F1, s2;
	[smem:$0x75C] =	sst s0  }
0x1c1: {  	s0 =	sshra.s32 s2, $0x1F;
	s2 =	sld [smem:$0x689]  }
0x1c2: {  	[smem:$0x6FA] =	sst s5  }
0x1c3: {  	v15 =	vld [tilespmem:$0x40];
	s5 =	sld [smem:$0x68A]  }
0x1c4: {  	vm8 =	vmmov vm5;
	vm5 =	vmmov vm4;
	vm4 =	vlt.s32 v4, $0x17125  }
0x1c5: {  	v23 =	vadd.s32 $0x3, v4;
	vm3 =	vmand vm4, vm3  }
0x1c6: {  	v4 =	vsel vm3, v23, v4;
	s2 =	sadd.s32 s5, s2;
	s5 =	sld [smem:$0x68C]  }
0x1c7: {  	vm7 =	vlt.u32 v10, $0x17125;
	[tilespmem:$0x200] =	vst v4;
	v4 =	vsel vm3, $0x3F000000, v57;
	(v2sf) =	vpush v14, $0x7;
	[smem:$0x75F] =	sst s2  }
0x1c8: {  	[tilespmem:$0x400] =	vst v4;
	v4 =	vsel vm3, $0x3F000000, v55;
	vm3 =	vmand vm7, vm9;
	(v2sf) =	vpush v15, $0xD;
	s0 =	smul.u32 $0x57619F1, s0;
	s2 =	sld [smem:$0x68B]  }
0x1c9: {  	[tilespmem:$0x480] =	vst v4;
	v4 =	vsel vm3, v10, v5;
	(v2sf) =	vpush v15, $0xC  }
0x1ca: {  	[tilespmem:$0x300] =	vst v4;
	v4 =	vsel vm3, $0x3F000000, v55;
	(v2sf) =	vpush v15, $0xE;
	[smem:$0x6FB] =	sst s0;
	s0 =	spop (v2sf)  }
0x1cb: {  	[tilespmem:$0x500] =	vst v4;
	v4 =	vsel vm3, $0x3F000000, v57;
	(v2sf) =	vpush v15, $0xF;
	s2 =	sadd.s32 s5, s2;
	s5 =	smulhi.u32 $0x57619F1, s0  }
0x1cc: {  	[tilespmem:$0x580] =	vst v4;
	(v2sf) =	vpush v15, $0x9;
	[smem:$0x761] =	sst s2  }
0x1cd: {  	[tilespmem:$0x1FFC0] =	vst v0;
	(v2sf) =	vpush v15, $0x8;
	[smem:$0x6FC] =	sst s5  }
0x1ce: {  	(v2sf) =	vpush v15, $0xA  }
0x1cf: {  	s2 =	sld [smem:$0x68D]  }
0x1d0: {  	s5 =	sld [smem:$0x68E];
	_ =	sdelay $0x2  }
0x1d1: {  	s2 =	sadd.s32 s5, s2;
	s5 =	sld [smem:$0x690]  }
0x1d2: {  	[smem:$0x763] =	sst s2  }
0x1d3: {  	s0 =	sshra.s32 s0, $0x1F;
	s2 =	sld [smem:$0x68F]  }
0x1d4: {  	s0 =	smul.u32 $0x57619F1, s0;
	_ =	sdelay $0x1  }
0x1d5: {  	[smem:$0x6FD] =	sst s0;
	s0 =	spop (v2sf);
	s2 =	sadd.s32 s5, s2  }
0x1d6: {  	s5 =	smulhi.u32 $0x57619F1, s0;
	[smem:$0x765] =	sst s2  }
0x1d7: {  	s2 =	sld [smem:$0x691]  }
0x1d8: {  	[smem:$0x6FE] =	sst s5  }
0x1d9: {  	s5 =	sld [smem:$0x692];
	_ =	sdelay $0x2  }
0x1da: {  	s2 =	sadd.s32 s5, s2;
	s5 =	sld [smem:$0x694]  }
0x1db: {  	[smem:$0x767] =	sst s2  }
0x1dc: {  	s0 =	sshra.s32 s0, $0x1F;
	s2 =	sld [smem:$0x693]  }
0x1dd: {  	s0 =	smul.u32 $0x57619F1, s0;
	_ =	sdelay $0x1  }
0x1de: {  	[smem:$0x6FF] =	sst s0;
	s0 =	spop (v2sf);
	s2 =	sadd.s32 s5, s2  }
0x1df: {  	s5 =	smulhi.u32 $0x57619F1, s0;
	[smem:$0x758] =	sst s2  }
0x1e0: {  	s2 =	sld [smem:$0x695]  }
0x1e1: {  	[smem:$0x700] =	sst s5  }
0x1e2: {  	s5 =	sld [smem:$0x696];
	_ =	sdelay $0x2  }
0x1e3: {  	s2 =	sadd.s32 s5, s2;
	s5 =	sld [smem:$0x698]  }
0x1e4: {  	[smem:$0x768] =	sst s2  }
0x1e5: {  	s0 =	sshra.s32 s0, $0x1F;
	s2 =	sld [smem:$0x697]  }
0x1e6: {  	s0 =	smul.u32 $0x57619F1, s0;
	_ =	sdelay $0x1  }
0x1e7: {  	[smem:$0x701] =	sst s0;
	s0 =	spop (v2sf);
	s2 =	sadd.s32 s5, s2  }
0x1e8: {  	s5 =	smulhi.u32 $0x57619F1, s0;
	[smem:$0x76A] =	sst s2  }
0x1e9: {  	s2 =	sld [smem:$0x699]  }
0x1ea: {  	[smem:$0x702] =	sst s5  }
0x1eb: {  	s5 =	sld [smem:$0x69A];
	_ =	sdelay $0x2  }
0x1ec: {  	s2 =	sadd.s32 s5, s2;
	s5 =	sld [smem:$0x69C]  }
0x1ed: {  	[smem:$0x76C] =	sst s2  }
0x1ee: {  	s0 =	sshra.s32 s0, $0x1F;
	s2 =	sld [smem:$0x69B]  }
0x1ef: {  	s0 =	smul.u32 $0x57619F1, s0;
	_ =	sdelay $0x1  }
0x1f0: {  	[smem:$0x703] =	sst s0;
	s0 =	spop (v2sf);
	s2 =	sadd.s32 s5, s2  }
0x1f1: {  	s5 =	smulhi.u32 $0x57619F1, s0;
	[smem:$0x76E] =	sst s2  }
0x1f2: {  	s2 =	sld [smem:$0x69D]  }
0x1f3: {  	[smem:$0x704] =	sst s5  }
0x1f4: {  	s5 =	sld [smem:$0x69E];
	_ =	sdelay $0x2  }
0x1f5: {  	s2 =	sadd.s32 s5, s2;
	s5 =	sld [smem:$0x6A0]  }
0x1f6: {  	[smem:$0x772] =	sst s2  }
0x1f7: {  	s0 =	sshra.s32 s0, $0x1F;
	s2 =	sld [smem:$0x69F]  }
0x1f8: {  	s0 =	smul.u32 $0x57619F1, s0;
	_ =	sdelay $0x1  }
0x1f9: {  	[smem:$0x705] =	sst s0;
	s0 =	spop (v2sf);
	s2 =	sadd.s32 s5, s2  }
0x1fa: {  	s5 =	smulhi.u32 $0x57619F1, s0;
	[smem:$0x770] =	sst s2  }
0x1fb: {  	s2 =	sld [smem:$0x6A1]  }
0x1fc: {  	[smem:$0x706] =	sst s5  }
0x1fd: {  	s5 =	sld [smem:$0x6A2];
	_ =	sdelay $0x2  }
0x1fe: {  	s2 =	sadd.s32 s5, s2;
	s5 =	sld [smem:$0x6A4]  }
0x1ff: {  	[smem:$0x774] =	sst s2  }
0x200: {  	s0 =	sshra.s32 s0, $0x1F;
	s2 =	sld [smem:$0x6A3]  }
0x201: {  	s0 =	smul.u32 $0x57619F1, s0;
	_ =	sdelay $0x1  }
0x202: {  	[smem:$0x707] =	sst s0;
	s0 =	spop (v2sf);
	s2 =	sadd.s32 s5, s2  }
0x203: {  	s5 =	smulhi.u32 $0x57619F1, s0;
	[smem:$0x776] =	sst s2  }
0x204: {  	s2 =	sld [smem:$0x6A5]  }
0x205: {  	[smem:$0x708] =	sst s5  }
0x206: {  	s5 =	sld [smem:$0x6A6];
	_ =	sdelay $0x2  }
0x207: {  	s2 =	sadd.s32 s5, s2;
	s5 =	sld [smem:$0x6A8]  }
0x208: {  	[smem:$0x76B] =	sst s2  }
0x209: {  	s0 =	sshra.s32 s0, $0x1F;
	s2 =	sld [smem:$0x6A7]  }
0x20a: {  	s0 =	smul.u32 $0x57619F1, s0;
	_ =	sdelay $0x1  }
0x20b: {  	[smem:$0x709] =	sst s0;
	s0 =	spop (v2sf);
	s2 =	sadd.s32 s5, s2  }
0x20c: {  	s5 =	smulhi.u32 $0x57619F1, s0;
	[smem:$0x76D] =	sst s2  }
0x20d: {  	s2 =	sld [smem:$0x6A9]  }
0x20e: {  	[smem:$0x70A] =	sst s5  }
0x20f: {  	s5 =	sld [smem:$0x6AA];
	_ =	sdelay $0x2  }
0x210: {  	s2 =	sadd.s32 s5, s2;
	s5 =	sld [smem:$0x6AC]  }
0x211: {  	[smem:$0x76F] =	sst s2  }
0x212: {  	(v2sf) =	vpush v15, $0xB;
	s0 =	sshra.s32 s0, $0x1F;
	s2 =	sld [smem:$0x6AB]  }
0x213: {  	s0 =	smul.u32 $0x57619F1, s0;
	_ =	sdelay $0x1  }
0x214: {  	[smem:$0x70B] =	sst s0;
	s0 =	spop (v2sf);
	s2 =	sadd.s32 s5, s2  }
0x215: {  	s5 =	smulhi.u32 $0x57619F1, s0;
	[smem:$0x771] =	sst s2  }
0x216: {  	s2 =	sld [smem:$0x6AD]  }
0x217: {  	[smem:$0x70C] =	sst s5  }
0x218: {  	s5 =	sld [smem:$0x6AE];
	_ =	sdelay $0x2  }
0x219: {  	s2 =	sadd.s32 s5, s2;
	s5 =	sld [smem:$0x6B0]  }
0x21a: {  	[smem:$0x773] =	sst s2  }
0x21b: {  	(v2sf) =	vpush v15, $0x0;
	s0 =	sshra.s32 s0, $0x1F;
	s2 =	sld [smem:$0x6AF]  }
0x21c: {  	s0 =	smul.u32 $0x57619F1, s0;
	_ =	sdelay $0x1  }
0x21d: {  	[smem:$0x70D] =	sst s0;
	s0 =	spop (v2sf);
	s2 =	sadd.s32 s5, s2  }
0x21e: {  	s5 =	smulhi.u32 $0x57619F1, s0;
	[smem:$0x775] =	sst s2  }
0x21f: {  	s2 =	sld [smem:$0x6B1]  }
0x220: {  	[smem:$0x70E] =	sst s5  }
0x221: {  	s5 =	sld [smem:$0x6B2];
	_ =	sdelay $0x2  }
0x222: {  	s2 =	sadd.s32 s5, s2;
	s5 =	sld [smem:$0x6B4]  }
0x223: {  	[smem:$0x777] =	sst s2  }
0x224: {  	(v2sf) =	vpush v15, $0x1;
	s0 =	sshra.s32 s0, $0x1F;
	s2 =	sld [smem:$0x6B3]  }
0x225: {  	s0 =	smul.u32 $0x57619F1, s0;
	_ =	sdelay $0x1  }
0x226: {  	[smem:$0x70F] =	sst s0;
	s0 =	spop (v2sf);
	s2 =	sadd.s32 s5, s2  }
0x227: {  	s5 =	smulhi.u32 $0x57619F1, s0;
	[smem:$0x769] =	sst s2  }
0x228: {  	s2 =	sld [smem:$0x6B5]  }
0x229: {  	[smem:$0x710] =	sst s5  }
0x22a: {  	s5 =	sld [smem:$0x6B6];
	_ =	sdelay $0x2  }
0x22b: {  	s2 =	sadd.s32 s5, s2;
	s5 =	sld [smem:$0x6B8]  }
0x22c: {  	[smem:$0x77B] =	sst s2  }
0x22d: {  	(v2sf) =	vpush v15, $0x2;
	s0 =	sshra.s32 s0, $0x1F;
	s2 =	sld [smem:$0x6B7]  }
0x22e: {  	s0 =	smul.u32 $0x57619F1, s0;
	_ =	sdelay $0x1  }
0x22f: {  	[smem:$0x711] =	sst s0;
	s0 =	spop (v2sf);
	s2 =	sadd.s32 s5, s2  }
0x230: {  	s5 =	smulhi.u32 $0x57619F1, s0;
	[smem:$0x779] =	sst s2  }
0x231: {  	s2 =	sld [smem:$0x6B9]  }
0x232: {  	[smem:$0x712] =	sst s5  }
0x233: {  	s5 =	sld [smem:$0x6BA];
	_ =	sdelay $0x2  }
0x234: {  	s2 =	sadd.s32 s5, s2;
	s5 =	sld [smem:$0x6BC]  }
0x235: {  	[smem:$0x77C] =	sst s2  }
0x236: {  	(v2sf) =	vpush v15, $0x3;
	s0 =	sshra.s32 s0, $0x1F;
	s2 =	sld [smem:$0x6BB]  }
0x237: {  	s0 =	smul.u32 $0x57619F1, s0;
	_ =	sdelay $0x1  }
0x238: {  	[smem:$0x713] =	sst s0;
	s0 =	spop (v2sf);
	s2 =	sadd.s32 s5, s2  }
0x239: {  	s5 =	smulhi.u32 $0x57619F1, s0;
	[smem:$0x77E] =	sst s2  }
0x23a: {  	s2 =	sld [smem:$0x6BD]  }
0x23b: {  	[smem:$0x714] =	sst s5  }
0x23c: {  	s5 =	sld [smem:$0x6BE];
	_ =	sdelay $0x2  }
0x23d: {  	s2 =	sadd.s32 s5, s2;
	s5 =	sld [smem:$0x6C0]  }
0x23e: {  	[smem:$0x781] =	sst s2  }
0x23f: {  	(v2sf) =	vpush v15, $0x4;
	s0 =	sshra.s32 s0, $0x1F;
	s2 =	sld [smem:$0x6BF]  }
0x240: {  	s0 =	smul.u32 $0x57619F1, s0;
	_ =	sdelay $0x1  }
0x241: {  	[smem:$0x715] =	sst s0;
	s0 =	spop (v2sf);
	s2 =	sadd.s32 s5, s2  }
0x242: {  	s5 =	smulhi.u32 $0x57619F1, s0;
	[smem:$0x77F] =	sst s2  }
0x243: {  	s2 =	sld [smem:$0x6C1]  }
0x244: {  	[smem:$0x716] =	sst s5  }
0x245: {  	s5 =	sld [smem:$0x6C2];
	_ =	sdelay $0x2  }
0x246: {  	s2 =	sadd.s32 s5, s2;
	s5 =	sld [smem:$0x6C4]  }
0x247: {  	[smem:$0x783] =	sst s2  }
0x248: {  	(v2sf) =	vpush v15, $0x5;
	s0 =	sshra.s32 s0, $0x1F;
	s2 =	sld [smem:$0x6C3]  }
0x249: {  	s0 =	smul.u32 $0x57619F1, s0;
	_ =	sdelay $0x1  }
0x24a: {  	[smem:$0x717] =	sst s0;
	s0 =	spop (v2sf);
	s2 =	sadd.s32 s5, s2  }
0x24b: {  	s5 =	smulhi.u32 $0x57619F1, s0;
	[smem:$0x785] =	sst s2  }
0x24c: {  	s2 =	sld [smem:$0x6C5]  }
0x24d: {  	[smem:$0x718] =	sst s5  }
0x24e: {  	s5 =	sld [smem:$0x6C6];
	_ =	sdelay $0x2  }
0x24f: {  	s2 =	sadd.s32 s5, s2;
	s5 =	sld [smem:$0x6C8]  }
0x250: {  	[smem:$0x77A] =	sst s2  }
0x251: {  	(v2sf) =	vpush v15, $0x6;
	s0 =	sshra.s32 s0, $0x1F;
	s2 =	sld [smem:$0x6C7]  }
0x252: {  	s0 =	smul.u32 $0x57619F1, s0;
	_ =	sdelay $0x1  }
0x253: {  	[smem:$0x719] =	sst s0;
	s0 =	spop (v2sf);
	s2 =	sadd.s32 s5, s2  }
0x254: {  	s5 =	smulhi.u32 $0x57619F1, s0;
	[smem:$0x77D] =	sst s2  }
0x255: {  	s2 =	sld [smem:$0x6C9]  }
0x256: {  	[smem:$0x71A] =	sst s5  }
0x257: {  	s5 =	sld [smem:$0x6CA];
	_ =	sdelay $0x2  }
0x258: {  	s2 =	sadd.s32 s5, s2;
	s5 =	sld [smem:$0x6CC]  }
0x259: {  	[smem:$0x780] =	sst s2  }
0x25a: {  	(v2sf) =	vpush v15, $0x7;
	s0 =	sshra.s32 s0, $0x1F;
	s2 =	sld [smem:$0x6CB]  }
0x25b: {  	s0 =	smul.u32 $0x57619F1, s0;
	_ =	sdelay $0x1  }
0x25c: {  	[smem:$0x71B] =	sst s0;
	s0 =	spop (v2sf);
	s2 =	sadd.s32 s5, s2  }
0x25d: {  	s5 =	smulhi.u32 $0x57619F1, s0;
	[smem:$0x782] =	sst s2  }
0x25e: {  	s2 =	sld [smem:$0x6CD]  }
0x25f: {  	v0 =	vld [tilespmem:$0x140];
	[smem:$0x71C] =	sst s5  }
0x260: {  	s5 =	sld [smem:$0x6CE];
	_ =	sdelay $0x2  }
0x261: {  	s2 =	sadd.s32 s5, s2;
	s5 =	sld [smem:$0x6D0]  }
0x262: {  	v20 =	vadd.s32 $0xFFFFFFFD, v0;
	[smem:$0x784] =	sst s2  }
0x263: {  	(v2sf) =	vpush v20, $0xD;
	s0 =	sshra.s32 s0, $0x1F;
	s2 =	sld [smem:$0x6CF]  }
0x264: {  	s0 =	smul.u32 $0x57619F1, s0;
	_ =	sdelay $0x1  }
0x265: {  	[smem:$0x71D] =	sst s0;
	s0 =	spop (v2sf);
	s2 =	sadd.s32 s5, s2  }
0x266: {  	s5 =	smulhi.u32 $0x57619F1, s0;
	[smem:$0x786] =	sst s2  }
0x267: {  	s2 =	sld [smem:$0x6D1]  }
0x268: {  	[smem:$0x71E] =	sst s5  }
0x269: {  	s5 =	sld [smem:$0x6D2];
	_ =	sdelay $0x2  }
0x26a: {  	s2 =	sadd.s32 s5, s2;
	s5 =	sld [smem:$0x6D4]  }
0x26b: {  	[smem:$0x787] =	sst s2  }
0x26c: {  	(v2sf) =	vpush v20, $0xC;
	s0 =	sshra.s32 s0, $0x1F;
	s2 =	sld [smem:$0x6D3]  }
0x26d: {  	s0 =	smul.u32 $0x57619F1, s0;
	_ =	sdelay $0x1  }
0x26e: {  	[smem:$0x71F] =	sst s0;
	s0 =	spop (v2sf);
	s2 =	sadd.s32 s5, s2  }
0x26f: {  	s5 =	smulhi.u32 $0x57619F1, s0;
	[smem:$0x778] =	sst s2  }
0x270: {  	s2 =	sld [smem:$0x6D5]  }
0x271: {  	[smem:$0x720] =	sst s5  }
0x272: {  	s5 =	sld [smem:$0x6D6];
	_ =	sdelay $0x2  }
0x273: {  	s2 =	sadd.s32 s5, s2;
	s5 =	sld [smem:$0x6D8]  }
0x274: {  	[smem:$0x78A] =	sst s2  }
0x275: {  	(v2sf) =	vpush v20, $0xE;
	s0 =	sshra.s32 s0, $0x1F;
	s2 =	sld [smem:$0x6D7]  }
0x276: {  	s0 =	smul.u32 $0x57619F1, s0;
	_ =	sdelay $0x1  }
0x277: {  	[smem:$0x721] =	sst s0;
	s0 =	spop (v2sf);
	s2 =	sadd.s32 s5, s2  }
0x278: {  	s5 =	smulhi.u32 $0x57619F1, s0;
	[smem:$0x78B] =	sst s2  }
0x279: {  	s2 =	sld [smem:$0x6D9]  }
0x27a: {  	[smem:$0x722] =	sst s5  }
0x27b: {  	s5 =	sld [smem:$0x6DA];
	_ =	sdelay $0x2  }
0x27c: {  	s2 =	sadd.s32 s5, s2;
	s5 =	sld [smem:$0x6DC]  }
0x27d: {  	[smem:$0x78D] =	sst s2  }
0x27e: {  	(v2sf) =	vpush v20, $0xF;
	s0 =	sshra.s32 s0, $0x1F;
	s2 =	sld [smem:$0x6DB]  }
0x27f: {  	s0 =	smul.u32 $0x57619F1, s0;
	_ =	sdelay $0x1  }
0x280: {  	[smem:$0x723] =	sst s0;
	s0 =	spop (v2sf);
	s2 =	sadd.s32 s5, s2  }
0x281: {  	s5 =	smulhi.u32 $0x57619F1, s0;
	[smem:$0x78F] =	sst s2  }
0x282: {  	s2 =	sld [smem:$0x6DD]  }
0x283: {  	[smem:$0x724] =	sst s5  }
0x284: {  	s5 =	sld [smem:$0x6DE];
	_ =	sdelay $0x2  }
0x285: {  	s2 =	sadd.s32 s5, s2;
	s5 =	sld [smem:$0x6E0]  }
0x286: {  	[smem:$0x793] =	sst s2  }
0x287: {  	(v2sf) =	vpush v20, $0x9;
	s0 =	sshra.s32 s0, $0x1F;
	s2 =	sld [smem:$0x6DF]  }
0x288: {  	s0 =	smul.u32 $0x57619F1, s0;
	_ =	sdelay $0x1  }
0x289: {  	[smem:$0x725] =	sst s0;
	s0 =	spop (v2sf);
	s2 =	sadd.s32 s5, s2  }
0x28a: {  	s5 =	smulhi.u32 $0x57619F1, s0;
	[smem:$0x791] =	sst s2  }
0x28b: {  	s2 =	sld [smem:$0x6E1]  }
0x28c: {  	[smem:$0x726] =	sst s5  }
0x28d: {  	s5 =	sld [smem:$0x6E2];
	_ =	sdelay $0x2  }
0x28e: {  	s2 =	sadd.s32 s5, s2;
	s5 =	sld [smem:$0x6E4]  }
0x28f: {  	[smem:$0x795] =	sst s2  }
0x290: {  	(v2sf) =	vpush v20, $0x8;
	s0 =	sshra.s32 s0, $0x1F;
	s2 =	sld [smem:$0x6E3]  }
0x291: {  	s0 =	smul.u32 $0x57619F1, s0;
	_ =	sdelay $0x1  }
0x292: {  	[smem:$0x727] =	sst s0;
	s0 =	spop (v2sf);
	s2 =	sadd.s32 s5, s2  }
0x293: {  	s5 =	smulhi.u32 $0x57619F1, s0;
	[smem:$0x797] =	sst s2  }
0x294: {  	s2 =	sld [smem:$0x6E5]  }
0x295: {  	[smem:$0x728] =	sst s5  }
0x296: {  	s5 =	sld [smem:$0x6E6];
	_ =	sdelay $0x2  }
0x297: {  	s2 =	sadd.s32 s5, s2;
	s5 =	sld [smem:$0x6E8]  }
0x298: {  	[smem:$0x789] =	sst s2  }
0x299: {  	(v2sf) =	vpush v20, $0xA;
	s0 =	sshra.s32 s0, $0x1F;
	s2 =	sld [smem:$0x6E7]  }
0x29a: {  	s0 =	smul.u32 $0x57619F1, s0;
	_ =	sdelay $0x1  }
0x29b: {  	[smem:$0x729] =	sst s0;
	s0 =	spop (v2sf);
	s2 =	sadd.s32 s5, s2  }
0x29c: {  	s5 =	smulhi.u32 $0x57619F1, s0;
	[smem:$0x78C] =	sst s2  }
0x29d: {  	s2 =	sld [smem:$0x6E9]  }
0x29e: {  	[smem:$0x72A] =	sst s5  }
0x29f: {  	s5 =	sld [smem:$0x6EA]  }
0x2a0: {  	s18 =	sadd.s32 s24, s18  }
0x2a1: {  	[smem:$0x799] =	sst s18  }
0x2a2: {  	s2 =	sadd.s32 s5, s2;
	s5 =	sld [smem:$0x6EC]  }
0x2a3: {  	[smem:$0x78E] =	sst s2  }
0x2a4: {  	s24 =	sadd.s32 s21, s19;
	(v2sf) =	vpush v20, $0xB;
	s0 =	sshra.s32 s0, $0x1F;
	s2 =	sld [smem:$0x6EB]  }
0x2a5: {  	s22 =	sadd.s32 s23, s22;
	[smem:$0x79C] =	sst s24;
	s0 =	smul.u32 $0x57619F1, s0  }
0x2a6: {  	[smem:$0x79D] =	sst s22  }
0x2a7: {  	[smem:$0x72B] =	sst s0;
	s0 =	spop (v2sf);
	s2 =	sadd.s32 s5, s2  }
0x2a8: {  	s5 =	smulhi.u32 $0x57619F1, s0;
	[smem:$0x790] =	sst s2  }
0x2a9: {  	s2 =	sld [smem:$0x6ED]  }
0x2aa: {  	[smem:$0x72C] =	sst s5  }
0x2ab: {  	s23 =	sadd.s32 s25, s17;
	s5 =	sld [smem:$0x6EE]  }
0x2ac: {  	s25 =	sadd.s32 s11, s16;
	[smem:$0x7A1] =	sst s23  }
0x2ad: {  	[smem:$0x79F] =	sst s25  }
0x2ae: {  	s2 =	sadd.s32 s5, s2;
	s5 =	sld [smem:$0x6F0]  }
0x2af: {  	(v2sf) =	vpush v20, $0x0;
	[smem:$0x792] =	sst s2  }
0x2b0: {  	s26 =	sadd.s32 s8, s26;
	s0 =	sshra.s32 s0, $0x1F;
	s2 =	sld [smem:$0x6EF]  }
0x2b1: {  	s8 =	sadd.s32 s28, s9;
	[smem:$0x7A3] =	sst s26;
	s0 =	smul.u32 $0x57619F1, s0  }
0x2b2: {  	[smem:$0x7A5] =	sst s8  }
0x2b3: {  	[smem:$0x72D] =	sst s0;
	s0 =	spop (v2sf);
	s2 =	sadd.s32 s5, s2  }
0x2b4: {  	s5 =	smulhi.u32 $0x57619F1, s0;
	[smem:$0x794] =	sst s2  }
0x2b5: {  	s2 =	sld [smem:$0x6F1]  }
0x2b6: {  	[smem:$0x72E] =	sst s5  }
0x2b7: {  	s9 =	sadd.s32 s10, s7;
	(v2sf) =	vpush v20, $0x1;
	s5 =	sld [smem:$0x6F2]  }
0x2b8: {  	[smem:$0x79B] =	sst s9;
	s22 =	sadd.s32 s31, s29;
	(v2sf) =	vpush v20, $0x2  }
0x2b9: {  	[smem:$0x79E] =	sst s22  }
0x2ba: {  	s2 =	sadd.s32 s5, s2;
	s5 =	sld [smem:$0x6F4]  }
0x2bb: {  	(v2sf) =	vpush v20, $0x3;
	s0 =	sshra.s32 s0, $0x1F;
	[smem:$0x796] =	sst s2  }
0x2bc: {  	s0 =	smul.u32 $0x57619F1, s0;
	s2 =	sld [smem:$0x6F3]  }
0x2bd: {  	s23 =	sld [smem:$0x6F6]  }
0x2be: {  	(v2sf) =	vpush v20, $0x4;
	[smem:$0x72F] =	sst s0;
	s0 =	spop (v2sf)  }
0x2bf: {  	s25 =	sld [smem:$0x6F7];
	s2 =	sadd.s32 s5, s2;
	s5 =	smulhi.u32 $0x57619F1, s0  }
0x2c0: {  	s26 =	sld [smem:$0x6F8];
	(v2sf) =	vpush v20, $0x5  }
0x2c1: {  	[smem:$0x730] =	sst s5  }
0x2c2: {  	v17 =	vld [tilespmem:$0x50];
	(v2sf) =	vpush v20, $0x6;
	s5 =	sld [smem:$0x6F5]  }
0x2c3: {  	s28 =	sld [smem:$0x6F9]  }
0x2c4: {  	s31 =	sld [smem:$0x6FB];
	s0 =	sshra.s32 s0, $0x1F  }
0x2c5: {  	(v2sf) =	vpush v20, $0x7;
	[smem:$0x788] =	sst s2;
	s2 =	sadd.s32 s20, s5;
	s20 =	smul.u32 $0x57619F1, s0  }
0x2c6: {  	s5 =	spop (v2sf);
	[smem:$0x798] =	sst s2  }
0x2c7: {  	(v2sf) =	vpush v17, $0xD;
	s18 =	smulhi.u32 $0x57619F1, s5;
	s0 =	sshra.s32 s5, $0x1F;
	s5 =	spop (v2sf)  }
0x2c8: {  	s2 =	sadd.s32 s23, s30;
	s30 =	sld [smem:$0x6FA];
	s21 =	smul.u32 $0x57619F1, s0  }
0x2c9: {  	s23 =	sld [smem:$0x6FC];
	s19 =	smulhi.u32 $0x57619F1, s5  }
0x2ca: {  	s0 =	sshra.s32 s5, $0x1F;
	s24 =	spop (v2sf);
	[smem:$0x7A0] =	sst s2  }
0x2cb: {  	s2 =	sadd.s32 s26, s25;
	s26 =	sld [smem:$0x6FE];
	s17 =	smul.u32 $0x57619F1, s0  }
0x2cc: {  	s11 =	smulhi.u32 $0x57619F1, s24;
	s0 =	sshra.s32 s24, $0x1F;
	[smem:$0x7A2] =	sst s2  }
0x2cd: {  	s5 =	spop (v2sf);
	s2 =	sadd.s32 s6, s28;
	s28 =	sld [smem:$0x6FF]  }
0x2ce: {  	s16 =	smul.u32 $0x57619F1, s0;
	s0 =	sshra.s32 s5, $0x1F;
	[smem:$0x7A4] =	sst s2  }
0x2cf: {  	s10 =	spop (v2sf);
	s2 =	sadd.s32 s31, s30;
	s30 =	sld [smem:$0x700]  }
0x2d0: {  	s31 =	sld [smem:$0x701];
	s7 =	smul.u32 $0x57619F1, s0  }
0x2d1: {  	s9 =	smulhi.u32 $0x57619F1, s10;
	s0 =	sshra.s32 s10, $0x1F;
	s24 =	spop (v2sf)  }
0x2d2: {  	s18 =	sadd.s32 s21, s18;
	[smem:$0x7A6] =	sst s2;
	s0 =	smul.u32 $0x57619F1, s0  }
0x2d3: {  	[smem:$0x7BD] =	sst s18;
	s19 =	sadd.s32 s17, s19;
	s10 =	smulhi.u32 $0x57619F1, s24  }
0x2d4: {  	s29 =	spop (v2sf);
	[smem:$0x7BF] =	sst s19  }
0x2d5: {  	s22 =	smulhi.u32 $0x57619F1, s29;
	[smem:$0x731] =	sst s0;
	s0 =	sshra.s32 s24, $0x1F  }
0x2d6: {  	s25 =	spop (v2sf);
	s6 =	smul.u32 $0x57619F1, s0  }
0x2d7: {  	s24 =	sld [smem:$0x6FD];
	s0 =	sshra.s32 s29, $0x1F;
	s29 =	smulhi.u32 $0x57619F1, s25  }
0x2d8: {  	[smem:$0x732] =	sst s22  }
0x2d9: {  	[smem:$0x734] =	sst s29  }
0x2da: {  	s2 =	sadd.s32 s24, s23;
	s23 =	sld [smem:$0x702]  }
0x2db: {  	s0 =	smul.u32 $0x57619F1, s0;
	s24 =	sld [smem:$0x703]  }
0x2dc: {  	[smem:$0x7A7] =	sst s2  }
0x2dd: {  	[smem:$0x733] =	sst s0  }
0x2de: {  	(v2sf) =	vpush v17, $0xC;
	s2 =	sadd.s32 s28, s26;
	s26 =	sld [smem:$0x704]  }
0x2df: {  	s28 =	sld [smem:$0x705]  }
0x2e0: {  	[smem:$0x79A] =	sst s2  }
0x2e1: {  	s2 =	sadd.s32 s31, s30;
	s30 =	sld [smem:$0x706]  }
0x2e2: {  	(v2sf) =	vpush v17, $0xE;
	s31 =	sld [smem:$0x707]  }
0x2e3: {  	s0 =	sshra.s32 s25, $0x1F;
	[smem:$0x7AA] =	sst s2  }
0x2e4: {  	s0 =	smul.u32 $0x57619F1, s0;
	s2 =	sadd.s32 s24, s23;
	s23 =	sld [smem:$0x708]  }
0x2e5: {  	s24 =	sld [smem:$0x709]  }
0x2e6: {  	[smem:$0x735] =	sst s0  }
0x2e7: {  	[smem:$0x7AB] =	sst s2  }
0x2e8: {  	s2 =	sadd.s32 s28, s26;
	s26 =	sld [smem:$0x70A]  }
0x2e9: {  	s28 =	sld [smem:$0x70B]  }
0x2ea: {  	(v2sf) =	vpush v17, $0xF;
	[smem:$0x7AD] =	sst s2  }
0x2eb: {  	s2 =	sadd.s32 s31, s30;
	s30 =	sld [smem:$0x70C]  }
0x2ec: {  	s31 =	sld [smem:$0x70D]  }
0x2ed: {  	s22 =	spop (v2sf);
	[smem:$0x7AF] =	sst s2  }
0x2ee: {  	s25 =	smulhi.u32 $0x57619F1, s22;
	s2 =	sadd.s32 s24, s23;
	s23 =	sld [smem:$0x70E]  }
0x2ef: {  	s24 =	sld [smem:$0x70F]  }
0x2f0: {  	[smem:$0x736] =	sst s25  }
0x2f1: {  	s0 =	sshra.s32 s22, $0x1F;
	s29 =	spop (v2sf);
	[smem:$0x7B3] =	sst s2  }
0x2f2: {  	s0 =	smul.u32 $0x57619F1, s0;
	s2 =	sadd.s32 s28, s26;
	s26 =	sld [smem:$0x710]  }
0x2f3: {  	s22 =	smulhi.u32 $0x57619F1, s29;
	s28 =	sld [smem:$0x711]  }
0x2f4: {  	[smem:$0x737] =	sst s0  }
0x2f5: {  	(v2sf) =	vpush v17, $0x9;
	[smem:$0x738] =	sst s22  }
0x2f6: {  	[smem:$0x7B1] =	sst s2  }
0x2f7: {  	s2 =	sadd.s32 s31, s30;
	s30 =	sld [smem:$0x712]  }
0x2f8: {  	s31 =	sld [smem:$0x713]  }
0x2f9: {  	s25 =	spop (v2sf);
	s0 =	sshra.s32 s29, $0x1F;
	[smem:$0x7B5] =	sst s2  }
0x2fa: {  	s29 =	smulhi.u32 $0x57619F1, s25;
	s2 =	sadd.s32 s24, s23;
	s23 =	sld [smem:$0x714]  }
0x2fb: {  	s24 =	sld [smem:$0x715]  }
0x2fc: {  	[smem:$0x73A] =	sst s29  }
0x2fd: {  	[smem:$0x7B7] =	sst s2  }
0x2fe: {  	s0 =	smul.u32 $0x57619F1, s0;
	s2 =	sadd.s32 s28, s26;
	s26 =	sld [smem:$0x716]  }
0x2ff: {  	(v2sf) =	vpush v17, $0x8;
	s28 =	sld [smem:$0x717]  }
0x300: {  	[smem:$0x739] =	sst s0  }
0x301: {  	[smem:$0x7A9] =	sst s2  }
0x302: {  	s2 =	sadd.s32 s31, s30;
	s30 =	sld [smem:$0x718]  }
0x303: {  	s31 =	sld [smem:$0x719]  }
0x304: {  	(v2sf) =	vpush v17, $0xA;
	s22 =	spop (v2sf);
	s0 =	sshra.s32 s25, $0x1F;
	[smem:$0x7AC] =	sst s2  }
0x305: {  	(v2sf) =	vpush v17, $0xB;
	s25 =	smulhi.u32 $0x57619F1, s22;
	s2 =	sadd.s32 s24, s23;
	s23 =	sld [smem:$0x71A]  }
0x306: {  	s24 =	sld [smem:$0x71B]  }
0x307: {  	[smem:$0x73C] =	sst s25  }
0x308: {  	(v2sf) =	vpush v17, $0x0;
	[smem:$0x7AE] =	sst s2  }
0x309: {  	s0 =	smul.u32 $0x57619F1, s0;
	s2 =	sadd.s32 s28, s26;
	s26 =	sld [smem:$0x71C]  }
0x30a: {  	s28 =	sld [smem:$0x71D]  }
0x30b: {  	[smem:$0x73B] =	sst s0  }
0x30c: {  	[smem:$0x7B0] =	sst s2  }
0x30d: {  	s2 =	sadd.s32 s31, s30;
	s30 =	sld [smem:$0x71E]  }
0x30e: {  	(v2sf) =	vpush v17, $0x1;
	s29 =	spop (v2sf);
	s31 =	sld [smem:$0x71F]  }
0x30f: {  	s0 =	sshra.s32 s22, $0x1F;
	s22 =	smulhi.u32 $0x57619F1, s29;
	[smem:$0x7B2] =	sst s2  }
0x310: {  	s2 =	sadd.s32 s24, s23;
	s23 =	sld [smem:$0x721]  }
0x311: {  	s8 =	smulhi.u32 $0x57619F1, s5;
	[smem:$0x73E] =	sst s22  }
0x312: {  	s0 =	smul.u32 $0x57619F1, s0;
	[smem:$0x7B4] =	sst s2  }
0x313: {  	s25 =	spop (v2sf);
	s2 =	sadd.s32 s28, s26;
	s26 =	sld [smem:$0x723]  }
0x314: {  	s22 =	spop (v2sf);
	[smem:$0x73D] =	sst s0  }
0x315: {  	(v2sf) =	vpush v17, $0x2;
	s0 =	sshra.s32 s29, $0x1F;
	s29 =	smulhi.u32 $0x57619F1, s25;
	[smem:$0x7B6] =	sst s2  }
0x316: {  	s2 =	sadd.s32 s31, s30;
	s30 =	sld [smem:$0x725];
	s0 =	smul.u32 $0x57619F1, s0  }
0x317: {  	[smem:$0x740] =	sst s29;
	s29 =	spop (v2sf)  }
0x318: {  	[smem:$0x73F] =	sst s0;
	s0 =	sshra.s32 s25, $0x1F;
	s25 =	smulhi.u32 $0x57619F1, s22  }
0x319: {  	[smem:$0x7A8] =	sst s2;
	s5 =	smulhi.u32 $0x57619F1, s29  }
0x31a: {  	[smem:$0x742] =	sst s25  }
0x31b: {  	[smem:$0x744] =	sst s5  }
0x31c: {  	s0 =	smul.u32 $0x57619F1, s0;
	s25 =	sld [smem:$0x722]  }
0x31d: {  	s24 =	spop (v2sf);
	s5 =	sld [smem:$0x726]  }
0x31e: {  	s28 =	smulhi.u32 $0x57619F1, s24;
	[smem:$0x741] =	sst s0;
	s0 =	sshra.s32 s22, $0x1F  }
0x31f: {  	s22 =	sld [smem:$0x720];
	s0 =	smul.u32 $0x57619F1, s0  }
0x320: {  	[smem:$0x746] =	sst s28  }
0x321: {  	(v2sf) =	vpush v17, $0x3;
	[smem:$0x743] =	sst s0  }
0x322: {  	s0 =	sshra.s32 s29, $0x1F;
	s29 =	sld [smem:$0x724]  }
0x323: {  	s2 =	sadd.s32 s23, s22;
	s22 =	sld [smem:$0x727]  }
0x324: {  	(v2sf) =	vpush v17, $0x4;
	s31 =	spop (v2sf);
	[smem:$0x7BB] =	sst s2  }
0x325: {  	s23 =	smulhi.u32 $0x57619F1, s31;
	s2 =	sadd.s32 s26, s25;
	s25 =	sld [smem:$0x729]  }
0x326: {  	s0 =	smul.u32 $0x57619F1, s0;
	[smem:$0x7B8] =	sst s2  }
0x327: {  	(v2sf) =	vpush v17, $0x5;
	[smem:$0x747] =	sst s23  }
0x328: {  	[smem:$0x745] =	sst s0  }
0x329: {  	s0 =	sshra.s32 s24, $0x1F;
	s24 =	sld [smem:$0x728]  }
0x32a: {  	s2 =	sadd.s32 s30, s29;
	s29 =	sld [smem:$0x72A]  }
0x32b: {  	[smem:$0x7BC] =	sst s2  }
0x32c: {  	s30 =	smul.u32 $0x57619F1, s0;
	s0 =	sshra.s32 s31, $0x1F;
	s31 =	sld [smem:$0x72B]  }
0x32d: {  	[tilespmem:$0x1FFD0] =	vst v0;
	v0 =	vld [tilespmem:$0x150];
	s2 =	sadd.s32 s22, s5;
	s5 =	sld [smem:$0x72C]  }
0x32e: {  	(v2sf) =	vpush v17, $0x6;
	s22 =	sld [smem:$0x72D]  }
0x32f: {  	[smem:$0x7BE] =	sst s2  }
0x330: {  	(v2sf) =	vpush v17, $0x7;
	s26 =	spop (v2sf);
	s2 =	sadd.s32 s25, s24;
	s24 =	sld [smem:$0x72E]  }
0x331: {  	s28 =	smul.u32 $0x57619F1, s0;
	s0 =	sshra.s32 s26, $0x1F;
	[smem:$0x7C2] =	sst s2  }
0x332: {  	v24 =	vadd.s32 $0xFFFFFFFD, v0;
	s2 =	sadd.s32 s31, s29;
	s29 =	smulhi.u32 $0x57619F1, s26;
	s26 =	sld [smem:$0x72F]  }
0x333: {  	(v2sf) =	vpush v24, $0xD;
	s23 =	spop (v2sf);
	s31 =	sld [smem:$0x730]  }
0x334: {  	s25 =	smul.u32 $0x57619F1, s0;
	[smem:$0x7C0] =	sst s2  }
0x335: {  	(v2sf) =	vpush v24, $0xC;
	s2 =	sadd.s32 s22, s5;
	s22 =	sadd.s32 s16, s11;
	s11 =	sld [smem:$0x733]  }
0x336: {  	s0 =	sshra.s32 s23, $0x1F;
	s5 =	spop (v2sf);
	s16 =	sld [smem:$0x734]  }
0x337: {  	[smem:$0x7C4] =	sst s2;
	s2 =	sadd.s32 s26, s24;
	s26 =	smulhi.u32 $0x57619F1, s23  }
0x338: {  	[smem:$0x7C1] =	sst s22;
	s23 =	smul.u32 $0x57619F1, s0  }
0x339: {  	s24 =	smulhi.u32 $0x57619F1, s5;
	[smem:$0x7C6] =	sst s2  }
0x33a: {  	(v2sf) =	vpush v24, $0xE;
	s2 =	sadd.s32 s20, s31;
	s31 =	sadd.s32 s7, s8;
	s7 =	sld [smem:$0x731]  }
0x33b: {  	s0 =	sshra.s32 s5, $0x1F;
	s8 =	sadd.s32 s6, s10;
	s10 =	sld [smem:$0x732]  }
0x33c: {  	s21 =	smul.u32 $0x57619F1, s0;
	[smem:$0x7B9] =	sst s2  }
0x33d: {  	s20 =	spop (v2sf);
	[smem:$0x7C3] =	sst s31  }
0x33e: {  	s22 =	smulhi.u32 $0x57619F1, s20;
	[smem:$0x7C7] =	sst s8  }
0x33f: {  	s0 =	sshra.s32 s20, $0x1F;
	s5 =	spop (v2sf);
	s31 =	sld [smem:$0x735]  }
0x340: {  	s8 =	sld [smem:$0x737];
	s20 =	smul.u32 $0x57619F1, s0;
	s0 =	sshra.s32 s5, $0x1F  }
0x341: {  	(v2sf) =	vpush v24, $0xF;
	s2 =	sadd.s32 s7, s9;
	s18 =	smul.u32 $0x57619F1, s0;
	s7 =	sld [smem:$0x736]  }
0x342: {  	s9 =	spop (v2sf);
	[smem:$0x7C5] =	sst s2  }
0x343: {  	s17 =	smulhi.u32 $0x57619F1, s9;
	s0 =	sshra.s32 s9, $0x1F;
	s9 =	sld [smem:$0x738]  }
0x344: {  	s2 =	sadd.s32 s11, s10;
	s6 =	spop (v2sf);
	s10 =	sld [smem:$0x739]  }
0x345: {  	[smem:$0x7BA] =	sst s2;
	s2 =	sadd.s32 s31, s16;
	s16 =	smul.u32 $0x57619F1, s0  }
0x346: {  	s11 =	smulhi.u32 $0x57619F1, s6;
	s0 =	sshra.s32 s6, $0x1F;
	s6 =	sld [smem:$0x73A]  }
0x347: {  	[dreg:$0x1b] =	wrdreg s2  }
0x348: {  	s2 =	sadd.s32 s8, s7;
	s7 =	sld [smem:$0x73B]  }
0x349: {  	s31 =	spop (v2sf);
	s8 =	sld [smem:$0x73C]  }
0x34a: {  	[dreg:$0x1f] =	wrdreg s2;
	s2 =	sadd.s32 s10, s9;
	s10 =	smul.u32 $0x57619F1, s0  }
0x34b: {  	s9 =	smulhi.u32 $0x57619F1, s31;
	s0 =	sshra.s32 s31, $0x1F;
	s31 =	sld [smem:$0x73D]  }
0x34c: {  	[dreg:$0x1d] =	wrdreg s2  }
0x34d: {  	s2 =	sadd.s32 s7, s6;
	s7 =	sld [smem:$0x73E]  }
0x34e: {  	[dreg:$0x1c] =	wrdreg s2  }
0x34f: {  	s25 =	sadd.s32 s25, s29;
	s2 =	sadd.s32 s31, s8;
	s31 =	sld [smem:$0x73F]  }
0x350: {  	(v2sf) =	vpush v24, $0x9;
	[dreg:$0x17] =	wrdreg s25;
	s6 =	spop (v2sf)  }
0x351: {  	s8 =	smul.u32 $0x57619F1, s0;
	s0 =	sshra.s32 s6, $0x1F;
	[dreg:$0x1a] =	wrdreg s2  }
0x352: {  	s2 =	sadd.s32 s31, s7;
	s7 =	smulhi.u32 $0x57619F1, s6;
	s6 =	sld [smem:$0x740]  }
0x353: {  	(v2sf) =	vpush v24, $0x8;
	s31 =	sld [smem:$0x741]  }
0x354: {  	s19 =	smulhi.u32 $0x57619F1, s5;
	s5 =	sld [smem:$0x742]  }
0x355: {  	(v2sf) =	vpush v24, $0xA;
	[dreg:$0x1e] =	wrdreg s2  }
0x356: {  	s16 =	sadd.s32 s16, s17;
	s2 =	sadd.s32 s31, s6;
	s31 =	sld [smem:$0x743]  }
0x357: {  	(v2sf) =	vpush v24, $0xB;
	[dreg:$0x15] =	wrdreg s16  }
0x358: {  	[dreg:$0x18] =	wrdreg s2  }
0x359: {  	(v2sf) =	vpush v24, $0x0;
	s2 =	sadd.s32 s31, s5;
	s31 =	sld [smem:$0x745]  }
0x35a: {  	[dreg:$0x16] =	wrdreg s2  }
0x35b: {  	(v2sf) =	vpush v24, $0x1;
	s10 =	sadd.s32 s10, s11;
	s2 =	sld [smem:$0x744]  }
0x35c: {  	[dreg:$0x13] =	wrdreg s10;
	s8 =	sadd.s32 s8, s9  }
0x35d: {  	(v2sf) =	vpush v24, $0x2;
	[smem:$0x7C9] =	sst s8  }
0x35e: {  	(v2sf) =	vpush v24, $0x3;
	s2 =	sadd.s32 s31, s2;
	s31 =	sld [smem:$0x746]  }
0x35f: {  	s6 =	smul.u32 $0x57619F1, s0;
	s0 =	spop (v2sf)  }
0x360: {  	(v2sf) =	vpush v24, $0x4;
	s5 =	smulhi.u32 $0x57619F1, s0;
	[smem:$0x7C8] =	sst s2  }
0x361: {  	s0 =	sshra.s32 s0, $0x1F;
	s30 =	sadd.s32 s30, s31;
	s31 =	sld [smem:$0x747]  }
0x362: {  	s6 =	sadd.s32 s6, s7;
	s2 =	smul.u32 $0x57619F1, s0;
	s0 =	spop (v2sf)  }
0x363: {  	[dreg:$0x19] =	wrdreg s30;
	s30 =	smulhi.u32 $0x57619F1, s0;
	s0 =	sshra.s32 s0, $0x1F  }
0x364: {  	s0 =	smul.u32 $0x57619F1, s0;
	s31 =	sadd.s32 s28, s31;
	s28 =	spop (v2sf)  }
0x365: {  	[dreg:$0x12] =	wrdreg s6;
	(v2sf) =	vpush v24, $0x5;
	s25 =	smulhi.u32 $0x57619F1, s28;
	s28 =	sshra.s32 s28, $0x1F  }
0x366: {  	s29 =	sadd.s32 s23, s26;
	s26 =	spop (v2sf);
	s23 =	smul.u32 $0x57619F1, s28  }
0x367: {  	s28 =	sadd.s32 s21, s24;
	s21 =	smulhi.u32 $0x57619F1, s26;
	s24 =	sshra.s32 s26, $0x1F  }
0x368: {  	s26 =	sadd.s32 s20, s22;
	s22 =	spop (v2sf);
	s20 =	smul.u32 $0x57619F1, s24  }
0x369: {  	s24 =	sadd.s32 s18, s19;
	s18 =	smulhi.u32 $0x57619F1, s22;
	s22 =	sshra.s32 s22, $0x1F  }
0x36a: {  	s2 =	sadd.s32 s2, s5;
	s16 =	smul.u32 $0x57619F1, s22;
	s22 =	spop (v2sf)  }
0x36b: {  	[dreg:$0x11] =	wrdreg s2;
	s10 =	smulhi.u32 $0x57619F1, s22;
	s19 =	sshra.s32 s22, $0x1F  }
0x36c: {  	s0 =	sadd.s32 s0, s30;
	s22 =	spop (v2sf);
	s8 =	smul.u32 $0x57619F1, s19  }
0x36d: {  	[tilespmem:$0x1FFE0] =	vst v0;
	s17 =	sadd.s32 s23, s25;
	s11 =	spop (v2sf);
	[dreg:$0xc] =	wrdreg s0  }
0x36e: {  	s6 =	smulhi.u32 $0x57619F1, s22;
	s9 =	sshra.s32 s22, $0x1F;
	[dreg:$0xb] =	wrdreg s17  }
0x36f: {  	s20 =	sadd.s32 s20, s21;
	s2 =	smul.u32 $0x57619F1, s9;
	s19 =	spop (v2sf)  }
0x370: {  	[dreg:$0xa] =	wrdreg s20;
	s21 =	smulhi.u32 $0x57619F1, s19;
	s7 =	sshra.s32 s19, $0x1F  }
0x371: {  	s22 =	sadd.s32 s16, s18;
	s20 =	sld [smem:$0x748];
	s7 =	smul.u32 $0x57619F1, s7  }
0x372: {  	s0 =	smulhi.u32 $0x57619F1, s11;
	s5 =	sshra.s32 s11, $0x1F;
	s17 =	sld [smem:$0x749]  }
0x373: {  	s9 =	sld [smem:$0x74C];
	s8 =	sadd.s32 s8, s10;
	s16 =	sadd.s32 s7, s21  }
0x374: {  	s23 =	spop (v2sf);
	s11 =	sshra.s32 s20, $0x1F;
	[dreg:$0xd] =	wrdreg s16  }
0x375: {  	s25 =	smulhi.u32 $0x57619F1, s23;
	s30 =	sshra.s32 s23, $0x1F;
	s16 =	sld [smem:$0x74A]  }
0x376: {  	vm4 =	vcmask $0x300;
	s18 =	sshra.s32 s17, $0x5;
	v4 =	vmov s11;
	s10 =	smul.u32 $0x57619F1, s30;
	s30 =	sld [smem:$0x74B]  }
0x377: {  	vm9 =	vcmask $0x704;
	[dreg:$0x14] =	wrdreg s8;
	s23 =	sshra.s32 s17, $0x1F;
	v4 =	vsel vm4, s18, v4  }
0x378: {  	v4 =	vsel vm9, s23, v4;
	s19 =	sadd.s32 s10, s25;
	s10 =	sshra.s32 s9, $0x5;
	s21 =	sshrl.u32 s16, $0x1F  }
0x379: {  	s8 =	sshrl.u32 s30, $0x1F;
	v4 =	vsel vm1, s10, v4;
	s10 =	sld [smem:$0x74D];
	v5 =	vmov s21  }
0x37a: {  	v5 =	vsel vm1, s8, v5;
	s8 =	sld [smem:$0x74E]  }
0x37b: {  	s25 =	sshrl.u32 s17, $0x1F;
	[dreg:$0xe] =	wrdreg s19  }
0x37c: {  	s17 =	sshra.s32 s9, $0x1F;
	v10 =	vmov s25;
	s21 =	sld [smem:$0x74F];
	s18 =	sshrl.u32 s10, $0x1F  }
0x37d: {  	s11 =	sshrl.u32 s9, $0x1F;
	v4 =	vsel vm14, s17, v4;
	v10 =	vnsel vm4, $0x0, v10;
	s17 =	sld [smem:$0x750];
	v5 =	vsel vm2, s18, v5;
	s19 =	sshrl.u32 s8, $0x1F  }
0x37e: {  	s2 =	sadd.s32 s2, s6;
	v0 =	vsel vm0, s19, v5;
	v5 =	vsel vm1, s11, v10;
	s11 =	sld [smem:$0x752]  }
0x37f: {  	[dreg:$0x10] =	wrdreg s2;
	s2 =	sshra.s32 s30, $0x5  }
0x380: {  	s23 =	sshra.s32 s21, $0x5;
	s25 =	sshrl.u32 s21, $0x1F;
	s7 =	sshrl.u32 s17, $0x1F  }
0x381: {  	s30 =	sshra.s32 s21, $0x1F;
	v10 =	vmov s7;
	s7 =	sld [smem:$0x751];
	s18 =	sshrl.u32 s11, $0x1F  }
0x382: {  	s19 =	sshra.s32 s11, $0x5;
	s21 =	sshra.s32 s11, $0x1F;
	s11 =	sld [smem:$0x753]  }
0x383: {  	s5 =	smul.u32 $0x57619F1, s5;
	v5 =	vsel vm2, s25, v5;
	s25 =	sld [smem:$0x754]  }
0x384: {  	v4 =	vsel vm2, s23, v4;
	s9 =	sshrl.u32 s7, $0x1F;
	v5 =	vsel vm0, s18, v5;
	s18 =	sld [smem:$0x756]  }
0x385: {  	vm3 =	vmmov vm14;
	s0 =	sadd.s32 s5, s0;
	v4 =	vsel vm15, s30, v4;
	v10 =	vsel vm1, s9, v10;
	s9 =	sld [smem:$0x755];
	s23 =	sshrl.u32 s11, $0x1F  }
0x386: {  	vm14 =	vcmask $0x1F1C;
	v4 =	vsel vm0, s19, v4;
	s30 =	sshrl.u32 s25, $0x1F;
	v10 =	vsel vm2, s23, v10;
	s23 =	sshra.s32 s16, $0x5;
	s16 =	sld [smem:$0x757]  }
0x387: {  	vm6 =	vmmov vm12;
	[dreg:$0xf] =	wrdreg s0;
	v5 =	vsel vm11, s30, v5;
	v4 =	vsel vm14, s21, v4;
	s21 =	sshra.s32 s25, $0x5;
	s6 =	sshrl.u32 s18, $0x1F  }
0x388: {  	s10 =	sshra.s32 s10, $0x5;
	s25 =	sshra.s32 s25, $0x1F;
	v4 =	vsel vm11, s21, v4;
	s5 =	sshrl.u32 s9, $0x1F;
	v5 =	vsel vm12, s6, v5;
	vm12 =	vcmask $0x2724  }
0x389: {  	s19 =	sshrl.u32 s20, $0x1F;
	s21 =	sshra.s32 s18, $0x5;
	v48 =	vsel vm0, s5, v10;
	v4 =	vsel vm12, s25, v4;
	s30 =	sshrl.u32 s16, $0x1F  }
0x38a: {  	v10 =	vmov s23;
	s23 =	sshra.s32 s8, $0x5;
	s6 =	sshra.s32 s7, $0x5;
	v4 =	vsel vm6, s21, v4;
	s21 =	sld [smem:$0x758];
	v5 =	vsel vm13, s30, v5  }
0x38b: {  	vm7 =	vmmov vm11;
	vm11 =	vcmask $0x2F2C;
	s25 =	sshra.s32 s17, $0x5;
	s30 =	sshra.s32 s18, $0x1F;
	s18 =	sld [smem:$0x759];
	v47 =	vsel vm5, s19, v5  }
0x38c: {  	s7 =	sshra.s32 s11, $0x5;
	s8 =	sshra.s32 s16, $0x5;
	v5 =	vsel vm1, s2, v10;
	v10 =	vmov s25;
	v4 =	vsel vm11, s30, v4;
	s25 =	sld [smem:$0x75A]  }
0x38d: {  	s11 =	sshra.s32 s16, $0x1F;
	v5 =	vsel vm2, s10, v5;
	v4 =	vsel vm13, s8, v4;
	s10 =	sshra.s32 s9, $0x5;
	s9 =	sld [smem:$0x75B]  }
0x38e: {  	s17 =	sshra.s32 s20, $0x5;
	v27 =	vsel vm0, s23, v5;
	v5 =	vsel vm1, s6, v10;
	v10 =	vsel vm8, s11, v4;
	s11 =	sld [smem:$0x75C]  }
0x38f: {  	s16 =	sshra.s32 s21, $0x1F;
	s8 =	sld [smem:$0x75E];
	s19 =	sshrl.u32 s18, $0x1F;
	v5 =	vsel vm2, s7, v5  }
0x390: {  	s20 =	sshra.s32 s18, $0x5;
	s23 =	sshra.s32 s18, $0x1F;
	v4 =	vsel vm0, s10, v5;
	s10 =	sshrl.u32 s9, $0x1F  }
0x391: {  	v25 =	vmov s16;
	s5 =	sshra.s32 s9, $0x5;
	s9 =	sld [smem:$0x760];
	s16 =	sshra.s32 s11, $0x5  }
0x392: {  	v49 =	vsel vm5, s17, v10;
	v26 =	vmov s19;
	v5 =	vsel vm4, s20, v25;
	s17 =	sshrl.u32 s11, $0x1F;
	s18 =	sshra.s32 s11, $0x1F;
	s11 =	sld [smem:$0x75D]  }
0x393: {  	v13 =	vnsel vm4, $0x0, v26;
	v5 =	vsel vm9, s23, v5;
	s23 =	sld [smem:$0x75F]  }
0x394: {  	s30 =	sshrl.u32 s25, $0x1F;
	v10 =	vmov s10;
	v5 =	vsel vm1, s16, v5;
	v13 =	vsel vm1, s17, v13;
	s17 =	sld [smem:$0x761];
	s16 =	sshrl.u32 s9, $0x1F  }
0x395: {  	s0 =	sshra.s32 s25, $0x5;
	v10 =	vsel vm1, s30, v10;
	s19 =	sshrl.u32 s11, $0x1F;
	v28 =	vmov s16;
	s16 =	sld [smem:$0x762]  }
0x396: {  	s20 =	sshrl.u32 s8, $0x1F;
	v5 =	vsel vm3, s18, v5;
	s25 =	sshrl.u32 s23, $0x1F;
	s30 =	sshra.s32 s23, $0x5;
	v10 =	vsel vm2, s19, v10  }
0x397: {  	v5 =	vsel vm2, s30, v5;
	s18 =	sshrl.u32 s17, $0x1F;
	s30 =	sshra.s32 s17, $0x1F;
	v50 =	vsel vm0, s20, v10;
	s20 =	sld [smem:$0x763]  }
0x398: {  	v10 =	vsel vm2, s25, v13;
	s25 =	sshra.s32 s17, $0x5;
	s17 =	sld [smem:$0x764];
	s19 =	sshrl.u32 s16, $0x1F  }
0x399: {  	v13 =	vsel vm1, s19, v28;
	s19 =	sld [smem:$0x765]  }
0x39a: {  	s10 =	sshra.s32 s23, $0x1F  }
0x39b: {  	v5 =	vsel vm15, s10, v5;
	v10 =	vsel vm0, s18, v10;
	s23 =	sshrl.u32 s20, $0x1F;
	s10 =	sshrl.u32 s17, $0x1F  }
0x39c: {  	v10 =	vsel vm7, s23, v10;
	v13 =	vsel vm2, s10, v13;
	s10 =	sld [smem:$0x766];
	s18 =	sshrl.u32 s19, $0x1F  }
0x39d: {  	v10 =	vsel vm6, s18, v10;
	s18 =	sld [smem:$0x767];
	_ =	sdelay $0x2  }
0x39e: {  	vm10 =	vmmov vm13;
	v5 =	vsel vm0, s25, v5;
	s23 =	sshrl.u32 s10, $0x1F;
	s25 =	sshrl.u32 s18, $0x1F  }
0x39f: {  	v13 =	vsel vm0, s23, v13;
	s23 =	sshrl.u32 s21, $0x1F;
	v10 =	vsel vm10, s25, v10  }
0x3a0: {  	v10 =	vsel vm5, s23, v10  }
0x3a1: {  	s2 =	sshra.s32 s11, $0x5;
	v5 =	vsel vm14, s30, v5;
	s30 =	sshra.s32 s20, $0x5;
	[tilespmem:$0x1FEC0] =	vst v10;
	v10 =	vmov s5  }
0x3a2: {  	s11 =	sshra.s32 s9, $0x5;
	s20 =	sshra.s32 s20, $0x1F;
	v5 =	vsel vm7, s30, v5;
	s30 =	sshra.s32 s16, $0x5;
	v10 =	vsel vm1, s0, v10  }
0x3a3: {  	s25 =	sshra.s32 s8, $0x5;
	s23 =	sshra.s32 s21, $0x5;
	s21 =	sld [smem:$0x769];
	v10 =	vsel vm2, s2, v10  }
0x3a4: {  	v29 =	vmov s11;
	v5 =	vsel vm12, s20, v5;
	s8 =	sshra.s32 s19, $0x5;
	s2 =	sshra.s32 s10, $0x5;
	s10 =	sld [smem:$0x76A];
	v10 =	vsel vm0, s25, v10  }
0x3a5: {  	s16 =	sshra.s32 s17, $0x5;
	s17 =	sshra.s32 s19, $0x1F;
	v5 =	vsel vm6, s8, v5;
	s25 =	sld [smem:$0x768];
	[tilespmem:$0x1FE90] =	vst v10;
	v10 =	vsel vm1, s30, v29  }
0x3a6: {  	s19 =	sshra.s32 s18, $0x5;
	v5 =	vsel vm11, s17, v5;
	v10 =	vsel vm2, s16, v10;
	s16 =	sld [smem:$0x76B]  }
0x3a7: {  	vm13 =	vmmov vm8;
	s20 =	sshra.s32 s18, $0x1F;
	v5 =	vsel vm10, s19, v5;
	s30 =	sshra.s32 s21, $0x1F  }
0x3a8: {  	v5 =	vsel vm13, s20, v5;
	s6 =	sshrl.u32 s25, $0x1F;
	s0 =	sshra.s32 s25, $0x5;
	s25 =	sld [smem:$0x76D]  }
0x3a9: {  	s20 =	sld [smem:$0x76C];
	v5 =	vsel vm5, s23, v5;
	v30 =	vmov s30;
	s11 =	sshrl.u32 s10, $0x1F;
	s17 =	sshra.s32 s16, $0x5  }
0x3aa: {  	vm8 =	vmmov vm9;
	[tilespmem:$0x1FED0] =	vst v5;
	v10 =	vsel vm0, s2, v10;
	s18 =	sshrl.u32 s16, $0x1F;
	s19 =	sshra.s32 s16, $0x1F;
	s16 =	sld [smem:$0x76E];
	v5 =	vsel vm4, s17, v30  }
0x3ab: {  	[tilespmem:$0x1FEA0] =	vst v10;
	v10 =	vmov s11;
	v31 =	vmov s18;
	s30 =	sshra.s32 s25, $0x5;
	s18 =	sld [smem:$0x76F];
	v5 =	vsel vm8, s19, v5  }
0x3ac: {  	s23 =	sshrl.u32 s20, $0x1F;
	v10 =	vsel vm1, s6, v10;
	v5 =	vsel vm1, s30, v5;
	s30 =	sld [smem:$0x771]  }
0x3ad: {  	(v2sf) =	vpush v24, $0x6;
	[tilespmem:$0x1FE80] =	vst v13;
	s2 =	sshra.s32 s10, $0x5;
	s10 =	sshrl.u32 s25, $0x1F;
	v10 =	vsel vm2, s23, v10;
	v13 =	vnsel vm4, $0x0, v31;
	s17 =	sshrl.u32 s16, $0x1F  }
0x3ae: {  	s11 =	sshra.s32 s25, $0x1F;
	v13 =	vsel vm1, s10, v13;
	s19 =	sshrl.u32 s18, $0x1F;
	v10 =	vsel vm0, s17, v10  }
0x3af: {  	vm9 =	vmmov vm3;
	s5 =	sshra.s32 s16, $0x5;
	s10 =	sld [smem:$0x770];
	[tilespmem:$0x1FEB0] =	vst v10;
	v10 =	vsel vm2, s19, v13;
	s16 =	sshrl.u32 s30, $0x1F  }
0x3b0: {  	s7 =	sshra.s32 s20, $0x5;
	v5 =	vsel vm9, s11, v5;
	s20 =	sshra.s32 s18, $0x5;
	v10 =	vsel vm0, s16, v10;
	s16 =	sld [smem:$0x772]  }
0x3b1: {  	s23 =	sshra.s32 s18, $0x1F;
	v5 =	vsel vm2, s20, v5;
	s20 =	sld [smem:$0x773]  }
0x3b2: {  	s25 =	sshrl.u32 s10, $0x1F;
	v5 =	vsel vm15, s23, v5;
	s19 =	sshra.s32 s30, $0x5  }
0x3b3: {  	v32 =	vmov s25;
	v5 =	vsel vm0, s19, v5;
	s19 =	sld [smem:$0x775];
	s17 =	sshrl.u32 s16, $0x1F  }
0x3b4: {  	s18 =	sshrl.u32 s20, $0x1F;
	v13 =	vsel vm1, s17, v32;
	s17 =	sld [smem:$0x774]  }
0x3b5: {  	v10 =	vsel vm7, s18, v10;
	s18 =	sld [smem:$0x777]  }
0x3b6: {  	s23 =	sshra.s32 s30, $0x1F  }
0x3b7: {  	vm3 =	vmmov vm6;
	v5 =	vsel vm14, s23, v5;
	s23 =	sshra.s32 s20, $0x5;
	s30 =	sshrl.u32 s19, $0x1F;
	s25 =	sshrl.u32 s17, $0x1F  }
0x3b8: {  	s11 =	sld [smem:$0x776];
	v5 =	vsel vm7, s23, v5;
	v10 =	vsel vm3, s30, v10;
	s9 =	sshrl.u32 s18, $0x1F;
	v13 =	vsel vm2, s25, v13;
	s25 =	sshra.s32 s20, $0x1F  }
0x3b9: {  	s6 =	sshra.s32 s16, $0x5;
	s16 =	sshra.s32 s19, $0x5;
	s30 =	sshrl.u32 s21, $0x1F;
	v10 =	vsel vm10, s9, v10;
	v5 =	vsel vm12, s25, v5  }
0x3ba: {  	s10 =	sshra.s32 s10, $0x5;
	s9 =	sld [smem:$0x77C];
	v45 =	vsel vm5, s30, v10;
	v10 =	vmov s2;
	s20 =	sshra.s32 s19, $0x1F;
	v5 =	vsel vm3, s16, v5  }
0x3bb: {  	s8 =	sshrl.u32 s11, $0x1F;
	v33 =	vmov s10;
	v10 =	vsel vm1, s0, v10;
	v5 =	vsel vm11, s20, v5;
	s20 =	sld [smem:$0x778]  }
0x3bc: {  	s10 =	spop (v2sf);
	s19 =	sld [smem:$0x77A];
	v54 =	vsel vm0, s8, v13;
	s8 =	sshra.s32 s17, $0x5;
	v10 =	vsel vm2, s7, v10;
	v13 =	vsel vm1, s6, v33  }
0x3bd: {  	s17 =	sshra.s32 s11, $0x5;
	s11 =	smulhi.u32 $0x57619F1, s10;
	s7 =	sshra.s32 s10, $0x1F;
	v60 =	vsel vm0, s5, v10;
	v10 =	vsel vm2, s8, v13  }
0x3be: {  	s10 =	sld [smem:$0x77D];
	v62 =	vsel vm0, s17, v10;
	s17 =	smul.u32 $0x57619F1, s7;
	s16 =	sshra.s32 s20, $0x1F  }
0x3bf: {  	v10 =	vmov s16;
	s16 =	sld [smem:$0x779]  }
0x3c0: {  	s23 =	sshra.s32 s18, $0x5;
	s8 =	sld [smem:$0x77B];
	s0 =	sadd.s32 s17, s11  }
0x3c1: {  	s30 =	sshra.s32 s21, $0x5;
	s25 =	sshra.s32 s18, $0x1F;
	v5 =	vsel vm10, s23, v5;
	[smem:$0x7CA] =	sst s0  }
0x3c2: {  	s21 =	sshra.s32 s19, $0x5;
	v5 =	vsel vm13, s25, v5;
	s0 =	sld [smem:$0x77E];
	s18 =	sshrl.u32 s16, $0x1F  }
0x3c3: {  	s25 =	sshra.s32 s19, $0x1F;
	v56 =	vsel vm5, s30, v5;
	s30 =	sshrl.u32 s8, $0x1F;
	v10 =	vsel vm4, s21, v10;
	v5 =	vmov s18  }
0x3c4: {  	s7 =	sshrl.u32 s9, $0x1F;
	s23 =	sshrl.u32 s19, $0x1F;
	s11 =	sshra.s32 s10, $0x5;
	v10 =	vsel vm8, s25, v10;
	v5 =	vsel vm1, s30, v5  }
0x3c5: {  	v34 =	vmov s23;
	s23 =	sld [smem:$0x780];
	s19 =	sshrl.u32 s0, $0x1F;
	v10 =	vsel vm1, s11, v10;
	s18 =	sshra.s32 s10, $0x1F;
	v5 =	vsel vm2, s7, v5  }
0x3c6: {  	s17 =	sshrl.u32 s10, $0x1F;
	v13 =	vnsel vm4, $0x0, v34;
	v10 =	vsel vm9, s18, v10;
	s18 =	sld [smem:$0x782];
	v5 =	vsel vm0, s19, v5  }
0x3c7: {  	[tilespmem:$0x1FEE0] =	vst v5;
	v5 =	vsel vm1, s17, v13;
	s17 =	sld [smem:$0x77F]  }
0x3c8: {  	s25 =	sshrl.u32 s23, $0x1F;
	s10 =	sld [smem:$0x781]  }
0x3c9: {  	s19 =	sshrl.u32 s18, $0x1F;
	v5 =	vsel vm2, s25, v5  }
0x3ca: {  	v5 =	vsel vm0, s19, v5;
	s19 =	sld [smem:$0x784];
	s21 =	sshrl.u32 s17, $0x1F  }
0x3cb: {  	s30 =	sshra.s32 s23, $0x5;
	s11 =	sshrl.u32 s10, $0x1F;
	v35 =	vmov s21  }
0x3cc: {  	v10 =	vsel vm2, s30, v10;
	s7 =	sshra.s32 s23, $0x1F;
	s30 =	sshra.s32 s18, $0x1F;
	v13 =	vsel vm1, s11, v35;
	s11 =	sld [smem:$0x783]  }
0x3cd: {  	s25 =	sshra.s32 s18, $0x5;
	s18 =	sld [smem:$0x786];
	s23 =	sshrl.u32 s19, $0x1F  }
0x3ce: {  	v5 =	vsel vm7, s23, v5;
	s23 =	sshra.s32 s16, $0x5;
	s16 =	sld [smem:$0x787]  }
0x3cf: {  	v10 =	vsel vm15, s7, v10;
	s21 =	sshrl.u32 s11, $0x1F  }
0x3d0: {  	v10 =	vsel vm0, s25, v10;
	v13 =	vsel vm2, s21, v13;
	s21 =	sshrl.u32 s18, $0x1F  }
0x3d1: {  	s8 =	sshra.s32 s8, $0x5;
	v10 =	vsel vm14, s30, v10;
	s30 =	sshra.s32 s19, $0x5;
	s25 =	sshrl.u32 s16, $0x1F;
	v5 =	vsel vm3, s21, v5  }
0x3d2: {  	s7 =	sld [smem:$0x785];
	s19 =	sshra.s32 s19, $0x1F;
	v10 =	vsel vm7, s30, v10;
	s21 =	sshrl.u32 s20, $0x1F;
	v5 =	vsel vm10, s25, v5  }
0x3d3: {  	s30 =	sshra.s32 s18, $0x5;
	v36 =	vmov s23;
	v10 =	vsel vm12, s19, v10;
	s19 =	sld [smem:$0x788];
	s25 =	sshra.s32 s17, $0x5;
	v5 =	vsel vm5, s21, v5  }
0x3d4: {  	s23 =	sshra.s32 s9, $0x5;
	s9 =	sshra.s32 s10, $0x5;
	v37 =	vmov s25;
	s25 =	sld [smem:$0x789];
	[tilespmem:$0x1FF10] =	vst v5;
	v5 =	vsel vm1, s8, v36  }
0x3d5: {  	s10 =	sshra.s32 s18, $0x1F;
	v10 =	vsel vm3, s30, v10;
	s11 =	sshra.s32 s11, $0x5;
	s8 =	sshra.s32 s0, $0x5;
	v5 =	vsel vm2, s23, v5  }
0x3d6: {  	v10 =	vsel vm11, s10, v10;
	s10 =	sld [smem:$0x78A];
	s18 =	sshra.s32 s19, $0x1F;
	s17 =	sshra.s32 s16, $0x5;
	v46 =	vsel vm0, s8, v5;
	v5 =	vsel vm1, s9, v37  }
0x3d7: {  	v38 =	vmov s18;
	v10 =	vsel vm10, s17, v10;
	s21 =	sshra.s32 s7, $0x5;
	s23 =	sshra.s32 s16, $0x1F;
	s30 =	sshra.s32 s25, $0x5;
	v5 =	vsel vm2, s11, v5  }
0x3d8: {  	s17 =	sld [smem:$0x78C];
	s9 =	sshra.s32 s25, $0x1F;
	v41 =	vsel vm0, s21, v5;
	v5 =	vsel vm13, s23, v10;
	v10 =	vsel vm4, s30, v38  }
0x3d9: {  	v10 =	vsel vm8, s9, v10;
	s9 =	sld [smem:$0x78B]  }
0x3da: {  	s0 =	sld [smem:$0x78F]  }
0x3db: {  	s6 =	sshrl.u32 s7, $0x1F;
	s7 =	sshra.s32 s20, $0x5;
	s23 =	sld [smem:$0x78E]  }
0x3dc: {  	s8 =	sshrl.u32 s25, $0x1F;
	s18 =	sshra.s32 s17, $0x5;
	v5 =	vsel vm5, s7, v5;
	s16 =	sshrl.u32 s9, $0x1F  }
0x3dd: {  	s5 =	sshra.s32 s10, $0x5;
	s7 =	sshra.s32 s17, $0x1F;
	[tilespmem:$0x1FF20] =	vst v5;
	v5 =	vmov s8;
	v10 =	vsel vm1, s18, v10;
	v42 =	vmov s16;
	s16 =	sld [smem:$0x790]  }
0x3de: {  	s20 =	sshrl.u32 s17, $0x1F;
	s8 =	sld [smem:$0x78D];
	v5 =	vnsel vm4, $0x0, v5;
	v10 =	vsel vm9, s7, v10;
	s30 =	sshra.s32 s23, $0x5  }
0x3df: {  	s11 =	sshrl.u32 s10, $0x1F;
	s25 =	sshrl.u32 s23, $0x1F;
	s10 =	sshra.s32 s23, $0x1F;
	v5 =	vsel vm1, s20, v5;
	v10 =	vsel vm2, s30, v10  }
0x3e0: {  	v13 =	vsel vm0, s6, v13;
	v5 =	vsel vm2, s25, v5;
	v10 =	vsel vm15, s10, v10;
	s10 =	sld [smem:$0x792];
	s17 =	sshrl.u32 s16, $0x1F  }
0x3e1: {  	[tilespmem:$0x1FEF0] =	vst v13;
	s21 =	sshrl.u32 s8, $0x1F;
	v13 =	vsel vm1, s11, v42;
	v5 =	vsel vm0, s17, v5;
	s17 =	sld [smem:$0x791]  }
0x3e2: {  	s11 =	sshrl.u32 s0, $0x1F;
	v13 =	vsel vm2, s21, v13  }
0x3e3: {  	v13 =	vsel vm0, s11, v13;
	s20 =	sshrl.u32 s10, $0x1F;
	s11 =	sld [smem:$0x793]  }
0x3e4: {  	v5 =	vsel vm7, s20, v5;
	s20 =	sld [smem:$0x794];
	s18 =	sshrl.u32 s17, $0x1F  }
0x3e5: {  	s21 =	sshra.s32 s16, $0x5;
	v43 =	vmov s18;
	s18 =	sld [smem:$0x796]  }
0x3e6: {  	s23 =	sshra.s32 s16, $0x1F;
	s16 =	sld [smem:$0x795];
	v10 =	vsel vm0, s21, v10;
	s21 =	sshra.s32 s10, $0x5  }
0x3e7: {  	v10 =	vsel vm14, s23, v10;
	s23 =	sshra.s32 s10, $0x1F;
	s10 =	sld [smem:$0x797];
	s30 =	sshrl.u32 s20, $0x1F  }
0x3e8: {  	s9 =	sshra.s32 s9, $0x5;
	s25 =	sshrl.u32 s11, $0x1F;
	v5 =	vsel vm3, s30, v5;
	s7 =	sshrl.u32 s18, $0x1F  }
0x3e9: {  	s6 =	sshrl.u32 s16, $0x1F;
	s17 =	sshra.s32 s17, $0x5;
	s30 =	sshrl.u32 s19, $0x1F;
	v5 =	vsel vm10, s7, v5  }
0x3ea: {  	[tilespmem:$0x1FF30] =	vst v13;
	v10 =	vsel vm7, s21, v10;
	s21 =	sshra.s32 s20, $0x5;
	v13 =	vsel vm1, s25, v43;
	s25 =	sshrl.u32 s10, $0x1F;
	s7 =	sshra.s32 s16, $0x5;
	v5 =	vsel vm5, s30, v5  }
0x3eb: {  	s16 =	sld [smem:$0x798];
	[tilespmem:$0x1FF40] =	vst v5;
	v5 =	vsel vm12, s23, v10;
	s23 =	sshra.s32 s8, $0x5;
	s8 =	sshra.s32 s18, $0x5  }
0x3ec: {  	v44 =	vmov s17;
	v10 =	vmov s9;
	s9 =	sshra.s32 s10, $0x5;
	s10 =	sshra.s32 s18, $0x1F;
	s18 =	sld [smem:$0x799]  }
0x3ed: {  	v13 =	vsel vm2, s6, v13;
	s30 =	sshra.s32 s20, $0x1F;
	v5 =	vsel vm3, s21, v5;
	v10 =	vsel vm1, s5, v10;
	s21 =	sld [smem:$0x79A]  }
0x3ee: {  	v42 =	vsel vm0, s25, v13;
	s25 =	sshra.s32 s11, $0x5;
	v5 =	vsel vm11, s30, v5;
	v10 =	vsel vm2, s23, v10;
	s23 =	sld [smem:$0x79B]  }
0x3ef: {  	s0 =	sshra.s32 s0, $0x5;
	s11 =	sshra.s32 s19, $0x5;
	v13 =	vsel vm1, s25, v44;
	v5 =	vsel vm10, s8, v5  }
0x3f0: {  	v13 =	vsel vm2, s7, v13;
	s17 =	sshrl.u32 s16, $0x1F;
	v44 =	vsel vm0, s0, v10;
	s19 =	sshrl.u32 s18, $0x1F;
	v5 =	vsel vm13, s10, v5;
	s20 =	sshra.s32 s21, $0x1F  }
0x3f1: {  	s5 =	sshra.s32 s16, $0x5;
	s16 =	sld [smem:$0x79C];
	v53 =	vsel vm5, s11, v5;
	v5 =	vmov s19;
	v10 =	vmov s20;
	s30 =	sshra.s32 s23, $0x5  }
0x3f2: {  	v58 =	vsel vm0, s9, v13;
	s9 =	sshra.s32 s23, $0x1F;
	v5 =	vsel vm1, s17, v5;
	v10 =	vsel vm4, s30, v10;
	s17 =	sld [smem:$0x79E]  }
0x3f3: {  	v10 =	vsel vm8, s9, v10;
	s9 =	sld [smem:$0x79D];
	_ =	sdelay $0x1  }
0x3f4: {  	s0 =	sld [smem:$0x7A3];
	s10 =	sshrl.u32 s16, $0x1F;
	s25 =	sshrl.u32 s23, $0x1F  }
0x3f5: {  	v52 =	vmov s25;
	s25 =	sld [smem:$0x7A0];
	v5 =	vsel vm2, s10, v5;
	s19 =	sshra.s32 s17, $0x5;
	s11 =	sshrl.u32 s9, $0x1F  }
0x3f6: {  	s20 =	sshra.s32 s17, $0x1F;
	v10 =	vsel vm1, s19, v10;
	v5 =	vsel vm0, s11, v5;
	s11 =	sld [smem:$0x79F]  }
0x3f7: {  	s2 =	sshra.s32 s18, $0x5;
	v10 =	vsel vm9, s20, v10;
	s20 =	sld [smem:$0x7A2]  }
0x3f8: {  	s6 =	sshra.s32 s16, $0x5;
	v13 =	vnsel vm4, $0x0, v52;
	s18 =	sshrl.u32 s17, $0x1F;
	s17 =	sld [smem:$0x7A1]  }
0x3f9: {  	s16 =	sld [smem:$0x7A7];
	s30 =	sshrl.u32 s25, $0x1F;
	s19 =	sshra.s32 s25, $0x5;
	[tilespmem:$0x1FF50] =	vst v5;
	v5 =	vsel vm1, s18, v13  }
0x3fa: {  	v10 =	vsel vm2, s19, v10;
	s19 =	sld [smem:$0x7A4];
	v5 =	vsel vm2, s30, v5;
	s23 =	sshrl.u32 s11, $0x1F;
	s18 =	sshrl.u32 s20, $0x1F  }
0x3fb: {  	s10 =	sshrl.u32 s17, $0x1F;
	v59 =	vmov s23;
	v5 =	vsel vm0, s18, v5;
	s23 =	sshra.s32 s25, $0x1F;
	s18 =	sld [smem:$0x7A6]  }
0x3fc: {  	s25 =	sshrl.u32 s0, $0x1F;
	v13 =	vsel vm1, s10, v59;
	v10 =	vsel vm15, s23, v10;
	s10 =	sld [smem:$0x7A5];
	s23 =	sshra.s32 s20, $0x5  }
0x3fd: {  	s30 =	sshrl.u32 s19, $0x1F;
	v13 =	vsel vm2, s25, v13;
	v10 =	vsel vm0, s23, v10;
	s25 =	sshra.s32 s20, $0x1F  }
0x3fe: {  	v5 =	vsel vm7, s30, v5;
	s20 =	sshra.s32 s19, $0x5;
	s8 =	sshrl.u32 s18, $0x1F;
	v10 =	vsel vm14, s25, v10  }
0x3ff: {  	v61 =	vmov s2;
	s30 =	sshrl.u32 s16, $0x1F;
	s25 =	sshra.s32 s19, $0x1F;
	s7 =	sshrl.u32 s10, $0x1F;
	v5 =	vsel vm3, s8, v5;
	v10 =	vsel vm7, s20, v10  }
0x400: {  	s8 =	sshra.s32 s10, $0x5;
	s10 =	sshra.s32 s18, $0x5;
	v13 =	vsel vm0, s7, v13;
	v5 =	vsel vm10, s30, v5;
	s30 =	sshrl.u32 s21, $0x1F;
	v10 =	vsel vm12, s25, v10  }
0x401: {  	s23 =	sshra.s32 s11, $0x5;
	s11 =	sshra.s32 s18, $0x1F;
	s18 =	sld [smem:$0x7A8];
	[tilespmem:$0x1FF60] =	vst v13;
	v13 =	vsel vm1, s5, v61;
	v5 =	vsel vm5, s30, v5;
	v10 =	vsel vm3, s10, v10  }
0x402: {  	s2 =	sshra.s32 s9, $0x5;
	[tilespmem:$0x1FF70] =	vst v5;
	v5 =	vsel vm2, s6, v13;
	v10 =	vsel vm11, s11, v10;
	s11 =	sld [smem:$0x7AA]  }
0x403: {  	s0 =	sshra.s32 s0, $0x5;
	v52 =	vsel vm0, s2, v5;
	v5 =	vmov s23;
	s23 =	sld [smem:$0x7A9]  }
0x404: {  	s20 =	sshra.s32 s16, $0x1F;
	s7 =	sshra.s32 s17, $0x5;
	s19 =	sshra.s32 s18, $0x1F  }
0x405: {  	s17 =	sshra.s32 s16, $0x5;
	s21 =	sshra.s32 s21, $0x5;
	v63 =	vmov s19;
	s19 =	sld [smem:$0x7AC];
	v5 =	vsel vm1, s7, v5  }
0x406: {  	(v2sf) =	vpush v24, $0x7;
	s16 =	sld [smem:$0x7AB];
	v10 =	vsel vm10, s17, v10;
	v5 =	vsel vm2, s0, v5;
	s9 =	sshrl.u32 s11, $0x1F;
	s25 =	sshra.s32 s23, $0x5  }
0x407: {  	s2 =	sshra.s32 s11, $0x5;
	s11 =	sld [smem:$0x7AE];
	s10 =	sshra.s32 s23, $0x1F;
	v59 =	vsel vm0, s8, v5;
	v5 =	vsel vm13, s20, v10;
	v13 =	vsel vm4, s25, v63  }
0x408: {  	s30 =	sshrl.u32 s23, $0x1F;
	s20 =	sshra.s32 s19, $0x5;
	v5 =	vsel vm5, s21, v5;
	s25 =	sld [smem:$0x7AD];
	v10 =	vsel vm8, s10, v13  }
0x409: {  	s23 =	sshra.s32 s19, $0x1F;
	[tilespmem:$0x1FF80] =	vst v5;
	v5 =	vmov s30;
	v10 =	vsel vm1, s20, v10;
	s20 =	sld [smem:$0x7AF]  }
0x40a: {  	s17 =	sshrl.u32 s16, $0x1F;
	s21 =	sshrl.u32 s19, $0x1F;
	v5 =	vnsel vm4, $0x0, v5;
	v10 =	vsel vm9, s23, v10;
	s23 =	sld [smem:$0x7B0]  }
0x40b: {  	s5 =	sshra.s32 s16, $0x5;
	v18 =	vmov s17;
	s16 =	sshra.s32 s11, $0x5;
	s17 =	sshrl.u32 s11, $0x1F;
	v5 =	vsel vm1, s21, v5  }
0x40c: {  	v13 =	vsel vm1, s9, v18;
	s19 =	sshra.s32 s11, $0x1F;
	s30 =	sshrl.u32 s25, $0x1F;
	v10 =	vsel vm2, s16, v10;
	v5 =	vsel vm2, s17, v5;
	s17 =	sld [smem:$0x7B1]  }
0x40d: {  	v13 =	vsel vm2, s30, v13;
	s21 =	sshrl.u32 s20, $0x1F;
	v10 =	vsel vm15, s19, v10;
	s19 =	sld [smem:$0x7B2];
	s30 =	sshra.s32 s23, $0x5  }
0x40e: {  	s6 =	sshra.s32 s20, $0x5;
	s20 =	sld [smem:$0x7B4];
	s11 =	sshra.s32 s23, $0x1F;
	v10 =	vsel vm0, s30, v10  }
0x40f: {  	s8 =	sshra.s32 s25, $0x5;
	s16 =	sshrl.u32 s17, $0x1F;
	v10 =	vsel vm14, s11, v10;
	s11 =	sld [smem:$0x7B3]  }
0x410: {  	s25 =	sshrl.u32 s23, $0x1F;
	v21 =	vmov s16;
	s30 =	sshra.s32 s19, $0x5;
	s16 =	sld [smem:$0x7B5]  }
0x411: {  	v63 =	vsel vm0, s21, v13;
	v5 =	vsel vm0, s25, v5;
	s21 =	sshrl.u32 s19, $0x1F;
	s0 =	sshra.s32 s19, $0x1F;
	s19 =	sld [smem:$0x7B6];
	v10 =	vsel vm7, s30, v10  }
0x412: {  	s17 =	sshra.s32 s17, $0x5;
	s25 =	sshrl.u32 s20, $0x1F;
	v5 =	vsel vm7, s21, v5;
	v10 =	vsel vm12, s0, v10;
	s0 =	sld [smem:$0x7B7]  }
0x413: {  	s30 =	sshra.s32 s20, $0x5;
	v5 =	vsel vm3, s25, v5;
	s25 =	sshrl.u32 s18, $0x1F;
	s23 =	sshrl.u32 s11, $0x1F  }
0x414: {  	vm6 =	vmmov vm10;
	s10 =	sshrl.u32 s16, $0x1F;
	s21 =	sshrl.u32 s19, $0x1F;
	s11 =	sshra.s32 s11, $0x5;
	v13 =	vsel vm1, s23, v21  }
0x415: {  	v23 =	vmov s17;
	s9 =	sshra.s32 s19, $0x1F;
	v5 =	vsel vm6, s21, v5;
	s21 =	sshra.s32 s20, $0x1F;
	v13 =	vsel vm2, s10, v13;
	s23 =	sshrl.u32 s0, $0x1F  }
0x416: {  	v39 =	vsel vm5, s25, v5;
	v5 =	vsel vm3, s30, v10;
	v10 =	vmov s5;
	s30 =	spop (v2sf);
	s17 =	sshra.s32 s0, $0x5;
	s0 =	sld [smem:$0x7BE]  }
0x417: {  	v37 =	vsel vm0, s23, v13;
	s23 =	sshra.s32 s16, $0x5;
	v10 =	vsel vm1, s2, v10;
	s16 =	sshra.s32 s30, $0x1F;
	s2 =	sld [smem:$0x7BB]  }
0x418: {  	s25 =	sshra.s32 s19, $0x5;
	v13 =	vsel vm1, s11, v23;
	s19 =	smul.u32 $0x57619F1, s16;
	s16 =	sld [smem:$0x7B8]  }
0x419: {  	v5 =	vsel vm11, s21, v5;
	v13 =	vsel vm2, s23, v13;
	s23 =	sld [smem:$0x7BA]  }
0x41a: {  	s21 =	sld [smem:$0x7B9];
	v5 =	vsel vm6, s25, v5  }
0x41b: {  	s18 =	sshra.s32 s18, $0x5;
	v5 =	vsel vm13, s9, v5;
	v32 =	vsel vm0, s17, v13;
	s17 =	sld [smem:$0x7BD];
	s20 =	sshrl.u32 s16, $0x1F  }
0x41c: {  	s11 =	smulhi.u32 $0x57619F1, s30;
	v10 =	vsel vm2, s8, v10;
	v38 =	vsel vm5, s18, v5;
	s8 =	sshrl.u32 s2, $0x1F;
	s30 =	sshra.s32 s23, $0x1F;
	v5 =	vmov s20  }
0x41d: {  	vm10 =	vmmov vm4;
	s25 =	sshrl.u32 s21, $0x1F;
	s9 =	sshra.s32 s21, $0x5;
	v25 =	vmov s30;
	v5 =	vsel vm1, s8, v5;
	s8 =	sld [smem:$0x7BC]  }
0x41e: {  	s10 =	sshra.s32 s21, $0x1F;
	s18 =	sshrl.u32 s17, $0x1F;
	v13 =	vsel vm10, s9, v25;
	s9 =	sld [smem:$0x7BF]  }
0x41f: {  	v33 =	vsel vm0, s6, v10;
	v10 =	vmov s25;
	s21 =	sshra.s32 s17, $0x5;
	s25 =	sshra.s32 s17, $0x1F;
	s17 =	sld [smem:$0x7C0]  }
0x420: {  	s30 =	sadd.s32 s19, s11;
	v10 =	vnsel vm10, $0x0, v10;
	s11 =	sshrl.u32 s8, $0x1F  }
0x421: {  	s19 =	sshrl.u32 s0, $0x1F;
	v10 =	vsel vm1, s18, v10;
	v13 =	vsel vm8, s10, v13;
	s20 =	sshrl.u32 s9, $0x1F;
	v5 =	vsel vm2, s11, v5  }
0x422: {  	s10 =	sshrl.u32 s17, $0x1F;
	v30 =	vsel vm0, s19, v5;
	v5 =	vsel vm2, s20, v10;
	v10 =	vsel vm1, s21, v13;
	s21 =	sld [smem:$0x7C1]  }
0x423: {  	v26 =	vmov s10;
	s10 =	sld [smem:$0x7C2];
	_ =	sdelay $0x1  }
0x424: {  	s20 =	sld [smem:$0x7C3];
	s11 =	sshrl.u32 s21, $0x1F  }
0x425: {  	v10 =	vsel vm9, s25, v10;
	s18 =	sshrl.u32 s10, $0x1F;
	s25 =	sshra.s32 s9, $0x5;
	v5 =	vsel vm0, s11, v5;
	s11 =	sld [smem:$0x7C4]  }
0x426: {  	s9 =	sshra.s32 s9, $0x1F;
	v13 =	vsel vm1, s18, v26;
	v10 =	vsel vm2, s25, v10;
	s18 =	sld [smem:$0x7C5]  }
0x427: {  	vm4 =	vmmov vm7;
	s19 =	sshrl.u32 s20, $0x1F;
	v10 =	vsel vm15, s9, v10;
	s9 =	sld [smem:$0x7C6]  }
0x428: {  	v5 =	vsel vm4, s19, v5;
	s19 =	sshrl.u32 s11, $0x1F  }
0x429: {  	s25 =	sshrl.u32 s18, $0x1F;
	v13 =	vsel vm2, s19, v13;
	s19 =	sld [smem:$0x7C7]  }
0x42a: {  	v5 =	vsel vm3, s25, v5;
	s6 =	sshrl.u32 s9, $0x1F;
	s25 =	sshra.s32 s21, $0x5  }
0x42b: {  	v10 =	vsel vm0, s25, v10;
	s25 =	sshra.s32 s21, $0x1F;
	s21 =	sshra.s32 s2, $0x5;
	s2 =	sshra.s32 s20, $0x5  }
0x42c: {  	s11 =	sshra.s32 s11, $0x5;
	v10 =	vsel vm14, s25, v10;
	s25 =	sshra.s32 s17, $0x5;
	s7 =	sshrl.u32 s19, $0x1F  }
0x42d: {  	s17 =	sshra.s32 s9, $0x5;
	v13 =	vsel vm0, s6, v13;
	s6 =	sshra.s32 s16, $0x5;
	s16 =	sshrl.u32 s23, $0x1F;
	v18 =	vmov s25;
	v5 =	vsel vm6, s7, v5  }
0x42e: {  	v10 =	vsel vm4, s2, v10;
	s25 =	sshra.s32 s23, $0x5;
	v31 =	vsel vm5, s16, v5;
	v5 =	vmov s6;
	s6 =	sshra.s32 s8, $0x5;
	s8 =	sshra.s32 s20, $0x1F  }
0x42f: {  	s23 =	rddreg [dreg:$0x1a];
	s7 =	sshra.s32 s10, $0x5;
	s16 =	sshra.s32 s18, $0x5;
	v5 =	vsel vm1, s21, v5;
	v10 =	vsel vm12, s8, v10  }
0x430: {  	v25 =	vld [tilespmem:$0x60];
	s10 =	sshra.s32 s0, $0x5;
	s18 =	sshra.s32 s18, $0x1F;
	v5 =	vsel vm2, s6, v5;
	v10 =	vsel vm3, s16, v10;
	s16 =	rddreg [dreg:$0x1b]  }
0x431: {  	v18 =	vsel vm1, s7, v18;
	s20 =	sshra.s32 s19, $0x5;
	s21 =	sshra.s32 s19, $0x1F;
	v23 =	vsel vm0, s10, v5;
	s10 =	rddreg [dreg:$0x1f]  }
0x432: {  	v5 =	vsel vm2, s11, v18;
	v10 =	vsel vm11, s18, v10;
	s5 =	sshra.s32 s16, $0x5;
	s18 =	rddreg [dreg:$0x1d];
	s11 =	sshrl.u32 s10, $0x1F  }
0x433: {  	v5 =	vsel vm0, s17, v5;
	v10 =	vsel vm6, s20, v10;
	s17 =	sshrl.u32 s16, $0x1F;
	s9 =	sshra.s32 s10, $0x5;
	s20 =	rddreg [dreg:$0x1c]  }
0x434: {  	s19 =	sshrl.u32 s18, $0x1F;
	s6 =	sshra.s32 s18, $0x5;
	s18 =	sld [smem:$0x7C8]  }
0x435: {  	(v2sf) =	vpush v25, $0xD;
	v28 =	vmov s11;
	v10 =	vsel vm13, s21, v10;
	s21 =	sshrl.u32 s20, $0x1F;
	s7 =	sshra.s32 s20, $0x5;
	s11 =	sshrl.u32 s23, $0x1F  }
0x436: {  	(v2sf) =	vpush v25, $0xC;
	s23 =	sshra.s32 s23, $0x5;
	s20 =	sshra.s32 s24, $0x1F;
	v18 =	vsel vm1, s17, v28;
	v26 =	vsel vm5, s25, v10;
	s25 =	rddreg [dreg:$0x1e]  }
0x437: {  	(v2sf) =	vpush v25, $0xE;
	v21 =	vmov s20;
	s20 =	rddreg [dreg:$0x19];
	v10 =	vsel vm2, s19, v18;
	s17 =	sshrl.u32 s25, $0x1F;
	s19 =	sshrl.u32 s18, $0x1F  }
0x438: {  	(v2sf) =	vpush v25, $0xF;
	s10 =	sshra.s32 s25, $0x5;
	s25 =	sshra.s32 s18, $0x5;
	s2 =	sshra.s32 s18, $0x1F  }
0x439: {  	(v2sf) =	vpush v25, $0x9;
	s8 =	sshrl.u32 s20, $0x1F;
	s0 =	sshra.s32 s20, $0x1F;
	s18 =	sshrl.u32 s22, $0x1F;
	v61 =	vsel vm0, s21, v10  }
0x43a: {  	v10 =	vmov s17;
	v29 =	vmov s19;
	s21 =	rddreg [dreg:$0x18];
	v21 =	vsel vm10, s25, v21;
	s25 =	sshrl.u32 s31, $0x1F;
	s19 =	sshra.s32 s26, $0x1F  }
0x43b: {  	vm7 =	vmmov vm8;
	(v2sf) =	vpush v25, $0x8;
	s16 =	sshrl.u32 s21, $0x1F;
	s17 =	sshra.s32 s21, $0x5;
	v10 =	vsel vm1, s11, v10;
	s11 =	rddreg [dreg:$0x16]  }
0x43c: {  	v18 =	vnsel vm10, $0x0, v29;
	v21 =	vsel vm7, s2, v21;
	s2 =	smov.u32 s31;
	s31 =	sshra.s32 s20, $0x5;
	v10 =	vsel vm2, s16, v10;
	s16 =	rddreg [dreg:$0x17]  }
0x43d: {  	(v2sf) =	vpush v25, $0xA;
	v18 =	vsel vm1, s8, v18;
	s21 =	sshrl.u32 s11, $0x1F;
	v21 =	vsel vm1, s31, v21;
	s8 =	sshra.s32 s11, $0x5;
	s31 =	rddreg [dreg:$0x12]  }
0x43e: {  	s11 =	rddreg [dreg:$0x11];
	v18 =	vsel vm2, s25, v18;
	s20 =	sshrl.u32 s16, $0x1F;
	v36 =	vsel vm0, s21, v10;
	v34 =	vsel vm9, s0, v21;
	s21 =	sshra.s32 s2, $0x5  }
0x43f: {  	s25 =	sshra.s32 s2, $0x1F;
	s0 =	sshrl.u32 s29, $0x1F;
	s2 =	sshra.s32 s16, $0x5;
	v10 =	vsel vm0, s20, v18;
	v18 =	vsel vm2, s21, v34  }
0x440: {  	v35 =	vmov s9;
	s16 =	sshra.s32 s16, $0x1F;
	s21 =	sshrl.u32 s28, $0x1F;
	s20 =	rddreg [dreg:$0x13];
	v10 =	vsel vm4, s0, v10;
	v18 =	vsel vm15, s25, v18  }
0x441: {  	v21 =	vsel vm1, s5, v35;
	s5 =	sshra.s32 s28, $0x5;
	v10 =	vsel vm3, s21, v10;
	v18 =	vsel vm0, s2, v18;
	s21 =	sshra.s32 s28, $0x1F;
	s28 =	rddreg [dreg:$0xc]  }
0x442: {  	s25 =	sshra.s32 s29, $0x5;
	s0 =	sshrl.u32 s26, $0x1F;
	v18 =	vsel vm14, s16, v18;
	s16 =	rddreg [dreg:$0x15]  }
0x443: {  	s29 =	sshra.s32 s29, $0x1F;
	s2 =	sshrl.u32 s24, $0x1F;
	v10 =	vsel vm6, s0, v10;
	s0 =	rddreg [dreg:$0xa]  }
0x444: {  	s9 =	sshrl.u32 s20, $0x1F;
	s24 =	sshra.s32 s24, $0x5;
	v35 =	vsel vm5, s2, v10;
	v10 =	vsel vm2, s6, v21;
	s2 =	sld [smem:$0x7C9]  }
0x445: {  	v40 =	vmov s10;
	s6 =	sshra.s32 s26, $0x5;
	s26 =	spop (v2sf);
	v34 =	vsel vm0, s7, v10;
	v10 =	vsel vm4, s25, v18;
	s7 =	sshrl.u32 s16, $0x1F  }
0x446: {  	v18 =	vsel vm1, s23, v40;
	s25 =	sshrl.u32 s31, $0x1F;
	s23 =	spop (v2sf);
	v10 =	vsel vm12, s29, v10;
	s29 =	sshra.s32 s16, $0x5  }
0x447: {  	v18 =	vsel vm2, s17, v18;
	s17 =	sshra.s32 s31, $0x5;
	s10 =	sshrl.u32 s2, $0x1F;
	[smem:$0x7CB] =	sst s29  }
0x448: {  	v10 =	vsel vm3, s5, v10;
	s2 =	sshra.s32 s2, $0x5;
	s29 =	smov.u32 s22;
	s5 =	rddreg [dreg:$0x14]  }
0x449: {  	vm8 =	vmmov vm10;
	v43 =	vmov s18;
	s22 =	spop (v2sf);
	v10 =	vsel vm11, s21, v10;
	[smem:$0x7CC] =	sst s2;
	s21 =	sshra.s32 s11, $0x5  }
0x44a: {  	v29 =	vsel vm0, s8, v18;
	v18 =	vnsel vm8, $0x0, v43;
	s31 =	sshrl.u32 s5, $0x1F;
	v10 =	vsel vm6, s6, v10;
	[smem:$0x7CD] =	sst s21;
	s21 =	spop (v2sf)  }
0x44b: {  	s16 =	sshrl.u32 s11, $0x1F;
	v18 =	vsel vm1, s31, v18;
	s31 =	rddreg [dreg:$0x10];
	v10 =	vsel vm13, s19, v10;
	s19 =	spop (v2sf)  }
0x44c: {  	s11 =	rddreg [dreg:$0xf];
	s2 =	sshrl.u32 s31, $0x1F;
	v28 =	vsel vm5, s24, v10;
	v10 =	vmov s9;
	s9 =	spop (v2sf)  }
0x44d: {  	v18 =	vsel vm2, s2, v18;
	s2 =	rddreg [dreg:$0xb];
	v10 =	vsel vm1, s7, v10;
	s7 =	spop (v2sf)  }
0x44e: {  	[smem:$0x7CF] =	sst s7  }
0x44f: {  	s24 =	sshrl.u32 s2, $0x1F;
	s2 =	sshra.s32 s2, $0x5;
	s7 =	rddreg [dreg:$0xd]  }
0x450: {  	v47 =	vperm.xlane v47, v2;
	(v2sf) =	vpush v25, $0xB;
	s18 =	sshra.s32 s28, $0x5;
	[smem:$0x7D1] =	sst s2  }
0x451: {  	v4 =	vcombine.low v4, v27;
	(v2sf) =	vpush v25, $0x0;
	v43 =	vld [tilespmem:$0x1FFF0];
	s6 =	sshrl.u32 s28, $0x1F;
	s8 =	sshrl.u32 s11, $0x1F;
	v10 =	vsel vm2, s10, v10;
	s2 =	sld [smem:$0x7CA]  }
0x452: {  	s28 =	sshrl.u32 s0, $0x1F;
	v21 =	vmov s6;
	v40 =	vsel vm0, s8, v18;
	s8 =	rddreg [dreg:$0xe];
	s6 =	sshrl.u32 s7, $0x1F;
	v18 =	vsel vm0, s25, v10  }
0x453: {  	s0 =	sshra.s32 s0, $0x5;
	s10 =	sshrl.u32 s8, $0x1F;
	v10 =	vsel vm1, s16, v21;
	s16 =	sshra.s32 s30, $0x1F;
	v21 =	vsel vm4, s6, v40;
	v40 =	vcombine.low v48, v0  }
0x454: {  	(v2sf) =	vpush v25, $0x1;
	[smem:$0x7D3] =	sst s0;
	s6 =	sshra.s32 s29, $0x5;
	v48 =	vmov s16;
	s0 =	sshrl.u32 s2, $0x1F;
	v21 =	vsel vm3, s10, v21  }
0x455: {  	s29 =	sshra.s32 s29, $0x1F;
	v27 =	vsel vm8, s6, v48;
	s6 =	sshrl.u32 s30, $0x1F;
	v21 =	vsel vm6, s0, v21;
	v0 =	vperm.xlane v40, v51  }
0x456: {  	s16 =	sshra.s32 s5, $0x5;
	v27 =	vsel vm7, s29, v27;
	vm7 =	vnez.u8 v43;
	v21 =	vsel vm5, s6, v21  }
0x457: {  	s6 =	sshra.s32 s5, $0x1F;
	v0 =	vsel vm7, v47, v0;
	v47 =	vperm.xlane v4, v51;
	v4 =	vsel vm1, s16, v27  }
0x458: {  	(v2sf) =	vpush v25, $0x2;
	s29 =	smulhi.u32 $0x57619F1, s23;
	s5 =	sshra.s32 s31, $0x5;
	v4 =	vsel vm9, s6, v4  }
0x459: {  	(v2sf) =	vpush v25, $0x3;
	v10 =	vsel vm2, s24, v10;
	s24 =	sld [smem:$0x7CB];
	s23 =	sshra.s32 s23, $0x1F;
	s16 =	sshra.s32 s31, $0x1F;
	v4 =	vsel vm2, s5, v4  }
0x45a: {  	[smem:$0x7D0] =	sst s29;
	s29 =	smul.u32 $0x57619F1, s23;
	s23 =	sshra.s32 s11, $0x5;
	v4 =	vsel vm15, s16, v4  }
0x45b: {  	s20 =	sshra.s32 s20, $0x5;
	(v2sf) =	vpush v25, $0x4;
	s31 =	sshra.s32 s11, $0x1F;
	s16 =	sld [smem:$0x7CC];
	v4 =	vsel vm0, s23, v4  }
0x45c: {  	v48 =	vperm.xlane v49, v2;
	v49 =	vmov s20;
	v4 =	vsel vm14, s31, v4;
	s31 =	sld [smem:$0x7CD]  }
0x45d: {  	(v2sf) =	vpush v25, $0x5;
	v43 =	vsel vm1, s24, v49  }
0x45e: {  	s25 =	smulhi.u32 $0x57619F1, s26;
	s26 =	sshra.s32 s26, $0x1F;
	v47 =	vsel vm7, v48, v47;
	v49 =	vsel vm2, s16, v43;
	v43 =	vmov s18  }
0x45f: {  	s26 =	smul.u32 $0x57619F1, s26;
	v0 =	vadd.s32 v0, v47;
	v47 =	vsel vm1, s31, v43;
	v43 =	vld [tilespmem:$0x1FE80]  }
0x460: {  	[smem:$0x7CE] =	sst s25;
	s10 =	spop (v2sf)  }
0x461: {  	s25 =	smov.u32 s30;
	s30 =	smulhi.u32 $0x57619F1, s22;
	s22 =	sshra.s32 s22, $0x1F  }
0x462: {  	v10 =	vsel vm0, s28, v10;
	v40 =	vld [tilespmem:$0x160];
	s28 =	spop (v2sf);
	s11 =	smul.u32 $0x57619F1, s22  }
0x463: {  	s0 =	sshra.s32 s8, $0x5;
	s24 =	spop (v2sf);
	s6 =	sshra.s32 s21, $0x1F  }
0x464: {  	s5 =	smulhi.u32 $0x57619F1, s21;
	s21 =	sshra.s32 s7, $0x1F;
	s11 =	sadd.s32 s11, s30;
	v48 =	vcombine.low v43, v50;
	v50 =	vld [tilespmem:$0x1FE90]  }
0x465: {  	(v2sf) =	vpush v25, $0x6;
	s30 =	smulhi.u32 $0x57619F1, s10;
	s10 =	sshra.s32 s10, $0x1F;
	[smem:$0x7D7] =	sst s11;
	v43 =	vld [tilespmem:$0x1FEA0]  }
0x466: {  	s10 =	smul.u32 $0x57619F1, s10;
	[smem:$0x7D2] =	sst s5;
	s5 =	sshra.s32 s7, $0x5  }
0x467: {  	(v2sf) =	vpush v25, $0x7;
	v27 =	vadd.s32 $0xFFFFFFFD, v40;
	s23 =	spop (v2sf);
	s7 =	sshra.s32 s2, $0x5;
	s16 =	smul.u32 $0x57619F1, s6  }
0x468: {  	(v2sf) =	vpush v27, $0xD;
	s20 =	spop (v2sf);
	s18 =	sshra.s32 s8, $0x1F;
	s8 =	smulhi.u32 $0x57619F1, s9  }
0x469: {  	(v2sf) =	vpush v27, $0xC;
	v4 =	vsel vm4, s5, v4;
	s31 =	sshra.s32 s9, $0x1F;
	s9 =	sshra.s32 s25, $0x5;
	s25 =	sld [smem:$0x7CE]  }
0x46a: {  	v0 =	vmul.u32 $0x5DC, v0;
	s22 =	spop (v2sf);
	s5 =	sshra.s32 s2, $0x1F;
	v4 =	vsel vm12, s21, v4;
	[smem:$0x7D4] =	sst s9;
	v50 =	vcombine.low v43, v50;
	v43 =	vld [tilespmem:$0x1FEB0]  }
0x46b: {  	(v2sf) =	vpush v27, $0xE;
	v49 =	vsel vm0, s17, v49;
	s17 =	smulhi.u32 $0x57619F1, s19;
	s19 =	sshra.s32 s19, $0x1F;
	v4 =	vsel vm3, s0, v4;
	s9 =	sld [smem:$0x7D0]  }
0x46c: {  	s21 =	spop (v2sf);
	v4 =	vsel vm11, s18, v4;
	s18 =	sshrl.u32 s11, $0x1F;
	s11 =	sld [smem:$0x7D2]  }
0x46d: {  	v0 =	vsub.s32 v16, v0;
	s6 =	smul.u32 $0x57619F1, s19;
	s0 =	sadd.s32 s26, s25;
	s26 =	sld [smem:$0x7CF]  }
0x46e: {  	(v2sf) =	vpush v27, $0xF;
	vm12 =	vmmov vm3;
	vm3 =	vlt.s32 v0, $0x0;
	s19 =	smul.u32 $0x57619F1, s31;
	[smem:$0x7D5] =	sst s0;
	s2 =	sadd.s32 s29, s9  }
0x46f: {  	s29 =	sshrl.u32 s0, $0x1F;
	s16 =	sadd.s32 s16, s11;
	s0 =	smulhi.u32 $0x57619F1, s28;
	v43 =	vcombine.low v54, v43;
	v54 =	vcombine.low v62, v60;
	v60 =	vadd.s32 $0x5DC, v0;
	v62 =	vld [tilespmem:$0x1FED0]  }
0x470: {  	s28 =	sshra.s32 s28, $0x1F;
	s11 =	sadd.s32 s19, s8;
	s19 =	sadd.s32 s10, s30;
	v0 =	vsel vm3, v60, v0;
	v60 =	vld [tilespmem:$0x1FEC0]  }
0x471: {  	s30 =	sld [smem:$0x7D4];
	s25 =	smulhi.u32 $0x57619F1, s26;
	s31 =	sshra.s32 s26, $0x1F  }
0x472: {  	v45 =	vperm.xlane v45, v2;
	v56 =	vperm.xlane v56, v2;
	s9 =	sadd.s32 s6, s17;
	s26 =	smul.u32 $0x57619F1, s31;
	s31 =	sld [smem:$0x7D1]  }
0x473: {  	vm10 =	vmmov vm13;
	vm13 =	vmmov vm5;
	v4 =	vsel vm6, s7, v4;
	[smem:$0x7D6] =	sst s2;
	s6 =	sshrl.u32 s16, $0x1F;
	s17 =	smov.u32 s16  }
0x474: {  	v4 =	vsel vm10, s5, v4;
	s28 =	smul.u32 $0x57619F1, s28;
	v48 =	vperm.xlane v48, v51;
	s16 =	sadd.s32 s26, s25;
	s26 =	spop (v2sf);
	v50 =	vperm.xlane v50, v51  }
0x475: {  	v47 =	vsel vm2, s31, v47;
	s31 =	sshrl.u32 s2, $0x1F;
	s2 =	smulhi.u32 $0x57619F1, s24;
	s24 =	sshra.s32 s24, $0x1F;
	v62 =	vperm.xlane v62, v2;
	v60 =	vperm.xlane v60, v2  }
0x476: {  	(v2sf) =	vpush v27, $0x9;
	s7 =	spop (v2sf);
	s24 =	smul.u32 $0x57619F1, s24;
	v43 =	vperm.xlane v43, v51;
	v54 =	vperm.xlane v54, v51  }
0x477: {  	s5 =	sshra.s32 s20, $0x1F;
	s10 =	spop (v2sf);
	v50 =	vsel vm7, v62, v50;
	v48 =	vsel vm7, v60, v48;
	v60 =	vmov s31;
	s31 =	smulhi.u32 $0x57619F1, s23  }
0x478: {  	vm3 =	veq.s32 v0, $0x0;
	s23 =	sshra.s32 s23, $0x1F;
	v0 =	vadd.s32 v48, v50;
	v48 =	vsel vm1, s29, v60;
	s29 =	smulhi.u32 $0x57619F1, s20;
	s20 =	spop (v2sf)  }
0x479: {  	vm5 =	vmmov vm9;
	vm9 =	vlt.s32 v16, $0x17125;
	(v2sf) =	vpush v27, $0x8;
	s23 =	smul.u32 $0x57619F1, s23;
	[smem:$0x7D8] =	sst s20  }
0x47a: {  	(v2sf) =	vpush v27, $0xA;
	v43 =	vsel vm7, v45, v43;
	v56 =	vsel vm7, v56, v54;
	s20 =	sadd.s32 s28, s0;
	s0 =	smul.u32 $0x57619F1, s5;
	s25 =	spop (v2sf)  }
0x47b: {  	v54 =	vsel vm13, s30, v4;
	s30 =	sshrl.u32 s11, $0x1F;
	v0 =	vmul.u32 $0x5DC, v0;
	s28 =	sld [smem:$0x7D3];
	v4 =	vsel vm2, s18, v48;
	s18 =	smulhi.u32 $0x57619F1, s22  }
0x47c: {  	v43 =	vadd.s32 v43, v56;
	(v2sf) =	vpush v27, $0xB;
	v60 =	vmov s30;
	s22 =	sshra.s32 s22, $0x1F;
	[smem:$0x7D9] =	sst s25;
	s8 =	sshrl.u32 s20, $0x1F  }
0x47d: {  	s5 =	smul.u32 $0x57619F1, s22;
	s22 =	spop (v2sf);
	s25 =	sadd.s32 s24, s2;
	v45 =	vsel vm0, s6, v4;
	v0 =	vsub.s32 v22, v0;
	v62 =	vmov s8  }
0x47e: {  	s2 =	smulhi.u32 $0x57619F1, s21;
	s21 =	sshra.s32 s21, $0x1F;
	s24 =	sshrl.u32 s9, $0x1F;
	vm10 =	vlt.s32 v0, $0x0;
	v50 =	vadd.s32 $0x5DC, v0;
	v4 =	vnsel vm8, $0x0, v62  }
0x47f: {  	s6 =	sshrl.u32 s16, $0x1F;
	s30 =	sadd.s32 s23, s31;
	s21 =	smul.u32 $0x57619F1, s21;
	v62 =	vadd.s32 $0x3, v16;
	v0 =	vsel vm10, v50, v0;
	vm10 =	vmand vm9, vm3;
	v50 =	vld [tilespmem:$0x1FEF0]  }
0x480: {  	(v2sf) =	vpush v27, $0x0;
	v48 =	vmul.u32 $0x5DC, v43;
	[smem:$0x7DA] =	sst s22;
	s8 =	sshrl.u32 s25, $0x1F;
	s22 =	smulhi.u32 $0x57619F1, s26;
	v43 =	vsel vm10, v62, v16;
	v62 =	vld [tilespmem:$0x1FF00]  }
0x481: {  	s31 =	sadd.s32 s0, s29;
	v56 =	vsel vm0, s28, v47;
	s28 =	smov.u32 s9;
	s9 =	sshra.s32 s26, $0x1F;
	vm3 =	veq.s32 v0, $0x0;
	v0 =	vld [tilespmem:$0x1FEE0]  }
0x482: {  	v47 =	vsel vm1, s24, v60;
	s24 =	smulhi.u32 $0x57619F1, s7;
	s7 =	sshra.s32 s7, $0x1F;
	s29 =	sadd.s32 s5, s18  }
0x483: {  	s18 =	sshrl.u32 s31, $0x1F;
	s5 =	sld [smem:$0x7D6];
	vm9 =	vlt.u32 v22, $0x17125;
	s23 =	smul.u32 $0x57619F1, s9  }
0x484: {  	v4 =	vsel vm1, s8, v4;
	s8 =	sshrl.u32 s19, $0x1F;
	s9 =	sshrl.u32 s30, $0x1F;
	s7 =	smul.u32 $0x57619F1, s7;
	vm9 =	vmand vm9, vm3  }
0x485: {  	v60 =	vsub.s32 v19, v48;
	s26 =	sadd.s32 s21, s2;
	s2 =	sld [smem:$0x7D5];
	s28 =	sshra.s32 s28, $0x5;
	v4 =	vsel vm2, s9, v4;
	v22 =	vsel vm9, v22, v62;
	v62 =	vld [tilespmem:$0x1FF20]  }
0x486: {  	s21 =	sshrl.u32 s29, $0x1F;
	s9 =	sshrl.u32 s26, $0x1F;
	[smem:$0x7DD] =	sst s28;
	vm3 =	vlt.s32 v60, $0x0;
	v0 =	vcombine.low v50, v0;
	v50 =	vadd.s32 $0x5DC, v60  }
0x487: {  	v41 =	vcombine.low v41, v46;
	s28 =	sshra.s32 s19, $0x5;
	s22 =	sadd.s32 s23, s22;
	s23 =	sadd.s32 s7, s24;
	v16 =	vsel vm3, v50, v60;
	v60 =	vld [tilespmem:$0x1FF10]  }
0x488: {  	v4 =	vsel vm0, s18, v4;
	s24 =	spop (v2sf);
	s0 =	sshra.s32 s5, $0x5;
	s18 =	sshra.s32 s17, $0x5  }
0x489: {  	v41 =	vperm.xlane v41, v51;
	v47 =	vsel vm2, s6, v47;
	[smem:$0x7DF] =	sst s28;
	s5 =	sshra.s32 s29, $0x1F;
	s6 =	sshrl.u32 s22, $0x1F;
	v4 =	vsel vm4, s21, v4  }
0x48a: {  	(v2sf) =	vpush v27, $0x1;
	s7 =	sshrl.u32 s23, $0x1F;
	s21 =	spop (v2sf);
	[smem:$0x7DB] =	sst s18;
	v4 =	vsel vm12, s9, v4;
	v48 =	vperm.xlane v62, v2  }
0x48b: {  	(v2sf) =	vpush v27, $0x2;
	s19 =	sshra.s32 s22, $0x5;
	s22 =	sshra.s32 s22, $0x1F;
	s9 =	sld [smem:$0x7D7];
	v4 =	vsel vm6, s6, v4  }
0x48c: {  	[smem:$0x7E1] =	sst s22;
	s6 =	sshra.s32 s11, $0x5;
	s11 =	sshra.s32 s23, $0x1F;
	v0 =	vperm.xlane v0, v51;
	v46 =	vperm.xlane v60, v2;
	v48 =	vsel vm7, v48, v41  }
0x48d: {  	s17 =	spop (v2sf);
	[smem:$0x7DC] =	sst s6;
	s6 =	sshra.s32 s20, $0x5;
	v41 =	vsel vm13, s7, v4;
	v4 =	vmov s11;
	vm13 =	vcmask $0x704  }
0x48e: {  	s18 =	spop (v2sf);
	s7 =	sshra.s32 s20, $0x1F;
	v0 =	vsel vm7, v46, v0;
	v46 =	vsel vm0, s8, v47;
	s8 =	sshra.s32 s16, $0x5;
	v4 =	vsel vm8, s6, v4  }
0x48f: {  	(v2sf) =	vpush v27, $0x3;
	s16 =	spop (v2sf);
	[smem:$0x7DE] =	sst s8;
	s8 =	sshra.s32 s25, $0x5;
	v4 =	vsel vm13, s7, v4  }
0x490: {  	v60 =	vld [tilespmem:$0x1FF30];
	s11 =	sshra.s32 s25, $0x1F;
	s20 =	sshra.s32 s30, $0x5;
	[smem:$0x7E0] =	sst s16;
	v4 =	vsel vm1, s8, v4  }
0x491: {  	s25 =	sshra.s32 s31, $0x1F;
	s8 =	sshra.s32 s31, $0x5;
	s31 =	sld [smem:$0x7D8];
	v4 =	vsel vm5, s11, v4  }
0x492: {  	(v2sf) =	vpush v27, $0x4;
	v62 =	vcombine.low v58, v44;
	v58 =	vld [tilespmem:$0x1FF40];
	s16 =	smulhi.u32 $0x57619F1, s10;
	s10 =	sshra.s32 s10, $0x1F;
	s7 =	sshra.s32 s30, $0x1F;
	v4 =	vsel vm2, s20, v4  }
0x493: {  	s2 =	sshra.s32 s2, $0x5;
	s10 =	smul.u32 $0x57619F1, s10;
	v4 =	vsel vm15, s7, v4;
	s7 =	sld [smem:$0x7D9]  }
0x494: {  	v53 =	vperm.xlane v53, v2;
	s9 =	sshra.s32 s9, $0x5;
	v50 =	vmov s0;
	(v2sf) =	vpush v27, $0x5;
	s30 =	smulhi.u32 $0x57619F1, s31;
	s6 =	sshra.s32 s31, $0x1F  }
0x495: {  	v47 =	vsel vm1, s2, v50;
	s2 =	sshra.s32 s29, $0x5;
	s29 =	sld [smem:$0x7DC];
	v42 =	vcombine.low v42, v60;
	s6 =	smul.u32 $0x57619F1, s6;
	v4 =	vsel vm0, s8, v4  }
0x496: {  	(v2sf) =	vpush v27, $0x6;
	v62 =	vperm.xlane v62, v51;
	s31 =	sshra.s32 s23, $0x5;
	s8 =	sld [smem:$0x7DA];
	v4 =	vsel vm14, s25, v4;
	s11 =	smulhi.u32 $0x57619F1, s7  }
0x497: {  	v60 =	vperm.xlane v58, v2;
	v42 =	vperm.xlane v42, v51;
	s23 =	sld [smem:$0x7DB];
	s0 =	sshra.s32 s7, $0x1F;
	v4 =	vsel vm4, s2, v4;
	s2 =	smulhi.u32 $0x57619F1, s21  }
0x498: {  	(v2sf) =	vpush v27, $0x7;
	v47 =	vsel vm2, s9, v47;
	s9 =	sshra.s32 s26, $0x5;
	s20 =	sshra.s32 s26, $0x1F;
	s7 =	smul.u32 $0x57619F1, s0  }
0x499: {  	v0 =	vadd.s32 v0, v48;
	v53 =	vsel vm7, v53, v62;
	s16 =	sadd.s32 s10, s16;
	s26 =	sshra.s32 s24, $0x1F;
	v42 =	vsel vm7, v60, v42;
	s10 =	smulhi.u32 $0x57619F1, s8  }
0x49a: {  	v0 =	vmul.u32 $0x5DC, v0;
	v48 =	vadd.s32 v42, v53;
	v42 =	vsel vm0, s23, v47;
	s23 =	sld [smem:$0x7DD];
	s0 =	sshra.s32 s8, $0x1F;
	s8 =	smulhi.u32 $0x57619F1, s24  }
0x49b: {  	vm3 =	veq.s32 v16, $0x0;
	vm8 =	vcmask $0x2724;
	s28 =	spop (v2sf);
	vm13 =	vlt.s32 v19, $0x17125;
	s24 =	smul.u32 $0x57619F1, s26  }
0x49c: {  	v16 =	vld [tilespmem:$0x70];
	vm11 =	vmand vm13, vm3;
	v0 =	vsub.s32 v11, v0;
	[smem:$0x7E3] =	sst s16;
	v60 =	vmov s29;
	s25 =	sshra.s32 s21, $0x1F;
	s22 =	smul.u32 $0x57619F1, s0  }
0x49d: {  	vm3 =	vlt.s32 v0, $0x0;
	v62 =	vadd.s32 $0x5DC, v0;
	s0 =	spop (v2sf);
	v47 =	vsel vm1, s23, v60;
	s23 =	sadd.s32 s6, s30;
	s30 =	sld [smem:$0x7DE]  }
0x49e: {  	v58 =	vadd.s32 $0x3, v19;
	v0 =	vsel vm3, v62, v0;
	v62 =	vld [tilespmem:$0x1FF70];
	v4 =	vsel vm8, s5, v4;
	s29 =	spop (v2sf);
	s5 =	sadd.s32 s7, s11;
	s11 =	sld [smem:$0x7DF]  }
0x49f: {  	v19 =	vsel vm11, v58, v19;
	v58 =	vld [tilespmem:$0x1FF60];
	vm3 =	vcmask $0x2F2C;
	v4 =	vsel vm12, s9, v4;
	s6 =	smul.u32 $0x57619F1, s25;
	[smem:$0x7E4] =	sst s23  }
0x4a0: {  	v53 =	vld [tilespmem:$0x1FF50];
	v48 =	vmul.u32 $0x5DC, v48;
	v4 =	vsel vm3, s20, v4;
	s20 =	smulhi.u32 $0x57619F1, s18;
	s24 =	sadd.s32 s24, s8;
	[smem:$0x7E5] =	sst s5  }
0x4a1: {  	(v2sf) =	vpush v16, $0xD;
	s26 =	spop (v2sf);
	[smem:$0x7E6] =	sst s24  }
0x4a2: {  	v59 =	vcombine.low v59, v52;
	(v2sf) =	vpush v16, $0xC;
	v48 =	vsub.s32 v12, v48;
	s7 =	sshrl.u32 s23, $0x1F;
	s22 =	sadd.s32 s22, s10;
	s10 =	sld [smem:$0x7E0]  }
0x4a3: {  	v52 =	vperm.xlane v62, v2;
	(v2sf) =	vpush v16, $0xE;
	vm3 =	vlt.s32 v48, $0x0;
	s25 =	spop (v2sf);
	s2 =	sadd.s32 s6, s2;
	s6 =	smulhi.u32 $0x57619F1, s0  }
0x4a4: {  	v60 =	vadd.s32 $0x5DC, v48;
	(v2sf) =	vpush v16, $0xF;
	[smem:$0x7E2] =	sst s22;
	v47 =	vsel vm2, s30, v47;
	s30 =	smulhi.u32 $0x57619F1, s17;
	s17 =	sshra.s32 s17, $0x1F  }
0x4a5: {  	v50 =	vcombine.low v58, v53;
	v48 =	vsel vm3, v60, v48;
	v53 =	vmov s7;
	[smem:$0x7E7] =	sst s2;
	s7 =	sshrl.u32 s2, $0x1F;
	s2 =	smulhi.u32 $0x57619F1, s25  }
0x4a6: {  	s16 =	sshrl.u32 s16, $0x1F;
	vm3 =	veq.s32 v0, $0x0;
	v0 =	vimm.s32 $0x0;
	s21 =	spop (v2sf);
	(v2sf) =	vpush v16, $0x9;
	s17 =	smul.u32 $0x57619F1, s17  }
0x4a7: {  	v0 =	vsel vm3, $0xFFFFFFFF, v0;
	vm3 =	veq.s32 v48, $0x0;
	v44 =	vsel vm0, s11, v47;
	s11 =	sshra.s32 s18, $0x1F;
	s23 =	spop (v2sf);
	s8 =	smulhi.u32 $0x57619F1, s10  }
0x4a8: {  	(v2sf) =	vpush v16, $0x8;
	s18 =	sshrl.u32 s5, $0x1F;
	v50 =	vperm.xlane v50, v51;
	[tilespmem:$0x1FF90] =	vst v0;
	v0 =	vimm.s32 $0x0;
	s22 =	smul.u32 $0x57619F1, s11;
	s11 =	sshra.s32 s10, $0x1F  }
0x4a9: {  	s5 =	sshra.s32 s0, $0x1F;
	v0 =	vsel vm3, $0xFFFFFFFF, v0;
	s10 =	sshrl.u32 s24, $0x1F;
	s9 =	smul.u32 $0x57619F1, s11  }
0x4aa: {  	v13 =	vcombine.low v13, v30;
	[tilespmem:$0x1FFA0] =	vst v0;
	v0 =	vcombine.low v37, v63;
	v63 =	vsel vm7, v52, v50;
	v52 =	vld [tilespmem:$0x1FF80];
	s17 =	sadd.s32 s17, s30;
	s30 =	smulhi.u32 $0x57619F1, s28;
	s11 =	sshra.s32 s28, $0x1F  }
0x4ab: {  	v32 =	vcombine.low v32, v33;
	v5 =	vcombine.low v5, v23;
	s28 =	sshrl.u32 s17, $0x1F;
	s24 =	smul.u32 $0x57619F1, s11;
	s17 =	sshra.s32 s17, $0x5  }
0x4ac: {  	v13 =	vperm.xlane v13, v51;
	v31 =	vperm.xlane v31, v2;
	v4 =	vsel vm6, s19, v4;
	s19 =	sadd.s32 s9, s8;
	s8 =	smul.u32 $0x57619F1, s5;
	s5 =	sld [smem:$0x7E1]  }
0x4ad: {  	v5 =	vperm.xlane v5, v51;
	v26 =	vperm.xlane v26, v2;
	vm5 =	vcmask $0x3B38;
	s9 =	sadd.s32 s22, s20;
	[smem:$0x7EB] =	sst s17;
	s11 =	sshrl.u32 s19, $0x1F  }
0x4ae: {  	vm15 =	vcmask $0x300;
	vm8 =	vmmov vm12;
	vm12 =	vcmask $0x3734;
	s22 =	sadd.s32 s24, s30;
	s24 =	smulhi.u32 $0x57619F1, s29;
	s29 =	sshra.s32 s29, $0x1F  }
0x4af: {  	v33 =	vsel vm1, s16, v53;
	v47 =	vperm.xlane v59, v51;
	s17 =	sshra.s32 s19, $0x1F;
	s16 =	smul.u32 $0x57619F1, s29;
	s29 =	sadd.s32 s8, s6;
	v48 =	vperm.xlane v52, v2  }
0x4b0: {  	v60 =	vperm.xlane v32, v51;
	v62 =	vmov s11;
	s6 =	sshra.s32 s25, $0x1F;
	v4 =	vsel vm12, s5, v4;
	s5 =	smulhi.u32 $0x57619F1, s26;
	s20 =	spop (v2sf)  }
0x4b1: {  	s26 =	sshra.s32 s26, $0x1F;
	s0 =	smul.u32 $0x57619F1, s6;
	v32 =	vsel vm5, s31, v4;
	v4 =	vsel vm2, s18, v33;
	v47 =	vsel vm7, v48, v47;
	s18 =	spop (v2sf)  }
0x4b2: {  	s30 =	sshrl.u32 s22, $0x1F;
	v23 =	vnsel vm15, $0x0, v62;
	s26 =	smul.u32 $0x57619F1, s26;
	v58 =	vadd.s32 v63, v47;
	v63 =	vmov s7;
	s31 =	spop (v2sf)  }
0x4b3: {  	(v2sf) =	vpush v16, $0xA;
	s6 =	sshra.s32 s21, $0x1F;
	v23 =	vsel vm1, s30, v23;
	v33 =	vsel vm1, s10, v63;
	s10 =	sshrl.u32 s29, $0x1F;
	s8 =	spop (v2sf)  }
0x4b4: {  	v13 =	vsel vm7, v31, v13;
	s25 =	sadd.s32 s26, s5;
	v23 =	vsel vm2, s10, v23;
	s10 =	smulhi.u32 $0x57619F1, s21;
	[smem:$0x7E8] =	sst s8  }
0x4b5: {  	v5 =	vsel vm7, v26, v5;
	(v2sf) =	vpush v16, $0xB;
	v33 =	vsel vm2, s28, v33;
	s28 =	sshra.s32 s23, $0x1F;
	s30 =	spop (v2sf);
	s8 =	sld [smem:$0x7E2]  }
0x4b6: {  	v38 =	vperm.xlane v38, v2;
	v5 =	vadd.s32 v13, v5;
	s26 =	sadd.s32 s0, s2;
	(v2sf) =	vpush v16, $0x0;
	s7 =	smul.u32 $0x57619F1, s28;
	[smem:$0x7E9] =	sst s30  }
0x4b7: {  	v5 =	vmul.u32 $0x5DC, v5;
	v59 =	vperm.xlane v39, v2;
	v0 =	vperm.xlane v0, v51;
	s30 =	sadd.s32 s16, s24;
	s21 =	spop (v2sf);
	s24 =	smulhi.u32 $0x57619F1, s23  }
0x4b8: {  	vm13 =	vmmov vm14;
	v30 =	vmul.u32 $0x5DC, v58;
	(v2sf) =	vpush v16, $0x1;
	s16 =	smul.u32 $0x57619F1, s6;
	[smem:$0x7EA] =	sst s21;
	s6 =	sshrl.u32 s30, $0x1F  }
0x4b9: {  	vm14 =	vmmov vm4;
	v0 =	vsel vm7, v59, v0;
	(v2sf) =	vpush v16, $0x2;
	s21 =	sshrl.u32 s26, $0x1F;
	s23 =	sadd.s32 s7, s24;
	s24 =	sld [smem:$0x7E3]  }
0x4ba: {  	v47 =	vsel vm7, v38, v60;
	v30 =	vsub.s32 v14, v30;
	s11 =	sshrl.u32 s8, $0x1F;
	v48 =	vsel vm0, s6, v23;
	s6 =	sshrl.u32 s9, $0x1F;
	s7 =	sld [smem:$0x7E4]  }
0x4bb: {  	v0 =	vadd.s32 v0, v47;
	vm3 =	vlt.s32 v30, $0x0;
	v50 =	vadd.s32 $0x5DC, v30;
	s28 =	sadd.s32 s16, s10;
	s16 =	sshrl.u32 s25, $0x1F;
	s10 =	sld [smem:$0x7E5]  }
0x4bc: {  	v0 =	vmul.u32 $0x5DC, v0;
	(v2sf) =	vpush v16, $0x3;
	v58 =	vsel vm3, v50, v30;
	s9 =	sshra.s32 s9, $0x5;
	s2 =	sshrl.u32 s28, $0x1F;
	s5 =	sshrl.u32 s23, $0x1F  }
0x4bd: {  	v13 =	vsel vm14, s16, v48;
	[smem:$0x7EC] =	sst s9;
	v26 =	vsel vm0, s11, v4;
	v30 =	vsel vm0, s6, v33;
	s11 =	sshra.s32 s23, $0x1F;
	s6 =	sshra.s32 s29, $0x5  }
0x4be: {  	vm4 =	vmmov vm14;
	v0 =	vsub.s32 v15, v0;
	s9 =	sshra.s32 s20, $0x1F;
	v13 =	vsel vm8, s21, v13;
	s0 =	sshra.s32 s10, $0x5;
	s10 =	sld [smem:$0x7E7]  }
0x4bf: {  	v52 =	vadd.s32 $0x5DC, v0;
	vm14 =	vlt.s32 v0, $0x0;
	s21 =	sld [smem:$0x7E6];
	s16 =	sshra.s32 s24, $0x5;
	s24 =	sshra.s32 s7, $0x5;
	v4 =	vsel vm6, s2, v13  }
0x4c0: {  	v59 =	vmov s11;
	s11 =	sshra.s32 s18, $0x1F;
	s7 =	sshra.s32 s8, $0x5;
	s2 =	smul.u32 $0x57619F1, s9;
	v23 =	vsel vm5, s5, v4;
	v4 =	vmov s24  }
0x4c1: {  	v53 =	vsub.s32 v20, v5;
	v0 =	vsel vm14, v52, v0;
	s9 =	smulhi.u32 $0x57619F1, s18;
	v4 =	vsel vm1, s16, v4;
	s8 =	sshra.s32 s10, $0x5;
	s10 =	sshra.s32 s19, $0x5  }
0x4c2: {  	vm14 =	vcmask $0x704;
	s5 =	sshra.s32 s22, $0x5;
	s22 =	sshra.s32 s22, $0x1F;
	s24 =	spop (v2sf);
	v4 =	vsel vm2, s0, v4;
	v13 =	vsel vm15, s10, v59  }
0x4c3: {  	v5 =	vld [tilespmem:$0x170];
	v62 =	vadd.s32 $0x5DC, v53;
	s21 =	sshra.s32 s21, $0x5;
	s16 =	sshra.s32 s29, $0x1F;
	s0 =	smulhi.u32 $0x57619F1, s20;
	v31 =	vsel vm0, s7, v4;
	v60 =	vsel vm14, s17, v13  }
0x4c4: {  	s10 =	sshra.s32 s30, $0x5;
	vm15 =	vcmask $0xF0C;
	s7 =	smul.u32 $0x57619F1, s11;
	v63 =	vmov s8;
	s29 =	spop (v2sf);
	v4 =	vsel vm1, s5, v60  }
0x4c5: {  	(v2sf) =	vpush v16, $0x4;
	s0 =	sadd.s32 s2, s0;
	v52 =	vsel vm1, s21, v63;
	s21 =	smulhi.u32 $0x57619F1, s24;
	s19 =	spop (v2sf);
	v4 =	vsel vm15, s22, v4  }
0x4c6: {  	vm3 =	vlt.s32 v53, $0x0;
	(v2sf) =	vpush v16, $0x5;
	s5 =	sshra.s32 s31, $0x1F;
	[smem:$0x7EE] =	sst s0;
	v4 =	vsel vm2, s6, v4;
	s6 =	smulhi.u32 $0x57619F1, s31  }
0x4c7: {  	v33 =	vsel vm3, v62, v53;
	vm3 =	vcmask $0x1714;
	(v2sf) =	vpush v16, $0x6;
	s22 =	sshra.s32 s25, $0x5;
	s17 =	spop (v2sf);
	s31 =	smul.u32 $0x57619F1, s5  }
0x4c8: {  	v13 =	vadd.s32 $0xFFFFFFFD, v5;
	(v2sf) =	vpush v16, $0x7;
	s5 =	sld [smem:$0x7E9];
	s18 =	spop (v2sf);
	v4 =	vsel vm3, s16, v4;
	s16 =	sshra.s32 s25, $0x1F  }
0x4c9: {  	(v2sf) =	vpush v13, $0xD;
	s25 =	sshra.s32 s26, $0x5;
	s26 =	sshra.s32 s26, $0x1F;
	v4 =	vsel vm0, s10, v4;
	s10 =	sld [smem:$0x7E8]  }
0x4ca: {  	[smem:$0x7ED] =	sst s18;
	s18 =	sshra.s32 s30, $0x1F;
	s6 =	sadd.s32 s31, s6  }
0x4cb: {  	s30 =	spop (v2sf);
	v4 =	vsel vm13, s18, v4;
	s18 =	sshra.s32 s28, $0x1F;
	[smem:$0x7F0] =	sst s6  }
0x4cc: {  	vm3 =	veq.s32 v0, $0x0;
	v0 =	vsel vm4, s22, v4;
	s22 =	sshrl.u32 s0, $0x1F;
	s20 =	smulhi.u32 $0x57619F1, s10;
	s11 =	sshra.s32 s10, $0x1F  }
0x4cd: {  	(v2sf) =	vpush v13, $0xC;
	s0 =	sadd.s32 s7, s9;
	s7 =	sld [smem:$0x7EA];
	s8 =	smul.u32 $0x57619F1, s11  }
0x4ce: {  	v29 =	vcombine.low v29, v34;
	s2 =	sshra.s32 s5, $0x1F;
	[smem:$0x7EF] =	sst s0;
	s11 =	smulhi.u32 $0x57619F1, s5  }
0x4cf: {  	vm13 =	vcmask $0x2724;
	s31 =	sshrl.u32 s0, $0x1F;
	s0 =	sshra.s32 s24, $0x1F;
	s5 =	smul.u32 $0x57619F1, s2  }
0x4d0: {  	v36 =	vcombine.low v36, v61;
	v29 =	vperm.xlane v29, v51;
	s10 =	sshra.s32 s28, $0x5;
	v0 =	vsel vm13, s16, v0;
	s16 =	sshrl.u32 s6, $0x1F;
	s0 =	smul.u32 $0x57619F1, s0  }
0x4d1: {  	v28 =	vperm.xlane v28, v2;
	v48 =	vcombine.low v10, v18;
	v0 =	vsel vm8, s25, v0;
	s25 =	sshra.s32 s29, $0x1F;
	s9 =	smulhi.u32 $0x57619F1, s7;
	s28 =	sshra.s32 s7, $0x1F  }
0x4d2: {  	v10 =	vsel vm10, $0x3F000000, v57;
	v18 =	vsel vm10, $0x3F000000, v55;
	vm10 =	vcmask $0x2F2C;
	s25 =	smul.u32 $0x57619F1, s25;
	s6 =	sadd.s32 s8, s20;
	s20 =	sld [smem:$0x7EB]  }
0x4d3: {  	v35 =	vperm.xlane v35, v2;
	v28 =	vsel vm7, v28, v29;
	v0 =	vsel vm10, s26, v0;
	s2 =	smul.u32 $0x57619F1, s28;
	s28 =	sld [smem:$0x7EC]  }
0x4d4: {  	v21 =	vperm.xlane v21, v2;
	v54 =	vperm.xlane v54, v2;
	s24 =	spop (v2sf);
	v0 =	vsel vm6, s10, v0;
	s10 =	smulhi.u32 $0x57619F1, s19  }
0x4d5: {  	v29 =	vsel vm9, $0x3F000000, v57;
	v50 =	vcombine.low v56, v49;
	s23 =	sshra.s32 s23, $0x5;
	v56 =	vsel vm2, s20, v52;
	s20 =	smulhi.u32 $0x57619F1, s29;
	s29 =	spop (v2sf)  }
0x4d6: {  	v32 =	vperm.xlane v32, v2;
	(v2sf) =	vpush v13, $0xE;
	s19 =	sshra.s32 s19, $0x1F;
	[smem:$0x7F1] =	sst s6;
	v34 =	vsel vm0, s28, v56;
	s28 =	spop (v2sf)  }
0x4d7: {  	v47 =	vperm.xlane v36, v51;
	vm15 =	veq.s32 v58, $0x0;
	v58 =	vmov s31;
	s31 =	sadd.s32 s5, s11;
	s11 =	smul.u32 $0x57619F1, s19;
	s26 =	spop (v2sf)  }
0x4d8: {  	v53 =	vperm.xlane v50, v51;
	v62 =	vcombine.low v46, v45;
	s19 =	smulhi.u32 $0x57619F1, s17;
	s17 =	sshra.s32 s17, $0x1F;
	(v2sf) =	vpush v13, $0xF;
	s7 =	spop (v2sf)  }
0x4d9: {  	v45 =	vperm.xlane v41, v2;
	v0 =	vsel vm12, s18, v0;
	s18 =	sadd.s32 s2, s9;
	s2 =	smul.u32 $0x57619F1, s17;
	(v2sf) =	vpush v13, $0x9;
	[smem:$0x7F3] =	sst s7  }
0x4da: {  	v46 =	vcombine.low v44, v42;
	vm4 =	vcmask $0x3B38;
	s21 =	sadd.s32 s0, s21;
	s5 =	sshra.s32 s30, $0x1F;
	(v2sf) =	vpush v13, $0x8;
	s7 =	sld [smem:$0x7ED]  }
0x4db: {  	v63 =	vld [tilespmem:$0x1FF90];
	v4 =	vsel vm7, v35, v47;
	[smem:$0x7F2] =	sst s31;
	v36 =	vsel vm4, s23, v0;
	s23 =	sadd.s32 s2, s19;
	s2 =	smulhi.u32 $0x57619F1, s28;
	(v2sf) =	vpush v13, $0xA  }
0x4dc: {  	v39 =	vld [tilespmem:$0x1FFA0];
	v35 =	vadd.s32 v4, v28;
	v4 =	vperm.xlane v48, v51;
	v60 =	vsel vm1, s22, v58;
	s6 =	sshrl.u32 s6, $0x1F;
	s0 =	smulhi.u32 $0x57619F1, s26;
	s22 =	spop (v2sf)  }
0x4dd: {  	v59 =	vsel vm7, v54, v53;
	vm14 =	veq.s32 v33, $0x0;
	v28 =	vsel vm9, $0x3F000000, v55;
	[smem:$0x7F4] =	sst s22;
	s8 =	smulhi.u32 $0x57619F1, s7;
	s22 =	sshra.s32 s7, $0x1F  }
0x4de: {  	vm13 =	vlt.u32 v11, $0x17125;
	vm9 =	vlt.s32 v12, $0x17125;
	v4 =	vsel vm7, v21, v4;
	s31 =	sshrl.u32 s31, $0x1F;
	s17 =	sshrl.u32 s21, $0x1F;
	s9 =	smul.u32 $0x57619F1, s22  }
0x4df: {  	v21 =	vsel vm11, $0x3F000000, v57;
	v61 =	vadd.s32 v4, v59;
	v4 =	vsel vm11, $0x3F000000, v55;
	s21 =	sshra.s32 s21, $0x5;
	s22 =	sadd.s32 s11, s10;
	s10 =	smulhi.u32 $0x57619F1, s30  }
0x4e0: {  	vm11 =	vnez.u8 v63;
	vm6 =	vlt.s32 v15, $0x17125;
	v0 =	vsel vm2, s16, v60;
	s16 =	sshrl.u32 s18, $0x1F;
	[smem:$0x7F9] =	sst s21;
	s11 =	smul.u32 $0x57619F1, s5  }
0x4e1: {  	vm13 =	vmand vm13, vm11;
	vm12 =	vnez.u8 v39;
	v48 =	vmov s16;
	s19 =	sadd.s32 s9, s8;
	s8 =	smulhi.u32 $0x57619F1, s24;
	s24 =	sshra.s32 s24, $0x1F  }
0x4e2: {  	vm11 =	vmand vm9, vm12;
	vm9 =	vmand vm6, vm3;
	v41 =	vsel vm1, s31, v48;
	s31 =	sadd.s32 s25, s20;
	s7 =	sshrl.u32 s22, $0x1F;
	s9 =	smul.u32 $0x57619F1, s24  }
0x4e3: {  	vm6 =	vcmask $0x300;
	v33 =	vsel vm0, s6, v0;
	v0 =	vmov s7;
	s7 =	sshra.s32 s29, $0x1F;
	s24 =	sadd.s32 s11, s10;
	s10 =	smulhi.u32 $0x57619F1, s29  }
0x4e4: {  	v38 =	vperm.xlane v62, v51;
	vm5 =	vcmask $0x2320;
	s30 =	sshrl.u32 s23, $0x1F;
	v0 =	vnsel vm6, $0x0, v0;
	s5 =	smul.u32 $0x57619F1, s7;
	s29 =	sshra.s32 s28, $0x1F  }
0x4e5: {  	v47 =	vperm.xlane v46, v51;
	(v2sf) =	vpush v13, $0xB;
	s6 =	sshrl.u32 s19, $0x1F;
	v0 =	vsel vm1, s30, v0;
	s30 =	spop (v2sf);
	s16 =	smul.u32 $0x57619F1, s29  }
0x4e6: {  	v38 =	vsel vm7, v45, v38;
	v35 =	vmul.u32 $0x5DC, v35;
	s9 =	sadd.s32 s9, s8;
	s8 =	sshrl.u32 s24, $0x1F;
	v0 =	vsel vm2, s6, v0;
	s6 =	sld [smem:$0x7EE]  }
0x4e7: {  	v32 =	vsel vm7, v32, v47;
	vm10 =	vlt.u32 v14, $0x17125;
	s7 =	sshrl.u32 s9, $0x1F;
	v0 =	vsel vm0, s8, v0;
	s8 =	sshra.s32 s26, $0x1F;
	s29 =	spop (v2sf)  }
0x4e8: {  	v32 =	vadd.s32 v38, v32;
	vm10 =	vmand vm10, vm15;
	v41 =	vsel vm2, s17, v41;
	s26 =	sadd.s32 s5, s10;
	s17 =	smul.u32 $0x57619F1, s8;
	s28 =	spop (v2sf)  }
0x4e9: {  	v35 =	vsub.s32 v17, v35;
	v38 =	vmul.u32 $0x5DC, v32;
	s10 =	sshrl.u32 s31, $0x1F;
	v0 =	vsel vm5, s7, v0;
	s7 =	sld [smem:$0x7EF];
	s20 =	spop (v2sf)  }
0x4ea: {  	v37 =	vmul.u32 $0x5DC, v61;
	(v2sf) =	vpush v13, $0x0;
	v32 =	vsel vm0, s10, v41;
	s10 =	sld [smem:$0x7F1];
	s8 =	spop (v2sf)  }
0x4eb: {  	vm15 =	vmmov vm8;
	v49 =	vadd.s32 $0x5DC, v35;
	vm3 =	vlt.u32 v20, $0x17125;
	s18 =	sshra.s32 s18, $0x5;
	[smem:$0x7F6] =	sst s8  }
0x4ec: {  	v53 =	vsub.s32 v25, v38;
	v37 =	vsub.s32 v24, v37;
	s21 =	sshra.s32 s22, $0x5;
	(v2sf) =	vpush v13, $0x1;
	s11 =	sshrl.u32 s26, $0x1F;
	s8 =	sld [smem:$0x7F0]  }
0x4ed: {  	v50 =	vadd.s32 $0x5DC, v37;
	s25 =	sadd.s32 s16, s2;
	s31 =	sshra.s32 s31, $0x5;
	v0 =	vsel vm8, s11, v0;
	vm8 =	vlt.s32 v37, $0x0;
	s11 =	sld [smem:$0x7F2]  }
0x4ee: {  	v58 =	vld [tilespmem:$0x1FFB0];
	vm12 =	vmand vm3, vm14;
	s6 =	sshra.s32 s6, $0x5;
	s17 =	sadd.s32 s17, s0;
	s0 =	sshrl.u32 s25, $0x1F;
	v46 =	vsel vm8, v50, v37;
	vm8 =	vcmask $0x3330  }
0x4ef: {  	vm3 =	vlt.s32 v35, $0x0;
	(v2sf) =	vpush v13, $0x2;
	s2 =	sshrl.u32 s17, $0x1F;
	s5 =	sshra.s32 s7, $0x5;
	v0 =	vsel vm8, s0, v0;
	s7 =	sshra.s32 s8, $0x5  }
0x4f0: {  	(v2sf) =	vpush v13, $0x3;
	v37 =	vsel vm4, s2, v0;
	v0 =	vmov s5;
	s8 =	sshra.s32 s10, $0x5;
	s10 =	sshra.s32 s11, $0x5;
	s11 =	sld [smem:$0x7F3]  }
0x4f1: {  	v54 =	vadd.s32 $0x5DC, v53;
	v62 =	vmov s18;
	[smem:$0x7FA] =	sst s31;
	s2 =	sshra.s32 s17, $0x1F;
	v0 =	vsel vm1, s6, v0;
	s6 =	sshra.s32 s23, $0x5  }
0x4f2: {  	v52 =	vsel vm3, v49, v35;
	v59 =	vmov s2;
	s2 =	sshra.s32 s23, $0x1F;
	s23 =	sld [smem:$0x7F4];
	v63 =	vsel vm1, s10, v62;
	s10 =	smulhi.u32 $0x57619F1, s28  }
0x4f3: {  	vm3 =	vlt.s32 v53, $0x0;
	v38 =	vsel vm13, v11, v58;
	v11 =	vadd.s32 $0x3, v12;
	s0 =	sshra.s32 s22, $0x1F;
	s31 =	smulhi.u32 $0x57619F1, s11;
	s11 =	sshra.s32 s11, $0x1F  }
0x4f4: {  	v56 =	vsel vm3, v54, v53;
	v35 =	vsel vm11, v11, v12;
	v11 =	vadd.s32 $0x3, v15;
	s22 =	sshra.s32 s30, $0x1F;
	s16 =	spop (v2sf);
	s5 =	smul.u32 $0x57619F1, s11  }
0x4f5: {  	vm3 =	vcmask $0x704;
	v12 =	vsel vm9, v11, v15;
	v11 =	vsel vm6, s21, v59;
	s11 =	sshra.s32 s23, $0x1F;
	[smem:$0x7F5] =	sst s31;
	s31 =	smulhi.u32 $0x57619F1, s23  }
0x4f6: {  	s21 =	sshra.s32 s9, $0x5;
	v61 =	vsel vm3, s0, v11;
	s23 =	sshra.s32 s19, $0x5;
	s11 =	smul.u32 $0x57619F1, s11  }
0x4f7: {  	vm4 =	vcmask $0xF0C;
	v0 =	vsel vm2, s7, v0;
	v15 =	vsel vm1, s6, v61;
	[smem:$0x7F7] =	sst s31;
	s31 =	sshra.s32 s19, $0x1F;
	s19 =	smulhi.u32 $0x57619F1, s30  }
0x4f8: {  	s0 =	sshra.s32 s24, $0x5;
	s24 =	sshra.s32 s24, $0x1F;
	v41 =	vsel vm0, s8, v0;
	v0 =	vsel vm4, s2, v15;
	s30 =	smul.u32 $0x57619F1, s22  }
0x4f9: {  	v30 =	vcombine.low v30, v26;
	vm6 =	vcmask $0x1714;
	s7 =	spop (v2sf);
	v0 =	vsel vm2, s23, v0;
	s22 =	smulhi.u32 $0x57619F1, s29;
	s29 =	sshra.s32 s29, $0x1F  }
0x4fa: {  	v23 =	vperm.xlane v23, v2;
	v39 =	vsel vm13, $0x3F000000, v55;
	s2 =	sshra.s32 s20, $0x1F;
	s29 =	smul.u32 $0x57619F1, s29;
	v0 =	vsel vm6, s31, v0;
	s31 =	sshra.s32 s28, $0x1F  }
0x4fb: {  	v60 =	vld [tilespmem:$0x1FFC0];
	v45 =	vsel vm13, $0x3F000000, v57;
	vm3 =	vcmask $0x1F1C;
	s28 =	sshra.s32 s26, $0x5;
	[smem:$0x7F8] =	sst s19;
	s19 =	spop (v2sf);
	v0 =	vsel vm0, s0, v0  }
0x4fc: {  	v49 =	vsel vm11, $0x3F000000, v57;
	(v2sf) =	vpush v13, $0x4;
	s0 =	sshra.s32 s9, $0x1F;
	s23 =	smul.u32 $0x57619F1, s31;
	s9 =	sld [smem:$0x7F5];
	v0 =	vsel vm3, s24, v0  }
0x4fd: {  	[tilespmem:$0x410] =	vst v10;
	v10 =	vsel vm12, $0x3F000000, v57;
	(v2sf) =	vpush v13, $0x5;
	s31 =	sshra.s32 s25, $0x1F;
	s24 =	smulhi.u32 $0x57619F1, s20;
	v0 =	vsel vm5, s21, v0;
	s21 =	sld [smem:$0x7F6]  }
0x4fe: {  	vm13 =	veq.s32 v52, $0x0;
	v52 =	vcombine.low v34, v31;
	v11 =	vld [tilespmem:$0x1FFD0];
	(v2sf) =	vpush v13, $0x6;
	s18 =	spop (v2sf);
	s20 =	sshra.s32 s25, $0x5;
	s25 =	smul.u32 $0x57619F1, s2  }
0x4ff: {  	v53 =	vsel vm10, $0x3F000000, v55;
	v32 =	vcombine.low v32, v33;
	s2 =	sshra.s32 s17, $0x5;
	s29 =	sadd.s32 s29, s22;
	s8 =	spop (v2sf);
	(v2sf) =	vpush v13, $0x7  }
0x500: {  	v54 =	vperm.xlane v36, v2;
	v36 =	vadd.s32 $0x3, v25;
	v14 =	vsel vm10, v14, v60;
	[smem:$0x7FC] =	sst s2;
	s6 =	sadd.s32 s5, s9;
	s9 =	smulhi.u32 $0x57619F1, s21  }
0x501: {  	[tilespmem:$0x420] =	vst v21;
	v33 =	vadd.s32 $0x3, v17;
	v21 =	vperm.xlane v32, v51;
	vm3 =	vcmask $0x2724;
	s22 =	smulhi.u32 $0x57619F1, s7;
	s7 =	sshra.s32 s7, $0x1F;
	[smem:$0x7FD] =	sst s29  }
0x502: {  	[tilespmem:$0x320] =	vst v38;
	v38 =	vperm.xlane v37, v2;
	v15 =	vperm.xlane v30, v51;
	s7 =	smul.u32 $0x57619F1, s7;
	v0 =	vsel vm3, s0, v0;
	s21 =	sshra.s32 s21, $0x1F;
	[smem:$0x7FB] =	sst s9  }
0x503: {  	v11 =	vsel vm12, v20, v11;
	v20 =	vperm.xlane v52, v51;
	v0 =	vsel vm15, s28, v0;
	s28 =	sshrl.u32 s29, $0x1F;
	s0 =	smul.u32 $0x57619F1, s21;
	s9 =	sld [smem:$0x7F7]  }
0x504: {  	v50 =	vsel vm11, $0x3F000000, v55;
	vm14 =	veq.s32 v46, $0x0;
	v21 =	vsel vm7, v38, v21;
	s29 =	sld [smem:$0x7FA];
	s21 =	smulhi.u32 $0x57619F1, s16;
	s16 =	sshra.s32 s16, $0x1F  }
0x505: {  	v30 =	vsel vm10, $0x3F000000, v57;
	v15 =	vsel vm7, v23, v15;
	v31 =	vsel vm7, v54, v20;
	s26 =	sshra.s32 s26, $0x1F;
	s17 =	smul.u32 $0x57619F1, s16;
	s16 =	sld [smem:$0x7F9]  }
0x506: {  	vm10 =	vlt.s32 v25, $0x17125;
	v23 =	vsel vm9, $0x3F000000, v57;
	v31 =	vadd.s32 v15, v31;
	s23 =	sadd.s32 s23, s10;
	s9 =	sadd.s32 s11, s9;
	s11 =	sld [smem:$0x7F8]  }
0x507: {  	v20 =	vsel vm9, $0x3F000000, v55;
	v15 =	vsel vm12, $0x3F000000, v55;
	v31 =	vmul.u32 $0x5DC, v31;
	s5 =	smulhi.u32 $0x57619F1, s19;
	s19 =	sshra.s32 s19, $0x1F;
	s10 =	sadd.s32 s25, s24  }
0x508: {  	vm5 =	vlt.s32 v17, $0x17125;
	vm3 =	veq.s32 v56, $0x0;
	s24 =	sshrl.u32 s23, $0x1F;
	s2 =	sshrl.u32 s6, $0x1F;
	s25 =	smul.u32 $0x57619F1, s19;
	v56 =	vsel vm2, s16, v63  }
0x509: {  	vm11 =	vmand vm5, vm13;
	vm13 =	vcmask $0x2F2C;
	v59 =	vsel vm0, s29, v56;
	s29 =	sld [smem:$0x7FB];
	s30 =	sadd.s32 s30, s11;
	s11 =	sshrl.u32 s9, $0x1F  }
0x50a: {  	vm5 =	vlt.u32 v24, $0x17125;
	s7 =	sadd.s32 s7, s22;
	v0 =	vsel vm13, s26, v0;
	s26 =	smulhi.u32 $0x57619F1, s18;
	s18 =	sshra.s32 s18, $0x1F;
	v60 =	vmov s11  }
0x50b: {  	[tilespmem:$0x310] =	vst v22;
	v58 =	vsub.s32 v27, v31;
	vm9 =	vmand vm5, vm14;
	s18 =	smul.u32 $0x57619F1, s18;
	s19 =	spop (v2sf);
	s16 =	sshrl.u32 s30, $0x1F;
	v22 =	vsel vm1, s2, v60  }
0x50c: {  	v34 =	vld [tilespmem:$0x1FFE0];
	vm14 =	vcmask $0x3734;
	v0 =	vsel vm8, s20, v0;
	s11 =	spop (v2sf);
	v22 =	vsel vm2, s16, v22;
	s16 =	sadd.s32 s0, s29;
	s29 =	sld [smem:$0x7FC]  }
0x50d: {  	[tilespmem:$0x210] =	vst v43;
	vm12 =	vlt.s32 v58, $0x0;
	v61 =	vadd.s32 $0x5DC, v58;
	v0 =	vsel vm14, s31, v0;
	s31 =	sshra.s32 s8, $0x1F;
	s2 =	smulhi.u32 $0x57619F1, s8;
	s8 =	spop (v2sf)  }
0x50e: {  	[tilespmem:$0x490] =	vst v18;
	vm5 =	vmmov vm8;
	v18 =	vsel vm12, v61, v58;
	vm12 =	vcmask $0x3B38;
	s6 =	sshra.s32 s6, $0x5;
	s31 =	smul.u32 $0x57619F1, s31;
	s0 =	spop (v2sf)  }
0x50f: {  	[tilespmem:$0x4A0] =	vst v4;
	vm10 =	vmand vm10, vm3;
	v4 =	vsel vm11, v33, v17;
	s20 =	sshrl.u32 s10, $0x1F;
	v0 =	vsel vm12, s29, v0;
	s29 =	smulhi.u32 $0x57619F1, s0;
	s0 =	sshra.s32 s0, $0x1F  }
0x510: {  	[tilespmem:$0x340] =	vst v11;
	vm3 =	vcmask $0x300;
	v11 =	vsel vm11, $0x3F000000, v55;
	s10 =	sshra.s32 s10, $0x5;
	v62 =	vmov s20;
	s22 =	sadd.s32 s18, s26;
	s0 =	smul.u32 $0x57619F1, s0  }
0x511: {  	[tilespmem:$0x590] =	vst v29;
	v17 =	vsel vm9, v24, v34;
	s17 =	sadd.s32 s17, s21;
	s21 =	sadd.s32 s25, s5;
	v63 =	vsel vm1, s24, v62;
	v41 =	vcombine.low v59, v41;
	s24 =	sshrl.u32 s16, $0x1F  }
0x512: {  	[tilespmem:$0x220] =	vst v19;
	v24 =	vsel vm10, v36, v25;
	vm8 =	vcmask $0x704;
	v22 =	vsel vm0, s28, v22;
	s18 =	sadd.s32 s31, s2;
	s28 =	sshrl.u32 s17, $0x1F;
	s5 =	sadd.s32 s0, s29  }
0x513: {  	[tilespmem:$0x430] =	vst v49;
	v49 =	vmov s10;
	v29 =	vperm.xlane v41, v51;
	s31 =	sshrl.u32 s7, $0x1F;
	v19 =	vsel vm2, s24, v63;
	s29 =	sshra.s32 s9, $0x5;
	s9 =	sshra.s32 s5, $0x1F  }
0x514: {  	[tilespmem:$0x510] =	vst v28;
	s20 =	sshra.s32 s7, $0x5;
	s25 =	sshra.s32 s21, $0x5;
	s26 =	sshra.s32 s21, $0x1F;
	v46 =	vmov s31;
	v19 =	vsel vm0, s28, v19;
	v47 =	vmov s9  }
0x515: {  	[tilespmem:$0x530] =	vst v53;
	s2 =	smulhi.u32 $0x57619F1, s19;
	s7 =	sshra.s32 s7, $0x1F;
	s28 =	sshra.s32 s23, $0x5;
	v53 =	vnsel vm3, $0x0, v46;
	v0 =	vperm.xlane v0, v2;
	v33 =	vsel vm3, s20, v47  }
0x516: {  	[tilespmem:$0x4B0] =	vst v50;
	s16 =	sshra.s32 s16, $0x5;
	s24 =	sshra.s32 s19, $0x1F;
	s10 =	sshrl.u32 s18, $0x1F;
	v50 =	vcombine.low v19, v22;
	v54 =	vsel vm1, s28, v49;
	v48 =	vsel vm8, s7, v33  }
0x517: {  	[tilespmem:$0x520] =	vst v39;
	s31 =	sshra.s32 s30, $0x5;
	s23 =	sld [smem:$0x7FD];
	s28 =	sshra.s32 s18, $0x1F;
	v22 =	vsel vm2, s16, v54;
	v43 =	vmov s29;
	v25 =	vsel vm1, s25, v48  }
0x518: {  	[tilespmem:$0x5A0] =	vst v45;
	s0 =	sshrl.u32 s21, $0x1F;
	v0 =	vsel vm7, v0, v29;
	s29 =	sshra.s32 s22, $0x5;
	v31 =	vsel vm1, s6, v43;
	s6 =	sshrl.u32 s22, $0x1F;
	v52 =	vsel vm4, s26, v25  }
0x519: {  	[tilespmem:$0x5C0] =	vst v10;
	v0 =	vadd.s32 v21, v0;
	v21 =	vsel vm1, s0, v53;
	s9 =	smul.u32 $0x57619F1, s24;
	s22 =	sshra.s32 s22, $0x1F;
	s24 =	sshra.s32 s17, $0x5;
	v19 =	vsel vm2, s29, v52  }
0x51a: {  	[tilespmem:$0x230] =	vst v35;
	v56 =	vsel vm2, s31, v31;
	v22 =	vsel vm0, s24, v22;
	s7 =	smulhi.u32 $0x57619F1, s11;
	s11 =	sshra.s32 s11, $0x1F;
	s25 =	sshra.s32 s18, $0x5;
	v19 =	vsel vm6, s22, v19  }
0x51b: {  	[tilespmem:$0x240] =	vst v12;
	s20 =	sshra.s32 s23, $0x5;
	v21 =	vsel vm2, s6, v21;
	s2 =	sadd.s32 s9, s2;
	vm1 =	vcmask $0x1F1C;
	s26 =	smul.u32 $0x57619F1, s11;
	v19 =	vsel vm0, s25, v19  }
0x51c: {  	[tilespmem:$0x330] =	vst v14;
	vm3 =	vcmask $0x2320;
	v58 =	vsel vm0, s20, v56;
	s30 =	sshra.s32 s2, $0x5;
	s29 =	smulhi.u32 $0x57619F1, s8;
	s8 =	sshra.s32 s8, $0x1F;
	v19 =	vsel vm1, s28, v19  }
0x51d: {  	[tilespmem:$0x5B0] =	vst v30;
	v21 =	vsel vm0, s10, v21;
	s16 =	sshra.s32 s2, $0x1F;
	s31 =	sadd.s32 s26, s7;
	s9 =	smul.u32 $0x57619F1, s8;
	vm0 =	vcmask $0x2724;
	v19 =	vsel vm3, s30, v19  }
0x51e: {  	v10 =	vsel vm9, $0x3F000000, v55;
	[tilespmem:$0x4D0] =	vst v11;
	v0 =	vmul.u32 $0x5DC, v0;
	s17 =	sshra.s32 s31, $0x5;
	v19 =	vsel vm0, s16, v19  }
0x51f: {  	[tilespmem:$0x550] =	vst v10;
	v10 =	vsel vm9, $0x3F000000, v57;
	v11 =	vperm.xlane v50, v51;
	s2 =	sshrl.u32 s2, $0x1F;
	s6 =	sshra.s32 s31, $0x1F;
	s0 =	sadd.s32 s9, s29;
	v19 =	vsel vm15, s17, v19  }
0x520: {  	[tilespmem:$0x440] =	vst v23;
	v0 =	vsub.s32 v16, v0;
	v60 =	vsel vm3, s2, v21;
	s18 =	sshrl.u32 s31, $0x1F;
	s20 =	sshra.s32 s0, $0x5;
	v19 =	vsel vm13, s6, v19  }
0x521: {  	[tilespmem:$0x540] =	vst v15;
	v12 =	vcombine.low v22, v58;
	v15 =	vsel vm15, s18, v60;
	s19 =	sshrl.u32 s0, $0x1F;
	s0 =	sshra.s32 s0, $0x1F;
	v61 =	vsel vm5, s20, v19  }
0x522: {  	[tilespmem:$0x250] =	vst v4;
	s21 =	sshrl.u32 s5, $0x1F;
	v63 =	vadd.s32 $0x5DC, v0;
	s22 =	sshra.s32 s5, $0x5;
	v4 =	vsel vm5, s19, v15;
	v15 =	vsel vm14, s0, v61  }
0x523: {  	[tilespmem:$0x4C0] =	vst v20;
	v12 =	vperm.xlane v12, v51;
	v4 =	vsel vm12, s21, v4;
	v62 =	vsel vm12, s22, v15  }
0x524: {  	[tilespmem:$0x350] =	vst v17;
	vm3 =	vlt.s32 v0, $0x0;
	v4 =	vperm.xlane v4, v2;
	v14 =	vperm.xlane v62, v2  }
0x525: {  	[tilespmem:$0x260] =	vst v24;
	v59 =	vsel vm11, $0x3F000000, v57;
	v0 =	vsel vm3, v63, v0;
	vm3 =	veq.s32 v18, $0x0  }
0x526: {  	[tilespmem:$0x5D0] =	vst v10;
	vm13 =	vlt.s32 v16, $0x17125;
	v4 =	vsel vm7, v4, v11;
	v10 =	vsel vm7, v14, v12  }
0x527: {  	[tilespmem:$0x450] =	vst v59;
	v11 =	vsel vm10, $0x3F000000, v55;
	vm7 =	vlt.u32 v27, $0x17125;
	v4 =	vadd.s32 v4, v10  }
0x528: {  	[tilespmem:$0x4E0] =	vst v11;
	vm3 =	vmand vm7, vm3;
	v10 =	vsel vm10, $0x3F000000, v57;
	v4 =	vmul.u32 $0x5DC, v4  }
0x529: {  	vm12 =	veq.s32 v0, $0x0;
	[tilespmem:$0x460] =	vst v10;
	v10 =	vsel vm3, v27, v40;
	v11 =	vsel vm3, $0x3F000000, v55  }
0x52a: {  	v0 =	vsel vm3, $0x3F000000, v57;
	vm3 =	vmand vm13, vm12;
	[tilespmem:$0x360] =	vst v10;
	v4 =	vsub.s32 v13, v4  }
0x52b: {  	[tilespmem:$0x560] =	vst v11;
	v10 =	vadd.s32 $0x3, v16;
	vm14 =	vlt.s32 v4, $0x0;
	v11 =	vadd.s32 $0x5DC, v4  }
0x52c: {  	[tilespmem:$0x5E0] =	vst v0;
	v0 =	vsel vm14, v11, v4;
	v4 =	vsel vm3, v10, v16  }
0x52d: {  	vm15 =	vlt.u32 v13, $0x17125;
	[tilespmem:$0x270] =	vst v4;
	v4 =	vsel vm3, $0x3F000000, v57;
	vm9 =	veq.s32 v0, $0x0  }
0x52e: {  	v0 =	vsel vm3, $0x3F000000, v55;
	vm9 =	vmand vm15, vm9;
	[tilespmem:$0x470] =	vst v4  }
0x52f: {  	[tilespmem:$0x4F0] =	vst v0;
	v0 =	vsel vm9, v13, v5  }
0x530: {  	v4 =	vsel vm9, $0x3F000000, v57;
	[tilespmem:$0x370] =	vst v0  }
0x531: {  	v0 =	vsel vm9, $0x3F000000, v55;
	[tilespmem:$0x5F0] =	vst v4  }
0x532: {  	s23 =	simm.s32 $0x0;
	[tilespmem:$0x570] =	vst v0  }
0x533: {  	v0 =	vld [tilespmem:s23+$0x0]  }
0x534: {  	v4 =	vld [tilespmem:s23+$0x200]  }
0x535: {  	v5 =	vld [tilespmem:s23+$0x100]  }
0x536: {  	v10 =	vld [tilespmem:s23+$0x300];
	_ =	sdelay $0x1  }
0x537: {  	(v2sf) =	vpush v0, $0x0  }
0x538: {  	(v2sf) =	vpush v4, $0x0  }
0x539: {  	(v2sf) =	vpush v5, $0x0  }
0x53a: {  	(v2sf) =	vpush v10, $0x0;
	_ =	sdelay $0xb  }
0x53b: {  	s2 =	simm.s32 $0xC680;
	s24 =	spop (v2sf)  }
0x53c: {  	s5 =	simm.s32 $0x8680;
	s0 =	simm.s32 $0x4;
	s26 =	spop (v2sf)  }
0x53d: {  	s25 =	sshll.u32 s24, $0x4;
	s7 =	sshll.u32 s26, $0x4;
	s28 =	spop (v2sf)  }
0x53e: {  	s6 =	sand.u32 $0x1FFFFFF0, s25;
	s7 =	sand.u32 $0x1FFFFFF0, s7;
	s29 =	spop (v2sf)  }
0x53f: {  	s8 =	sshll.u32 s28, $0x4;
	s6 =	sadd.s32 s3, s6;
	s9 =	sshll.u32 s29, $0x4  }
0x540: {  	[tilespmem:s12], [sflag:$0x1] =	stream.linear.gather [hbm4b:s6+s1], $0x80, $0x38;
	[tilespmem:$0x10680] =	vst v63  }
0x541: {  	s30 =	sadd.s32 s4, s7;
	s8 =	sand.u32 $0x1FFFFFF0, s8;
	s6 =	simm.s32 $0x4680  }
0x542: {  	s7 =	simm.s32 $0x680;
	s31 =	sand.u32 $0x1FFFFFF0, s9;
	s10 =	sadd.s32 s4, s8  }
0x543: {  	[tilespmem:s13], [sflag:$0x1] =	stream.linear.gather [hbm4b:s30+s1], $0x80, $0x38;
	[tilespmem:$0x10680] =	vst v63  }
0x544: {  	s9 =	simm.s32 $0x8600;
	s8 =	simm.s32 $0xC600;
	s11 =	sadd.s32 s3, s31  }
.LBB2_2:
0x545: {  	[tilespmem:s9], [sflag:$0x1] =	stream.linear.gather [hbm4b:s11+s1], $0x80, $0x38;
	[tilespmem:$0x10680] =	vst v63  }
0x546: {  	s11 =	sshra.s32 s0, $0x2;
	p0 =	sne.s32 s0, $0x1FC;
	s0 =	sadd.s32 $0x4, s0  }
0x547: {  	[tilespmem:s8], [sflag:$0x1] =	stream.linear.gather [hbm4b:s10+s1], $0x80, $0x38;
	[tilespmem:$0x10680] =	vst v63  }
0x548: {  	s9 =	smov.u32 s5;
	s8 =	smov.u32 s2;
	s10 =	smov.u32 s6;
	v0 =	vld [tilespmem:s11+$0x0]  }
0x549: {  	v4 =	vld [tilespmem:s11+$0x200]  }
0x54a: {  	v5 =	vld [tilespmem:s11+$0x100]  }
0x54b: {  	v10 =	vld [tilespmem:s11+$0x300];
	_ =	sdelay $0x1  }
0x54c: {  	(v2sf) =	vpush v0, $0x0  }
0x54d: {  	(v2sf) =	vpush v4, $0x0  }
0x54e: {  	(v2sf) =	vpush v5, $0x0  }
0x54f: {  	(v2sf) =	vpush v10, $0x0;
	_ =	sdelay $0xb  }
0x550: {  	s2 =	sadd.s32 $0x80, s2;
	s11 =	spop (v2sf)  }
0x551: {  	s16 =	spop (v2sf)  }
0x552: {  	s5 =	sadd.s32 $0x80, s5;
	s11 =	sshll.u32 s11, $0x4;
	s16 =	sshll.u32 s16, $0x4  }
0x553: {  	s11 =	sand.u32 $0x1FFFFFF0, s11;
	s17 =	spop (v2sf);
	s16 =	sand.u32 $0x1FFFFFF0, s16  }
0x554: {  	s17 =	sshll.u32 s17, $0x4;
	s18 =	spop (v2sf);
	s11 =	sadd.s32 s3, s11  }
.Ltmp0:
0x555: {  	s16 =	sadd.s32 s4, s16;
	s18 =	sshll.u32 s18, $0x4;
	(pc) =	sbr.rel @p0 .LBB2_2-.Ltmp0, $4  }
0x556: {  	[tilespmem:s7], [sflag:$0x1] =	stream.linear.gather [hbm4b:s11+s1], $0x80, $0x38;
	[tilespmem:$0x10680] =	vst v63  }
0x557: {  	s6 =	sadd.s32 $0x80, s6;
	s17 =	sand.u32 $0x1FFFFFF0, s17;
	s11 =	sand.u32 $0x1FFFFFF0, s18  }
0x558: {  	[tilespmem:s10], [sflag:$0x1] =	stream.linear.gather [hbm4b:s16+s1], $0x80, $0x38;
	[tilespmem:$0x10680] =	vst v63  }
0x559: {  	s7 =	sadd.s32 $0x80, s7;
	s11 =	sadd.s32 s3, s11;
	s10 =	sadd.s32 s4, s17  }
0x55a: {  	[tilespmem:s9], [sflag:$0x1] =	stream.linear.gather [hbm4b:s11+s1], $0x80, $0x38;
	[tilespmem:$0x10680] =	vst v63  }
0x55b: {  	s2 =	simm.s32 $0x1  }
0x55c: {  	[tilespmem:s8], [sflag:$0x1] =	stream.linear.gather [hbm4b:s10+s1], $0x80, $0x38;
	[tilespmem:$0x10680] =	vst v63  }
0x55d: {  	_ =	swait.ge [sflag:s2], $0x4000  }
0x55e: {  	[sflag:s2] =	ssyncset.done $0x0  }
0x55f: {  	[sflag:s2] =	ssyncadd.s32 $0xFFFFC000  }
0x560: {  	_ =	swait.ge [sflag:s2], $0x4000  }
0x561: {  	[sflag:s2] =	ssyncset.done $0x0  }
0x562: {  	[sflag:s2] =	ssyncadd.s32 $0xFFFFC000  }
0x563: {  	_ =	swait.ge [sflag:s2], $0x4000  }
0x564: {  	[sflag:s2] =	ssyncset.done $0x0  }
0x565: {  	s0 =	simm.s32 $0x0;
	[sflag:s2] =	ssyncadd.s32 $0xFFFFC000  }
0x566: {  	v0 =	vadd.s32 s0, v1;
	_ =	swait.ge [sflag:s2], $0x4000  }
0x567: {  	v0 =	vand.u32 $0x3F, v0;
	[sflag:s2] =	ssyncset.done $0x0  }
0x568: {  	v0 =	vor.u32 v3, v0;
	[sflag:s2] =	ssyncadd.s32 $0xFFFFC000  }
0x569: {  	v4 =	vld [tilespmem:$0x400]  }
0x56a: {  	s30 =	simm.s32 $0x1;
	v5 =	vld [tilespmem:$0x480]  }
0x56b: {  	v12 =	vadd.s32 s30, v1;
	v10 =	vld [tilespmem:$0x500]  }
0x56c: {  	v12 =	vand.u32 $0x3F, v12;
	v11 =	vld [tilespmem:$0x580]  }
0x56d: {  	v18 =	vor.u32 v3, v12;
	v16 =	vld.idx.msk [tilespmem:v0+s12+$0x0], $0xffff  }
0x56e: {  	v12 =	vld.idx.msk [tilespmem:v0+s13+$0x0], $0xffff  }
0x56f: {  	v19 =	vld.idx.msk [tilespmem:v0+s14+$0x0], $0xffff  }
0x570: {  	s31 =	simm.s32 $0x2;
	v0 =	vld.idx.msk [tilespmem:v0+s15+$0x0], $0xffff  }
0x571: {  	v14 =	vadd.s32 s31, v1  }
0x572: {  	v15 =	vand.u32 $0x3F, v14;
	v13 =	vld.idx.msk [tilespmem:v18+s12+$0x0], $0xffff  }
0x573: {  	v17 =	vor.u32 v3, v15;
	v14 =	vld.idx.msk [tilespmem:v18+s13+$0x0], $0xffff  }
0x574: {  	v15 =	vld.idx.msk [tilespmem:v18+s14+$0x0], $0xffff;
	v20 =	vmul.f32 v16, v4;
	v21 =	vmul.f32 v12, v5  }
0x575: {  	v16 =	vld.idx.msk [tilespmem:v18+s15+$0x0], $0xffff;
	v22 =	vmul.f32 v19, v10;
	v23 =	vmul.f32 v0, v11;
	v18 =	vmov v17  }
0x576: {  	s0 =	simm.s32 $0x3;
	v12 =	vimm.f32 $0.0e+00;
	v19 =	vmov v17  }
.LBB2_4:
0x577: {  	v0 =	vadd.s32 s0, v1;
	v20 =	vadd.f32 v21, v20;
	v23 =	vadd.f32 v23, v22;
	p0 =	sne.s32 s0, $0x3F  }
.Ltmp1:
0x578: {  	v22 =	vmov v13;
	v25 =	vand.u32 $0x3F, v0;
	v13 =	vld.idx.msk [tilespmem:v17+s12+$0x0], $0xffff;
	(pc) =	sbr.rel @p0 .LBB2_4-.Ltmp1, $4  }
0x579: {  	v21 =	vmov v14;
	v24 =	vmul.f32 v23, v20;
	v14 =	vld.idx.msk [tilespmem:v17+s13+$0x0], $0xffff;
	v17 =	vor.u32 v3, v25  }
0x57a: {  	s0 =	sadd.s32 $0x1, s0;
	v20 =	vmul.f32 v22, v4;
	v21 =	vmul.f32 v21, v5;
	v0 =	vmovc v15;
	v15 =	vld.idx.msk [tilespmem:v18+s14+$0x0], $0xffff;
	v18 =	vmov v17  }
0x57b: {  	v23 =	vmul.f32 v16, v11;
	v22 =	vmul.f32 v0, v10;
	v16 =	vld.idx.msk [tilespmem:v19+s15+$0x0], $0xffff;
	v12 =	vadd.f32 v24, v12  }
0x57c: {  	v19 =	vmov v17  }
0x57d: {  	_ =	sdelay $0x3  }
0x57e: {  	v0 =	vld.idx.msk [tilespmem:v17+s12+$0x0], $0xffff  }
0x57f: {  	v17 =	vld.idx.msk [tilespmem:v17+s13+$0x0], $0xffff  }
0x580: {  	v18 =	vld.idx.msk [tilespmem:v18+s14+$0x0], $0xffff  }
0x581: {  	v20 =	vadd.f32 v21, v20;
	v19 =	vld.idx.msk [tilespmem:v19+s15+$0x0], $0xffff  }
0x582: {  	v21 =	vadd.f32 v23, v22;
	v13 =	vmul.f32 v13, v4;
	v14 =	vmul.f32 v14, v5  }
0x583: {  	v15 =	vmul.f32 v15, v10;
	v16 =	vmul.f32 v16, v11  }
0x584: {  	v20 =	vmul.f32 v21, v20;
	v13 =	vadd.f32 v14, v13  }
0x585: {  	v14 =	vadd.f32 v16, v15;
	v0 =	vmul.f32 v0, v4;
	v4 =	vmul.f32 v17, v5  }
0x586: {  	v5 =	vmul.f32 v18, v10;
	v10 =	vmul.f32 v19, v11  }
0x587: {  	s0 =	simm.s32 $0x0;
	v11 =	vadd.f32 v20, v12;
	v12 =	vmul.f32 v14, v13  }
0x588: {  	v0 =	vadd.f32 v4, v0;
	v4 =	vadd.f32 v10, v5;
	v5 =	vadd.s32 s0, v1  }
0x589: {  	v5 =	vand.u32 $0x3F, v5  }
0x58a: {  	v10 =	vadd.f32 v12, v11;
	v0 =	vmul.f32 v4, v0;
	v12 =	vor.u32 v6, v5  }
0x58b: {  	v4 =	vld [tilespmem:$0x410]  }
0x58c: {  	v5 =	vld [tilespmem:$0x490];
	v0 =	vadd.f32 v0, v10  }
0x58d: {  	s30 =	simm.s32 $0x1;
	v11 =	vld [tilespmem:$0x590]  }
0x58e: {  	v13 =	vadd.s32 s30, v1;
	v10 =	vld [tilespmem:$0x510];
	[tilespmem:$0x10600] =	vst v0  }
0x58f: {  	v0 =	vand.u32 $0x3F, v13;
	v16 =	vld.idx.msk [tilespmem:v12+s12+$0x0], $0xffff  }
0x590: {  	v0 =	vor.u32 v6, v0;
	v18 =	vld.idx.msk [tilespmem:v12+s13+$0x0], $0xffff  }
0x591: {  	v19 =	vld.idx.msk [tilespmem:v12+s14+$0x0], $0xffff  }
0x592: {  	s31 =	simm.s32 $0x2;
	v23 =	vld.idx.msk [tilespmem:v12+s15+$0x0], $0xffff  }
0x593: {  	v12 =	vadd.s32 s31, v1  }
0x594: {  	v12 =	vand.u32 $0x3F, v12  }
0x595: {  	v17 =	vor.u32 v6, v12;
	v13 =	vld.idx.msk [tilespmem:v0+s12+$0x0], $0xffff  }
0x596: {  	v14 =	vld.idx.msk [tilespmem:v0+s13+$0x0], $0xffff;
	v20 =	vmul.f32 v16, v4;
	v21 =	vmul.f32 v18, v5  }
0x597: {  	v15 =	vld.idx.msk [tilespmem:v0+s14+$0x0], $0xffff;
	v22 =	vmul.f32 v19, v10;
	v23 =	vmul.f32 v23, v11;
	v18 =	vmov v17  }
0x598: {  	s2 =	simm.s32 $0x2;
	s0 =	simm.s32 $0x3;
	v12 =	vimm.f32 $0.0e+00;
	v16 =	vld.idx.msk [tilespmem:v0+s15+$0x0], $0xffff;
	v19 =	vmov v17  }
.LBB2_6:
0x599: {  	v0 =	vadd.s32 s0, v1;
	v20 =	vadd.f32 v21, v20;
	v23 =	vadd.f32 v23, v22;
	p0 =	sne.s32 s0, $0x3F  }
.Ltmp2:
0x59a: {  	v22 =	vmov v13;
	v25 =	vand.u32 $0x3F, v0;
	v13 =	vld.idx.msk [tilespmem:v17+s12+$0x0], $0xffff;
	(pc) =	sbr.rel @p0 .LBB2_6-.Ltmp2, $4  }
0x59b: {  	v21 =	vmov v14;
	v24 =	vmul.f32 v23, v20;
	v14 =	vld.idx.msk [tilespmem:v17+s13+$0x0], $0xffff;
	v17 =	vor.u32 v6, v25  }
0x59c: {  	s0 =	sadd.s32 $0x1, s0;
	v20 =	vmul.f32 v22, v4;
	v21 =	vmul.f32 v21, v5;
	v0 =	vmovc v15;
	v15 =	vld.idx.msk [tilespmem:v18+s14+$0x0], $0xffff;
	v18 =	vmov v17  }
0x59d: {  	v23 =	vmul.f32 v16, v11;
	v22 =	vmul.f32 v0, v10;
	v16 =	vld.idx.msk [tilespmem:v19+s15+$0x0], $0xffff;
	v12 =	vadd.f32 v24, v12  }
0x59e: {  	v19 =	vmov v17  }
0x59f: {  	_ =	sdelay $0x3  }
0x5a0: {  	v0 =	vld.idx.msk [tilespmem:v17+s12+$0x0], $0xffff  }
0x5a1: {  	v17 =	vld.idx.msk [tilespmem:v17+s13+$0x0], $0xffff  }
0x5a2: {  	v18 =	vld.idx.msk [tilespmem:v18+s14+$0x0], $0xffff  }
0x5a3: {  	v20 =	vadd.f32 v21, v20;
	v19 =	vld.idx.msk [tilespmem:v19+s15+$0x0], $0xffff  }
0x5a4: {  	v21 =	vadd.f32 v23, v22;
	v13 =	vmul.f32 v13, v4;
	v14 =	vmul.f32 v14, v5  }
0x5a5: {  	v15 =	vmul.f32 v15, v10;
	v16 =	vmul.f32 v16, v11  }
0x5a6: {  	v20 =	vmul.f32 v21, v20;
	v13 =	vadd.f32 v14, v13  }
0x5a7: {  	v14 =	vadd.f32 v16, v15;
	v0 =	vmul.f32 v0, v4;
	v4 =	vmul.f32 v17, v5  }
0x5a8: {  	v5 =	vmul.f32 v18, v10;
	v10 =	vmul.f32 v19, v11  }
0x5a9: {  	s0 =	simm.s32 $0x0;
	v11 =	vadd.f32 v20, v12;
	v12 =	vmul.f32 v14, v13  }
0x5aa: {  	v0 =	vadd.f32 v4, v0;
	v4 =	vadd.f32 v10, v5;
	v5 =	vadd.s32 s0, v1  }
0x5ab: {  	v5 =	vand.u32 $0x3F, v5  }
0x5ac: {  	v10 =	vadd.f32 v12, v11;
	v0 =	vmul.f32 v4, v0;
	v12 =	vor.u32 v7, v5  }
0x5ad: {  	v4 =	vld [tilespmem:$0x420]  }
0x5ae: {  	v5 =	vld [tilespmem:$0x4A0];
	v0 =	vadd.f32 v0, v10  }
0x5af: {  	s30 =	simm.s32 $0x1;
	v11 =	vld [tilespmem:$0x5A0]  }
0x5b0: {  	v13 =	vadd.s32 s30, v1;
	v10 =	vld [tilespmem:$0x520];
	[tilespmem:$0x10610] =	vst v0  }
0x5b1: {  	v0 =	vand.u32 $0x3F, v13;
	v16 =	vld.idx.msk [tilespmem:v12+s12+$0x0], $0xffff  }
0x5b2: {  	v0 =	vor.u32 v7, v0;
	v18 =	vld.idx.msk [tilespmem:v12+s13+$0x0], $0xffff  }
0x5b3: {  	v19 =	vld.idx.msk [tilespmem:v12+s14+$0x0], $0xffff  }
0x5b4: {  	s31 =	simm.s32 $0x2;
	v23 =	vld.idx.msk [tilespmem:v12+s15+$0x0], $0xffff  }
0x5b5: {  	v12 =	vadd.s32 s31, v1  }
0x5b6: {  	v12 =	vand.u32 $0x3F, v12  }
0x5b7: {  	v17 =	vor.u32 v7, v12;
	v13 =	vld.idx.msk [tilespmem:v0+s12+$0x0], $0xffff  }
0x5b8: {  	v14 =	vld.idx.msk [tilespmem:v0+s13+$0x0], $0xffff;
	v20 =	vmul.f32 v16, v4;
	v21 =	vmul.f32 v18, v5  }
0x5b9: {  	v15 =	vld.idx.msk [tilespmem:v0+s14+$0x0], $0xffff;
	v22 =	vmul.f32 v19, v10;
	v23 =	vmul.f32 v23, v11;
	v18 =	vmov v17  }
0x5ba: {  	s0 =	simm.s32 $0x3;
	v12 =	vimm.f32 $0.0e+00;
	v16 =	vld.idx.msk [tilespmem:v0+s15+$0x0], $0xffff;
	v19 =	vmov v17  }
.LBB2_8:
0x5bb: {  	v0 =	vadd.s32 s0, v1;
	v20 =	vadd.f32 v21, v20;
	v23 =	vadd.f32 v23, v22;
	p0 =	sne.s32 s0, $0x3F  }
.Ltmp3:
0x5bc: {  	v22 =	vmov v13;
	v25 =	vand.u32 $0x3F, v0;
	v13 =	vld.idx.msk [tilespmem:v17+s12+$0x0], $0xffff;
	(pc) =	sbr.rel @p0 .LBB2_8-.Ltmp3, $4  }
0x5bd: {  	v21 =	vmov v14;
	v24 =	vmul.f32 v23, v20;
	v14 =	vld.idx.msk [tilespmem:v17+s13+$0x0], $0xffff;
	v17 =	vor.u32 v7, v25  }
0x5be: {  	s0 =	sadd.s32 $0x1, s0;
	v20 =	vmul.f32 v22, v4;
	v21 =	vmul.f32 v21, v5;
	v0 =	vmovc v15;
	v15 =	vld.idx.msk [tilespmem:v18+s14+$0x0], $0xffff;
	v18 =	vmov v17  }
0x5bf: {  	v23 =	vmul.f32 v16, v11;
	v22 =	vmul.f32 v0, v10;
	v16 =	vld.idx.msk [tilespmem:v19+s15+$0x0], $0xffff;
	v12 =	vadd.f32 v24, v12  }
0x5c0: {  	v19 =	vmov v17  }
0x5c1: {  	_ =	sdelay $0x3  }
0x5c2: {  	v0 =	vld.idx.msk [tilespmem:v17+s12+$0x0], $0xffff  }
0x5c3: {  	v17 =	vld.idx.msk [tilespmem:v17+s13+$0x0], $0xffff  }
0x5c4: {  	v18 =	vld.idx.msk [tilespmem:v18+s14+$0x0], $0xffff  }
0x5c5: {  	v20 =	vadd.f32 v21, v20;
	v19 =	vld.idx.msk [tilespmem:v19+s15+$0x0], $0xffff  }
0x5c6: {  	v21 =	vadd.f32 v23, v22;
	v13 =	vmul.f32 v13, v4;
	v14 =	vmul.f32 v14, v5  }
0x5c7: {  	v15 =	vmul.f32 v15, v10;
	v16 =	vmul.f32 v16, v11  }
0x5c8: {  	v20 =	vmul.f32 v21, v20;
	v13 =	vadd.f32 v14, v13  }
0x5c9: {  	v14 =	vadd.f32 v16, v15;
	v0 =	vmul.f32 v0, v4;
	v4 =	vmul.f32 v17, v5  }
0x5ca: {  	v5 =	vmul.f32 v18, v10;
	v10 =	vmul.f32 v19, v11  }
0x5cb: {  	s0 =	simm.s32 $0x0;
	v11 =	vadd.f32 v20, v12;
	v12 =	vmul.f32 v14, v13  }
0x5cc: {  	v0 =	vadd.f32 v4, v0;
	v4 =	vadd.f32 v10, v5;
	v5 =	vadd.s32 s0, v1  }
0x5cd: {  	v5 =	vand.u32 $0x3F, v5  }
0x5ce: {  	v10 =	vadd.f32 v12, v11;
	v0 =	vmul.f32 v4, v0;
	v12 =	vor.u32 v8, v5  }
0x5cf: {  	v4 =	vld [tilespmem:$0x430]  }
0x5d0: {  	v5 =	vld [tilespmem:$0x4B0];
	v0 =	vadd.f32 v0, v10  }
0x5d1: {  	s30 =	simm.s32 $0x1;
	v11 =	vld [tilespmem:$0x5B0]  }
0x5d2: {  	v13 =	vadd.s32 s30, v1;
	v10 =	vld [tilespmem:$0x530];
	[tilespmem:$0x10620] =	vst v0  }
0x5d3: {  	v0 =	vand.u32 $0x3F, v13;
	v16 =	vld.idx.msk [tilespmem:v12+s12+$0x0], $0xffff  }
0x5d4: {  	v0 =	vor.u32 v8, v0;
	v18 =	vld.idx.msk [tilespmem:v12+s13+$0x0], $0xffff  }
0x5d5: {  	v19 =	vld.idx.msk [tilespmem:v12+s14+$0x0], $0xffff  }
0x5d6: {  	s31 =	simm.s32 $0x2;
	v23 =	vld.idx.msk [tilespmem:v12+s15+$0x0], $0xffff  }
0x5d7: {  	v12 =	vadd.s32 s31, v1  }
0x5d8: {  	v12 =	vand.u32 $0x3F, v12  }
0x5d9: {  	v17 =	vor.u32 v8, v12;
	v13 =	vld.idx.msk [tilespmem:v0+s12+$0x0], $0xffff  }
0x5da: {  	v14 =	vld.idx.msk [tilespmem:v0+s13+$0x0], $0xffff;
	v20 =	vmul.f32 v16, v4;
	v21 =	vmul.f32 v18, v5  }
0x5db: {  	v15 =	vld.idx.msk [tilespmem:v0+s14+$0x0], $0xffff;
	v22 =	vmul.f32 v19, v10;
	v23 =	vmul.f32 v23, v11;
	v18 =	vmov v17  }
0x5dc: {  	s0 =	simm.s32 $0x3;
	v12 =	vimm.f32 $0.0e+00;
	v16 =	vld.idx.msk [tilespmem:v0+s15+$0x0], $0xffff;
	v19 =	vmov v17  }
.LBB2_10:
0x5dd: {  	v0 =	vadd.s32 s0, v1;
	v20 =	vadd.f32 v21, v20;
	v23 =	vadd.f32 v23, v22;
	p0 =	sne.s32 s0, $0x3F  }
.Ltmp4:
0x5de: {  	v22 =	vmov v13;
	v25 =	vand.u32 $0x3F, v0;
	v13 =	vld.idx.msk [tilespmem:v17+s12+$0x0], $0xffff;
	(pc) =	sbr.rel @p0 .LBB2_10-.Ltmp4, $4  }
0x5df: {  	v21 =	vmov v14;
	v24 =	vmul.f32 v23, v20;
	v14 =	vld.idx.msk [tilespmem:v17+s13+$0x0], $0xffff;
	v17 =	vor.u32 v8, v25  }
0x5e0: {  	s0 =	sadd.s32 $0x1, s0;
	v20 =	vmul.f32 v22, v4;
	v21 =	vmul.f32 v21, v5;
	v0 =	vmovc v15;
	v15 =	vld.idx.msk [tilespmem:v18+s14+$0x0], $0xffff;
	v18 =	vmov v17  }
0x5e1: {  	v23 =	vmul.f32 v16, v11;
	v22 =	vmul.f32 v0, v10;
	v16 =	vld.idx.msk [tilespmem:v19+s15+$0x0], $0xffff;
	v12 =	vadd.f32 v24, v12  }
0x5e2: {  	v19 =	vmov v17  }
0x5e3: {  	_ =	sdelay $0x3  }
0x5e4: {  	v0 =	vld.idx.msk [tilespmem:v17+s12+$0x0], $0xffff  }
0x5e5: {  	v17 =	vld.idx.msk [tilespmem:v17+s13+$0x0], $0xffff  }
0x5e6: {  	v18 =	vld.idx.msk [tilespmem:v18+s14+$0x0], $0xffff  }
0x5e7: {  	v20 =	vadd.f32 v21, v20;
	v19 =	vld.idx.msk [tilespmem:v19+s15+$0x0], $0xffff  }
0x5e8: {  	v21 =	vadd.f32 v23, v22;
	v13 =	vmul.f32 v13, v4;
	v14 =	vmul.f32 v14, v5  }
0x5e9: {  	v15 =	vmul.f32 v15, v10;
	v16 =	vmul.f32 v16, v11  }
0x5ea: {  	v20 =	vmul.f32 v21, v20;
	v13 =	vadd.f32 v14, v13  }
0x5eb: {  	v14 =	vadd.f32 v16, v15;
	v0 =	vmul.f32 v0, v4;
	v4 =	vmul.f32 v17, v5  }
0x5ec: {  	v5 =	vmul.f32 v18, v10;
	v10 =	vmul.f32 v19, v11  }
0x5ed: {  	s0 =	simm.s32 $0x0;
	v11 =	vadd.f32 v20, v12;
	v12 =	vmul.f32 v14, v13  }
0x5ee: {  	v0 =	vadd.f32 v4, v0;
	v4 =	vadd.f32 v10, v5;
	v5 =	vadd.s32 s0, v1  }
0x5ef: {  	v5 =	vand.u32 $0x3F, v5  }
0x5f0: {  	v10 =	vadd.f32 v12, v11;
	v0 =	vmul.f32 v4, v0;
	v12 =	vor.u32 v9, v5  }
0x5f1: {  	v4 =	vld [tilespmem:$0x440]  }
0x5f2: {  	v5 =	vld [tilespmem:$0x4C0];
	v0 =	vadd.f32 v0, v10  }
0x5f3: {  	s30 =	simm.s32 $0x1;
	v11 =	vld [tilespmem:$0x5C0]  }
0x5f4: {  	v13 =	vadd.s32 s30, v1;
	v10 =	vld [tilespmem:$0x540];
	[tilespmem:$0x10630] =	vst v0  }
0x5f5: {  	v0 =	vand.u32 $0x3F, v13;
	v16 =	vld.idx.msk [tilespmem:v12+s12+$0x0], $0xffff  }
0x5f6: {  	v0 =	vor.u32 v9, v0;
	v18 =	vld.idx.msk [tilespmem:v12+s13+$0x0], $0xffff  }
0x5f7: {  	v19 =	vld.idx.msk [tilespmem:v12+s14+$0x0], $0xffff  }
0x5f8: {  	s31 =	simm.s32 $0x2;
	v23 =	vld.idx.msk [tilespmem:v12+s15+$0x0], $0xffff  }
0x5f9: {  	v12 =	vadd.s32 s31, v1  }
0x5fa: {  	v12 =	vand.u32 $0x3F, v12  }
0x5fb: {  	v17 =	vor.u32 v9, v12;
	v13 =	vld.idx.msk [tilespmem:v0+s12+$0x0], $0xffff  }
0x5fc: {  	v14 =	vld.idx.msk [tilespmem:v0+s13+$0x0], $0xffff;
	v20 =	vmul.f32 v16, v4;
	v21 =	vmul.f32 v18, v5  }
0x5fd: {  	v15 =	vld.idx.msk [tilespmem:v0+s14+$0x0], $0xffff;
	v22 =	vmul.f32 v19, v10;
	v23 =	vmul.f32 v23, v11;
	v18 =	vmov v17  }
0x5fe: {  	s0 =	simm.s32 $0x3;
	v12 =	vimm.f32 $0.0e+00;
	v16 =	vld.idx.msk [tilespmem:v0+s15+$0x0], $0xffff;
	v19 =	vmov v17  }
.LBB2_12:
0x5ff: {  	v0 =	vadd.s32 s0, v1;
	v20 =	vadd.f32 v21, v20;
	v23 =	vadd.f32 v23, v22;
	p0 =	sne.s32 s0, $0x3F  }
.Ltmp5:
0x600: {  	v22 =	vmov v13;
	v25 =	vand.u32 $0x3F, v0;
	v13 =	vld.idx.msk [tilespmem:v17+s12+$0x0], $0xffff;
	(pc) =	sbr.rel @p0 .LBB2_12-.Ltmp5, $4  }
0x601: {  	v21 =	vmov v14;
	v24 =	vmul.f32 v23, v20;
	v14 =	vld.idx.msk [tilespmem:v17+s13+$0x0], $0xffff;
	v17 =	vor.u32 v9, v25  }
0x602: {  	s0 =	sadd.s32 $0x1, s0;
	v20 =	vmul.f32 v22, v4;
	v21 =	vmul.f32 v21, v5;
	v0 =	vmovc v15;
	v15 =	vld.idx.msk [tilespmem:v18+s14+$0x0], $0xffff;
	v18 =	vmov v17  }
0x603: {  	v23 =	vmul.f32 v16, v11;
	v22 =	vmul.f32 v0, v10;
	v16 =	vld.idx.msk [tilespmem:v19+s15+$0x0], $0xffff;
	v12 =	vadd.f32 v24, v12  }
0x604: {  	v19 =	vmov v17  }
0x605: {  	_ =	sdelay $0x3  }
0x606: {  	v0 =	vld.idx.msk [tilespmem:v17+s12+$0x0], $0xffff  }
0x607: {  	v17 =	vld.idx.msk [tilespmem:v17+s13+$0x0], $0xffff  }
0x608: {  	v18 =	vld.idx.msk [tilespmem:v18+s14+$0x0], $0xffff  }
0x609: {  	v20 =	vadd.f32 v21, v20;
	v19 =	vld.idx.msk [tilespmem:v19+s15+$0x0], $0xffff  }
0x60a: {  	v21 =	vadd.f32 v23, v22;
	v13 =	vmul.f32 v13, v4;
	v14 =	vmul.f32 v14, v5  }
0x60b: {  	v15 =	vmul.f32 v15, v10;
	v16 =	vmul.f32 v16, v11  }
0x60c: {  	v20 =	vmul.f32 v21, v20;
	v13 =	vadd.f32 v14, v13  }
0x60d: {  	v14 =	vadd.f32 v16, v15;
	v0 =	vmul.f32 v0, v4;
	v4 =	vmul.f32 v17, v5  }
0x60e: {  	v5 =	vmul.f32 v18, v10;
	v10 =	vmul.f32 v19, v11  }
0x60f: {  	s0 =	simm.s32 $0x0;
	v11 =	vadd.f32 v20, v12;
	v13 =	vmul.f32 v14, v13  }
0x610: {  	v0 =	vadd.f32 v4, v0;
	v4 =	vadd.f32 v10, v5;
	v5 =	vadd.s32 s0, v1  }
0x611: {  	v12 =	vor.u32 $0x2800, v3;
	v5 =	vand.u32 $0x3F, v5  }
0x612: {  	v10 =	vadd.f32 v13, v11;
	v0 =	vmul.f32 v4, v0;
	v13 =	vor.u32 v12, v5  }
0x613: {  	v4 =	vld [tilespmem:$0x450]  }
0x614: {  	v5 =	vld [tilespmem:$0x4D0];
	v0 =	vadd.f32 v0, v10  }
0x615: {  	s30 =	simm.s32 $0x1;
	v11 =	vld [tilespmem:$0x5D0]  }
0x616: {  	v14 =	vadd.s32 s30, v1;
	v10 =	vld [tilespmem:$0x550];
	[tilespmem:$0x10640] =	vst v0  }
0x617: {  	v0 =	vand.u32 $0x3F, v14;
	v17 =	vld.idx.msk [tilespmem:v13+s12+$0x0], $0xffff  }
0x618: {  	v0 =	vor.u32 v12, v0;
	v19 =	vld.idx.msk [tilespmem:v13+s13+$0x0], $0xffff  }
0x619: {  	v20 =	vld.idx.msk [tilespmem:v13+s14+$0x0], $0xffff  }
0x61a: {  	s31 =	simm.s32 $0x2;
	v24 =	vld.idx.msk [tilespmem:v13+s15+$0x0], $0xffff  }
0x61b: {  	v13 =	vadd.s32 s31, v1  }
0x61c: {  	v13 =	vand.u32 $0x3F, v13  }
0x61d: {  	v18 =	vor.u32 v12, v13;
	v14 =	vld.idx.msk [tilespmem:v0+s12+$0x0], $0xffff  }
0x61e: {  	v15 =	vld.idx.msk [tilespmem:v0+s13+$0x0], $0xffff;
	v21 =	vmul.f32 v17, v4;
	v22 =	vmul.f32 v19, v5  }
0x61f: {  	v16 =	vld.idx.msk [tilespmem:v0+s14+$0x0], $0xffff;
	v23 =	vmul.f32 v20, v10;
	v24 =	vmul.f32 v24, v11;
	v19 =	vmov v18  }
0x620: {  	s0 =	simm.s32 $0x3;
	v13 =	vimm.f32 $0.0e+00;
	v17 =	vld.idx.msk [tilespmem:v0+s15+$0x0], $0xffff;
	v20 =	vmov v18  }
.LBB2_14:
0x621: {  	v0 =	vadd.s32 s0, v1;
	v21 =	vadd.f32 v22, v21;
	v24 =	vadd.f32 v24, v23;
	p0 =	sne.s32 s0, $0x3F  }
.Ltmp6:
0x622: {  	v23 =	vmov v14;
	v26 =	vand.u32 $0x3F, v0;
	v14 =	vld.idx.msk [tilespmem:v18+s12+$0x0], $0xffff;
	(pc) =	sbr.rel @p0 .LBB2_14-.Ltmp6, $4  }
0x623: {  	v22 =	vmov v15;
	v25 =	vmul.f32 v24, v21;
	v15 =	vld.idx.msk [tilespmem:v18+s13+$0x0], $0xffff;
	v18 =	vor.u32 v12, v26  }
0x624: {  	s0 =	sadd.s32 $0x1, s0;
	v21 =	vmul.f32 v23, v4;
	v22 =	vmul.f32 v22, v5;
	v0 =	vmovc v16;
	v16 =	vld.idx.msk [tilespmem:v19+s14+$0x0], $0xffff;
	v19 =	vmov v18  }
0x625: {  	v24 =	vmul.f32 v17, v11;
	v23 =	vmul.f32 v0, v10;
	v17 =	vld.idx.msk [tilespmem:v20+s15+$0x0], $0xffff;
	v13 =	vadd.f32 v25, v13  }
0x626: {  	v20 =	vmov v18  }
0x627: {  	_ =	sdelay $0x3  }
0x628: {  	v0 =	vld.idx.msk [tilespmem:v18+s12+$0x0], $0xffff  }
0x629: {  	v12 =	vld.idx.msk [tilespmem:v18+s13+$0x0], $0xffff  }
0x62a: {  	v18 =	vld.idx.msk [tilespmem:v19+s14+$0x0], $0xffff  }
0x62b: {  	v19 =	vadd.f32 v22, v21;
	v20 =	vld.idx.msk [tilespmem:v20+s15+$0x0], $0xffff  }
0x62c: {  	v21 =	vadd.f32 v24, v23;
	v14 =	vmul.f32 v14, v4;
	v15 =	vmul.f32 v15, v5  }
0x62d: {  	v16 =	vmul.f32 v16, v10;
	v17 =	vmul.f32 v17, v11  }
0x62e: {  	v19 =	vmul.f32 v21, v19;
	v14 =	vadd.f32 v15, v14  }
0x62f: {  	v15 =	vadd.f32 v17, v16;
	v0 =	vmul.f32 v0, v4;
	v4 =	vmul.f32 v12, v5  }
0x630: {  	v5 =	vmul.f32 v18, v10;
	v10 =	vmul.f32 v20, v11  }
0x631: {  	s0 =	simm.s32 $0x0;
	v11 =	vadd.f32 v19, v13;
	v13 =	vmul.f32 v15, v14  }
0x632: {  	v0 =	vadd.f32 v4, v0;
	v4 =	vadd.f32 v10, v5;
	v5 =	vadd.s32 s0, v1  }
0x633: {  	v12 =	vor.u32 $0x3000, v3;
	v5 =	vand.u32 $0x3F, v5  }
0x634: {  	v10 =	vadd.f32 v13, v11;
	v0 =	vmul.f32 v4, v0;
	v13 =	vor.u32 v12, v5  }
0x635: {  	v4 =	vld [tilespmem:$0x460]  }
0x636: {  	v5 =	vld [tilespmem:$0x4E0];
	v0 =	vadd.f32 v0, v10  }
0x637: {  	s30 =	simm.s32 $0x1;
	v11 =	vld [tilespmem:$0x5E0]  }
0x638: {  	v14 =	vadd.s32 s30, v1;
	v10 =	vld [tilespmem:$0x560];
	[tilespmem:$0x10650] =	vst v0  }
0x639: {  	v0 =	vand.u32 $0x3F, v14;
	v17 =	vld.idx.msk [tilespmem:v13+s12+$0x0], $0xffff  }
0x63a: {  	v0 =	vor.u32 v12, v0;
	v19 =	vld.idx.msk [tilespmem:v13+s13+$0x0], $0xffff  }
0x63b: {  	v20 =	vld.idx.msk [tilespmem:v13+s14+$0x0], $0xffff  }
0x63c: {  	s31 =	simm.s32 $0x2;
	v24 =	vld.idx.msk [tilespmem:v13+s15+$0x0], $0xffff  }
0x63d: {  	v13 =	vadd.s32 s31, v1  }
0x63e: {  	v13 =	vand.u32 $0x3F, v13  }
0x63f: {  	v18 =	vor.u32 v12, v13;
	v14 =	vld.idx.msk [tilespmem:v0+s12+$0x0], $0xffff  }
0x640: {  	v15 =	vld.idx.msk [tilespmem:v0+s13+$0x0], $0xffff;
	v21 =	vmul.f32 v17, v4;
	v22 =	vmul.f32 v19, v5  }
0x641: {  	v16 =	vld.idx.msk [tilespmem:v0+s14+$0x0], $0xffff;
	v23 =	vmul.f32 v20, v10;
	v24 =	vmul.f32 v24, v11;
	v19 =	vmov v18  }
0x642: {  	s0 =	simm.s32 $0x3;
	v13 =	vimm.f32 $0.0e+00;
	v17 =	vld.idx.msk [tilespmem:v0+s15+$0x0], $0xffff;
	v20 =	vmov v18  }
.LBB2_16:
0x643: {  	v0 =	vadd.s32 s0, v1;
	v21 =	vadd.f32 v22, v21;
	v24 =	vadd.f32 v24, v23;
	p0 =	sne.s32 s0, $0x3F  }
.Ltmp7:
0x644: {  	v23 =	vmov v14;
	v26 =	vand.u32 $0x3F, v0;
	v14 =	vld.idx.msk [tilespmem:v18+s12+$0x0], $0xffff;
	(pc) =	sbr.rel @p0 .LBB2_16-.Ltmp7, $4  }
0x645: {  	v22 =	vmov v15;
	v25 =	vmul.f32 v24, v21;
	v15 =	vld.idx.msk [tilespmem:v18+s13+$0x0], $0xffff;
	v18 =	vor.u32 v12, v26  }
0x646: {  	s0 =	sadd.s32 $0x1, s0;
	v21 =	vmul.f32 v23, v4;
	v22 =	vmul.f32 v22, v5;
	v0 =	vmovc v16;
	v16 =	vld.idx.msk [tilespmem:v19+s14+$0x0], $0xffff;
	v19 =	vmov v18  }
0x647: {  	v24 =	vmul.f32 v17, v11;
	v23 =	vmul.f32 v0, v10;
	v17 =	vld.idx.msk [tilespmem:v20+s15+$0x0], $0xffff;
	v13 =	vadd.f32 v25, v13  }
0x648: {  	v20 =	vmov v18  }
0x649: {  	_ =	sdelay $0x3  }
0x64a: {  	v0 =	vld.idx.msk [tilespmem:v18+s12+$0x0], $0xffff  }
0x64b: {  	v12 =	vld.idx.msk [tilespmem:v18+s13+$0x0], $0xffff  }
0x64c: {  	v18 =	vld.idx.msk [tilespmem:v19+s14+$0x0], $0xffff  }
0x64d: {  	v19 =	vadd.f32 v22, v21;
	v20 =	vld.idx.msk [tilespmem:v20+s15+$0x0], $0xffff  }
0x64e: {  	v21 =	vadd.f32 v24, v23;
	v14 =	vmul.f32 v14, v4;
	v15 =	vmul.f32 v15, v5  }
0x64f: {  	v16 =	vmul.f32 v16, v10;
	v17 =	vmul.f32 v17, v11  }
0x650: {  	v19 =	vmul.f32 v21, v19;
	v14 =	vadd.f32 v15, v14  }
0x651: {  	v15 =	vadd.f32 v17, v16;
	v0 =	vmul.f32 v0, v4;
	v4 =	vmul.f32 v12, v5  }
0x652: {  	v5 =	vmul.f32 v18, v10;
	v10 =	vmul.f32 v20, v11  }
0x653: {  	s0 =	simm.s32 $0x0;
	v11 =	vadd.f32 v19, v13;
	v13 =	vmul.f32 v15, v14  }
0x654: {  	v0 =	vadd.f32 v4, v0;
	v4 =	vadd.f32 v10, v5;
	v5 =	vadd.s32 s0, v1  }
0x655: {  	v12 =	vor.u32 $0x3800, v3;
	v5 =	vand.u32 $0x3F, v5  }
0x656: {  	v10 =	vadd.f32 v13, v11;
	v0 =	vmul.f32 v4, v0;
	v13 =	vor.u32 v12, v5  }
0x657: {  	v4 =	vld [tilespmem:$0x470]  }
0x658: {  	v5 =	vld [tilespmem:$0x4F0];
	v0 =	vadd.f32 v0, v10  }
0x659: {  	s30 =	simm.s32 $0x1;
	v11 =	vld [tilespmem:$0x5F0]  }
0x65a: {  	v14 =	vadd.s32 s30, v1;
	v10 =	vld [tilespmem:$0x570];
	[tilespmem:$0x10660] =	vst v0  }
0x65b: {  	v0 =	vand.u32 $0x3F, v14;
	v17 =	vld.idx.msk [tilespmem:v13+s12+$0x0], $0xffff  }
0x65c: {  	v0 =	vor.u32 v12, v0;
	v19 =	vld.idx.msk [tilespmem:v13+s13+$0x0], $0xffff  }
0x65d: {  	v20 =	vld.idx.msk [tilespmem:v13+s14+$0x0], $0xffff  }
0x65e: {  	s31 =	simm.s32 $0x2;
	v24 =	vld.idx.msk [tilespmem:v13+s15+$0x0], $0xffff  }
0x65f: {  	v13 =	vadd.s32 s31, v1  }
0x660: {  	v13 =	vand.u32 $0x3F, v13  }
0x661: {  	v18 =	vor.u32 v12, v13;
	v14 =	vld.idx.msk [tilespmem:v0+s12+$0x0], $0xffff  }
0x662: {  	v15 =	vld.idx.msk [tilespmem:v0+s13+$0x0], $0xffff;
	v21 =	vmul.f32 v17, v4;
	v22 =	vmul.f32 v19, v5  }
0x663: {  	v16 =	vld.idx.msk [tilespmem:v0+s14+$0x0], $0xffff;
	v23 =	vmul.f32 v20, v10;
	v24 =	vmul.f32 v24, v11;
	v19 =	vmov v18  }
0x664: {  	s0 =	simm.s32 $0x3;
	v13 =	vimm.f32 $0.0e+00;
	v17 =	vld.idx.msk [tilespmem:v0+s15+$0x0], $0xffff;
	v20 =	vmov v18  }
.LBB2_18:
0x665: {  	v0 =	vadd.s32 s0, v1;
	v21 =	vadd.f32 v22, v21;
	v24 =	vadd.f32 v24, v23;
	p0 =	sne.s32 s0, $0x3F  }
.Ltmp8:
0x666: {  	v23 =	vmov v14;
	v26 =	vand.u32 $0x3F, v0;
	v14 =	vld.idx.msk [tilespmem:v18+s12+$0x0], $0xffff;
	(pc) =	sbr.rel @p0 .LBB2_18-.Ltmp8, $4  }
0x667: {  	v22 =	vmov v15;
	v25 =	vmul.f32 v24, v21;
	v15 =	vld.idx.msk [tilespmem:v18+s13+$0x0], $0xffff;
	v18 =	vor.u32 v12, v26  }
0x668: {  	s0 =	sadd.s32 $0x1, s0;
	v21 =	vmul.f32 v23, v4;
	v22 =	vmul.f32 v22, v5;
	v0 =	vmovc v16;
	v16 =	vld.idx.msk [tilespmem:v19+s14+$0x0], $0xffff;
	v19 =	vmov v18  }
0x669: {  	v24 =	vmul.f32 v17, v11;
	v23 =	vmul.f32 v0, v10;
	v17 =	vld.idx.msk [tilespmem:v20+s15+$0x0], $0xffff;
	v13 =	vadd.f32 v25, v13  }
0x66a: {  	v20 =	vmov v18  }
0x66b: {  	_ =	sdelay $0x3  }
0x66c: {  	v0 =	vld.idx.msk [tilespmem:v18+s12+$0x0], $0xffff  }
0x66d: {  	v12 =	vld.idx.msk [tilespmem:v18+s13+$0x0], $0xffff  }
0x66e: {  	v19 =	vld.idx.msk [tilespmem:v19+s14+$0x0], $0xffff  }
0x66f: {  	v61 =	vadd.f32 v22, v21;
	v62 =	vadd.f32 v24, v23;
	v20 =	vld.idx.msk [tilespmem:v20+s15+$0x0], $0xffff  }
0x670: {  	v14 =	vmul.f32 v14, v4  }
0x671: {  	v15 =	vmul.f32 v15, v5;
	v18 =	vmul.f32 v62, v61  }
0x672: {  	v16 =	vmul.f32 v16, v10;
	v17 =	vmul.f32 v17, v11  }
0x673: {  	v14 =	vadd.f32 v15, v14;
	v0 =	vmul.f32 v0, v4;
	v4 =	vmul.f32 v12, v5  }
0x674: {  	v5 =	vadd.f32 v17, v16;
	v10 =	vmul.f32 v19, v10;
	v11 =	vmul.f32 v20, v11  }
0x675: {  	v63 =	vadd.f32 v18, v13  }
0x676: {  	v5 =	vmul.f32 v5, v14;
	v0 =	vadd.f32 v4, v0;
	v4 =	vadd.f32 v11, v10;
	_ =	sdelay $0x1  }
0x677: {  	v5 =	vadd.f32 v5, v63;
	v0 =	vmul.f32 v4, v0;
	_ =	sdelay $0x1  }
0x678: {  	v0 =	vadd.f32 v0, v5;
	_ =	sdelay $0x1  }
0x679: {  	s0 =	rddreg [dreg:$0x7];
	s5 =	simm.s32 $0x10600;
	[tilespmem:$0x10670] =	vst v0  }
0x67a: {  	[hbm4b:s0+s1] =	stream.linear.scatter [tilespmem:s5], [sflag:$0x2], $0x80, $0x38;
	[tilespmem:$0x10680] =	vst v63  }
0x67b: {  	_ =	swait.ge [sflag:s2], $0x80  }
0x67c: {  	s30 =	rddreg [dreg:$0x9]  }
0x67d: {  	s31 =	rddreg [dreg:$0x8];
	s5 =	sadd.s32 $0x1, s30  }
0x67e: {  	p0 =	sne.s32 s5, s31  }
.Ltmp9:
0x67f: {  	_ = 	snop;
	(pc) =	sbr.rel @p0 .LBB2_1-.Ltmp9, $3  }
0x680: {  	_ =	sdelay $0x1  }
0x681: {  	[sflag:s2] =	ssyncset.done $0x0  }
0x682: {  	[sflag:s2] =	ssyncadd.s32 $0xFFFFFF80  }
0x683: {  	_ =	sfence.sel $0x180000  }
0x684: {  	[bflag:$0x0] =	sbarrier.arrive $0xFFFF  }
0x685: {  	_ =	strace $0x90000047  }
0x686: {  	s0 =	stileid.u32;
	[bflag:$0x2] =	sbarrier.arrive $0xFFFF  }
0x687: {  	p0 =	sne.s32 s0, $0x0;
	s0 =	rddreg [dreg:$0x4]  }
0x688: {  	s0 =	sadd.s32 @!p0 $0x100000, s0  }
0x689: {  	[sflag:s0] =	ssyncadd.tile.s32 @!p0 $0x1;
	_ =	shalt  }
.Lfunc_end2:
_tile_overlayer_lowered:
.L_overlay_start_2:
0x68a: {  	(tag) =	ssettag $0x2  }
0x68b: {  	s0 =	rddreg [dreg:$0x0];
	s2 =	stileid.u32  }
0x68c: {  	s1 =	rddreg [dreg:$0x1];
	p0 =	sne.s32 s2, $0x0  }
0x68d: {  	s3 =	rddreg [dreg:$0x2];
	[bflag:$0x3] =	sbarrier.arrive $0xFFFF;
	s2 =	simm.s32 @!p0 $0x1C02  }
0x68e: {  	[timem:s3], [sflag:s2] =	dma.local @!p0 [hbm:s0], s1  }
0x68f: {  	s0 =	simm.s32 @!p0 $0x2  }
0x690: {  	_ =	swait.ge @!p0 [sflag:s0], s1  }
0x691: {  	s1 =	ssub.s32 @!p0 $0x0, s1;
	[sflag:s0] =	ssyncset.done @!p0 $0x0  }
0x692: {  	[sflag:s0] =	ssyncadd.s32 @!p0 s1  }
0x693: {  	[bflag:$0x3] =	sbarrier.arrive $0xFFFF  }
0x694: {  	_ =	shalt  }

</sc_bundles>
